<compile_context>
chip_gen: v7x
topology: tpu7x:2x2x1
jax: 0.10.2.dev20260603
libtpu: 0.0.44.dev20260713+nightly
codegen_flags: <defaults>
</compile_context>

<pallas_src>
import jax
import jax.numpy as jnp
from jax import lax
from jax.experimental import pallas as pl
from jax.experimental.pallas import tpu as pltpu
from jax.experimental.pallas import tpu_sc as plsc

_N = 10000
_E = 320000
_D = 128
_NC = 2
_NS = 16
_NW = _NC * _NS
_EPW = _E // _NW
_KD = 80
_NCHD = _EPW // _KD
_K = 40
_NCH = _EPW // _K
_NP = 10240
_RPT1 = _NP // _NS
_ZR = 40
_DT = _NP // _D

_mesh = plsc.VectorSubcoreMesh(
    core_axis_name="c", subcore_axis_name="s", num_cores=_NC, num_subcores=_NS
)


_NBD = 5
_NGD = _NCHD // _NBD


def _deg_body(eidx_hbm, out_hbm, acc, dst_st, b0, b1, b2, b3, b4,
              ones_v, zbuf, ssem):
    dbuf = [b0, b1, b2, b3, b4]
    cid = lax.axis_index("c")
    sid = lax.axis_index("s")
    wid = cid * _NS + sid

    def zloop(i, c):
        zbuf[pl.ds(i * 16, 16)] = jnp.zeros((16,), jnp.float32)
        return c

    lax.fori_loop(0, _RPT1 // 16, zloop, 0)
    pltpu.sync_copy(zbuf, acc.at[pl.ds(sid * _RPT1, _RPT1)])
    pltpu.sync_copy(eidx_hbm.at[pl.ds(_E + wid * _EPW, _EPW)], dst_st)

    def oloop(i, c):
        ones_v[pl.ds(i * 16, 16)] = jnp.ones((16,), jnp.float32)
        return c

    lax.fori_loop(0, _KD // 16, oloop, 0)
    plsc.subcore_barrier()

    def fire(j, b):
        def floop(k, c2):
            dbuf[b][0, pl.ds(k * 16, 16)] = dst_st[pl.ds(j * _KD + k * 16, 16)]
            return c2

        lax.fori_loop(0, _KD // 16, floop, 0)
        pltpu.async_copy(ones_v, acc.at[dbuf[b].at[0]], ssem.at[b], add=True)

    for b in range(_NBD):
        fire(b, b)

    def eloop(jj, c):
        for b in range(_NBD):
            j = jj * _NBD + b
            pltpu.make_async_copy(
                ones_v, acc.at[dbuf[b].at[0]], ssem.at[b]).wait()

            @pl.when(jj < _NGD - 1)
            def _(b=b, jj=jj):
                fire((jj + 1) * _NBD + b, b)
        return c

    lax.fori_loop(0, _NGD, eloop, 0)
    plsc.subcore_barrier()
    pltpu.sync_copy(acc.at[pl.ds(sid * _RPT1, _RPT1)],
                    out_hbm.at[pl.ds(cid * _NP + sid * _RPT1, _RPT1)])


_sc_deg = pl.kernel(
    _deg_body,
    out_type=jax.ShapeDtypeStruct((_NC * _NP,), jnp.float32),
    mesh=_mesh,
    scratch_types=[
        pltpu.VMEM_SHARED((_NP,), jnp.float32),
        pltpu.VMEM((_EPW,), jnp.int32),
        pltpu.VMEM((1, _KD), jnp.int32),
        pltpu.VMEM((1, _KD), jnp.int32),
        pltpu.VMEM((1, _KD), jnp.int32),
        pltpu.VMEM((1, _KD), jnp.int32),
        pltpu.VMEM((1, _KD), jnp.int32),
        pltpu.VMEM((_KD,), jnp.float32),
        pltpu.VMEM((_RPT1,), jnp.float32),
        pltpu.SemaphoreType.DMA((_NBD,)),
    ],
)


_NBUF = 5
_NG = _NCH // _NBUF


def _agg_body(p_hbm, eidx_hbm, out_hbm,
              acc, src_st, d0, d1, d2, d3, d4, r0, r1, r2, r3, r4,
              gsem, ssem, dsem):
    rows = [r0, r1, r2, r3, r4]
    dbuf = [d0, d1, d2, d3, d4]
    cid = lax.axis_index("c")
    sid = lax.axis_index("s")
    wid = cid * _NS + sid
    ebase = wid * _EPW

    stage = pltpu.async_copy(eidx_hbm.at[pl.ds(ebase, _EPW)], src_st,
                             gsem.at[0])

    def zloop(i, c):
        def zl2(k, c2):
            r0[i, pl.ds(k * 16, 16)] = jnp.zeros((16,), jnp.float32)
            return c2
        return lax.fori_loop(0, _D // 16, zl2, c)

    lax.fori_loop(0, _ZR, zloop, 0)
    for t in range(_RPT1 // _ZR):
        pltpu.async_copy(r0, acc.at[pl.ds(sid * _RPT1 + t * _ZR, _ZR)],
                         ssem.at[0])
    for t in range(_RPT1 // _ZR):
        pltpu.make_async_copy(
            r0, acc.at[pl.ds(sid * _RPT1 + t * _ZR, _ZR)], ssem.at[0]).wait()
    stage.wait()
    plsc.subcore_barrier()

    def fire(j, b):
        pltpu.async_copy(eidx_hbm.at[pl.ds(_E + ebase + j * _K, _K)],
                         dbuf[b].at[0], dsem.at[b])
        pltpu.async_copy(p_hbm.at[src_st.at[pl.ds(j * _K, _K)]],
                         rows[b], gsem.at[b])

    for b in range(_NBUF):
        fire(b, b)

    def gloop(jj, c):
        for b in range(_NBUF):
            j = jj * _NBUF + b
            pltpu.make_async_copy(
                eidx_hbm.at[pl.ds(_E + ebase + j * _K, _K)], dbuf[b].at[0],
                dsem.at[b]).wait()
            pltpu.make_async_copy(
                p_hbm.at[src_st.at[pl.ds(j * _K, _K)]], rows[b],
                gsem.at[b]).wait()
            pltpu.async_copy(rows[b], acc.at[dbuf[b].at[0]], ssem.at[b],
                             add=True)
        for b in range(_NBUF):
            j = jj * _NBUF + b
            pltpu.make_async_copy(
                rows[b], acc.at[dbuf[b].at[0]], ssem.at[b]).wait()

            @pl.when(jj < _NG - 1)
            def _(b=b, jj=jj):
                fire((jj + 1) * _NBUF + b, b)
        return c

    lax.fori_loop(0, _NG, gloop, 0)
    plsc.subcore_barrier()
    pltpu.sync_copy(acc.at[pl.ds(sid * _RPT1, _RPT1)],
                    out_hbm.at[pl.ds(cid * _NP + sid * _RPT1, _RPT1)])


_sc_agg = pl.kernel(
    _agg_body,
    out_type=jax.ShapeDtypeStruct((_NC * _NP, _D), jnp.float32),
    mesh=_mesh,
    scratch_types=[
        pltpu.VMEM_SHARED((_NP, _D), jnp.float32),
        pltpu.VMEM((_EPW,), jnp.int32),
        pltpu.VMEM((1, _K), jnp.int32),
        pltpu.VMEM((1, _K), jnp.int32),
        pltpu.VMEM((1, _K), jnp.int32),
        pltpu.VMEM((1, _K), jnp.int32),
        pltpu.VMEM((1, _K), jnp.int32),
        pltpu.VMEM((_K, _D), jnp.float32),
        pltpu.VMEM((_K, _D), jnp.float32),
        pltpu.VMEM((_K, _D), jnp.float32),
        pltpu.VMEM((_K, _D), jnp.float32),
        pltpu.VMEM((_K, _D), jnp.float32),
        pltpu.SemaphoreType.DMA((_NBUF,)),
        pltpu.SemaphoreType.DMA((_NBUF,)),
        pltpu.SemaphoreType.DMA((_NBUF,)),
    ],
)


_BR = 2048
_TPB = _BR // _D
_GRID = (_N + _BR - 1) // _BR
_TCPARAMS = pltpu.CompilerParams(dimension_semantics=("parallel",))


def _dis_col(d0_blk, d1_blk):
    deg = d0_blk + d1_blk
    dis = jnp.where(deg > 0.0, lax.rsqrt(jnp.maximum(deg, 1e-38)), 0.0)
    cols = []
    for t in range(_TPB):
        row = jax.lax.broadcast_in_dim(dis[t, :], (_D, _D), (1,))
        cols.append(lax.transpose(row, (1, 0))[:, :1])
    return jnp.concatenate(cols, axis=0)


def _lin_body(x_ref, w_ref, b_ref, d0_ref, d1_ref, o_ref):
    h = lax.dot_general(x_ref[...], w_ref[...], (((1,), (1,)), ((), ())),
                        preferred_element_type=jnp.float32)
    o_ref[...] = _dis_col(d0_ref[...], d1_ref[...]) * (h + b_ref[...])


_tc_lin = pl.pallas_call(
    _lin_body,
    grid=(_GRID,),
    in_specs=[
        pl.BlockSpec((_BR, _D), lambda i: (i, 0)),
        pl.BlockSpec((_D, _D), lambda i: (0, 0)),
        pl.BlockSpec((1, _D), lambda i: (0, 0)),
        pl.BlockSpec((_TPB, _D), lambda i: (i, 0)),
        pl.BlockSpec((_TPB, _D), lambda i: (_DT // _TPB + i, 0)),
    ],
    out_specs=pl.BlockSpec((_BR, _D), lambda i: (i, 0)),
    out_shape=jax.ShapeDtypeStruct((_N, _D), jnp.float32),
    compiler_params=_TCPARAMS,
)


def _mid_body(a0_ref, a1_ref, w_ref, b_ref, d0_ref, d1_ref, o_ref):
    dis = _dis_col(d0_ref[...], d1_ref[...])
    h = jnp.maximum(dis * (a0_ref[0] + a1_ref[0]), 0.0)
    hw = lax.dot_general(h, w_ref[...], (((1,), (1,)), ((), ())),
                         preferred_element_type=jnp.float32)
    o_ref[...] = dis * (hw + b_ref[...])


_tc_mid = pl.pallas_call(
    _mid_body,
    grid=(_GRID,),
    in_specs=[
        pl.BlockSpec((1, _BR, _D), lambda i: (0, i, 0)),
        pl.BlockSpec((1, _BR, _D), lambda i: (1, i, 0)),
        pl.BlockSpec((_D, _D), lambda i: (0, 0)),
        pl.BlockSpec((1, _D), lambda i: (0, 0)),
        pl.BlockSpec((_TPB, _D), lambda i: (i, 0)),
        pl.BlockSpec((_TPB, _D), lambda i: (_DT // _TPB + i, 0)),
    ],
    out_specs=pl.BlockSpec((_BR, _D), lambda i: (i, 0)),
    out_shape=jax.ShapeDtypeStruct((_N, _D), jnp.float32),
    compiler_params=_TCPARAMS,
)


def _fin_body(a0_ref, a1_ref, d0_ref, d1_ref, o_ref):
    o_ref[...] = _dis_col(d0_ref[...], d1_ref[...]) * (a0_ref[0] + a1_ref[0])


_tc_fin = pl.pallas_call(
    _fin_body,
    grid=(_GRID,),
    in_specs=[
        pl.BlockSpec((1, _BR, _D), lambda i: (0, i, 0)),
        pl.BlockSpec((1, _BR, _D), lambda i: (1, i, 0)),
        pl.BlockSpec((_TPB, _D), lambda i: (i, 0)),
        pl.BlockSpec((_TPB, _D), lambda i: (_DT // _TPB + i, 0)),
    ],
    out_specs=pl.BlockSpec((_BR, _D), lambda i: (i, 0)),
    out_shape=jax.ShapeDtypeStruct((_N, _D), jnp.float32),
    compiler_params=_TCPARAMS,
)


def kernel(x, edge_index, W1, b1, W2, b2):
    eidx = edge_index.astype(jnp.int32).reshape(2 * _E)

    deg2 = _sc_deg(eidx).reshape(_NC * _DT, _D)
    p1 = _tc_lin(x, W1, b1.reshape(1, _D), deg2, deg2)
    a1 = _sc_agg(p1, eidx).reshape(_NC, _NP, _D)
    p2 = _tc_mid(a1, a1, W2, b2.reshape(1, _D), deg2, deg2)
    a2 = _sc_agg(p2, eidx).reshape(_NC, _NP, _D)
    return _tc_fin(a2, a2, deg2, deg2)

# --- scband reference (transcript-rebuilt; emitter-appended) ---
"""Pipeline reference for scband-gcn-10651518894410 (READ-ONLY COPY).

The authoritative reference and input builder live on the scoring server;
editing this copy changes nothing except your own understanding.
"""

import jax, jax.numpy as jnp
import numpy as np

N_NODES = 10000
N_EDGES = 320000
D_IN = 128
D_HID = 128
D_OUT = 128


def _xavier(key, shape):
    fan_in, fan_out = shape[1], shape[0]
    limit = float(np.sqrt(6.0 / (fan_in + fan_out)))
    return jax.random.uniform(key, shape, dtype=jnp.float32, minval=-limit, maxval=limit)


def setup_inputs(seed: int = 0) -> dict:
    key = jax.random.key(seed)
    k_x, k_e, k_w1, k_w2 = jax.random.split(key, 4)
    x = jax.random.normal(k_x, (N_NODES, D_IN), dtype=jnp.float32)
    edge_index = jax.random.randint(k_e, (2, N_EDGES), 0, N_NODES, dtype=jnp.int64 if jax.config.read('jax_enable_x64') else jnp.int32)
    W1 = _xavier(k_w1, (D_HID, D_IN))
    b1 = jnp.zeros((D_HID,), dtype=jnp.float32)
    W2 = _xavier(k_w2, (D_OUT, D_HID))
    b2 = jnp.zeros((D_OUT,), dtype=jnp.float32)
    return {"x": x, "edge_index": edge_index, "W1": W1, "b1": b1, "W2": W2, "b2": b2}


def _gcn_conv(x, src, dst, W, b, n_nodes):
    # linear
    x = x @ W.T + b
    # symmetric normalization D^{-1/2} A D^{-1/2}
    deg = jnp.zeros((n_nodes,), dtype=jnp.float32).at[dst].add(jnp.ones_like(dst, dtype=jnp.float32))
    deg_inv_sqrt = jnp.where(deg > 0, jax.lax.rsqrt(jnp.maximum(deg, 1e-38)), 0.0)
    edge_weight = deg_inv_sqrt[src] * deg_inv_sqrt[dst]
    # message: edge_weight * x[src]; aggregate: scatter-add at dst
    msg = edge_weight[:, None] * jnp.take(x, src, axis=0)
    out = jnp.zeros_like(x).at[dst].add(msg)
    return out


def reference(x, edge_index, W1, b1, W2, b2):
    # eval-mode GCN (dropout is identity at inference)
    src, dst = edge_index[0], edge_index[1]
    h = _gcn_conv(x, src, dst, W1, b1, N_NODES)
    h = jax.nn.relu(h)
    out = _gcn_conv(h, src, dst, W2, b2, N_NODES)
    return out

if __name__ == "__main__":
    import jax
    _d = setup_inputs()
    print(jax.jit(kernel)(*tuple(_d.values())))

</pallas_src>

<mosaic_0001>
#map = affine_map<(d0, d1) -> (0)>
module attributes {stable_mosaic.version = 14 : i64} {
  func.func @_deg_body(%arg0: i32, %arg1: i32, %arg2: memref<640000xi32, #tpu.memory_space<hbm>>, %arg3: memref<20480xf32, #tpu.memory_space<hbm>>, %arg4: memref<10240xf32, #tpu.memory_space<vmem_shared>>, %arg5: memref<10000xi32, #tpu.memory_space<vmem>>, %arg6: memref<1x80xi32, #tpu.memory_space<vmem>>, %arg7: memref<1x80xi32, #tpu.memory_space<vmem>>, %arg8: memref<1x80xi32, #tpu.memory_space<vmem>>, %arg9: memref<1x80xi32, #tpu.memory_space<vmem>>, %arg10: memref<1x80xi32, #tpu.memory_space<vmem>>, %arg11: memref<80xf32, #tpu.memory_space<vmem>>, %arg12: memref<640xf32, #tpu.memory_space<vmem>>, %arg13: memref<5x!tpu.dma_semaphore, #tpu.memory_space<semaphore_mem>>) attributes {dimension_semantics = [#tpu.dimension_semantics<core_parallel>, #tpu.dimension_semantics<subcore_parallel>], iteration_bounds = array<i64: 2, 16>, scalar_prefetch = 0 : i64, scratch_operands = 10 : i64, tpu.core_type = #tpu.core_type<sc_vector_subcore>, window_params = [{transform_indices = #map}, {transform_indices = #map}]} {
    %mul3A = arith.constant 16 : i32
    %mul3A_0 = arith.muli %arg0, %mul3A : i32
    %add3A = arith.addi %mul3A_0, %arg1 : i32
    %scan3A = arith.constant 0 : i32
    %scan3A_1 = arith.constant 0 : i32
    %scan3A_2 = arith.constant 40 : i32
    %scan3A_3 = arith.addi %scan3A_1, %scan3A_2 : i32
    %scan3A_4 = arith.constant 1 : i32
    scf.for %scan3A_106 = %scan3A_1 to %scan3A_3 step %scan3A_4  : i32 {
      %broadcast_in_dim3A = arith.constant 0.000000e+00 : f32
      %broadcast_in_dim3A_107 = vector.broadcast %broadcast_in_dim3A : f32 to vector<16xf32>
      %mul3A_108 = arith.constant 16 : i32
      %mul3A_109 = arith.muli %scan3A_106, %mul3A_108 : i32
      %swap3A = arith.index_cast %mul3A_109 : i32 to index
      %swap3A_110 = tpu.vector_load %arg12[%swap3A] {strides = array<i32>} : memref<640xf32, #tpu.memory_space<vmem>>, vector<16xf32>,
      %swap3A_111 = vector.shape_cast %swap3A_110 : vector<16xf32> to vector<16xf32>
      %swap3A_112 = vector.shape_cast %broadcast_in_dim3A_107 : vector<16xf32> to vector<16xf32>
      tpu.vector_store %arg12[%swap3A], %swap3A_112 {strides = array<i32>} : memref<640xf32, #tpu.memory_space<vmem>>, vector<16xf32>,
    }
    %scan3A_5 = arith.constant 40 : i32
    %mul3A_6 = arith.constant 640 : i32
    %mul3A_7 = arith.muli %arg1, %mul3A_6 : i32
    "tpu.region"() ({
      %run_scoped3A = tpu.sem_alloc : memref<!tpu.dma_semaphore, #tpu.memory_space<semaphore_mem>>
      %dma_start3A_106 = tpu.memref_slice %arg4[%mul3A_7] : memref<10240xf32, #tpu.memory_space<vmem_shared>> -> memref<640xf32, #tpu.memory_space<vmem_shared>>
      %dma_start3A_107 = tpu.memref_slice %arg4[%mul3A_7] : memref<10240xf32, #tpu.memory_space<vmem_shared>> -> memref<640xf32, #tpu.memory_space<vmem_shared>>
      tpu.enqueue_dma source(%arg12 : memref<640xf32, #tpu.memory_space<vmem>>) target(%dma_start3A_107 : memref<640xf32, #tpu.memory_space<vmem_shared>>) target_semaphore(%run_scoped3A : memref<!tpu.dma_semaphore, #tpu.memory_space<semaphore_mem>>)
      %dma_wait3A = tpu.memref_slice %arg4[%mul3A_7] : memref<10240xf32, #tpu.memory_space<vmem_shared>> -> memref<640xf32, #tpu.memory_space<vmem_shared>>
      %dma_wait3A_108 = tpu.memref_slice %arg4[%mul3A_7] : memref<10240xf32, #tpu.memory_space<vmem_shared>> -> memref<640xf32, #tpu.memory_space<vmem_shared>>
      tpu.wait_dma2 semaphore(%run_scoped3A : memref<!tpu.dma_semaphore, #tpu.memory_space<semaphore_mem>>) src(%arg12 : memref<640xf32, #tpu.memory_space<vmem>>) dst(%dma_wait3A_108 : memref<640xf32, #tpu.memory_space<vmem_shared>>)
      tpu.yield
    }) : () -> ()
    %mul3A_8 = arith.constant 10000 : i32
    %mul3A_9 = arith.muli %add3A, %mul3A_8 : i32
    %add3A_10 = arith.constant 320000 : i32
    %add3A_11 = arith.addi %add3A_10, %mul3A_9 : i32
    "tpu.region"() ({
      %run_scoped3A = tpu.sem_alloc : memref<!tpu.dma_semaphore, #tpu.memory_space<semaphore_mem>>
      %dma_start3A_106 = tpu.memref_slice %arg2[%add3A_11] : memref<640000xi32, #tpu.memory_space<hbm>> -> memref<10000xi32, #tpu.memory_space<hbm>>
      %dma_start3A_107 = tpu.memref_slice %arg2[%add3A_11] : memref<640000xi32, #tpu.memory_space<hbm>> -> memref<10000xi32, #tpu.memory_space<hbm>>
      tpu.enqueue_dma source(%dma_start3A_107 : memref<10000xi32, #tpu.memory_space<hbm>>) target(%arg5 : memref<10000xi32, #tpu.memory_space<vmem>>) target_semaphore(%run_scoped3A : memref<!tpu.dma_semaphore, #tpu.memory_space<semaphore_mem>>)
      %dma_wait3A = tpu.memref_slice %arg2[%add3A_11] : memref<640000xi32, #tpu.memory_space<hbm>> -> memref<10000xi32, #tpu.memory_space<hbm>>
      %dma_wait3A_108 = tpu.memref_slice %arg2[%add3A_11] : memref<640000xi32, #tpu.memory_space<hbm>> -> memref<10000xi32, #tpu.memory_space<hbm>>
      tpu.wait_dma2 semaphore(%run_scoped3A : memref<!tpu.dma_semaphore, #tpu.memory_space<semaphore_mem>>) src(%dma_wait3A_108 : memref<10000xi32, #tpu.memory_space<hbm>>) dst(%arg5 : memref<10000xi32, #tpu.memory_space<vmem>>)
      tpu.yield
    }) : () -> ()
    %scan3A_12 = arith.constant 0 : i32
    %scan3A_13 = arith.constant 0 : i32
    %scan3A_14 = arith.constant 5 : i32
    %scan3A_15 = arith.addi %scan3A_13, %scan3A_14 : i32
    %scan3A_16 = arith.constant 1 : i32
    scf.for %scan3A_106 = %scan3A_13 to %scan3A_15 step %scan3A_16  : i32 {
      %broadcast_in_dim3A = arith.constant 1.000000e+00 : f32
      %broadcast_in_dim3A_107 = vector.broadcast %broadcast_in_dim3A : f32 to vector<16xf32>
      %mul3A_108 = arith.constant 16 : i32
      %mul3A_109 = arith.muli %scan3A_106, %mul3A_108 : i32
      %swap3A = arith.index_cast %mul3A_109 : i32 to index
      %swap3A_110 = tpu.vector_load %arg11[%swap3A] {strides = array<i32>} : memref<80xf32, #tpu.memory_space<vmem>>, vector<16xf32>,
      %swap3A_111 = vector.shape_cast %swap3A_110 : vector<16xf32> to vector<16xf32>
      %swap3A_112 = vector.shape_cast %broadcast_in_dim3A_107 : vector<16xf32> to vector<16xf32>
      tpu.vector_store %arg11[%swap3A], %swap3A_112 {strides = array<i32>} : memref<80xf32, #tpu.memory_space<vmem>>, vector<16xf32>,
    }
    %scan3A_17 = arith.constant 5 : i32
    %barrier3A = arith.constant 0 : index
    tpu.barrier barrier_id(%barrier3A)
    %scan3A_18 = arith.constant 0 : i32
    %scan3A_19 = arith.constant 0 : i32
    %scan3A_20 = arith.constant 5 : i32
    %scan3A_21 = arith.addi %scan3A_19, %scan3A_20 : i32
    %scan3A_22 = arith.constant 1 : i32
    scf.for %scan3A_106 = %scan3A_19 to %scan3A_21 step %scan3A_22  : i32 {
      %mul3A_107 = arith.constant 16 : i32
      %mul3A_108 = arith.muli %scan3A_106, %mul3A_107 : i32
      %add3A_109 = arith.constant 0 : i32
      %add3A_110 = arith.addi %add3A_109, %mul3A_108 : i32
      %get3A = arith.index_cast %add3A_110 : i32 to index
      %get3A_111 = tpu.vector_load %arg5[%get3A] {strides = array<i32>} : memref<10000xi32, #tpu.memory_space<vmem>>, vector<16xi32>,
      %get3A_112 = vector.shape_cast %get3A_111 : vector<16xi32> to vector<16xi32>
      %mul3A_113 = arith.constant 16 : i32
      %mul3A_114 = arith.muli %scan3A_106, %mul3A_113 : i32
      %swap3A = arith.constant 0 : i32
      %swap3A_115 = arith.index_cast %swap3A : i32 to index
      %swap3A_116 = arith.index_cast %mul3A_114 : i32 to index
      %swap3A_117 = tpu.vector_load %arg6[%swap3A_115, %swap3A_116] {strides = array<i32>} : memref<1x80xi32, #tpu.memory_space<vmem>>, vector<1x16xi32>,
      %swap3A_118 = vector.shape_cast %swap3A_117 : vector<1x16xi32> to vector<16xi32>
      %swap3A_119 = vector.shape_cast %get3A_112 : vector<16xi32> to vector<1x16xi32>
      tpu.vector_store %arg6[%swap3A_115, %swap3A_116], %swap3A_119 {strides = array<i32>} : memref<1x80xi32, #tpu.memory_space<vmem>>, vector<1x16xi32>,
    }
    %scan3A_23 = arith.constant 5 : i32
    %dma_start3A = arith.constant 0 : i32
    %dma_start3A_24 = arith.constant 0 : i32
    %dma_start3A_25 = arith.constant 0 : i32
    %dma_start3A_26 = tpu.memref_slice %arg6[%dma_start3A, %dma_start3A_25] : memref<1x80xi32, #tpu.memory_space<vmem>> -> memref<1x80xi32, #tpu.memory_space<vmem>>
    %dma_start3A_27 = tpu.memref_squeeze %dma_start3A_26 : memref<1x80xi32, #tpu.memory_space<vmem>> -> memref<80xi32, #tpu.memory_space<vmem>>
    %dma_start3A_28 = arith.constant 0 : i32
    %dma_start3A_29 = tpu.memref_slice %arg4[%dma_start3A_28] : memref<10240xf32, #tpu.memory_space<vmem_shared>> -> memref<10240xf32, #tpu.memory_space<vmem_shared>>
    %dma_start3A_30 = tpu.memref_slice %arg13[%dma_start3A_24] : memref<5x!tpu.dma_semaphore, #tpu.memory_space<semaphore_mem>> -> memref<1x!tpu.dma_semaphore, #tpu.memory_space<semaphore_mem>>
    %dma_start3A_31 = tpu.memref_squeeze %dma_start3A_30 : memref<1x!tpu.dma_semaphore, #tpu.memory_space<semaphore_mem>> -> memref<!tpu.dma_semaphore, #tpu.memory_space<semaphore_mem>>
    tpu.enqueue_indirect_dma source(%arg11 : memref<80xf32, #tpu.memory_space<vmem>>) target(%dma_start3A_29 : memref<10240xf32, #tpu.memory_space<vmem_shared>>) offsets(%dma_start3A_27 : memref<80xi32, #tpu.memory_space<vmem>>) semaphore(%dma_start3A_31 : memref<!tpu.dma_semaphore, #tpu.memory_space<semaphore_mem>>) {add = true}
    %scan3A_32 = arith.constant 0 : i32
    %scan3A_33 = arith.constant 0 : i32
    %scan3A_34 = arith.constant 5 : i32
    %scan3A_35 = arith.addi %scan3A_33, %scan3A_34 : i32
    %scan3A_36 = arith.constant 1 : i32
    scf.for %scan3A_106 = %scan3A_33 to %scan3A_35 step %scan3A_36  : i32 {
      %mul3A_107 = arith.constant 16 : i32
      %mul3A_108 = arith.muli %scan3A_106, %mul3A_107 : i32
      %add3A_109 = arith.constant 80 : i32
      %add3A_110 = arith.addi %add3A_109, %mul3A_108 : i32
      %get3A = arith.index_cast %add3A_110 : i32 to index
      %get3A_111 = tpu.vector_load %arg5[%get3A] {strides = array<i32>} : memref<10000xi32, #tpu.memory_space<vmem>>, vector<16xi32>,
      %get3A_112 = vector.shape_cast %get3A_111 : vector<16xi32> to vector<16xi32>
      %mul3A_113 = arith.constant 16 : i32
      %mul3A_114 = arith.muli %scan3A_106, %mul3A_113 : i32
      %swap3A = arith.constant 0 : i32
      %swap3A_115 = arith.index_cast %swap3A : i32 to index
      %swap3A_116 = arith.index_cast %mul3A_114 : i32 to index
      %swap3A_117 = tpu.vector_load %arg7[%swap3A_115, %swap3A_116] {strides = array<i32>} : memref<1x80xi32, #tpu.memory_space<vmem>>, vector<1x16xi32>,
      %swap3A_118 = vector.shape_cast %swap3A_117 : vector<1x16xi32> to vector<16xi32>
      %swap3A_119 = vector.shape_cast %get3A_112 : vector<16xi32> to vector<1x16xi32>
      tpu.vector_store %arg7[%swap3A_115, %swap3A_116], %swap3A_119 {strides = array<i32>} : memref<1x80xi32, #tpu.memory_space<vmem>>, vector<1x16xi32>,
    }
    %scan3A_37 = arith.constant 5 : i32
    %dma_start3A_38 = arith.constant 0 : i32
    %dma_start3A_39 = arith.constant 1 : i32
    %dma_start3A_40 = arith.constant 0 : i32
    %dma_start3A_41 = tpu.memref_slice %arg7[%dma_start3A_38, %dma_start3A_40] : memref<1x80xi32, #tpu.memory_space<vmem>> -> memref<1x80xi32, #tpu.memory_space<vmem>>
    %dma_start3A_42 = tpu.memref_squeeze %dma_start3A_41 : memref<1x80xi32, #tpu.memory_space<vmem>> -> memref<80xi32, #tpu.memory_space<vmem>>
    %dma_start3A_43 = arith.constant 0 : i32
    %dma_start3A_44 = tpu.memref_slice %arg4[%dma_start3A_43] : memref<10240xf32, #tpu.memory_space<vmem_shared>> -> memref<10240xf32, #tpu.memory_space<vmem_shared>>
    %dma_start3A_45 = tpu.memref_slice %arg13[%dma_start3A_39] : memref<5x!tpu.dma_semaphore, #tpu.memory_space<semaphore_mem>> -> memref<1x!tpu.dma_semaphore, #tpu.memory_space<semaphore_mem>>
    %dma_start3A_46 = tpu.memref_squeeze %dma_start3A_45 : memref<1x!tpu.dma_semaphore, #tpu.memory_space<semaphore_mem>> -> memref<!tpu.dma_semaphore, #tpu.memory_space<semaphore_mem>>
    tpu.enqueue_indirect_dma source(%arg11 : memref<80xf32, #tpu.memory_space<vmem>>) target(%dma_start3A_44 : memref<10240xf32, #tpu.memory_space<vmem_shared>>) offsets(%dma_start3A_42 : memref<80xi32, #tpu.memory_space<vmem>>) semaphore(%dma_start3A_46 : memref<!tpu.dma_semaphore, #tpu.memory_space<semaphore_mem>>) {add = true}
    %scan3A_47 = arith.constant 0 : i32
    %scan3A_48 = arith.constant 0 : i32
    %scan3A_49 = arith.constant 5 : i32
    %scan3A_50 = arith.addi %scan3A_48, %scan3A_49 : i32
    %scan3A_51 = arith.constant 1 : i32
    scf.for %scan3A_106 = %scan3A_48 to %scan3A_50 step %scan3A_51  : i32 {
      %mul3A_107 = arith.constant 16 : i32
      %mul3A_108 = arith.muli %scan3A_106, %mul3A_107 : i32
      %add3A_109 = arith.constant 160 : i32
      %add3A_110 = arith.addi %add3A_109, %mul3A_108 : i32
      %get3A = arith.index_cast %add3A_110 : i32 to index
      %get3A_111 = tpu.vector_load %arg5[%get3A] {strides = array<i32>} : memref<10000xi32, #tpu.memory_space<vmem>>, vector<16xi32>,
      %get3A_112 = vector.shape_cast %get3A_111 : vector<16xi32> to vector<16xi32>
      %mul3A_113 = arith.constant 16 : i32
      %mul3A_114 = arith.muli %scan3A_106, %mul3A_113 : i32
      %swap3A = arith.constant 0 : i32
      %swap3A_115 = arith.index_cast %swap3A : i32 to index
      %swap3A_116 = arith.index_cast %mul3A_114 : i32 to index
      %swap3A_117 = tpu.vector_load %arg8[%swap3A_115, %swap3A_116] {strides = array<i32>} : memref<1x80xi32, #tpu.memory_space<vmem>>, vector<1x16xi32>,
      %swap3A_118 = vector.shape_cast %swap3A_117 : vector<1x16xi32> to vector<16xi32>
      %swap3A_119 = vector.shape_cast %get3A_112 : vector<16xi32> to vector<1x16xi32>
      tpu.vector_store %arg8[%swap3A_115, %swap3A_116], %swap3A_119 {strides = array<i32>} : memref<1x80xi32, #tpu.memory_space<vmem>>, vector<1x16xi32>,
    }
    %scan3A_52 = arith.constant 5 : i32
    %dma_start3A_53 = arith.constant 0 : i32
    %dma_start3A_54 = arith.constant 2 : i32
    %dma_start3A_55 = arith.constant 0 : i32
    %dma_start3A_56 = tpu.memref_slice %arg8[%dma_start3A_53, %dma_start3A_55] : memref<1x80xi32, #tpu.memory_space<vmem>> -> memref<1x80xi32, #tpu.memory_space<vmem>>
    %dma_start3A_57 = tpu.memref_squeeze %dma_start3A_56 : memref<1x80xi32, #tpu.memory_space<vmem>> -> memref<80xi32, #tpu.memory_space<vmem>>
    %dma_start3A_58 = arith.constant 0 : i32
    %dma_start3A_59 = tpu.memref_slice %arg4[%dma_start3A_58] : memref<10240xf32, #tpu.memory_space<vmem_shared>> -> memref<10240xf32, #tpu.memory_space<vmem_shared>>
    %dma_start3A_60 = tpu.memref_slice %arg13[%dma_start3A_54] : memref<5x!tpu.dma_semaphore, #tpu.memory_space<semaphore_mem>> -> memref<1x!tpu.dma_semaphore, #tpu.memory_space<semaphore_mem>>
    %dma_start3A_61 = tpu.memref_squeeze %dma_start3A_60 : memref<1x!tpu.dma_semaphore, #tpu.memory_space<semaphore_mem>> -> memref<!tpu.dma_semaphore, #tpu.memory_space<semaphore_mem>>
    tpu.enqueue_indirect_dma source(%arg11 : memref<80xf32, #tpu.memory_space<vmem>>) target(%dma_start3A_59 : memref<10240xf32, #tpu.memory_space<vmem_shared>>) offsets(%dma_start3A_57 : memref<80xi32, #tpu.memory_space<vmem>>) semaphore(%dma_start3A_61 : memref<!tpu.dma_semaphore, #tpu.memory_space<semaphore_mem>>) {add = true}
    %scan3A_62 = arith.constant 0 : i32
    %scan3A_63 = arith.constant 0 : i32
    %scan3A_64 = arith.constant 5 : i32
    %scan3A_65 = arith.addi %scan3A_63, %scan3A_64 : i32
    %scan3A_66 = arith.constant 1 : i32
    scf.for %scan3A_106 = %scan3A_63 to %scan3A_65 step %scan3A_66  : i32 {
      %mul3A_107 = arith.constant 16 : i32
      %mul3A_108 = arith.muli %scan3A_106, %mul3A_107 : i32
      %add3A_109 = arith.constant 240 : i32
      %add3A_110 = arith.addi %add3A_109, %mul3A_108 : i32
      %get3A = arith.index_cast %add3A_110 : i32 to index
      %get3A_111 = tpu.vector_load %arg5[%get3A] {strides = array<i32>} : memref<10000xi32, #tpu.memory_space<vmem>>, vector<16xi32>,
      %get3A_112 = vector.shape_cast %get3A_111 : vector<16xi32> to vector<16xi32>
      %mul3A_113 = arith.constant 16 : i32
      %mul3A_114 = arith.muli %scan3A_106, %mul3A_113 : i32
      %swap3A = arith.constant 0 : i32
      %swap3A_115 = arith.index_cast %swap3A : i32 to index
      %swap3A_116 = arith.index_cast %mul3A_114 : i32 to index
      %swap3A_117 = tpu.vector_load %arg9[%swap3A_115, %swap3A_116] {strides = array<i32>} : memref<1x80xi32, #tpu.memory_space<vmem>>, vector<1x16xi32>,
      %swap3A_118 = vector.shape_cast %swap3A_117 : vector<1x16xi32> to vector<16xi32>
      %swap3A_119 = vector.shape_cast %get3A_112 : vector<16xi32> to vector<1x16xi32>
      tpu.vector_store %arg9[%swap3A_115, %swap3A_116], %swap3A_119 {strides = array<i32>} : memref<1x80xi32, #tpu.memory_space<vmem>>, vector<1x16xi32>,
    }
    %scan3A_67 = arith.constant 5 : i32
    %dma_start3A_68 = arith.constant 0 : i32
    %dma_start3A_69 = arith.constant 3 : i32
    %dma_start3A_70 = arith.constant 0 : i32
    %dma_start3A_71 = tpu.memref_slice %arg9[%dma_start3A_68, %dma_start3A_70] : memref<1x80xi32, #tpu.memory_space<vmem>> -> memref<1x80xi32, #tpu.memory_space<vmem>>
    %dma_start3A_72 = tpu.memref_squeeze %dma_start3A_71 : memref<1x80xi32, #tpu.memory_space<vmem>> -> memref<80xi32, #tpu.memory_space<vmem>>
    %dma_start3A_73 = arith.constant 0 : i32
    %dma_start3A_74 = tpu.memref_slice %arg4[%dma_start3A_73] : memref<10240xf32, #tpu.memory_space<vmem_shared>> -> memref<10240xf32, #tpu.memory_space<vmem_shared>>
    %dma_start3A_75 = tpu.memref_slice %arg13[%dma_start3A_69] : memref<5x!tpu.dma_semaphore, #tpu.memory_space<semaphore_mem>> -> memref<1x!tpu.dma_semaphore, #tpu.memory_space<semaphore_mem>>
    %dma_start3A_76 = tpu.memref_squeeze %dma_start3A_75 : memref<1x!tpu.dma_semaphore, #tpu.memory_space<semaphore_mem>> -> memref<!tpu.dma_semaphore, #tpu.memory_space<semaphore_mem>>
    tpu.enqueue_indirect_dma source(%arg11 : memref<80xf32, #tpu.memory_space<vmem>>) target(%dma_start3A_74 : memref<10240xf32, #tpu.memory_space<vmem_shared>>) offsets(%dma_start3A_72 : memref<80xi32, #tpu.memory_space<vmem>>) semaphore(%dma_start3A_76 : memref<!tpu.dma_semaphore, #tpu.memory_space<semaphore_mem>>) {add = true}
    %scan3A_77 = arith.constant 0 : i32
    %scan3A_78 = arith.constant 0 : i32
    %scan3A_79 = arith.constant 5 : i32
    %scan3A_80 = arith.addi %scan3A_78, %scan3A_79 : i32
    %scan3A_81 = arith.constant 1 : i32
    scf.for %scan3A_106 = %scan3A_78 to %scan3A_80 step %scan3A_81  : i32 {
      %mul3A_107 = arith.constant 16 : i32
      %mul3A_108 = arith.muli %scan3A_106, %mul3A_107 : i32
      %add3A_109 = arith.constant 320 : i32
      %add3A_110 = arith.addi %add3A_109, %mul3A_108 : i32
      %get3A = arith.index_cast %add3A_110 : i32 to index
      %get3A_111 = tpu.vector_load %arg5[%get3A] {strides = array<i32>} : memref<10000xi32, #tpu.memory_space<vmem>>, vector<16xi32>,
      %get3A_112 = vector.shape_cast %get3A_111 : vector<16xi32> to vector<16xi32>
      %mul3A_113 = arith.constant 16 : i32
      %mul3A_114 = arith.muli %scan3A_106, %mul3A_113 : i32
      %swap3A = arith.constant 0 : i32
      %swap3A_115 = arith.index_cast %swap3A : i32 to index
      %swap3A_116 = arith.index_cast %mul3A_114 : i32 to index
      %swap3A_117 = tpu.vector_load %arg10[%swap3A_115, %swap3A_116] {strides = array<i32>} : memref<1x80xi32, #tpu.memory_space<vmem>>, vector<1x16xi32>,
      %swap3A_118 = vector.shape_cast %swap3A_117 : vector<1x16xi32> to vector<16xi32>
      %swap3A_119 = vector.shape_cast %get3A_112 : vector<16xi32> to vector<1x16xi32>
      tpu.vector_store %arg10[%swap3A_115, %swap3A_116], %swap3A_119 {strides = array<i32>} : memref<1x80xi32, #tpu.memory_space<vmem>>, vector<1x16xi32>,
    }
    %scan3A_82 = arith.constant 5 : i32
    %dma_start3A_83 = arith.constant 0 : i32
    %dma_start3A_84 = arith.constant 4 : i32
    %dma_start3A_85 = arith.constant 0 : i32
    %dma_start3A_86 = tpu.memref_slice %arg10[%dma_start3A_83, %dma_start3A_85] : memref<1x80xi32, #tpu.memory_space<vmem>> -> memref<1x80xi32, #tpu.memory_space<vmem>>
    %dma_start3A_87 = tpu.memref_squeeze %dma_start3A_86 : memref<1x80xi32, #tpu.memory_space<vmem>> -> memref<80xi32, #tpu.memory_space<vmem>>
    %dma_start3A_88 = arith.constant 0 : i32
    %dma_start3A_89 = tpu.memref_slice %arg4[%dma_start3A_88] : memref<10240xf32, #tpu.memory_space<vmem_shared>> -> memref<10240xf32, #tpu.memory_space<vmem_shared>>
    %dma_start3A_90 = tpu.memref_slice %arg13[%dma_start3A_84] : memref<5x!tpu.dma_semaphore, #tpu.memory_space<semaphore_mem>> -> memref<1x!tpu.dma_semaphore, #tpu.memory_space<semaphore_mem>>
    %dma_start3A_91 = tpu.memref_squeeze %dma_start3A_90 : memref<1x!tpu.dma_semaphore, #tpu.memory_space<semaphore_mem>> -> memref<!tpu.dma_semaphore, #tpu.memory_space<semaphore_mem>>
    tpu.enqueue_indirect_dma source(%arg11 : memref<80xf32, #tpu.memory_space<vmem>>) target(%dma_start3A_89 : memref<10240xf32, #tpu.memory_space<vmem_shared>>) offsets(%dma_start3A_87 : memref<80xi32, #tpu.memory_space<vmem>>) semaphore(%dma_start3A_91 : memref<!tpu.dma_semaphore, #tpu.memory_space<semaphore_mem>>) {add = true}
    %scan3A_92 = arith.constant 0 : i32
    %scan3A_93 = arith.constant 0 : i32
    %scan3A_94 = arith.constant 25 : i32
    %scan3A_95 = arith.addi %scan3A_93, %scan3A_94 : i32
    %scan3A_96 = arith.constant 1 : i32
    scf.for %scan3A_106 = %scan3A_93 to %scan3A_95 step %scan3A_96  : i32 {
      %mul3A_107 = arith.constant 5 : i32
      %mul3A_108 = arith.muli %scan3A_106, %mul3A_107 : i32
      %add3A_109 = arith.constant 0 : i32
      %add3A_110 = arith.addi %mul3A_108, %add3A_109 : i32
      %dma_wait3A = arith.constant 0 : i32
      %dma_wait3A_111 = arith.constant 0 : i32
      %dma_wait3A_112 = arith.constant 0 : i32
      %dma_wait3A_113 = tpu.memref_slice %arg6[%dma_wait3A, %dma_wait3A_112] : memref<1x80xi32, #tpu.memory_space<vmem>> -> memref<1x80xi32, #tpu.memory_space<vmem>>
      %dma_wait3A_114 = tpu.memref_squeeze %dma_wait3A_113 : memref<1x80xi32, #tpu.memory_space<vmem>> -> memref<80xi32, #tpu.memory_space<vmem>>
      %dma_wait3A_115 = arith.constant 0 : i32
      %dma_wait3A_116 = tpu.memref_slice %arg4[%dma_wait3A_115] : memref<10240xf32, #tpu.memory_space<vmem_shared>> -> memref<10240xf32, #tpu.memory_space<vmem_shared>>
      %dma_wait3A_117 = tpu.memref_slice %arg13[%dma_wait3A_111] : memref<5x!tpu.dma_semaphore, #tpu.memory_space<semaphore_mem>> -> memref<1x!tpu.dma_semaphore, #tpu.memory_space<semaphore_mem>>
      %dma_wait3A_118 = tpu.memref_squeeze %dma_wait3A_117 : memref<1x!tpu.dma_semaphore, #tpu.memory_space<semaphore_mem>> -> memref<!tpu.dma_semaphore, #tpu.memory_space<semaphore_mem>>
      tpu.wait_indirect_dma semaphore(%dma_wait3A_118 : memref<!tpu.dma_semaphore, #tpu.memory_space<semaphore_mem>>) src(%arg11 : memref<80xf32, #tpu.memory_space<vmem>>) dst(%dma_wait3A_116 : memref<10240xf32, #tpu.memory_space<vmem_shared>>)
      %lt3A = arith.constant 24 : i32
      %lt3A_119 = arith.cmpi slt, %scan3A_106, %lt3A : i32
      %convert_element_type3A = arith.extui %lt3A_119 : i1 to i32
      %cond3A = arith.constant 0 : i32
      %cond3A_120 = arith.cmpi ne, %convert_element_type3A, %cond3A : i32
      scf.if %cond3A_120 {
        %add3A_193 = arith.constant 1 : i32
        %add3A_194 = arith.addi %scan3A_106, %add3A_193 : i32
        %mul3A_195 = arith.constant 5 : i32
        %mul3A_196 = arith.muli %add3A_194, %mul3A_195 : i32
        %add3A_197 = arith.constant 0 : i32
        %add3A_198 = arith.addi %mul3A_196, %add3A_197 : i32
        %scan3A_199 = arith.constant 0 : i32
        %scan3A_200 = arith.constant 0 : i32
        %scan3A_201 = arith.constant 5 : i32
        %scan3A_202 = arith.addi %scan3A_200, %scan3A_201 : i32
        %scan3A_203 = arith.constant 1 : i32
        scf.for %scan3A_214 = %scan3A_200 to %scan3A_202 step %scan3A_203  : i32 {
          %mul3A_215 = arith.constant 80 : i32
          %mul3A_216 = arith.muli %add3A_198, %mul3A_215 : i32
          %mul3A_217 = arith.constant 16 : i32
          %mul3A_218 = arith.muli %scan3A_214, %mul3A_217 : i32
          %add3A_219 = arith.addi %mul3A_216, %mul3A_218 : i32
          %get3A = arith.index_cast %add3A_219 : i32 to index
          %get3A_220 = tpu.vector_load %arg5[%get3A] {strides = array<i32>} : memref<10000xi32, #tpu.memory_space<vmem>>, vector<16xi32>,
          %get3A_221 = vector.shape_cast %get3A_220 : vector<16xi32> to vector<16xi32>
          %mul3A_222 = arith.constant 16 : i32
          %mul3A_223 = arith.muli %scan3A_214, %mul3A_222 : i32
          %swap3A = arith.constant 0 : i32
          %swap3A_224 = arith.index_cast %swap3A : i32 to index
          %swap3A_225 = arith.index_cast %mul3A_223 : i32 to index
          %swap3A_226 = tpu.vector_load %arg6[%swap3A_224, %swap3A_225] {strides = array<i32>} : memref<1x80xi32, #tpu.memory_space<vmem>>, vector<1x16xi32>,
          %swap3A_227 = vector.shape_cast %swap3A_226 : vector<1x16xi32> to vector<16xi32>
          %swap3A_228 = vector.shape_cast %get3A_221 : vector<16xi32> to vector<1x16xi32>
          tpu.vector_store %arg6[%swap3A_224, %swap3A_225], %swap3A_228 {strides = array<i32>} : memref<1x80xi32, #tpu.memory_space<vmem>>, vector<1x16xi32>,
        }
        %scan3A_204 = arith.constant 5 : i32
        %dma_start3A_205 = arith.constant 0 : i32
        %dma_start3A_206 = arith.constant 0 : i32
        %dma_start3A_207 = arith.constant 0 : i32
        %dma_start3A_208 = tpu.memref_slice %arg6[%dma_start3A_205, %dma_start3A_207] : memref<1x80xi32, #tpu.memory_space<vmem>> -> memref<1x80xi32, #tpu.memory_space<vmem>>
        %dma_start3A_209 = tpu.memref_squeeze %dma_start3A_208 : memref<1x80xi32, #tpu.memory_space<vmem>> -> memref<80xi32, #tpu.memory_space<vmem>>
        %dma_start3A_210 = arith.constant 0 : i32
        %dma_start3A_211 = tpu.memref_slice %arg4[%dma_start3A_210] : memref<10240xf32, #tpu.memory_space<vmem_shared>> -> memref<10240xf32, #tpu.memory_space<vmem_shared>>
        %dma_start3A_212 = tpu.memref_slice %arg13[%dma_start3A_206] : memref<5x!tpu.dma_semaphore, #tpu.memory_space<semaphore_mem>> -> memref<1x!tpu.dma_semaphore, #tpu.memory_space<semaphore_mem>>
        %dma_start3A_213 = tpu.memref_squeeze %dma_start3A_212 : memref<1x!tpu.dma_semaphore, #tpu.memory_space<semaphore_mem>> -> memref<!tpu.dma_semaphore, #tpu.memory_space<semaphore_mem>>
        tpu.enqueue_indirect_dma source(%arg11 : memref<80xf32, #tpu.memory_space<vmem>>) target(%dma_start3A_211 : memref<10240xf32, #tpu.memory_space<vmem_shared>>) offsets(%dma_start3A_209 : memref<80xi32, #tpu.memory_space<vmem>>) semaphore(%dma_start3A_213 : memref<!tpu.dma_semaphore, #tpu.memory_space<semaphore_mem>>) {add = true}
      } else {
      }
      %mul3A_121 = arith.constant 5 : i32
      %mul3A_122 = arith.muli %scan3A_106, %mul3A_121 : i32
      %add3A_123 = arith.constant 1 : i32
      %add3A_124 = arith.addi %mul3A_122, %add3A_123 : i32
      %dma_wait3A_125 = arith.constant 0 : i32
      %dma_wait3A_126 = arith.constant 1 : i32
      %dma_wait3A_127 = arith.constant 0 : i32
      %dma_wait3A_128 = tpu.memref_slice %arg7[%dma_wait3A_125, %dma_wait3A_127] : memref<1x80xi32, #tpu.memory_space<vmem>> -> memref<1x80xi32, #tpu.memory_space<vmem>>
      %dma_wait3A_129 = tpu.memref_squeeze %dma_wait3A_128 : memref<1x80xi32, #tpu.memory_space<vmem>> -> memref<80xi32, #tpu.memory_space<vmem>>
      %dma_wait3A_130 = arith.constant 0 : i32
      %dma_wait3A_131 = tpu.memref_slice %arg4[%dma_wait3A_130] : memref<10240xf32, #tpu.memory_space<vmem_shared>> -> memref<10240xf32, #tpu.memory_space<vmem_shared>>
      %dma_wait3A_132 = tpu.memref_slice %arg13[%dma_wait3A_126] : memref<5x!tpu.dma_semaphore, #tpu.memory_space<semaphore_mem>> -> memref<1x!tpu.dma_semaphore, #tpu.memory_space<semaphore_mem>>
      %dma_wait3A_133 = tpu.memref_squeeze %dma_wait3A_132 : memref<1x!tpu.dma_semaphore, #tpu.memory_space<semaphore_mem>> -> memref<!tpu.dma_semaphore, #tpu.memory_space<semaphore_mem>>
      tpu.wait_indirect_dma semaphore(%dma_wait3A_133 : memref<!tpu.dma_semaphore, #tpu.memory_space<semaphore_mem>>) src(%arg11 : memref<80xf32, #tpu.memory_space<vmem>>) dst(%dma_wait3A_131 : memref<10240xf32, #tpu.memory_space<vmem_shared>>)
      %lt3A_134 = arith.constant 24 : i32
      %lt3A_135 = arith.cmpi slt, %scan3A_106, %lt3A_134 : i32
      %convert_element_type3A_136 = arith.extui %lt3A_135 : i1 to i32
      %cond3A_137 = arith.constant 0 : i32
      %cond3A_138 = arith.cmpi ne, %convert_element_type3A_136, %cond3A_137 : i32
      scf.if %cond3A_138 {
        %add3A_193 = arith.constant 1 : i32
        %add3A_194 = arith.addi %scan3A_106, %add3A_193 : i32
        %mul3A_195 = arith.constant 5 : i32
        %mul3A_196 = arith.muli %add3A_194, %mul3A_195 : i32
        %add3A_197 = arith.constant 1 : i32
        %add3A_198 = arith.addi %mul3A_196, %add3A_197 : i32
        %scan3A_199 = arith.constant 0 : i32
        %scan3A_200 = arith.constant 0 : i32
        %scan3A_201 = arith.constant 5 : i32
        %scan3A_202 = arith.addi %scan3A_200, %scan3A_201 : i32
        %scan3A_203 = arith.constant 1 : i32
        scf.for %scan3A_214 = %scan3A_200 to %scan3A_202 step %scan3A_203  : i32 {
          %mul3A_215 = arith.constant 80 : i32
          %mul3A_216 = arith.muli %add3A_198, %mul3A_215 : i32
          %mul3A_217 = arith.constant 16 : i32
          %mul3A_218 = arith.muli %scan3A_214, %mul3A_217 : i32
          %add3A_219 = arith.addi %mul3A_216, %mul3A_218 : i32
          %get3A = arith.index_cast %add3A_219 : i32 to index
          %get3A_220 = tpu.vector_load %arg5[%get3A] {strides = array<i32>} : memref<10000xi32, #tpu.memory_space<vmem>>, vector<16xi32>,
          %get3A_221 = vector.shape_cast %get3A_220 : vector<16xi32> to vector<16xi32>
          %mul3A_222 = arith.constant 16 : i32
          %mul3A_223 = arith.muli %scan3A_214, %mul3A_222 : i32
          %swap3A = arith.constant 0 : i32
          %swap3A_224 = arith.index_cast %swap3A : i32 to index
          %swap3A_225 = arith.index_cast %mul3A_223 : i32 to index
          %swap3A_226 = tpu.vector_load %arg7[%swap3A_224, %swap3A_225] {strides = array<i32>} : memref<1x80xi32, #tpu.memory_space<vmem>>, vector<1x16xi32>,
          %swap3A_227 = vector.shape_cast %swap3A_226 : vector<1x16xi32> to vector<16xi32>
          %swap3A_228 = vector.shape_cast %get3A_221 : vector<16xi32> to vector<1x16xi32>
          tpu.vector_store %arg7[%swap3A_224, %swap3A_225], %swap3A_228 {strides = array<i32>} : memref<1x80xi32, #tpu.memory_space<vmem>>, vector<1x16xi32>,
        }
        %scan3A_204 = arith.constant 5 : i32
        %dma_start3A_205 = arith.constant 0 : i32
        %dma_start3A_206 = arith.constant 1 : i32
        %dma_start3A_207 = arith.constant 0 : i32
        %dma_start3A_208 = tpu.memref_slice %arg7[%dma_start3A_205, %dma_start3A_207] : memref<1x80xi32, #tpu.memory_space<vmem>> -> memref<1x80xi32, #tpu.memory_space<vmem>>
        %dma_start3A_209 = tpu.memref_squeeze %dma_start3A_208 : memref<1x80xi32, #tpu.memory_space<vmem>> -> memref<80xi32, #tpu.memory_space<vmem>>
        %dma_start3A_210 = arith.constant 0 : i32
        %dma_start3A_211 = tpu.memref_slice %arg4[%dma_start3A_210] : memref<10240xf32, #tpu.memory_space<vmem_shared>> -> memref<10240xf32, #tpu.memory_space<vmem_shared>>
        %dma_start3A_212 = tpu.memref_slice %arg13[%dma_start3A_206] : memref<5x!tpu.dma_semaphore, #tpu.memory_space<semaphore_mem>> -> memref<1x!tpu.dma_semaphore, #tpu.memory_space<semaphore_mem>>
        %dma_start3A_213 = tpu.memref_squeeze %dma_start3A_212 : memref<1x!tpu.dma_semaphore, #tpu.memory_space<semaphore_mem>> -> memref<!tpu.dma_semaphore, #tpu.memory_space<semaphore_mem>>
        tpu.enqueue_indirect_dma source(%arg11 : memref<80xf32, #tpu.memory_space<vmem>>) target(%dma_start3A_211 : memref<10240xf32, #tpu.memory_space<vmem_shared>>) offsets(%dma_start3A_209 : memref<80xi32, #tpu.memory_space<vmem>>) semaphore(%dma_start3A_213 : memref<!tpu.dma_semaphore, #tpu.memory_space<semaphore_mem>>) {add = true}
      } else {
      }
      %mul3A_139 = arith.constant 5 : i32
      %mul3A_140 = arith.muli %scan3A_106, %mul3A_139 : i32
      %add3A_141 = arith.constant 2 : i32
      %add3A_142 = arith.addi %mul3A_140, %add3A_141 : i32
      %dma_wait3A_143 = arith.constant 0 : i32
      %dma_wait3A_144 = arith.constant 2 : i32
      %dma_wait3A_145 = arith.constant 0 : i32
      %dma_wait3A_146 = tpu.memref_slice %arg8[%dma_wait3A_143, %dma_wait3A_145] : memref<1x80xi32, #tpu.memory_space<vmem>> -> memref<1x80xi32, #tpu.memory_space<vmem>>
      %dma_wait3A_147 = tpu.memref_squeeze %dma_wait3A_146 : memref<1x80xi32, #tpu.memory_space<vmem>> -> memref<80xi32, #tpu.memory_space<vmem>>
      %dma_wait3A_148 = arith.constant 0 : i32
      %dma_wait3A_149 = tpu.memref_slice %arg4[%dma_wait3A_148] : memref<10240xf32, #tpu.memory_space<vmem_shared>> -> memref<10240xf32, #tpu.memory_space<vmem_shared>>
      %dma_wait3A_150 = tpu.memref_slice %arg13[%dma_wait3A_144] : memref<5x!tpu.dma_semaphore, #tpu.memory_space<semaphore_mem>> -> memref<1x!tpu.dma_semaphore, #tpu.memory_space<semaphore_mem>>
      %dma_wait3A_151 = tpu.memref_squeeze %dma_wait3A_150 : memref<1x!tpu.dma_semaphore, #tpu.memory_space<semaphore_mem>> -> memref<!tpu.dma_semaphore, #tpu.memory_space<semaphore_mem>>
      tpu.wait_indirect_dma semaphore(%dma_wait3A_151 : memref<!tpu.dma_semaphore, #tpu.memory_space<semaphore_mem>>) src(%arg11 : memref<80xf32, #tpu.memory_space<vmem>>) dst(%dma_wait3A_149 : memref<10240xf32, #tpu.memory_space<vmem_shared>>)
      %lt3A_152 = arith.constant 24 : i32
      %lt3A_153 = arith.cmpi slt, %scan3A_106, %lt3A_152 : i32
      %convert_element_type3A_154 = arith.extui %lt3A_153 : i1 to i32
      %cond3A_155 = arith.constant 0 : i32
      %cond3A_156 = arith.cmpi ne, %convert_element_type3A_154, %cond3A_155 : i32
      scf.if %cond3A_156 {
        %add3A_193 = arith.constant 1 : i32
        %add3A_194 = arith.addi %scan3A_106, %add3A_193 : i32
        %mul3A_195 = arith.constant 5 : i32
        %mul3A_196 = arith.muli %add3A_194, %mul3A_195 : i32
        %add3A_197 = arith.constant 2 : i32
        %add3A_198 = arith.addi %mul3A_196, %add3A_197 : i32
        %scan3A_199 = arith.constant 0 : i32
        %scan3A_200 = arith.constant 0 : i32
        %scan3A_201 = arith.constant 5 : i32
        %scan3A_202 = arith.addi %scan3A_200, %scan3A_201 : i32
        %scan3A_203 = arith.constant 1 : i32
        scf.for %scan3A_214 = %scan3A_200 to %scan3A_202 step %scan3A_203  : i32 {
          %mul3A_215 = arith.constant 80 : i32
          %mul3A_216 = arith.muli %add3A_198, %mul3A_215 : i32
          %mul3A_217 = arith.constant 16 : i32
          %mul3A_218 = arith.muli %scan3A_214, %mul3A_217 : i32
          %add3A_219 = arith.addi %mul3A_216, %mul3A_218 : i32
          %get3A = arith.index_cast %add3A_219 : i32 to index
          %get3A_220 = tpu.vector_load %arg5[%get3A] {strides = array<i32>} : memref<10000xi32, #tpu.memory_space<vmem>>, vector<16xi32>,
          %get3A_221 = vector.shape_cast %get3A_220 : vector<16xi32> to vector<16xi32>
          %mul3A_222 = arith.constant 16 : i32
          %mul3A_223 = arith.muli %scan3A_214, %mul3A_222 : i32
          %swap3A = arith.constant 0 : i32
          %swap3A_224 = arith.index_cast %swap3A : i32 to index
          %swap3A_225 = arith.index_cast %mul3A_223 : i32 to index
          %swap3A_226 = tpu.vector_load %arg8[%swap3A_224, %swap3A_225] {strides = array<i32>} : memref<1x80xi32, #tpu.memory_space<vmem>>, vector<1x16xi32>,
          %swap3A_227 = vector.shape_cast %swap3A_226 : vector<1x16xi32> to vector<16xi32>
          %swap3A_228 = vector.shape_cast %get3A_221 : vector<16xi32> to vector<1x16xi32>
          tpu.vector_store %arg8[%swap3A_224, %swap3A_225], %swap3A_228 {strides = array<i32>} : memref<1x80xi32, #tpu.memory_space<vmem>>, vector<1x16xi32>,
        }
        %scan3A_204 = arith.constant 5 : i32
        %dma_start3A_205 = arith.constant 0 : i32
        %dma_start3A_206 = arith.constant 2 : i32
        %dma_start3A_207 = arith.constant 0 : i32
        %dma_start3A_208 = tpu.memref_slice %arg8[%dma_start3A_205, %dma_start3A_207] : memref<1x80xi32, #tpu.memory_space<vmem>> -> memref<1x80xi32, #tpu.memory_space<vmem>>
        %dma_start3A_209 = tpu.memref_squeeze %dma_start3A_208 : memref<1x80xi32, #tpu.memory_space<vmem>> -> memref<80xi32, #tpu.memory_space<vmem>>
        %dma_start3A_210 = arith.constant 0 : i32
        %dma_start3A_211 = tpu.memref_slice %arg4[%dma_start3A_210] : memref<10240xf32, #tpu.memory_space<vmem_shared>> -> memref<10240xf32, #tpu.memory_space<vmem_shared>>
        %dma_start3A_212 = tpu.memref_slice %arg13[%dma_start3A_206] : memref<5x!tpu.dma_semaphore, #tpu.memory_space<semaphore_mem>> -> memref<1x!tpu.dma_semaphore, #tpu.memory_space<semaphore_mem>>
        %dma_start3A_213 = tpu.memref_squeeze %dma_start3A_212 : memref<1x!tpu.dma_semaphore, #tpu.memory_space<semaphore_mem>> -> memref<!tpu.dma_semaphore, #tpu.memory_space<semaphore_mem>>
        tpu.enqueue_indirect_dma source(%arg11 : memref<80xf32, #tpu.memory_space<vmem>>) target(%dma_start3A_211 : memref<10240xf32, #tpu.memory_space<vmem_shared>>) offsets(%dma_start3A_209 : memref<80xi32, #tpu.memory_space<vmem>>) semaphore(%dma_start3A_213 : memref<!tpu.dma_semaphore, #tpu.memory_space<semaphore_mem>>) {add = true}
      } else {
      }
      %mul3A_157 = arith.constant 5 : i32
      %mul3A_158 = arith.muli %scan3A_106, %mul3A_157 : i32
      %add3A_159 = arith.constant 3 : i32
      %add3A_160 = arith.addi %mul3A_158, %add3A_159 : i32
      %dma_wait3A_161 = arith.constant 0 : i32
      %dma_wait3A_162 = arith.constant 3 : i32
      %dma_wait3A_163 = arith.constant 0 : i32
      %dma_wait3A_164 = tpu.memref_slice %arg9[%dma_wait3A_161, %dma_wait3A_163] : memref<1x80xi32, #tpu.memory_space<vmem>> -> memref<1x80xi32, #tpu.memory_space<vmem>>
      %dma_wait3A_165 = tpu.memref_squeeze %dma_wait3A_164 : memref<1x80xi32, #tpu.memory_space<vmem>> -> memref<80xi32, #tpu.memory_space<vmem>>
      %dma_wait3A_166 = arith.constant 0 : i32
      %dma_wait3A_167 = tpu.memref_slice %arg4[%dma_wait3A_166] : memref<10240xf32, #tpu.memory_space<vmem_shared>> -> memref<10240xf32, #tpu.memory_space<vmem_shared>>
      %dma_wait3A_168 = tpu.memref_slice %arg13[%dma_wait3A_162] : memref<5x!tpu.dma_semaphore, #tpu.memory_space<semaphore_mem>> -> memref<1x!tpu.dma_semaphore, #tpu.memory_space<semaphore_mem>>
      %dma_wait3A_169 = tpu.memref_squeeze %dma_wait3A_168 : memref<1x!tpu.dma_semaphore, #tpu.memory_space<semaphore_mem>> -> memref<!tpu.dma_semaphore, #tpu.memory_space<semaphore_mem>>
      tpu.wait_indirect_dma semaphore(%dma_wait3A_169 : memref<!tpu.dma_semaphore, #tpu.memory_space<semaphore_mem>>) src(%arg11 : memref<80xf32, #tpu.memory_space<vmem>>) dst(%dma_wait3A_167 : memref<10240xf32, #tpu.memory_space<vmem_shared>>)
      %lt3A_170 = arith.constant 24 : i32
      %lt3A_171 = arith.cmpi slt, %scan3A_106, %lt3A_170 : i32
      %convert_element_type3A_172 = arith.extui %lt3A_171 : i1 to i32
      %cond3A_173 = arith.constant 0 : i32
      %cond3A_174 = arith.cmpi ne, %convert_element_type3A_172, %cond3A_173 : i32
      scf.if %cond3A_174 {
        %add3A_193 = arith.constant 1 : i32
        %add3A_194 = arith.addi %scan3A_106, %add3A_193 : i32
        %mul3A_195 = arith.constant 5 : i32
        %mul3A_196 = arith.muli %add3A_194, %mul3A_195 : i32
        %add3A_197 = arith.constant 3 : i32
        %add3A_198 = arith.addi %mul3A_196, %add3A_197 : i32
        %scan3A_199 = arith.constant 0 : i32
        %scan3A_200 = arith.constant 0 : i32
        %scan3A_201 = arith.constant 5 : i32
        %scan3A_202 = arith.addi %scan3A_200, %scan3A_201 : i32
        %scan3A_203 = arith.constant 1 : i32
        scf.for %scan3A_214 = %scan3A_200 to %scan3A_202 step %scan3A_203  : i32 {
          %mul3A_215 = arith.constant 80 : i32
          %mul3A_216 = arith.muli %add3A_198, %mul3A_215 : i32
          %mul3A_217 = arith.constant 16 : i32
          %mul3A_218 = arith.muli %scan3A_214, %mul3A_217 : i32
          %add3A_219 = arith.addi %mul3A_216, %mul3A_218 : i32
          %get3A = arith.index_cast %add3A_219 : i32 to index
          %get3A_220 = tpu.vector_load %arg5[%get3A] {strides = array<i32>} : memref<10000xi32, #tpu.memory_space<vmem>>, vector<16xi32>,
          %get3A_221 = vector.shape_cast %get3A_220 : vector<16xi32> to vector<16xi32>
          %mul3A_222 = arith.constant 16 : i32
          %mul3A_223 = arith.muli %scan3A_214, %mul3A_222 : i32
          %swap3A = arith.constant 0 : i32
          %swap3A_224 = arith.index_cast %swap3A : i32 to index
          %swap3A_225 = arith.index_cast %mul3A_223 : i32 to index
          %swap3A_226 = tpu.vector_load %arg9[%swap3A_224, %swap3A_225] {strides = array<i32>} : memref<1x80xi32, #tpu.memory_space<vmem>>, vector<1x16xi32>,
          %swap3A_227 = vector.shape_cast %swap3A_226 : vector<1x16xi32> to vector<16xi32>
          %swap3A_228 = vector.shape_cast %get3A_221 : vector<16xi32> to vector<1x16xi32>
          tpu.vector_store %arg9[%swap3A_224, %swap3A_225], %swap3A_228 {strides = array<i32>} : memref<1x80xi32, #tpu.memory_space<vmem>>, vector<1x16xi32>,
        }
        %scan3A_204 = arith.constant 5 : i32
        %dma_start3A_205 = arith.constant 0 : i32
        %dma_start3A_206 = arith.constant 3 : i32
        %dma_start3A_207 = arith.constant 0 : i32
        %dma_start3A_208 = tpu.memref_slice %arg9[%dma_start3A_205, %dma_start3A_207] : memref<1x80xi32, #tpu.memory_space<vmem>> -> memref<1x80xi32, #tpu.memory_space<vmem>>
        %dma_start3A_209 = tpu.memref_squeeze %dma_start3A_208 : memref<1x80xi32, #tpu.memory_space<vmem>> -> memref<80xi32, #tpu.memory_space<vmem>>
        %dma_start3A_210 = arith.constant 0 : i32
        %dma_start3A_211 = tpu.memref_slice %arg4[%dma_start3A_210] : memref<10240xf32, #tpu.memory_space<vmem_shared>> -> memref<10240xf32, #tpu.memory_space<vmem_shared>>
        %dma_start3A_212 = tpu.memref_slice %arg13[%dma_start3A_206] : memref<5x!tpu.dma_semaphore, #tpu.memory_space<semaphore_mem>> -> memref<1x!tpu.dma_semaphore, #tpu.memory_space<semaphore_mem>>
        %dma_start3A_213 = tpu.memref_squeeze %dma_start3A_212 : memref<1x!tpu.dma_semaphore, #tpu.memory_space<semaphore_mem>> -> memref<!tpu.dma_semaphore, #tpu.memory_space<semaphore_mem>>
        tpu.enqueue_indirect_dma source(%arg11 : memref<80xf32, #tpu.memory_space<vmem>>) target(%dma_start3A_211 : memref<10240xf32, #tpu.memory_space<vmem_shared>>) offsets(%dma_start3A_209 : memref<80xi32, #tpu.memory_space<vmem>>) semaphore(%dma_start3A_213 : memref<!tpu.dma_semaphore, #tpu.memory_space<semaphore_mem>>) {add = true}
      } else {
      }
      %mul3A_175 = arith.constant 5 : i32
      %mul3A_176 = arith.muli %scan3A_106, %mul3A_175 : i32
      %add3A_177 = arith.constant 4 : i32
      %add3A_178 = arith.addi %mul3A_176, %add3A_177 : i32
      %dma_wait3A_179 = arith.constant 0 : i32
      %dma_wait3A_180 = arith.constant 4 : i32
      %dma_wait3A_181 = arith.constant 0 : i32
      %dma_wait3A_182 = tpu.memref_slice %arg10[%dma_wait3A_179, %dma_wait3A_181] : memref<1x80xi32, #tpu.memory_space<vmem>> -> memref<1x80xi32, #tpu.memory_space<vmem>>
      %dma_wait3A_183 = tpu.memref_squeeze %dma_wait3A_182 : memref<1x80xi32, #tpu.memory_space<vmem>> -> memref<80xi32, #tpu.memory_space<vmem>>
      %dma_wait3A_184 = arith.constant 0 : i32
      %dma_wait3A_185 = tpu.memref_slice %arg4[%dma_wait3A_184] : memref<10240xf32, #tpu.memory_space<vmem_shared>> -> memref<10240xf32, #tpu.memory_space<vmem_shared>>
      %dma_wait3A_186 = tpu.memref_slice %arg13[%dma_wait3A_180] : memref<5x!tpu.dma_semaphore, #tpu.memory_space<semaphore_mem>> -> memref<1x!tpu.dma_semaphore, #tpu.memory_space<semaphore_mem>>
      %dma_wait3A_187 = tpu.memref_squeeze %dma_wait3A_186 : memref<1x!tpu.dma_semaphore, #tpu.memory_space<semaphore_mem>> -> memref<!tpu.dma_semaphore, #tpu.memory_space<semaphore_mem>>
      tpu.wait_indirect_dma semaphore(%dma_wait3A_187 : memref<!tpu.dma_semaphore, #tpu.memory_space<semaphore_mem>>) src(%arg11 : memref<80xf32, #tpu.memory_space<vmem>>) dst(%dma_wait3A_185 : memref<10240xf32, #tpu.memory_space<vmem_shared>>)
      %lt3A_188 = arith.constant 24 : i32
      %lt3A_189 = arith.cmpi slt, %scan3A_106, %lt3A_188 : i32
      %convert_element_type3A_190 = arith.extui %lt3A_189 : i1 to i32
      %cond3A_191 = arith.constant 0 : i32
      %cond3A_192 = arith.cmpi ne, %convert_element_type3A_190, %cond3A_191 : i32
      scf.if %cond3A_192 {
        %add3A_193 = arith.constant 1 : i32
        %add3A_194 = arith.addi %scan3A_106, %add3A_193 : i32
        %mul3A_195 = arith.constant 5 : i32
        %mul3A_196 = arith.muli %add3A_194, %mul3A_195 : i32
        %add3A_197 = arith.constant 4 : i32
        %add3A_198 = arith.addi %mul3A_196, %add3A_197 : i32
        %scan3A_199 = arith.constant 0 : i32
        %scan3A_200 = arith.constant 0 : i32
        %scan3A_201 = arith.constant 5 : i32
        %scan3A_202 = arith.addi %scan3A_200, %scan3A_201 : i32
        %scan3A_203 = arith.constant 1 : i32
        scf.for %scan3A_214 = %scan3A_200 to %scan3A_202 step %scan3A_203  : i32 {
          %mul3A_215 = arith.constant 80 : i32
          %mul3A_216 = arith.muli %add3A_198, %mul3A_215 : i32
          %mul3A_217 = arith.constant 16 : i32
          %mul3A_218 = arith.muli %scan3A_214, %mul3A_217 : i32
          %add3A_219 = arith.addi %mul3A_216, %mul3A_218 : i32
          %get3A = arith.index_cast %add3A_219 : i32 to index
          %get3A_220 = tpu.vector_load %arg5[%get3A] {strides = array<i32>} : memref<10000xi32, #tpu.memory_space<vmem>>, vector<16xi32>,
          %get3A_221 = vector.shape_cast %get3A_220 : vector<16xi32> to vector<16xi32>
          %mul3A_222 = arith.constant 16 : i32
          %mul3A_223 = arith.muli %scan3A_214, %mul3A_222 : i32
          %swap3A = arith.constant 0 : i32
          %swap3A_224 = arith.index_cast %swap3A : i32 to index
          %swap3A_225 = arith.index_cast %mul3A_223 : i32 to index
          %swap3A_226 = tpu.vector_load %arg10[%swap3A_224, %swap3A_225] {strides = array<i32>} : memref<1x80xi32, #tpu.memory_space<vmem>>, vector<1x16xi32>,
          %swap3A_227 = vector.shape_cast %swap3A_226 : vector<1x16xi32> to vector<16xi32>
          %swap3A_228 = vector.shape_cast %get3A_221 : vector<16xi32> to vector<1x16xi32>
          tpu.vector_store %arg10[%swap3A_224, %swap3A_225], %swap3A_228 {strides = array<i32>} : memref<1x80xi32, #tpu.memory_space<vmem>>, vector<1x16xi32>,
        }
        %scan3A_204 = arith.constant 5 : i32
        %dma_start3A_205 = arith.constant 0 : i32
        %dma_start3A_206 = arith.constant 4 : i32
        %dma_start3A_207 = arith.constant 0 : i32
        %dma_start3A_208 = tpu.memref_slice %arg10[%dma_start3A_205, %dma_start3A_207] : memref<1x80xi32, #tpu.memory_space<vmem>> -> memref<1x80xi32, #tpu.memory_space<vmem>>
        %dma_start3A_209 = tpu.memref_squeeze %dma_start3A_208 : memref<1x80xi32, #tpu.memory_space<vmem>> -> memref<80xi32, #tpu.memory_space<vmem>>
        %dma_start3A_210 = arith.constant 0 : i32
        %dma_start3A_211 = tpu.memref_slice %arg4[%dma_start3A_210] : memref<10240xf32, #tpu.memory_space<vmem_shared>> -> memref<10240xf32, #tpu.memory_space<vmem_shared>>
        %dma_start3A_212 = tpu.memref_slice %arg13[%dma_start3A_206] : memref<5x!tpu.dma_semaphore, #tpu.memory_space<semaphore_mem>> -> memref<1x!tpu.dma_semaphore, #tpu.memory_space<semaphore_mem>>
        %dma_start3A_213 = tpu.memref_squeeze %dma_start3A_212 : memref<1x!tpu.dma_semaphore, #tpu.memory_space<semaphore_mem>> -> memref<!tpu.dma_semaphore, #tpu.memory_space<semaphore_mem>>
        tpu.enqueue_indirect_dma source(%arg11 : memref<80xf32, #tpu.memory_space<vmem>>) target(%dma_start3A_211 : memref<10240xf32, #tpu.memory_space<vmem_shared>>) offsets(%dma_start3A_209 : memref<80xi32, #tpu.memory_space<vmem>>) semaphore(%dma_start3A_213 : memref<!tpu.dma_semaphore, #tpu.memory_space<semaphore_mem>>) {add = true}
      } else {
      }
    }
    %scan3A_97 = arith.constant 25 : i32
    %barrier3A_98 = arith.constant 0 : index
    tpu.barrier barrier_id(%barrier3A_98)
    %mul3A_99 = arith.constant 640 : i32
    %mul3A_100 = arith.muli %arg1, %mul3A_99 : i32
    %mul3A_101 = arith.constant 10240 : i32
    %mul3A_102 = arith.muli %arg0, %mul3A_101 : i32
    %mul3A_103 = arith.constant 640 : i32
    %mul3A_104 = arith.muli %arg1, %mul3A_103 : i32
    %add3A_105 = arith.addi %mul3A_102, %mul3A_104 : i32
    "tpu.region"() ({
      %run_scoped3A = tpu.sem_alloc : memref<!tpu.dma_semaphore, #tpu.memory_space<semaphore_mem>>
      %dma_start3A_106 = tpu.memref_slice %arg3[%add3A_105] : memref<20480xf32, #tpu.memory_space<hbm>> -> memref<640xf32, #tpu.memory_space<hbm>>
      %dma_start3A_107 = tpu.memref_slice %arg4[%mul3A_100] : memref<10240xf32, #tpu.memory_space<vmem_shared>> -> memref<640xf32, #tpu.memory_space<vmem_shared>>
      tpu.enqueue_dma source(%dma_start3A_107 : memref<640xf32, #tpu.memory_space<vmem_shared>>) target(%dma_start3A_106 : memref<640xf32, #tpu.memory_space<hbm>>) target_semaphore(%run_scoped3A : memref<!tpu.dma_semaphore, #tpu.memory_space<semaphore_mem>>)
      %dma_wait3A = tpu.memref_slice %arg3[%add3A_105] : memref<20480xf32, #tpu.memory_space<hbm>> -> memref<640xf32, #tpu.memory_space<hbm>>
      %dma_wait3A_108 = tpu.memref_slice %arg4[%mul3A_100] : memref<10240xf32, #tpu.memory_space<vmem_shared>> -> memref<640xf32, #tpu.memory_space<vmem_shared>>
      tpu.wait_dma2 semaphore(%run_scoped3A : memref<!tpu.dma_semaphore, #tpu.memory_space<semaphore_mem>>) src(%dma_wait3A_108 : memref<640xf32, #tpu.memory_space<vmem_shared>>) dst(%dma_wait3A : memref<640xf32, #tpu.memory_space<hbm>>)
      tpu.yield
    }) : () -> ()
    return
  }
}

#map = affine_map<(d0, d1) -> (0, 0)>
#map1 = affine_map<(d0, d1) -> (0)>
module attributes {stable_mosaic.version = 14 : i64} {
  func.func @_agg_body(%arg0: i32, %arg1: i32, %arg2: memref<10000x128xf32, #tpu.memory_space<hbm>>, %arg3: memref<640000xi32, #tpu.memory_space<hbm>>, %arg4: memref<20480x128xf32, #tpu.memory_space<hbm>>, %arg5: memref<10240x128xf32, #tpu.memory_space<vmem_shared>>, %arg6: memref<10000xi32, #tpu.memory_space<vmem>>, %arg7: memref<1x40xi32, #tpu.memory_space<vmem>>, %arg8: memref<1x40xi32, #tpu.memory_space<vmem>>, %arg9: memref<1x40xi32, #tpu.memory_space<vmem>>, %arg10: memref<1x40xi32, #tpu.memory_space<vmem>>, %arg11: memref<1x40xi32, #tpu.memory_space<vmem>>, %arg12: memref<40x128xf32, #tpu.memory_space<vmem>>, %arg13: memref<40x128xf32, #tpu.memory_space<vmem>>, %arg14: memref<40x128xf32, #tpu.memory_space<vmem>>, %arg15: memref<40x128xf32, #tpu.memory_space<vmem>>, %arg16: memref<40x128xf32, #tpu.memory_space<vmem>>, %arg17: memref<5x!tpu.dma_semaphore, #tpu.memory_space<semaphore_mem>>, %arg18: memref<5x!tpu.dma_semaphore, #tpu.memory_space<semaphore_mem>>, %arg19: memref<5x!tpu.dma_semaphore, #tpu.memory_space<semaphore_mem>>) attributes {dimension_semantics = [#tpu.dimension_semantics<core_parallel>, #tpu.dimension_semantics<subcore_parallel>], iteration_bounds = array<i64: 2, 16>, scalar_prefetch = 0 : i64, scratch_operands = 15 : i64, tpu.core_type = #tpu.core_type<sc_vector_subcore>, window_params = [{transform_indices = #map}, {transform_indices = #map1}, {transform_indices = #map}]} {
    %mul3A = arith.constant 16 : i32
    %mul3A_0 = arith.muli %arg0, %mul3A : i32
    %add3A = arith.addi %mul3A_0, %arg1 : i32
    %mul3A_1 = arith.constant 10000 : i32
    %mul3A_2 = arith.muli %add3A, %mul3A_1 : i32
    %dma_start3A = arith.constant 0 : i32
    %dma_start3A_3 = tpu.memref_slice %arg3[%mul3A_2] : memref<640000xi32, #tpu.memory_space<hbm>> -> memref<10000xi32, #tpu.memory_space<hbm>>
    %dma_start3A_4 = tpu.memref_slice %arg17[%dma_start3A] : memref<5x!tpu.dma_semaphore, #tpu.memory_space<semaphore_mem>> -> memref<1x!tpu.dma_semaphore, #tpu.memory_space<semaphore_mem>>
    %dma_start3A_5 = tpu.memref_squeeze %dma_start3A_4 : memref<1x!tpu.dma_semaphore, #tpu.memory_space<semaphore_mem>> -> memref<!tpu.dma_semaphore, #tpu.memory_space<semaphore_mem>>
    %dma_start3A_6 = tpu.memref_slice %arg3[%mul3A_2] : memref<640000xi32, #tpu.memory_space<hbm>> -> memref<10000xi32, #tpu.memory_space<hbm>>
    tpu.enqueue_dma source(%dma_start3A_6 : memref<10000xi32, #tpu.memory_space<hbm>>) target(%arg6 : memref<10000xi32, #tpu.memory_space<vmem>>) target_semaphore(%dma_start3A_5 : memref<!tpu.dma_semaphore, #tpu.memory_space<semaphore_mem>>)
    %scan3A = arith.constant 0 : i32
    %scan3A_7 = arith.constant 0 : i32
    %scan3A_8 = arith.constant 40 : i32
    %scan3A_9 = arith.addi %scan3A_7, %scan3A_8 : i32
    %scan3A_10 = arith.constant 1 : i32
    scf.for %scan3A_502 = %scan3A_7 to %scan3A_9 step %scan3A_10  : i32 {
      %scan3A_503 = arith.constant 0 : i32
      %scan3A_504 = arith.constant 8 : i32
      %scan3A_505 = arith.addi %scan3A_503, %scan3A_504 : i32
      %scan3A_506 = arith.constant 1 : i32
      scf.for %scan3A_508 = %scan3A_503 to %scan3A_505 step %scan3A_506  : i32 {
        %broadcast_in_dim3A = arith.constant 0.000000e+00 : f32
        %broadcast_in_dim3A_509 = vector.broadcast %broadcast_in_dim3A : f32 to vector<16xf32>
        %mul3A_510 = arith.constant 16 : i32
        %mul3A_511 = arith.muli %scan3A_508, %mul3A_510 : i32
        %swap3A = arith.index_cast %scan3A_502 : i32 to index
        %swap3A_512 = arith.index_cast %mul3A_511 : i32 to index
        %swap3A_513 = tpu.vector_load %arg12[%swap3A, %swap3A_512] {strides = array<i32>} : memref<40x128xf32, #tpu.memory_space<vmem>>, vector<1x16xf32>,
        %swap3A_514 = vector.shape_cast %swap3A_513 : vector<1x16xf32> to vector<16xf32>
        %swap3A_515 = vector.shape_cast %broadcast_in_dim3A_509 : vector<16xf32> to vector<1x16xf32>
        tpu.vector_store %arg12[%swap3A, %swap3A_512], %swap3A_515 {strides = array<i32>} : memref<40x128xf32, #tpu.memory_space<vmem>>, vector<1x16xf32>,
      }
      %scan3A_507 = arith.constant 8 : i32
    }
    %scan3A_11 = arith.constant 40 : i32
    %mul3A_12 = arith.constant 640 : i32
    %mul3A_13 = arith.muli %arg1, %mul3A_12 : i32
    %add3A_14 = arith.constant 0 : i32
    %add3A_15 = arith.addi %mul3A_13, %add3A_14 : i32
    %dma_start3A_16 = arith.constant 0 : i32
    %dma_start3A_17 = arith.constant 0 : i32
    %dma_start3A_18 = tpu.memref_slice %arg5[%add3A_15, %dma_start3A_17] : memref<10240x128xf32, #tpu.memory_space<vmem_shared>> -> memref<40x128xf32, #tpu.memory_space<vmem_shared>>
    %dma_start3A_19 = tpu.memref_slice %arg18[%dma_start3A_16] : memref<5x!tpu.dma_semaphore, #tpu.memory_space<semaphore_mem>> -> memref<1x!tpu.dma_semaphore, #tpu.memory_space<semaphore_mem>>
    %dma_start3A_20 = tpu.memref_squeeze %dma_start3A_19 : memref<1x!tpu.dma_semaphore, #tpu.memory_space<semaphore_mem>> -> memref<!tpu.dma_semaphore, #tpu.memory_space<semaphore_mem>>
    %dma_start3A_21 = arith.constant 0 : i32
    %dma_start3A_22 = tpu.memref_slice %arg5[%add3A_15, %dma_start3A_21] : memref<10240x128xf32, #tpu.memory_space<vmem_shared>> -> memref<40x128xf32, #tpu.memory_space<vmem_shared>>
    tpu.enqueue_dma source(%arg12 : memref<40x128xf32, #tpu.memory_space<vmem>>) target(%dma_start3A_22 : memref<40x128xf32, #tpu.memory_space<vmem_shared>>) target_semaphore(%dma_start3A_20 : memref<!tpu.dma_semaphore, #tpu.memory_space<semaphore_mem>>)
    %mul3A_23 = arith.constant 640 : i32
    %mul3A_24 = arith.muli %arg1, %mul3A_23 : i32
    %add3A_25 = arith.constant 40 : i32
    %add3A_26 = arith.addi %mul3A_24, %add3A_25 : i32
    %dma_start3A_27 = arith.constant 0 : i32
    %dma_start3A_28 = arith.constant 0 : i32
    %dma_start3A_29 = tpu.memref_slice %arg5[%add3A_26, %dma_start3A_28] : memref<10240x128xf32, #tpu.memory_space<vmem_shared>> -> memref<40x128xf32, #tpu.memory_space<vmem_shared>>
    %dma_start3A_30 = tpu.memref_slice %arg18[%dma_start3A_27] : memref<5x!tpu.dma_semaphore, #tpu.memory_space<semaphore_mem>> -> memref<1x!tpu.dma_semaphore, #tpu.memory_space<semaphore_mem>>
    %dma_start3A_31 = tpu.memref_squeeze %dma_start3A_30 : memref<1x!tpu.dma_semaphore, #tpu.memory_space<semaphore_mem>> -> memref<!tpu.dma_semaphore, #tpu.memory_space<semaphore_mem>>
    %dma_start3A_32 = arith.constant 0 : i32
    %dma_start3A_33 = tpu.memref_slice %arg5[%add3A_26, %dma_start3A_32] : memref<10240x128xf32, #tpu.memory_space<vmem_shared>> -> memref<40x128xf32, #tpu.memory_space<vmem_shared>>
    tpu.enqueue_dma source(%arg12 : memref<40x128xf32, #tpu.memory_space<vmem>>) target(%dma_start3A_33 : memref<40x128xf32, #tpu.memory_space<vmem_shared>>) target_semaphore(%dma_start3A_31 : memref<!tpu.dma_semaphore, #tpu.memory_space<semaphore_mem>>)
    %mul3A_34 = arith.constant 640 : i32
    %mul3A_35 = arith.muli %arg1, %mul3A_34 : i32
    %add3A_36 = arith.constant 80 : i32
    %add3A_37 = arith.addi %mul3A_35, %add3A_36 : i32
    %dma_start3A_38 = arith.constant 0 : i32
    %dma_start3A_39 = arith.constant 0 : i32
    %dma_start3A_40 = tpu.memref_slice %arg5[%add3A_37, %dma_start3A_39] : memref<10240x128xf32, #tpu.memory_space<vmem_shared>> -> memref<40x128xf32, #tpu.memory_space<vmem_shared>>
    %dma_start3A_41 = tpu.memref_slice %arg18[%dma_start3A_38] : memref<5x!tpu.dma_semaphore, #tpu.memory_space<semaphore_mem>> -> memref<1x!tpu.dma_semaphore, #tpu.memory_space<semaphore_mem>>
    %dma_start3A_42 = tpu.memref_squeeze %dma_start3A_41 : memref<1x!tpu.dma_semaphore, #tpu.memory_space<semaphore_mem>> -> memref<!tpu.dma_semaphore, #tpu.memory_space<semaphore_mem>>
    %dma_start3A_43 = arith.constant 0 : i32
    %dma_start3A_44 = tpu.memref_slice %arg5[%add3A_37, %dma_start3A_43] : memref<10240x128xf32, #tpu.memory_space<vmem_shared>> -> memref<40x128xf32, #tpu.memory_space<vmem_shared>>
    tpu.enqueue_dma source(%arg12 : memref<40x128xf32, #tpu.memory_space<vmem>>) target(%dma_start3A_44 : memref<40x128xf32, #tpu.memory_space<vmem_shared>>) target_semaphore(%dma_start3A_42 : memref<!tpu.dma_semaphore, #tpu.memory_space<semaphore_mem>>)
    %mul3A_45 = arith.constant 640 : i32
    %mul3A_46 = arith.muli %arg1, %mul3A_45 : i32
    %add3A_47 = arith.constant 120 : i32
    %add3A_48 = arith.addi %mul3A_46, %add3A_47 : i32
    %dma_start3A_49 = arith.constant 0 : i32
    %dma_start3A_50 = arith.constant 0 : i32
    %dma_start3A_51 = tpu.memref_slice %arg5[%add3A_48, %dma_start3A_50] : memref<10240x128xf32, #tpu.memory_space<vmem_shared>> -> memref<40x128xf32, #tpu.memory_space<vmem_shared>>
    %dma_start3A_52 = tpu.memref_slice %arg18[%dma_start3A_49] : memref<5x!tpu.dma_semaphore, #tpu.memory_space<semaphore_mem>> -> memref<1x!tpu.dma_semaphore, #tpu.memory_space<semaphore_mem>>
    %dma_start3A_53 = tpu.memref_squeeze %dma_start3A_52 : memref<1x!tpu.dma_semaphore, #tpu.memory_space<semaphore_mem>> -> memref<!tpu.dma_semaphore, #tpu.memory_space<semaphore_mem>>
    %dma_start3A_54 = arith.constant 0 : i32
    %dma_start3A_55 = tpu.memref_slice %arg5[%add3A_48, %dma_start3A_54] : memref<10240x128xf32, #tpu.memory_space<vmem_shared>> -> memref<40x128xf32, #tpu.memory_space<vmem_shared>>
    tpu.enqueue_dma source(%arg12 : memref<40x128xf32, #tpu.memory_space<vmem>>) target(%dma_start3A_55 : memref<40x128xf32, #tpu.memory_space<vmem_shared>>) target_semaphore(%dma_start3A_53 : memref<!tpu.dma_semaphore, #tpu.memory_space<semaphore_mem>>)
    %mul3A_56 = arith.constant 640 : i32
    %mul3A_57 = arith.muli %arg1, %mul3A_56 : i32
    %add3A_58 = arith.constant 160 : i32
    %add3A_59 = arith.addi %mul3A_57, %add3A_58 : i32
    %dma_start3A_60 = arith.constant 0 : i32
    %dma_start3A_61 = arith.constant 0 : i32
    %dma_start3A_62 = tpu.memref_slice %arg5[%add3A_59, %dma_start3A_61] : memref<10240x128xf32, #tpu.memory_space<vmem_shared>> -> memref<40x128xf32, #tpu.memory_space<vmem_shared>>
    %dma_start3A_63 = tpu.memref_slice %arg18[%dma_start3A_60] : memref<5x!tpu.dma_semaphore, #tpu.memory_space<semaphore_mem>> -> memref<1x!tpu.dma_semaphore, #tpu.memory_space<semaphore_mem>>
    %dma_start3A_64 = tpu.memref_squeeze %dma_start3A_63 : memref<1x!tpu.dma_semaphore, #tpu.memory_space<semaphore_mem>> -> memref<!tpu.dma_semaphore, #tpu.memory_space<semaphore_mem>>
    %dma_start3A_65 = arith.constant 0 : i32
    %dma_start3A_66 = tpu.memref_slice %arg5[%add3A_59, %dma_start3A_65] : memref<10240x128xf32, #tpu.memory_space<vmem_shared>> -> memref<40x128xf32, #tpu.memory_space<vmem_shared>>
    tpu.enqueue_dma source(%arg12 : memref<40x128xf32, #tpu.memory_space<vmem>>) target(%dma_start3A_66 : memref<40x128xf32, #tpu.memory_space<vmem_shared>>) target_semaphore(%dma_start3A_64 : memref<!tpu.dma_semaphore, #tpu.memory_space<semaphore_mem>>)
    %mul3A_67 = arith.constant 640 : i32
    %mul3A_68 = arith.muli %arg1, %mul3A_67 : i32
    %add3A_69 = arith.constant 200 : i32
    %add3A_70 = arith.addi %mul3A_68, %add3A_69 : i32
    %dma_start3A_71 = arith.constant 0 : i32
    %dma_start3A_72 = arith.constant 0 : i32
    %dma_start3A_73 = tpu.memref_slice %arg5[%add3A_70, %dma_start3A_72] : memref<10240x128xf32, #tpu.memory_space<vmem_shared>> -> memref<40x128xf32, #tpu.memory_space<vmem_shared>>
    %dma_start3A_74 = tpu.memref_slice %arg18[%dma_start3A_71] : memref<5x!tpu.dma_semaphore, #tpu.memory_space<semaphore_mem>> -> memref<1x!tpu.dma_semaphore, #tpu.memory_space<semaphore_mem>>
    %dma_start3A_75 = tpu.memref_squeeze %dma_start3A_74 : memref<1x!tpu.dma_semaphore, #tpu.memory_space<semaphore_mem>> -> memref<!tpu.dma_semaphore, #tpu.memory_space<semaphore_mem>>
    %dma_start3A_76 = arith.constant 0 : i32
    %dma_start3A_77 = tpu.memref_slice %arg5[%add3A_70, %dma_start3A_76] : memref<10240x128xf32, #tpu.memory_space<vmem_shared>> -> memref<40x128xf32, #tpu.memory_space<vmem_shared>>
    tpu.enqueue_dma source(%arg12 : memref<40x128xf32, #tpu.memory_space<vmem>>) target(%dma_start3A_77 : memref<40x128xf32, #tpu.memory_space<vmem_shared>>) target_semaphore(%dma_start3A_75 : memref<!tpu.dma_semaphore, #tpu.memory_space<semaphore_mem>>)
    %mul3A_78 = arith.constant 640 : i32
    %mul3A_79 = arith.muli %arg1, %mul3A_78 : i32
    %add3A_80 = arith.constant 240 : i32
    %add3A_81 = arith.addi %mul3A_79, %add3A_80 : i32
    %dma_start3A_82 = arith.constant 0 : i32
    %dma_start3A_83 = arith.constant 0 : i32
    %dma_start3A_84 = tpu.memref_slice %arg5[%add3A_81, %dma_start3A_83] : memref<10240x128xf32, #tpu.memory_space<vmem_shared>> -> memref<40x128xf32, #tpu.memory_space<vmem_shared>>
    %dma_start3A_85 = tpu.memref_slice %arg18[%dma_start3A_82] : memref<5x!tpu.dma_semaphore, #tpu.memory_space<semaphore_mem>> -> memref<1x!tpu.dma_semaphore, #tpu.memory_space<semaphore_mem>>
    %dma_start3A_86 = tpu.memref_squeeze %dma_start3A_85 : memref<1x!tpu.dma_semaphore, #tpu.memory_space<semaphore_mem>> -> memref<!tpu.dma_semaphore, #tpu.memory_space<semaphore_mem>>
    %dma_start3A_87 = arith.constant 0 : i32
    %dma_start3A_88 = tpu.memref_slice %arg5[%add3A_81, %dma_start3A_87] : memref<10240x128xf32, #tpu.memory_space<vmem_shared>> -> memref<40x128xf32, #tpu.memory_space<vmem_shared>>
    tpu.enqueue_dma source(%arg12 : memref<40x128xf32, #tpu.memory_space<vmem>>) target(%dma_start3A_88 : memref<40x128xf32, #tpu.memory_space<vmem_shared>>) target_semaphore(%dma_start3A_86 : memref<!tpu.dma_semaphore, #tpu.memory_space<semaphore_mem>>)
    %mul3A_89 = arith.constant 640 : i32
    %mul3A_90 = arith.muli %arg1, %mul3A_89 : i32
    %add3A_91 = arith.constant 280 : i32
    %add3A_92 = arith.addi %mul3A_90, %add3A_91 : i32
    %dma_start3A_93 = arith.constant 0 : i32
    %dma_start3A_94 = arith.constant 0 : i32
    %dma_start3A_95 = tpu.memref_slice %arg5[%add3A_92, %dma_start3A_94] : memref<10240x128xf32, #tpu.memory_space<vmem_shared>> -> memref<40x128xf32, #tpu.memory_space<vmem_shared>>
    %dma_start3A_96 = tpu.memref_slice %arg18[%dma_start3A_93] : memref<5x!tpu.dma_semaphore, #tpu.memory_space<semaphore_mem>> -> memref<1x!tpu.dma_semaphore, #tpu.memory_space<semaphore_mem>>
    %dma_start3A_97 = tpu.memref_squeeze %dma_start3A_96 : memref<1x!tpu.dma_semaphore, #tpu.memory_space<semaphore_mem>> -> memref<!tpu.dma_semaphore, #tpu.memory_space<semaphore_mem>>
    %dma_start3A_98 = arith.constant 0 : i32
    %dma_start3A_99 = tpu.memref_slice %arg5[%add3A_92, %dma_start3A_98] : memref<10240x128xf32, #tpu.memory_space<vmem_shared>> -> memref<40x128xf32, #tpu.memory_space<vmem_shared>>
    tpu.enqueue_dma source(%arg12 : memref<40x128xf32, #tpu.memory_space<vmem>>) target(%dma_start3A_99 : memref<40x128xf32, #tpu.memory_space<vmem_shared>>) target_semaphore(%dma_start3A_97 : memref<!tpu.dma_semaphore, #tpu.memory_space<semaphore_mem>>)
    %mul3A_100 = arith.constant 640 : i32
    %mul3A_101 = arith.muli %arg1, %mul3A_100 : i32
    %add3A_102 = arith.constant 320 : i32
    %add3A_103 = arith.addi %mul3A_101, %add3A_102 : i32
    %dma_start3A_104 = arith.constant 0 : i32
    %dma_start3A_105 = arith.constant 0 : i32
    %dma_start3A_106 = tpu.memref_slice %arg5[%add3A_103, %dma_start3A_105] : memref<10240x128xf32, #tpu.memory_space<vmem_shared>> -> memref<40x128xf32, #tpu.memory_space<vmem_shared>>
    %dma_start3A_107 = tpu.memref_slice %arg18[%dma_start3A_104] : memref<5x!tpu.dma_semaphore, #tpu.memory_space<semaphore_mem>> -> memref<1x!tpu.dma_semaphore, #tpu.memory_space<semaphore_mem>>
    %dma_start3A_108 = tpu.memref_squeeze %dma_start3A_107 : memref<1x!tpu.dma_semaphore, #tpu.memory_space<semaphore_mem>> -> memref<!tpu.dma_semaphore, #tpu.memory_space<semaphore_mem>>
    %dma_start3A_109 = arith.constant 0 : i32
    %dma_start3A_110 = tpu.memref_slice %arg5[%add3A_103, %dma_start3A_109] : memref<10240x128xf32, #tpu.memory_space<vmem_shared>> -> memref<40x128xf32, #tpu.memory_space<vmem_shared>>
    tpu.enqueue_dma source(%arg12 : memref<40x128xf32, #tpu.memory_space<vmem>>) target(%dma_start3A_110 : memref<40x128xf32, #tpu.memory_space<vmem_shared>>) target_semaphore(%dma_start3A_108 : memref<!tpu.dma_semaphore, #tpu.memory_space<semaphore_mem>>)
    %mul3A_111 = arith.constant 640 : i32
    %mul3A_112 = arith.muli %arg1, %mul3A_111 : i32
    %add3A_113 = arith.constant 360 : i32
    %add3A_114 = arith.addi %mul3A_112, %add3A_113 : i32
    %dma_start3A_115 = arith.constant 0 : i32
    %dma_start3A_116 = arith.constant 0 : i32
    %dma_start3A_117 = tpu.memref_slice %arg5[%add3A_114, %dma_start3A_116] : memref<10240x128xf32, #tpu.memory_space<vmem_shared>> -> memref<40x128xf32, #tpu.memory_space<vmem_shared>>
    %dma_start3A_118 = tpu.memref_slice %arg18[%dma_start3A_115] : memref<5x!tpu.dma_semaphore, #tpu.memory_space<semaphore_mem>> -> memref<1x!tpu.dma_semaphore, #tpu.memory_space<semaphore_mem>>
    %dma_start3A_119 = tpu.memref_squeeze %dma_start3A_118 : memref<1x!tpu.dma_semaphore, #tpu.memory_space<semaphore_mem>> -> memref<!tpu.dma_semaphore, #tpu.memory_space<semaphore_mem>>
    %dma_start3A_120 = arith.constant 0 : i32
    %dma_start3A_121 = tpu.memref_slice %arg5[%add3A_114, %dma_start3A_120] : memref<10240x128xf32, #tpu.memory_space<vmem_shared>> -> memref<40x128xf32, #tpu.memory_space<vmem_shared>>
    tpu.enqueue_dma source(%arg12 : memref<40x128xf32, #tpu.memory_space<vmem>>) target(%dma_start3A_121 : memref<40x128xf32, #tpu.memory_space<vmem_shared>>) target_semaphore(%dma_start3A_119 : memref<!tpu.dma_semaphore, #tpu.memory_space<semaphore_mem>>)
    %mul3A_122 = arith.constant 640 : i32
    %mul3A_123 = arith.muli %arg1, %mul3A_122 : i32
    %add3A_124 = arith.constant 400 : i32
    %add3A_125 = arith.addi %mul3A_123, %add3A_124 : i32
    %dma_start3A_126 = arith.constant 0 : i32
    %dma_start3A_127 = arith.constant 0 : i32
    %dma_start3A_128 = tpu.memref_slice %arg5[%add3A_125, %dma_start3A_127] : memref<10240x128xf32, #tpu.memory_space<vmem_shared>> -> memref<40x128xf32, #tpu.memory_space<vmem_shared>>
    %dma_start3A_129 = tpu.memref_slice %arg18[%dma_start3A_126] : memref<5x!tpu.dma_semaphore, #tpu.memory_space<semaphore_mem>> -> memref<1x!tpu.dma_semaphore, #tpu.memory_space<semaphore_mem>>
    %dma_start3A_130 = tpu.memref_squeeze %dma_start3A_129 : memref<1x!tpu.dma_semaphore, #tpu.memory_space<semaphore_mem>> -> memref<!tpu.dma_semaphore, #tpu.memory_space<semaphore_mem>>
    %dma_start3A_131 = arith.constant 0 : i32
    %dma_start3A_132 = tpu.memref_slice %arg5[%add3A_125, %dma_start3A_131] : memref<10240x128xf32, #tpu.memory_space<vmem_shared>> -> memref<40x128xf32, #tpu.memory_space<vmem_shared>>
    tpu.enqueue_dma source(%arg12 : memref<40x128xf32, #tpu.memory_space<vmem>>) target(%dma_start3A_132 : memref<40x128xf32, #tpu.memory_space<vmem_shared>>) target_semaphore(%dma_start3A_130 : memref<!tpu.dma_semaphore, #tpu.memory_space<semaphore_mem>>)
    %mul3A_133 = arith.constant 640 : i32
    %mul3A_134 = arith.muli %arg1, %mul3A_133 : i32
    %add3A_135 = arith.constant 440 : i32
    %add3A_136 = arith.addi %mul3A_134, %add3A_135 : i32
    %dma_start3A_137 = arith.constant 0 : i32
    %dma_start3A_138 = arith.constant 0 : i32
    %dma_start3A_139 = tpu.memref_slice %arg5[%add3A_136, %dma_start3A_138] : memref<10240x128xf32, #tpu.memory_space<vmem_shared>> -> memref<40x128xf32, #tpu.memory_space<vmem_shared>>
    %dma_start3A_140 = tpu.memref_slice %arg18[%dma_start3A_137] : memref<5x!tpu.dma_semaphore, #tpu.memory_space<semaphore_mem>> -> memref<1x!tpu.dma_semaphore, #tpu.memory_space<semaphore_mem>>
    %dma_start3A_141 = tpu.memref_squeeze %dma_start3A_140 : memref<1x!tpu.dma_semaphore, #tpu.memory_space<semaphore_mem>> -> memref<!tpu.dma_semaphore, #tpu.memory_space<semaphore_mem>>
    %dma_start3A_142 = arith.constant 0 : i32
    %dma_start3A_143 = tpu.memref_slice %arg5[%add3A_136, %dma_start3A_142] : memref<10240x128xf32, #tpu.memory_space<vmem_shared>> -> memref<40x128xf32, #tpu.memory_space<vmem_shared>>
    tpu.enqueue_dma source(%arg12 : memref<40x128xf32, #tpu.memory_space<vmem>>) target(%dma_start3A_143 : memref<40x128xf32, #tpu.memory_space<vmem_shared>>) target_semaphore(%dma_start3A_141 : memref<!tpu.dma_semaphore, #tpu.memory_space<semaphore_mem>>)
    %mul3A_144 = arith.constant 640 : i32
    %mul3A_145 = arith.muli %arg1, %mul3A_144 : i32
    %add3A_146 = arith.constant 480 : i32
    %add3A_147 = arith.addi %mul3A_145, %add3A_146 : i32
    %dma_start3A_148 = arith.constant 0 : i32
    %dma_start3A_149 = arith.constant 0 : i32
    %dma_start3A_150 = tpu.memref_slice %arg5[%add3A_147, %dma_start3A_149] : memref<10240x128xf32, #tpu.memory_space<vmem_shared>> -> memref<40x128xf32, #tpu.memory_space<vmem_shared>>
    %dma_start3A_151 = tpu.memref_slice %arg18[%dma_start3A_148] : memref<5x!tpu.dma_semaphore, #tpu.memory_space<semaphore_mem>> -> memref<1x!tpu.dma_semaphore, #tpu.memory_space<semaphore_mem>>
    %dma_start3A_152 = tpu.memref_squeeze %dma_start3A_151 : memref<1x!tpu.dma_semaphore, #tpu.memory_space<semaphore_mem>> -> memref<!tpu.dma_semaphore, #tpu.memory_space<semaphore_mem>>
    %dma_start3A_153 = arith.constant 0 : i32
    %dma_start3A_154 = tpu.memref_slice %arg5[%add3A_147, %dma_start3A_153] : memref<10240x128xf32, #tpu.memory_space<vmem_shared>> -> memref<40x128xf32, #tpu.memory_space<vmem_shared>>
    tpu.enqueue_dma source(%arg12 : memref<40x128xf32, #tpu.memory_space<vmem>>) target(%dma_start3A_154 : memref<40x128xf32, #tpu.memory_space<vmem_shared>>) target_semaphore(%dma_start3A_152 : memref<!tpu.dma_semaphore, #tpu.memory_space<semaphore_mem>>)
    %mul3A_155 = arith.constant 640 : i32
    %mul3A_156 = arith.muli %arg1, %mul3A_155 : i32
    %add3A_157 = arith.constant 520 : i32
    %add3A_158 = arith.addi %mul3A_156, %add3A_157 : i32
    %dma_start3A_159 = arith.constant 0 : i32
    %dma_start3A_160 = arith.constant 0 : i32
    %dma_start3A_161 = tpu.memref_slice %arg5[%add3A_158, %dma_start3A_160] : memref<10240x128xf32, #tpu.memory_space<vmem_shared>> -> memref<40x128xf32, #tpu.memory_space<vmem_shared>>
    %dma_start3A_162 = tpu.memref_slice %arg18[%dma_start3A_159] : memref<5x!tpu.dma_semaphore, #tpu.memory_space<semaphore_mem>> -> memref<1x!tpu.dma_semaphore, #tpu.memory_space<semaphore_mem>>
    %dma_start3A_163 = tpu.memref_squeeze %dma_start3A_162 : memref<1x!tpu.dma_semaphore, #tpu.memory_space<semaphore_mem>> -> memref<!tpu.dma_semaphore, #tpu.memory_space<semaphore_mem>>
    %dma_start3A_164 = arith.constant 0 : i32
    %dma_start3A_165 = tpu.memref_slice %arg5[%add3A_158, %dma_start3A_164] : memref<10240x128xf32, #tpu.memory_space<vmem_shared>> -> memref<40x128xf32, #tpu.memory_space<vmem_shared>>
    tpu.enqueue_dma source(%arg12 : memref<40x128xf32, #tpu.memory_space<vmem>>) target(%dma_start3A_165 : memref<40x128xf32, #tpu.memory_space<vmem_shared>>) target_semaphore(%dma_start3A_163 : memref<!tpu.dma_semaphore, #tpu.memory_space<semaphore_mem>>)
    %mul3A_166 = arith.constant 640 : i32
    %mul3A_167 = arith.muli %arg1, %mul3A_166 : i32
    %add3A_168 = arith.constant 560 : i32
    %add3A_169 = arith.addi %mul3A_167, %add3A_168 : i32
    %dma_start3A_170 = arith.constant 0 : i32
    %dma_start3A_171 = arith.constant 0 : i32
    %dma_start3A_172 = tpu.memref_slice %arg5[%add3A_169, %dma_start3A_171] : memref<10240x128xf32, #tpu.memory_space<vmem_shared>> -> memref<40x128xf32, #tpu.memory_space<vmem_shared>>
    %dma_start3A_173 = tpu.memref_slice %arg18[%dma_start3A_170] : memref<5x!tpu.dma_semaphore, #tpu.memory_space<semaphore_mem>> -> memref<1x!tpu.dma_semaphore, #tpu.memory_space<semaphore_mem>>
    %dma_start3A_174 = tpu.memref_squeeze %dma_start3A_173 : memref<1x!tpu.dma_semaphore, #tpu.memory_space<semaphore_mem>> -> memref<!tpu.dma_semaphore, #tpu.memory_space<semaphore_mem>>
    %dma_start3A_175 = arith.constant 0 : i32
    %dma_start3A_176 = tpu.memref_slice %arg5[%add3A_169, %dma_start3A_175] : memref<10240x128xf32, #tpu.memory_space<vmem_shared>> -> memref<40x128xf32, #tpu.memory_space<vmem_shared>>
    tpu.enqueue_dma source(%arg12 : memref<40x128xf32, #tpu.memory_space<vmem>>) target(%dma_start3A_176 : memref<40x128xf32, #tpu.memory_space<vmem_shared>>) target_semaphore(%dma_start3A_174 : memref<!tpu.dma_semaphore, #tpu.memory_space<semaphore_mem>>)
    %mul3A_177 = arith.constant 640 : i32
    %mul3A_178 = arith.muli %arg1, %mul3A_177 : i32
    %add3A_179 = arith.constant 600 : i32
    %add3A_180 = arith.addi %mul3A_178, %add3A_179 : i32
    %dma_start3A_181 = arith.constant 0 : i32
    %dma_start3A_182 = arith.constant 0 : i32
    %dma_start3A_183 = tpu.memref_slice %arg5[%add3A_180, %dma_start3A_182] : memref<10240x128xf32, #tpu.memory_space<vmem_shared>> -> memref<40x128xf32, #tpu.memory_space<vmem_shared>>
    %dma_start3A_184 = tpu.memref_slice %arg18[%dma_start3A_181] : memref<5x!tpu.dma_semaphore, #tpu.memory_space<semaphore_mem>> -> memref<1x!tpu.dma_semaphore, #tpu.memory_space<semaphore_mem>>
    %dma_start3A_185 = tpu.memref_squeeze %dma_start3A_184 : memref<1x!tpu.dma_semaphore, #tpu.memory_space<semaphore_mem>> -> memref<!tpu.dma_semaphore, #tpu.memory_space<semaphore_mem>>
    %dma_start3A_186 = arith.constant 0 : i32
    %dma_start3A_187 = tpu.memref_slice %arg5[%add3A_180, %dma_start3A_186] : memref<10240x128xf32, #tpu.memory_space<vmem_shared>> -> memref<40x128xf32, #tpu.memory_space<vmem_shared>>
    tpu.enqueue_dma source(%arg12 : memref<40x128xf32, #tpu.memory_space<vmem>>) target(%dma_start3A_187 : memref<40x128xf32, #tpu.memory_space<vmem_shared>>) target_semaphore(%dma_start3A_185 : memref<!tpu.dma_semaphore, #tpu.memory_space<semaphore_mem>>)
    %mul3A_188 = arith.constant 640 : i32
    %mul3A_189 = arith.muli %arg1, %mul3A_188 : i32
    %add3A_190 = arith.constant 0 : i32
    %add3A_191 = arith.addi %mul3A_189, %add3A_190 : i32
    %dma_wait3A = arith.constant 0 : i32
    %dma_wait3A_192 = arith.constant 0 : i32
    %dma_wait3A_193 = tpu.memref_slice %arg5[%add3A_191, %dma_wait3A_192] : memref<10240x128xf32, #tpu.memory_space<vmem_shared>> -> memref<40x128xf32, #tpu.memory_space<vmem_shared>>
    %dma_wait3A_194 = tpu.memref_slice %arg18[%dma_wait3A] : memref<5x!tpu.dma_semaphore, #tpu.memory_space<semaphore_mem>> -> memref<1x!tpu.dma_semaphore, #tpu.memory_space<semaphore_mem>>
    %dma_wait3A_195 = tpu.memref_squeeze %dma_wait3A_194 : memref<1x!tpu.dma_semaphore, #tpu.memory_space<semaphore_mem>> -> memref<!tpu.dma_semaphore, #tpu.memory_space<semaphore_mem>>
    %dma_wait3A_196 = arith.constant 0 : i32
    %dma_wait3A_197 = tpu.memref_slice %arg5[%add3A_191, %dma_wait3A_196] : memref<10240x128xf32, #tpu.memory_space<vmem_shared>> -> memref<40x128xf32, #tpu.memory_space<vmem_shared>>
    tpu.wait_dma2 semaphore(%dma_wait3A_195 : memref<!tpu.dma_semaphore, #tpu.memory_space<semaphore_mem>>) src(%arg12 : memref<40x128xf32, #tpu.memory_space<vmem>>) dst(%dma_wait3A_197 : memref<40x128xf32, #tpu.memory_space<vmem_shared>>)
    %mul3A_198 = arith.constant 640 : i32
    %mul3A_199 = arith.muli %arg1, %mul3A_198 : i32
    %add3A_200 = arith.constant 40 : i32
    %add3A_201 = arith.addi %mul3A_199, %add3A_200 : i32
    %dma_wait3A_202 = arith.constant 0 : i32
    %dma_wait3A_203 = arith.constant 0 : i32
    %dma_wait3A_204 = tpu.memref_slice %arg5[%add3A_201, %dma_wait3A_203] : memref<10240x128xf32, #tpu.memory_space<vmem_shared>> -> memref<40x128xf32, #tpu.memory_space<vmem_shared>>
    %dma_wait3A_205 = tpu.memref_slice %arg18[%dma_wait3A_202] : memref<5x!tpu.dma_semaphore, #tpu.memory_space<semaphore_mem>> -> memref<1x!tpu.dma_semaphore, #tpu.memory_space<semaphore_mem>>
    %dma_wait3A_206 = tpu.memref_squeeze %dma_wait3A_205 : memref<1x!tpu.dma_semaphore, #tpu.memory_space<semaphore_mem>> -> memref<!tpu.dma_semaphore, #tpu.memory_space<semaphore_mem>>
    %dma_wait3A_207 = arith.constant 0 : i32
    %dma_wait3A_208 = tpu.memref_slice %arg5[%add3A_201, %dma_wait3A_207] : memref<10240x128xf32, #tpu.memory_space<vmem_shared>> -> memref<40x128xf32, #tpu.memory_space<vmem_shared>>
    tpu.wait_dma2 semaphore(%dma_wait3A_206 : memref<!tpu.dma_semaphore, #tpu.memory_space<semaphore_mem>>) src(%arg12 : memref<40x128xf32, #tpu.memory_space<vmem>>) dst(%dma_wait3A_208 : memref<40x128xf32, #tpu.memory_space<vmem_shared>>)
    %mul3A_209 = arith.constant 640 : i32
    %mul3A_210 = arith.muli %arg1, %mul3A_209 : i32
    %add3A_211 = arith.constant 80 : i32
    %add3A_212 = arith.addi %mul3A_210, %add3A_211 : i32
    %dma_wait3A_213 = arith.constant 0 : i32
    %dma_wait3A_214 = arith.constant 0 : i32
    %dma_wait3A_215 = tpu.memref_slice %arg5[%add3A_212, %dma_wait3A_214] : memref<10240x128xf32, #tpu.memory_space<vmem_shared>> -> memref<40x128xf32, #tpu.memory_space<vmem_shared>>
    %dma_wait3A_216 = tpu.memref_slice %arg18[%dma_wait3A_213] : memref<5x!tpu.dma_semaphore, #tpu.memory_space<semaphore_mem>> -> memref<1x!tpu.dma_semaphore, #tpu.memory_space<semaphore_mem>>
    %dma_wait3A_217 = tpu.memref_squeeze %dma_wait3A_216 : memref<1x!tpu.dma_semaphore, #tpu.memory_space<semaphore_mem>> -> memref<!tpu.dma_semaphore, #tpu.memory_space<semaphore_mem>>
    %dma_wait3A_218 = arith.constant 0 : i32
    %dma_wait3A_219 = tpu.memref_slice %arg5[%add3A_212, %dma_wait3A_218] : memref<10240x128xf32, #tpu.memory_space<vmem_shared>> -> memref<40x128xf32, #tpu.memory_space<vmem_shared>>
    tpu.wait_dma2 semaphore(%dma_wait3A_217 : memref<!tpu.dma_semaphore, #tpu.memory_space<semaphore_mem>>) src(%arg12 : memref<40x128xf32, #tpu.memory_space<vmem>>) dst(%dma_wait3A_219 : memref<40x128xf32, #tpu.memory_space<vmem_shared>>)
    %mul3A_220 = arith.constant 640 : i32
    %mul3A_221 = arith.muli %arg1, %mul3A_220 : i32
    %add3A_222 = arith.constant 120 : i32
    %add3A_223 = arith.addi %mul3A_221, %add3A_222 : i32
    %dma_wait3A_224 = arith.constant 0 : i32
    %dma_wait3A_225 = arith.constant 0 : i32
    %dma_wait3A_226 = tpu.memref_slice %arg5[%add3A_223, %dma_wait3A_225] : memref<10240x128xf32, #tpu.memory_space<vmem_shared>> -> memref<40x128xf32, #tpu.memory_space<vmem_shared>>
    %dma_wait3A_227 = tpu.memref_slice %arg18[%dma_wait3A_224] : memref<5x!tpu.dma_semaphore, #tpu.memory_space<semaphore_mem>> -> memref<1x!tpu.dma_semaphore, #tpu.memory_space<semaphore_mem>>
    %dma_wait3A_228 = tpu.memref_squeeze %dma_wait3A_227 : memref<1x!tpu.dma_semaphore, #tpu.memory_space<semaphore_mem>> -> memref<!tpu.dma_semaphore, #tpu.memory_space<semaphore_mem>>
    %dma_wait3A_229 = arith.constant 0 : i32
    %dma_wait3A_230 = tpu.memref_slice %arg5[%add3A_223, %dma_wait3A_229] : memref<10240x128xf32, #tpu.memory_space<vmem_shared>> -> memref<40x128xf32, #tpu.memory_space<vmem_shared>>
    tpu.wait_dma2 semaphore(%dma_wait3A_228 : memref<!tpu.dma_semaphore, #tpu.memory_space<semaphore_mem>>) src(%arg12 : memref<40x128xf32, #tpu.memory_space<vmem>>) dst(%dma_wait3A_230 : memref<40x128xf32, #tpu.memory_space<vmem_shared>>)
    %mul3A_231 = arith.constant 640 : i32
    %mul3A_232 = arith.muli %arg1, %mul3A_231 : i32
    %add3A_233 = arith.constant 160 : i32
    %add3A_234 = arith.addi %mul3A_232, %add3A_233 : i32
    %dma_wait3A_235 = arith.constant 0 : i32
    %dma_wait3A_236 = arith.constant 0 : i32
    %dma_wait3A_237 = tpu.memref_slice %arg5[%add3A_234, %dma_wait3A_236] : memref<10240x128xf32, #tpu.memory_space<vmem_shared>> -> memref<40x128xf32, #tpu.memory_space<vmem_shared>>
    %dma_wait3A_238 = tpu.memref_slice %arg18[%dma_wait3A_235] : memref<5x!tpu.dma_semaphore, #tpu.memory_space<semaphore_mem>> -> memref<1x!tpu.dma_semaphore, #tpu.memory_space<semaphore_mem>>
    %dma_wait3A_239 = tpu.memref_squeeze %dma_wait3A_238 : memref<1x!tpu.dma_semaphore, #tpu.memory_space<semaphore_mem>> -> memref<!tpu.dma_semaphore, #tpu.memory_space<semaphore_mem>>
    %dma_wait3A_240 = arith.constant 0 : i32
    %dma_wait3A_241 = tpu.memref_slice %arg5[%add3A_234, %dma_wait3A_240] : memref<10240x128xf32, #tpu.memory_space<vmem_shared>> -> memref<40x128xf32, #tpu.memory_space<vmem_shared>>
    tpu.wait_dma2 semaphore(%dma_wait3A_239 : memref<!tpu.dma_semaphore, #tpu.memory_space<semaphore_mem>>) src(%arg12 : memref<40x128xf32, #tpu.memory_space<vmem>>) dst(%dma_wait3A_241 : memref<40x128xf32, #tpu.memory_space<vmem_shared>>)
    %mul3A_242 = arith.constant 640 : i32
    %mul3A_243 = arith.muli %arg1, %mul3A_242 : i32
    %add3A_244 = arith.constant 200 : i32
    %add3A_245 = arith.addi %mul3A_243, %add3A_244 : i32
    %dma_wait3A_246 = arith.constant 0 : i32
    %dma_wait3A_247 = arith.constant 0 : i32
    %dma_wait3A_248 = tpu.memref_slice %arg5[%add3A_245, %dma_wait3A_247] : memref<10240x128xf32, #tpu.memory_space<vmem_shared>> -> memref<40x128xf32, #tpu.memory_space<vmem_shared>>
    %dma_wait3A_249 = tpu.memref_slice %arg18[%dma_wait3A_246] : memref<5x!tpu.dma_semaphore, #tpu.memory_space<semaphore_mem>> -> memref<1x!tpu.dma_semaphore, #tpu.memory_space<semaphore_mem>>
    %dma_wait3A_250 = tpu.memref_squeeze %dma_wait3A_249 : memref<1x!tpu.dma_semaphore, #tpu.memory_space<semaphore_mem>> -> memref<!tpu.dma_semaphore, #tpu.memory_space<semaphore_mem>>
    %dma_wait3A_251 = arith.constant 0 : i32
    %dma_wait3A_252 = tpu.memref_slice %arg5[%add3A_245, %dma_wait3A_251] : memref<10240x128xf32, #tpu.memory_space<vmem_shared>> -> memref<40x128xf32, #tpu.memory_space<vmem_shared>>
    tpu.wait_dma2 semaphore(%dma_wait3A_250 : memref<!tpu.dma_semaphore, #tpu.memory_space<semaphore_mem>>) src(%arg12 : memref<40x128xf32, #tpu.memory_space<vmem>>) dst(%dma_wait3A_252 : memref<40x128xf32, #tpu.memory_space<vmem_shared>>)
    %mul3A_253 = arith.constant 640 : i32
    %mul3A_254 = arith.muli %arg1, %mul3A_253 : i32
    %add3A_255 = arith.constant 240 : i32
    %add3A_256 = arith.addi %mul3A_254, %add3A_255 : i32
    %dma_wait3A_257 = arith.constant 0 : i32
    %dma_wait3A_258 = arith.constant 0 : i32
    %dma_wait3A_259 = tpu.memref_slice %arg5[%add3A_256, %dma_wait3A_258] : memref<10240x128xf32, #tpu.memory_space<vmem_shared>> -> memref<40x128xf32, #tpu.memory_space<vmem_shared>>
    %dma_wait3A_260 = tpu.memref_slice %arg18[%dma_wait3A_257] : memref<5x!tpu.dma_semaphore, #tpu.memory_space<semaphore_mem>> -> memref<1x!tpu.dma_semaphore, #tpu.memory_space<semaphore_mem>>
    %dma_wait3A_261 = tpu.memref_squeeze %dma_wait3A_260 : memref<1x!tpu.dma_semaphore, #tpu.memory_space<semaphore_mem>> -> memref<!tpu.dma_semaphore, #tpu.memory_space<semaphore_mem>>
    %dma_wait3A_262 = arith.constant 0 : i32
    %dma_wait3A_263 = tpu.memref_slice %arg5[%add3A_256, %dma_wait3A_262] : memref<10240x128xf32, #tpu.memory_space<vmem_shared>> -> memref<40x128xf32, #tpu.memory_space<vmem_shared>>
    tpu.wait_dma2 semaphore(%dma_wait3A_261 : memref<!tpu.dma_semaphore, #tpu.memory_space<semaphore_mem>>) src(%arg12 : memref<40x128xf32, #tpu.memory_space<vmem>>) dst(%dma_wait3A_263 : memref<40x128xf32, #tpu.memory_space<vmem_shared>>)
    %mul3A_264 = arith.constant 640 : i32
    %mul3A_265 = arith.muli %arg1, %mul3A_264 : i32
    %add3A_266 = arith.constant 280 : i32
    %add3A_267 = arith.addi %mul3A_265, %add3A_266 : i32
    %dma_wait3A_268 = arith.constant 0 : i32
    %dma_wait3A_269 = arith.constant 0 : i32
    %dma_wait3A_270 = tpu.memref_slice %arg5[%add3A_267, %dma_wait3A_269] : memref<10240x128xf32, #tpu.memory_space<vmem_shared>> -> memref<40x128xf32, #tpu.memory_space<vmem_shared>>
    %dma_wait3A_271 = tpu.memref_slice %arg18[%dma_wait3A_268] : memref<5x!tpu.dma_semaphore, #tpu.memory_space<semaphore_mem>> -> memref<1x!tpu.dma_semaphore, #tpu.memory_space<semaphore_mem>>
    %dma_wait3A_272 = tpu.memref_squeeze %dma_wait3A_271 : memref<1x!tpu.dma_semaphore, #tpu.memory_space<semaphore_mem>> -> memref<!tpu.dma_semaphore, #tpu.memory_space<semaphore_mem>>
    %dma_wait3A_273 = arith.constant 0 : i32
    %dma_wait3A_274 = tpu.memref_slice %arg5[%add3A_267, %dma_wait3A_273] : memref<10240x128xf32, #tpu.memory_space<vmem_shared>> -> memref<40x128xf32, #tpu.memory_space<vmem_shared>>
    tpu.wait_dma2 semaphore(%dma_wait3A_272 : memref<!tpu.dma_semaphore, #tpu.memory_space<semaphore_mem>>) src(%arg12 : memref<40x128xf32, #tpu.memory_space<vmem>>) dst(%dma_wait3A_274 : memref<40x128xf32, #tpu.memory_space<vmem_shared>>)
    %mul3A_275 = arith.constant 640 : i32
    %mul3A_276 = arith.muli %arg1, %mul3A_275 : i32
    %add3A_277 = arith.constant 320 : i32
    %add3A_278 = arith.addi %mul3A_276, %add3A_277 : i32
    %dma_wait3A_279 = arith.constant 0 : i32
    %dma_wait3A_280 = arith.constant 0 : i32
    %dma_wait3A_281 = tpu.memref_slice %arg5[%add3A_278, %dma_wait3A_280] : memref<10240x128xf32, #tpu.memory_space<vmem_shared>> -> memref<40x128xf32, #tpu.memory_space<vmem_shared>>
    %dma_wait3A_282 = tpu.memref_slice %arg18[%dma_wait3A_279] : memref<5x!tpu.dma_semaphore, #tpu.memory_space<semaphore_mem>> -> memref<1x!tpu.dma_semaphore, #tpu.memory_space<semaphore_mem>>
    %dma_wait3A_283 = tpu.memref_squeeze %dma_wait3A_282 : memref<1x!tpu.dma_semaphore, #tpu.memory_space<semaphore_mem>> -> memref<!tpu.dma_semaphore, #tpu.memory_space<semaphore_mem>>
    %dma_wait3A_284 = arith.constant 0 : i32
    %dma_wait3A_285 = tpu.memref_slice %arg5[%add3A_278, %dma_wait3A_284] : memref<10240x128xf32, #tpu.memory_space<vmem_shared>> -> memref<40x128xf32, #tpu.memory_space<vmem_shared>>
    tpu.wait_dma2 semaphore(%dma_wait3A_283 : memref<!tpu.dma_semaphore, #tpu.memory_space<semaphore_mem>>) src(%arg12 : memref<40x128xf32, #tpu.memory_space<vmem>>) dst(%dma_wait3A_285 : memref<40x128xf32, #tpu.memory_space<vmem_shared>>)
    %mul3A_286 = arith.constant 640 : i32
    %mul3A_287 = arith.muli %arg1, %mul3A_286 : i32
    %add3A_288 = arith.constant 360 : i32
    %add3A_289 = arith.addi %mul3A_287, %add3A_288 : i32
    %dma_wait3A_290 = arith.constant 0 : i32
    %dma_wait3A_291 = arith.constant 0 : i32
    %dma_wait3A_292 = tpu.memref_slice %arg5[%add3A_289, %dma_wait3A_291] : memref<10240x128xf32, #tpu.memory_space<vmem_shared>> -> memref<40x128xf32, #tpu.memory_space<vmem_shared>>
    %dma_wait3A_293 = tpu.memref_slice %arg18[%dma_wait3A_290] : memref<5x!tpu.dma_semaphore, #tpu.memory_space<semaphore_mem>> -> memref<1x!tpu.dma_semaphore, #tpu.memory_space<semaphore_mem>>
    %dma_wait3A_294 = tpu.memref_squeeze %dma_wait3A_293 : memref<1x!tpu.dma_semaphore, #tpu.memory_space<semaphore_mem>> -> memref<!tpu.dma_semaphore, #tpu.memory_space<semaphore_mem>>
    %dma_wait3A_295 = arith.constant 0 : i32
    %dma_wait3A_296 = tpu.memref_slice %arg5[%add3A_289, %dma_wait3A_295] : memref<10240x128xf32, #tpu.memory_space<vmem_shared>> -> memref<40x128xf32, #tpu.memory_space<vmem_shared>>
    tpu.wait_dma2 semaphore(%dma_wait3A_294 : memref<!tpu.dma_semaphore, #tpu.memory_space<semaphore_mem>>) src(%arg12 : memref<40x128xf32, #tpu.memory_space<vmem>>) dst(%dma_wait3A_296 : memref<40x128xf32, #tpu.memory_space<vmem_shared>>)
    %mul3A_297 = arith.constant 640 : i32
    %mul3A_298 = arith.muli %arg1, %mul3A_297 : i32
    %add3A_299 = arith.constant 400 : i32
    %add3A_300 = arith.addi %mul3A_298, %add3A_299 : i32
    %dma_wait3A_301 = arith.constant 0 : i32
    %dma_wait3A_302 = arith.constant 0 : i32
    %dma_wait3A_303 = tpu.memref_slice %arg5[%add3A_300, %dma_wait3A_302] : memref<10240x128xf32, #tpu.memory_space<vmem_shared>> -> memref<40x128xf32, #tpu.memory_space<vmem_shared>>
    %dma_wait3A_304 = tpu.memref_slice %arg18[%dma_wait3A_301] : memref<5x!tpu.dma_semaphore, #tpu.memory_space<semaphore_mem>> -> memref<1x!tpu.dma_semaphore, #tpu.memory_space<semaphore_mem>>
    %dma_wait3A_305 = tpu.memref_squeeze %dma_wait3A_304 : memref<1x!tpu.dma_semaphore, #tpu.memory_space<semaphore_mem>> -> memref<!tpu.dma_semaphore, #tpu.memory_space<semaphore_mem>>
    %dma_wait3A_306 = arith.constant 0 : i32
    %dma_wait3A_307 = tpu.memref_slice %arg5[%add3A_300, %dma_wait3A_306] : memref<10240x128xf32, #tpu.memory_space<vmem_shared>> -> memref<40x128xf32, #tpu.memory_space<vmem_shared>>
    tpu.wait_dma2 semaphore(%dma_wait3A_305 : memref<!tpu.dma_semaphore, #tpu.memory_space<semaphore_mem>>) src(%arg12 : memref<40x128xf32, #tpu.memory_space<vmem>>) dst(%dma_wait3A_307 : memref<40x128xf32, #tpu.memory_space<vmem_shared>>)
    %mul3A_308 = arith.constant 640 : i32
    %mul3A_309 = arith.muli %arg1, %mul3A_308 : i32
    %add3A_310 = arith.constant 440 : i32
    %add3A_311 = arith.addi %mul3A_309, %add3A_310 : i32
    %dma_wait3A_312 = arith.constant 0 : i32
    %dma_wait3A_313 = arith.constant 0 : i32
    %dma_wait3A_314 = tpu.memref_slice %arg5[%add3A_311, %dma_wait3A_313] : memref<10240x128xf32, #tpu.memory_space<vmem_shared>> -> memref<40x128xf32, #tpu.memory_space<vmem_shared>>
    %dma_wait3A_315 = tpu.memref_slice %arg18[%dma_wait3A_312] : memref<5x!tpu.dma_semaphore, #tpu.memory_space<semaphore_mem>> -> memref<1x!tpu.dma_semaphore, #tpu.memory_space<semaphore_mem>>
    %dma_wait3A_316 = tpu.memref_squeeze %dma_wait3A_315 : memref<1x!tpu.dma_semaphore, #tpu.memory_space<semaphore_mem>> -> memref<!tpu.dma_semaphore, #tpu.memory_space<semaphore_mem>>
    %dma_wait3A_317 = arith.constant 0 : i32
    %dma_wait3A_318 = tpu.memref_slice %arg5[%add3A_311, %dma_wait3A_317] : memref<10240x128xf32, #tpu.memory_space<vmem_shared>> -> memref<40x128xf32, #tpu.memory_space<vmem_shared>>
    tpu.wait_dma2 semaphore(%dma_wait3A_316 : memref<!tpu.dma_semaphore, #tpu.memory_space<semaphore_mem>>) src(%arg12 : memref<40x128xf32, #tpu.memory_space<vmem>>) dst(%dma_wait3A_318 : memref<40x128xf32, #tpu.memory_space<vmem_shared>>)
    %mul3A_319 = arith.constant 640 : i32
    %mul3A_320 = arith.muli %arg1, %mul3A_319 : i32
    %add3A_321 = arith.constant 480 : i32
    %add3A_322 = arith.addi %mul3A_320, %add3A_321 : i32
    %dma_wait3A_323 = arith.constant 0 : i32
    %dma_wait3A_324 = arith.constant 0 : i32
    %dma_wait3A_325 = tpu.memref_slice %arg5[%add3A_322, %dma_wait3A_324] : memref<10240x128xf32, #tpu.memory_space<vmem_shared>> -> memref<40x128xf32, #tpu.memory_space<vmem_shared>>
    %dma_wait3A_326 = tpu.memref_slice %arg18[%dma_wait3A_323] : memref<5x!tpu.dma_semaphore, #tpu.memory_space<semaphore_mem>> -> memref<1x!tpu.dma_semaphore, #tpu.memory_space<semaphore_mem>>
    %dma_wait3A_327 = tpu.memref_squeeze %dma_wait3A_326 : memref<1x!tpu.dma_semaphore, #tpu.memory_space<semaphore_mem>> -> memref<!tpu.dma_semaphore, #tpu.memory_space<semaphore_mem>>
    %dma_wait3A_328 = arith.constant 0 : i32
    %dma_wait3A_329 = tpu.memref_slice %arg5[%add3A_322, %dma_wait3A_328] : memref<10240x128xf32, #tpu.memory_space<vmem_shared>> -> memref<40x128xf32, #tpu.memory_space<vmem_shared>>
    tpu.wait_dma2 semaphore(%dma_wait3A_327 : memref<!tpu.dma_semaphore, #tpu.memory_space<semaphore_mem>>) src(%arg12 : memref<40x128xf32, #tpu.memory_space<vmem>>) dst(%dma_wait3A_329 : memref<40x128xf32, #tpu.memory_space<vmem_shared>>)
    %mul3A_330 = arith.constant 640 : i32
    %mul3A_331 = arith.muli %arg1, %mul3A_330 : i32
    %add3A_332 = arith.constant 520 : i32
    %add3A_333 = arith.addi %mul3A_331, %add3A_332 : i32
    %dma_wait3A_334 = arith.constant 0 : i32
    %dma_wait3A_335 = arith.constant 0 : i32
    %dma_wait3A_336 = tpu.memref_slice %arg5[%add3A_333, %dma_wait3A_335] : memref<10240x128xf32, #tpu.memory_space<vmem_shared>> -> memref<40x128xf32, #tpu.memory_space<vmem_shared>>
    %dma_wait3A_337 = tpu.memref_slice %arg18[%dma_wait3A_334] : memref<5x!tpu.dma_semaphore, #tpu.memory_space<semaphore_mem>> -> memref<1x!tpu.dma_semaphore, #tpu.memory_space<semaphore_mem>>
    %dma_wait3A_338 = tpu.memref_squeeze %dma_wait3A_337 : memref<1x!tpu.dma_semaphore, #tpu.memory_space<semaphore_mem>> -> memref<!tpu.dma_semaphore, #tpu.memory_space<semaphore_mem>>
    %dma_wait3A_339 = arith.constant 0 : i32
    %dma_wait3A_340 = tpu.memref_slice %arg5[%add3A_333, %dma_wait3A_339] : memref<10240x128xf32, #tpu.memory_space<vmem_shared>> -> memref<40x128xf32, #tpu.memory_space<vmem_shared>>
    tpu.wait_dma2 semaphore(%dma_wait3A_338 : memref<!tpu.dma_semaphore, #tpu.memory_space<semaphore_mem>>) src(%arg12 : memref<40x128xf32, #tpu.memory_space<vmem>>) dst(%dma_wait3A_340 : memref<40x128xf32, #tpu.memory_space<vmem_shared>>)
    %mul3A_341 = arith.constant 640 : i32
    %mul3A_342 = arith.muli %arg1, %mul3A_341 : i32
    %add3A_343 = arith.constant 560 : i32
    %add3A_344 = arith.addi %mul3A_342, %add3A_343 : i32
    %dma_wait3A_345 = arith.constant 0 : i32
    %dma_wait3A_346 = arith.constant 0 : i32
    %dma_wait3A_347 = tpu.memref_slice %arg5[%add3A_344, %dma_wait3A_346] : memref<10240x128xf32, #tpu.memory_space<vmem_shared>> -> memref<40x128xf32, #tpu.memory_space<vmem_shared>>
    %dma_wait3A_348 = tpu.memref_slice %arg18[%dma_wait3A_345] : memref<5x!tpu.dma_semaphore, #tpu.memory_space<semaphore_mem>> -> memref<1x!tpu.dma_semaphore, #tpu.memory_space<semaphore_mem>>
    %dma_wait3A_349 = tpu.memref_squeeze %dma_wait3A_348 : memref<1x!tpu.dma_semaphore, #tpu.memory_space<semaphore_mem>> -> memref<!tpu.dma_semaphore, #tpu.memory_space<semaphore_mem>>
    %dma_wait3A_350 = arith.constant 0 : i32
    %dma_wait3A_351 = tpu.memref_slice %arg5[%add3A_344, %dma_wait3A_350] : memref<10240x128xf32, #tpu.memory_space<vmem_shared>> -> memref<40x128xf32, #tpu.memory_space<vmem_shared>>
    tpu.wait_dma2 semaphore(%dma_wait3A_349 : memref<!tpu.dma_semaphore, #tpu.memory_space<semaphore_mem>>) src(%arg12 : memref<40x128xf32, #tpu.memory_space<vmem>>) dst(%dma_wait3A_351 : memref<40x128xf32, #tpu.memory_space<vmem_shared>>)
    %mul3A_352 = arith.constant 640 : i32
    %mul3A_353 = arith.muli %arg1, %mul3A_352 : i32
    %add3A_354 = arith.constant 600 : i32
    %add3A_355 = arith.addi %mul3A_353, %add3A_354 : i32
    %dma_wait3A_356 = arith.constant 0 : i32
    %dma_wait3A_357 = arith.constant 0 : i32
    %dma_wait3A_358 = tpu.memref_slice %arg5[%add3A_355, %dma_wait3A_357] : memref<10240x128xf32, #tpu.memory_space<vmem_shared>> -> memref<40x128xf32, #tpu.memory_space<vmem_shared>>
    %dma_wait3A_359 = tpu.memref_slice %arg18[%dma_wait3A_356] : memref<5x!tpu.dma_semaphore, #tpu.memory_space<semaphore_mem>> -> memref<1x!tpu.dma_semaphore, #tpu.memory_space<semaphore_mem>>
    %dma_wait3A_360 = tpu.memref_squeeze %dma_wait3A_359 : memref<1x!tpu.dma_semaphore, #tpu.memory_space<semaphore_mem>> -> memref<!tpu.dma_semaphore, #tpu.memory_space<semaphore_mem>>
    %dma_wait3A_361 = arith.constant 0 : i32
    %dma_wait3A_362 = tpu.memref_slice %arg5[%add3A_355, %dma_wait3A_361] : memref<10240x128xf32, #tpu.memory_space<vmem_shared>> -> memref<40x128xf32, #tpu.memory_space<vmem_shared>>
    tpu.wait_dma2 semaphore(%dma_wait3A_360 : memref<!tpu.dma_semaphore, #tpu.memory_space<semaphore_mem>>) src(%arg12 : memref<40x128xf32, #tpu.memory_space<vmem>>) dst(%dma_wait3A_362 : memref<40x128xf32, #tpu.memory_space<vmem_shared>>)
    %dma_wait3A_363 = arith.constant 0 : i32
    %dma_wait3A_364 = tpu.memref_slice %arg3[%mul3A_2] : memref<640000xi32, #tpu.memory_space<hbm>> -> memref<10000xi32, #tpu.memory_space<hbm>>
    %dma_wait3A_365 = tpu.memref_slice %arg17[%dma_wait3A_363] : memref<5x!tpu.dma_semaphore, #tpu.memory_space<semaphore_mem>> -> memref<1x!tpu.dma_semaphore, #tpu.memory_space<semaphore_mem>>
    %dma_wait3A_366 = tpu.memref_squeeze %dma_wait3A_365 : memref<1x!tpu.dma_semaphore, #tpu.memory_space<semaphore_mem>> -> memref<!tpu.dma_semaphore, #tpu.memory_space<semaphore_mem>>
    %dma_wait3A_367 = tpu.memref_slice %arg3[%mul3A_2] : memref<640000xi32, #tpu.memory_space<hbm>> -> memref<10000xi32, #tpu.memory_space<hbm>>
    tpu.wait_dma2 semaphore(%dma_wait3A_366 : memref<!tpu.dma_semaphore, #tpu.memory_space<semaphore_mem>>) src(%dma_wait3A_367 : memref<10000xi32, #tpu.memory_space<hbm>>) dst(%arg6 : memref<10000xi32, #tpu.memory_space<vmem>>)
    %barrier3A = arith.constant 0 : index
    tpu.barrier barrier_id(%barrier3A)
    %add3A_368 = arith.constant 320000 : i32
    %add3A_369 = arith.addi %add3A_368, %mul3A_2 : i32
    %add3A_370 = arith.constant 0 : i32
    %add3A_371 = arith.addi %add3A_369, %add3A_370 : i32
    %dma_start3A_372 = arith.constant 0 : i32
    %dma_start3A_373 = arith.constant 0 : i32
    %dma_start3A_374 = arith.constant 0 : i32
    %dma_start3A_375 = tpu.memref_slice %arg7[%dma_start3A_372, %dma_start3A_374] : memref<1x40xi32, #tpu.memory_space<vmem>> -> memref<1x40xi32, #tpu.memory_space<vmem>>
    %dma_start3A_376 = tpu.memref_squeeze %dma_start3A_375 : memref<1x40xi32, #tpu.memory_space<vmem>> -> memref<40xi32, #tpu.memory_space<vmem>>
    %dma_start3A_377 = tpu.memref_slice %arg3[%add3A_371] : memref<640000xi32, #tpu.memory_space<hbm>> -> memref<40xi32, #tpu.memory_space<hbm>>
    %dma_start3A_378 = tpu.memref_slice %arg19[%dma_start3A_373] : memref<5x!tpu.dma_semaphore, #tpu.memory_space<semaphore_mem>> -> memref<1x!tpu.dma_semaphore, #tpu.memory_space<semaphore_mem>>
    %dma_start3A_379 = tpu.memref_squeeze %dma_start3A_378 : memref<1x!tpu.dma_semaphore, #tpu.memory_space<semaphore_mem>> -> memref<!tpu.dma_semaphore, #tpu.memory_space<semaphore_mem>>
    %dma_start3A_380 = arith.constant 0 : i32
    %dma_start3A_381 = tpu.memref_slice %arg7[%dma_start3A_372, %dma_start3A_380] : memref<1x40xi32, #tpu.memory_space<vmem>> -> memref<1x40xi32, #tpu.memory_space<vmem>>
    %dma_start3A_382 = tpu.memref_squeeze %dma_start3A_381 : memref<1x40xi32, #tpu.memory_space<vmem>> -> memref<40xi32, #tpu.memory_space<vmem>>
    %dma_start3A_383 = tpu.memref_slice %arg3[%add3A_371] : memref<640000xi32, #tpu.memory_space<hbm>> -> memref<40xi32, #tpu.memory_space<hbm>>
    tpu.enqueue_dma source(%dma_start3A_383 : memref<40xi32, #tpu.memory_space<hbm>>) target(%dma_start3A_382 : memref<40xi32, #tpu.memory_space<vmem>>) target_semaphore(%dma_start3A_379 : memref<!tpu.dma_semaphore, #tpu.memory_space<semaphore_mem>>)
    %dma_start3A_384 = arith.constant 0 : i32
    %dma_start3A_385 = arith.constant 0 : i32
    %dma_start3A_386 = tpu.memref_slice %arg6[%dma_start3A_385] : memref<10000xi32, #tpu.memory_space<vmem>> -> memref<40xi32, #tpu.memory_space<vmem>>
    %dma_start3A_387 = arith.constant 0 : i32
    %dma_start3A_388 = arith.constant 0 : i32
    %dma_start3A_389 = tpu.memref_slice %arg2[%dma_start3A_387, %dma_start3A_388] : memref<10000x128xf32, #tpu.memory_space<hbm>> -> memref<10000x128xf32, #tpu.memory_space<hbm>>
    %dma_start3A_390 = tpu.memref_slice %arg17[%dma_start3A_384] : memref<5x!tpu.dma_semaphore, #tpu.memory_space<semaphore_mem>> -> memref<1x!tpu.dma_semaphore, #tpu.memory_space<semaphore_mem>>
    %dma_start3A_391 = tpu.memref_squeeze %dma_start3A_390 : memref<1x!tpu.dma_semaphore, #tpu.memory_space<semaphore_mem>> -> memref<!tpu.dma_semaphore, #tpu.memory_space<semaphore_mem>>
    tpu.enqueue_indirect_dma source(%dma_start3A_389 : memref<10000x128xf32, #tpu.memory_space<hbm>>) target(%arg12 : memref<40x128xf32, #tpu.memory_space<vmem>>) offsets(%dma_start3A_386 : memref<40xi32, #tpu.memory_space<vmem>>) semaphore(%dma_start3A_391 : memref<!tpu.dma_semaphore, #tpu.memory_space<semaphore_mem>>)
    %add3A_392 = arith.constant 320000 : i32
    %add3A_393 = arith.addi %add3A_392, %mul3A_2 : i32
    %add3A_394 = arith.constant 40 : i32
    %add3A_395 = arith.addi %add3A_393, %add3A_394 : i32
    %dma_start3A_396 = arith.constant 0 : i32
    %dma_start3A_397 = arith.constant 1 : i32
    %dma_start3A_398 = arith.constant 0 : i32
    %dma_start3A_399 = tpu.memref_slice %arg8[%dma_start3A_396, %dma_start3A_398] : memref<1x40xi32, #tpu.memory_space<vmem>> -> memref<1x40xi32, #tpu.memory_space<vmem>>
    %dma_start3A_400 = tpu.memref_squeeze %dma_start3A_399 : memref<1x40xi32, #tpu.memory_space<vmem>> -> memref<40xi32, #tpu.memory_space<vmem>>
    %dma_start3A_401 = tpu.memref_slice %arg3[%add3A_395] : memref<640000xi32, #tpu.memory_space<hbm>> -> memref<40xi32, #tpu.memory_space<hbm>>
    %dma_start3A_402 = tpu.memref_slice %arg19[%dma_start3A_397] : memref<5x!tpu.dma_semaphore, #tpu.memory_space<semaphore_mem>> -> memref<1x!tpu.dma_semaphore, #tpu.memory_space<semaphore_mem>>
    %dma_start3A_403 = tpu.memref_squeeze %dma_start3A_402 : memref<1x!tpu.dma_semaphore, #tpu.memory_space<semaphore_mem>> -> memref<!tpu.dma_semaphore, #tpu.memory_space<semaphore_mem>>
    %dma_start3A_404 = arith.constant 0 : i32
    %dma_start3A_405 = tpu.memref_slice %arg8[%dma_start3A_396, %dma_start3A_404] : memref<1x40xi32, #tpu.memory_space<vmem>> -> memref<1x40xi32, #tpu.memory_space<vmem>>
    %dma_start3A_406 = tpu.memref_squeeze %dma_start3A_405 : memref<1x40xi32, #tpu.memory_space<vmem>> -> memref<40xi32, #tpu.memory_space<vmem>>
    %dma_start3A_407 = tpu.memref_slice %arg3[%add3A_395] : memref<640000xi32, #tpu.memory_space<hbm>> -> memref<40xi32, #tpu.memory_space<hbm>>
    tpu.enqueue_dma source(%dma_start3A_407 : memref<40xi32, #tpu.memory_space<hbm>>) target(%dma_start3A_406 : memref<40xi32, #tpu.memory_space<vmem>>) target_semaphore(%dma_start3A_403 : memref<!tpu.dma_semaphore, #tpu.memory_space<semaphore_mem>>)
    %dma_start3A_408 = arith.constant 1 : i32
    %dma_start3A_409 = arith.constant 40 : i32
    %dma_start3A_410 = tpu.memref_slice %arg6[%dma_start3A_409] : memref<10000xi32, #tpu.memory_space<vmem>> -> memref<40xi32, #tpu.memory_space<vmem>>
    %dma_start3A_411 = arith.constant 0 : i32
    %dma_start3A_412 = arith.constant 0 : i32
    %dma_start3A_413 = tpu.memref_slice %arg2[%dma_start3A_411, %dma_start3A_412] : memref<10000x128xf32, #tpu.memory_space<hbm>> -> memref<10000x128xf32, #tpu.memory_space<hbm>>
    %dma_start3A_414 = tpu.memref_slice %arg17[%dma_start3A_408] : memref<5x!tpu.dma_semaphore, #tpu.memory_space<semaphore_mem>> -> memref<1x!tpu.dma_semaphore, #tpu.memory_space<semaphore_mem>>
    %dma_start3A_415 = tpu.memref_squeeze %dma_start3A_414 : memref<1x!tpu.dma_semaphore, #tpu.memory_space<semaphore_mem>> -> memref<!tpu.dma_semaphore, #tpu.memory_space<semaphore_mem>>
    tpu.enqueue_indirect_dma source(%dma_start3A_413 : memref<10000x128xf32, #tpu.memory_space<hbm>>) target(%arg13 : memref<40x128xf32, #tpu.memory_space<vmem>>) offsets(%dma_start3A_410 : memref<40xi32, #tpu.memory_space<vmem>>) semaphore(%dma_start3A_415 : memref<!tpu.dma_semaphore, #tpu.memory_space<semaphore_mem>>)
    %add3A_416 = arith.constant 320000 : i32
    %add3A_417 = arith.addi %add3A_416, %mul3A_2 : i32
    %add3A_418 = arith.constant 80 : i32
    %add3A_419 = arith.addi %add3A_417, %add3A_418 : i32
    %dma_start3A_420 = arith.constant 0 : i32
    %dma_start3A_421 = arith.constant 2 : i32
    %dma_start3A_422 = arith.constant 0 : i32
    %dma_start3A_423 = tpu.memref_slice %arg9[%dma_start3A_420, %dma_start3A_422] : memref<1x40xi32, #tpu.memory_space<vmem>> -> memref<1x40xi32, #tpu.memory_space<vmem>>
    %dma_start3A_424 = tpu.memref_squeeze %dma_start3A_423 : memref<1x40xi32, #tpu.memory_space<vmem>> -> memref<40xi32, #tpu.memory_space<vmem>>
    %dma_start3A_425 = tpu.memref_slice %arg3[%add3A_419] : memref<640000xi32, #tpu.memory_space<hbm>> -> memref<40xi32, #tpu.memory_space<hbm>>
    %dma_start3A_426 = tpu.memref_slice %arg19[%dma_start3A_421] : memref<5x!tpu.dma_semaphore, #tpu.memory_space<semaphore_mem>> -> memref<1x!tpu.dma_semaphore, #tpu.memory_space<semaphore_mem>>
    %dma_start3A_427 = tpu.memref_squeeze %dma_start3A_426 : memref<1x!tpu.dma_semaphore, #tpu.memory_space<semaphore_mem>> -> memref<!tpu.dma_semaphore, #tpu.memory_space<semaphore_mem>>
    %dma_start3A_428 = arith.constant 0 : i32
    %dma_start3A_429 = tpu.memref_slice %arg9[%dma_start3A_420, %dma_start3A_428] : memref<1x40xi32, #tpu.memory_space<vmem>> -> memref<1x40xi32, #tpu.memory_space<vmem>>
    %dma_start3A_430 = tpu.memref_squeeze %dma_start3A_429 : memref<1x40xi32, #tpu.memory_space<vmem>> -> memref<40xi32, #tpu.memory_space<vmem>>
    %dma_start3A_431 = tpu.memref_slice %arg3[%add3A_419] : memref<640000xi32, #tpu.memory_space<hbm>> -> memref<40xi32, #tpu.memory_space<hbm>>
    tpu.enqueue_dma source(%dma_start3A_431 : memref<40xi32, #tpu.memory_space<hbm>>) target(%dma_start3A_430 : memref<40xi32, #tpu.memory_space<vmem>>) target_semaphore(%dma_start3A_427 : memref<!tpu.dma_semaphore, #tpu.memory_space<semaphore_mem>>)
    %dma_start3A_432 = arith.constant 2 : i32
    %dma_start3A_433 = arith.constant 80 : i32
    %dma_start3A_434 = tpu.memref_slice %arg6[%dma_start3A_433] : memref<10000xi32, #tpu.memory_space<vmem>> -> memref<40xi32, #tpu.memory_space<vmem>>
    %dma_start3A_435 = arith.constant 0 : i32
    %dma_start3A_436 = arith.constant 0 : i32
    %dma_start3A_437 = tpu.memref_slice %arg2[%dma_start3A_435, %dma_start3A_436] : memref<10000x128xf32, #tpu.memory_space<hbm>> -> memref<10000x128xf32, #tpu.memory_space<hbm>>
    %dma_start3A_438 = tpu.memref_slice %arg17[%dma_start3A_432] : memref<5x!tpu.dma_semaphore, #tpu.memory_space<semaphore_mem>> -> memref<1x!tpu.dma_semaphore, #tpu.memory_space<semaphore_mem>>
    %dma_start3A_439 = tpu.memref_squeeze %dma_start3A_438 : memref<1x!tpu.dma_semaphore, #tpu.memory_space<semaphore_mem>> -> memref<!tpu.dma_semaphore, #tpu.memory_space<semaphore_mem>>
    tpu.enqueue_indirect_dma source(%dma_start3A_437 : memref<10000x128xf32, #tpu.memory_space<hbm>>) target(%arg14 : memref<40x128xf32, #tpu.memory_space<vmem>>) offsets(%dma_start3A_434 : memref<40xi32, #tpu.memory_space<vmem>>) semaphore(%dma_start3A_439 : memref<!tpu.dma_semaphore, #tpu.memory_space<semaphore_mem>>)
    %add3A_440 = arith.constant 320000 : i32
    %add3A_441 = arith.addi %add3A_440, %mul3A_2 : i32
    %add3A_442 = arith.constant 120 : i32
    %add3A_443 = arith.addi %add3A_441, %add3A_442 : i32
    %dma_start3A_444 = arith.constant 0 : i32
    %dma_start3A_445 = arith.constant 3 : i32
    %dma_start3A_446 = arith.constant 0 : i32
    %dma_start3A_447 = tpu.memref_slice %arg10[%dma_start3A_444, %dma_start3A_446] : memref<1x40xi32, #tpu.memory_space<vmem>> -> memref<1x40xi32, #tpu.memory_space<vmem>>
    %dma_start3A_448 = tpu.memref_squeeze %dma_start3A_447 : memref<1x40xi32, #tpu.memory_space<vmem>> -> memref<40xi32, #tpu.memory_space<vmem>>
    %dma_start3A_449 = tpu.memref_slice %arg3[%add3A_443] : memref<640000xi32, #tpu.memory_space<hbm>> -> memref<40xi32, #tpu.memory_space<hbm>>
    %dma_start3A_450 = tpu.memref_slice %arg19[%dma_start3A_445] : memref<5x!tpu.dma_semaphore, #tpu.memory_space<semaphore_mem>> -> memref<1x!tpu.dma_semaphore, #tpu.memory_space<semaphore_mem>>
    %dma_start3A_451 = tpu.memref_squeeze %dma_start3A_450 : memref<1x!tpu.dma_semaphore, #tpu.memory_space<semaphore_mem>> -> memref<!tpu.dma_semaphore, #tpu.memory_space<semaphore_mem>>
    %dma_start3A_452 = arith.constant 0 : i32
    %dma_start3A_453 = tpu.memref_slice %arg10[%dma_start3A_444, %dma_start3A_452] : memref<1x40xi32, #tpu.memory_space<vmem>> -> memref<1x40xi32, #tpu.memory_space<vmem>>
    %dma_start3A_454 = tpu.memref_squeeze %dma_start3A_453 : memref<1x40xi32, #tpu.memory_space<vmem>> -> memref<40xi32, #tpu.memory_space<vmem>>
    %dma_start3A_455 = tpu.memref_slice %arg3[%add3A_443] : memref<640000xi32, #tpu.memory_space<hbm>> -> memref<40xi32, #tpu.memory_space<hbm>>
    tpu.enqueue_dma source(%dma_start3A_455 : memref<40xi32, #tpu.memory_space<hbm>>) target(%dma_start3A_454 : memref<40xi32, #tpu.memory_space<vmem>>) target_semaphore(%dma_start3A_451 : memref<!tpu.dma_semaphore, #tpu.memory_space<semaphore_mem>>)
    %dma_start3A_456 = arith.constant 3 : i32
    %dma_start3A_457 = arith.constant 120 : i32
    %dma_start3A_458 = tpu.memref_slice %arg6[%dma_start3A_457] : memref<10000xi32, #tpu.memory_space<vmem>> -> memref<40xi32, #tpu.memory_space<vmem>>
    %dma_start3A_459 = arith.constant 0 : i32
    %dma_start3A_460 = arith.constant 0 : i32
    %dma_start3A_461 = tpu.memref_slice %arg2[%dma_start3A_459, %dma_start3A_460] : memref<10000x128xf32, #tpu.memory_space<hbm>> -> memref<10000x128xf32, #tpu.memory_space<hbm>>
    %dma_start3A_462 = tpu.memref_slice %arg17[%dma_start3A_456] : memref<5x!tpu.dma_semaphore, #tpu.memory_space<semaphore_mem>> -> memref<1x!tpu.dma_semaphore, #tpu.memory_space<semaphore_mem>>
    %dma_start3A_463 = tpu.memref_squeeze %dma_start3A_462 : memref<1x!tpu.dma_semaphore, #tpu.memory_space<semaphore_mem>> -> memref<!tpu.dma_semaphore, #tpu.memory_space<semaphore_mem>>
    tpu.enqueue_indirect_dma source(%dma_start3A_461 : memref<10000x128xf32, #tpu.memory_space<hbm>>) target(%arg15 : memref<40x128xf32, #tpu.memory_space<vmem>>) offsets(%dma_start3A_458 : memref<40xi32, #tpu.memory_space<vmem>>) semaphore(%dma_start3A_463 : memref<!tpu.dma_semaphore, #tpu.memory_space<semaphore_mem>>)
    %add3A_464 = arith.constant 320000 : i32
    %add3A_465 = arith.addi %add3A_464, %mul3A_2 : i32
    %add3A_466 = arith.constant 160 : i32
    %add3A_467 = arith.addi %add3A_465, %add3A_466 : i32
    %dma_start3A_468 = arith.constant 0 : i32
    %dma_start3A_469 = arith.constant 4 : i32
    %dma_start3A_470 = arith.constant 0 : i32
    %dma_start3A_471 = tpu.memref_slice %arg11[%dma_start3A_468, %dma_start3A_470] : memref<1x40xi32, #tpu.memory_space<vmem>> -> memref<1x40xi32, #tpu.memory_space<vmem>>
    %dma_start3A_472 = tpu.memref_squeeze %dma_start3A_471 : memref<1x40xi32, #tpu.memory_space<vmem>> -> memref<40xi32, #tpu.memory_space<vmem>>
    %dma_start3A_473 = tpu.memref_slice %arg3[%add3A_467] : memref<640000xi32, #tpu.memory_space<hbm>> -> memref<40xi32, #tpu.memory_space<hbm>>
    %dma_start3A_474 = tpu.memref_slice %arg19[%dma_start3A_469] : memref<5x!tpu.dma_semaphore, #tpu.memory_space<semaphore_mem>> -> memref<1x!tpu.dma_semaphore, #tpu.memory_space<semaphore_mem>>
    %dma_start3A_475 = tpu.memref_squeeze %dma_start3A_474 : memref<1x!tpu.dma_semaphore, #tpu.memory_space<semaphore_mem>> -> memref<!tpu.dma_semaphore, #tpu.memory_space<semaphore_mem>>
    %dma_start3A_476 = arith.constant 0 : i32
    %dma_start3A_477 = tpu.memref_slice %arg11[%dma_start3A_468, %dma_start3A_476] : memref<1x40xi32, #tpu.memory_space<vmem>> -> memref<1x40xi32, #tpu.memory_space<vmem>>
    %dma_start3A_478 = tpu.memref_squeeze %dma_start3A_477 : memref<1x40xi32, #tpu.memory_space<vmem>> -> memref<40xi32, #tpu.memory_space<vmem>>
    %dma_start3A_479 = tpu.memref_slice %arg3[%add3A_467] : memref<640000xi32, #tpu.memory_space<hbm>> -> memref<40xi32, #tpu.memory_space<hbm>>
    tpu.enqueue_dma source(%dma_start3A_479 : memref<40xi32, #tpu.memory_space<hbm>>) target(%dma_start3A_478 : memref<40xi32, #tpu.memory_space<vmem>>) target_semaphore(%dma_start3A_475 : memref<!tpu.dma_semaphore, #tpu.memory_space<semaphore_mem>>)
    %dma_start3A_480 = arith.constant 4 : i32
    %dma_start3A_481 = arith.constant 160 : i32
    %dma_start3A_482 = tpu.memref_slice %arg6[%dma_start3A_481] : memref<10000xi32, #tpu.memory_space<vmem>> -> memref<40xi32, #tpu.memory_space<vmem>>
    %dma_start3A_483 = arith.constant 0 : i32
    %dma_start3A_484 = arith.constant 0 : i32
    %dma_start3A_485 = tpu.memref_slice %arg2[%dma_start3A_483, %dma_start3A_484] : memref<10000x128xf32, #tpu.memory_space<hbm>> -> memref<10000x128xf32, #tpu.memory_space<hbm>>
    %dma_start3A_486 = tpu.memref_slice %arg17[%dma_start3A_480] : memref<5x!tpu.dma_semaphore, #tpu.memory_space<semaphore_mem>> -> memref<1x!tpu.dma_semaphore, #tpu.memory_space<semaphore_mem>>
    %dma_start3A_487 = tpu.memref_squeeze %dma_start3A_486 : memref<1x!tpu.dma_semaphore, #tpu.memory_space<semaphore_mem>> -> memref<!tpu.dma_semaphore, #tpu.memory_space<semaphore_mem>>
    tpu.enqueue_indirect_dma source(%dma_start3A_485 : memref<10000x128xf32, #tpu.memory_space<hbm>>) target(%arg16 : memref<40x128xf32, #tpu.memory_space<vmem>>) offsets(%dma_start3A_482 : memref<40xi32, #tpu.memory_space<vmem>>) semaphore(%dma_start3A_487 : memref<!tpu.dma_semaphore, #tpu.memory_space<semaphore_mem>>)
    %scan3A_488 = arith.constant 0 : i32
    %scan3A_489 = arith.constant 0 : i32
    %scan3A_490 = arith.constant 50 : i32
    %scan3A_491 = arith.addi %scan3A_489, %scan3A_490 : i32
    %scan3A_492 = arith.constant 1 : i32
    scf.for %scan3A_502 = %scan3A_489 to %scan3A_491 step %scan3A_492  : i32 {
      %mul3A_503 = arith.constant 5 : i32
      %mul3A_504 = arith.muli %scan3A_502, %mul3A_503 : i32
      %add3A_505 = arith.constant 0 : i32
      %add3A_506 = arith.addi %mul3A_504, %add3A_505 : i32
      %add3A_507 = arith.constant 320000 : i32
      %add3A_508 = arith.addi %add3A_507, %mul3A_2 : i32
      %mul3A_509 = arith.constant 40 : i32
      %mul3A_510 = arith.muli %add3A_506, %mul3A_509 : i32
      %add3A_511 = arith.addi %add3A_508, %mul3A_510 : i32
      %dma_wait3A_512 = arith.constant 0 : i32
      %dma_wait3A_513 = arith.constant 0 : i32
      %dma_wait3A_514 = arith.constant 0 : i32
      %dma_wait3A_515 = tpu.memref_slice %arg7[%dma_wait3A_512, %dma_wait3A_514] : memref<1x40xi32, #tpu.memory_space<vmem>> -> memref<1x40xi32, #tpu.memory_space<vmem>>
      %dma_wait3A_516 = tpu.memref_squeeze %dma_wait3A_515 : memref<1x40xi32, #tpu.memory_space<vmem>> -> memref<40xi32, #tpu.memory_space<vmem>>
      %dma_wait3A_517 = tpu.memref_slice %arg3[%add3A_511] : memref<640000xi32, #tpu.memory_space<hbm>> -> memref<40xi32, #tpu.memory_space<hbm>>
      %dma_wait3A_518 = tpu.memref_slice %arg19[%dma_wait3A_513] : memref<5x!tpu.dma_semaphore, #tpu.memory_space<semaphore_mem>> -> memref<1x!tpu.dma_semaphore, #tpu.memory_space<semaphore_mem>>
      %dma_wait3A_519 = tpu.memref_squeeze %dma_wait3A_518 : memref<1x!tpu.dma_semaphore, #tpu.memory_space<semaphore_mem>> -> memref<!tpu.dma_semaphore, #tpu.memory_space<semaphore_mem>>
      %dma_wait3A_520 = arith.constant 0 : i32
      %dma_wait3A_521 = tpu.memref_slice %arg7[%dma_wait3A_512, %dma_wait3A_520] : memref<1x40xi32, #tpu.memory_space<vmem>> -> memref<1x40xi32, #tpu.memory_space<vmem>>
      %dma_wait3A_522 = tpu.memref_squeeze %dma_wait3A_521 : memref<1x40xi32, #tpu.memory_space<vmem>> -> memref<40xi32, #tpu.memory_space<vmem>>
      %dma_wait3A_523 = tpu.memref_slice %arg3[%add3A_511] : memref<640000xi32, #tpu.memory_space<hbm>> -> memref<40xi32, #tpu.memory_space<hbm>>
      tpu.wait_dma2 semaphore(%dma_wait3A_519 : memref<!tpu.dma_semaphore, #tpu.memory_space<semaphore_mem>>) src(%dma_wait3A_523 : memref<40xi32, #tpu.memory_space<hbm>>) dst(%dma_wait3A_522 : memref<40xi32, #tpu.memory_space<vmem>>)
      %mul3A_524 = arith.constant 40 : i32
      %mul3A_525 = arith.muli %add3A_506, %mul3A_524 : i32
      %dma_wait3A_526 = arith.constant 0 : i32
      %dma_wait3A_527 = tpu.memref_slice %arg6[%mul3A_525] : memref<10000xi32, #tpu.memory_space<vmem>> -> memref<40xi32, #tpu.memory_space<vmem>>
      %dma_wait3A_528 = arith.constant 0 : i32
      %dma_wait3A_529 = arith.constant 0 : i32
      %dma_wait3A_530 = tpu.memref_slice %arg2[%dma_wait3A_528, %dma_wait3A_529] : memref<10000x128xf32, #tpu.memory_space<hbm>> -> memref<10000x128xf32, #tpu.memory_space<hbm>>
      %dma_wait3A_531 = tpu.memref_slice %arg17[%dma_wait3A_526] : memref<5x!tpu.dma_semaphore, #tpu.memory_space<semaphore_mem>> -> memref<1x!tpu.dma_semaphore, #tpu.memory_space<semaphore_mem>>
      %dma_wait3A_532 = tpu.memref_squeeze %dma_wait3A_531 : memref<1x!tpu.dma_semaphore, #tpu.memory_space<semaphore_mem>> -> memref<!tpu.dma_semaphore, #tpu.memory_space<semaphore_mem>>
      tpu.wait_indirect_dma semaphore(%dma_wait3A_532 : memref<!tpu.dma_semaphore, #tpu.memory_space<semaphore_mem>>) src(%dma_wait3A_530 : memref<10000x128xf32, #tpu.memory_space<hbm>>) dst(%arg12 : memref<40x128xf32, #tpu.memory_space<vmem>>)
      %dma_start3A_533 = arith.constant 0 : i32
      %dma_start3A_534 = arith.constant 0 : i32
      %dma_start3A_535 = arith.constant 0 : i32
      %dma_start3A_536 = tpu.memref_slice %arg7[%dma_start3A_533, %dma_start3A_535] : memref<1x40xi32, #tpu.memory_space<vmem>> -> memref<1x40xi32, #tpu.memory_space<vmem>>
      %dma_start3A_537 = tpu.memref_squeeze %dma_start3A_536 : memref<1x40xi32, #tpu.memory_space<vmem>> -> memref<40xi32, #tpu.memory_space<vmem>>
      %dma_start3A_538 = arith.constant 0 : i32
      %dma_start3A_539 = arith.constant 0 : i32
      %dma_start3A_540 = tpu.memref_slice %arg5[%dma_start3A_538, %dma_start3A_539] : memref<10240x128xf32, #tpu.memory_space<vmem_shared>> -> memref<10240x128xf32, #tpu.memory_space<vmem_shared>>
      %dma_start3A_541 = tpu.memref_slice %arg18[%dma_start3A_534] : memref<5x!tpu.dma_semaphore, #tpu.memory_space<semaphore_mem>> -> memref<1x!tpu.dma_semaphore, #tpu.memory_space<semaphore_mem>>
      %dma_start3A_542 = tpu.memref_squeeze %dma_start3A_541 : memref<1x!tpu.dma_semaphore, #tpu.memory_space<semaphore_mem>> -> memref<!tpu.dma_semaphore, #tpu.memory_space<semaphore_mem>>
      tpu.enqueue_indirect_dma source(%arg12 : memref<40x128xf32, #tpu.memory_space<vmem>>) target(%dma_start3A_540 : memref<10240x128xf32, #tpu.memory_space<vmem_shared>>) offsets(%dma_start3A_537 : memref<40xi32, #tpu.memory_space<vmem>>) semaphore(%dma_start3A_542 : memref<!tpu.dma_semaphore, #tpu.memory_space<semaphore_mem>>) {add = true}
      %mul3A_543 = arith.constant 5 : i32
      %mul3A_544 = arith.muli %scan3A_502, %mul3A_543 : i32
      %add3A_545 = arith.constant 1 : i32
      %add3A_546 = arith.addi %mul3A_544, %add3A_545 : i32
      %add3A_547 = arith.constant 320000 : i32
      %add3A_548 = arith.addi %add3A_547, %mul3A_2 : i32
      %mul3A_549 = arith.constant 40 : i32
      %mul3A_550 = arith.muli %add3A_546, %mul3A_549 : i32
      %add3A_551 = arith.addi %add3A_548, %mul3A_550 : i32
      %dma_wait3A_552 = arith.constant 0 : i32
      %dma_wait3A_553 = arith.constant 1 : i32
      %dma_wait3A_554 = arith.constant 0 : i32
      %dma_wait3A_555 = tpu.memref_slice %arg8[%dma_wait3A_552, %dma_wait3A_554] : memref<1x40xi32, #tpu.memory_space<vmem>> -> memref<1x40xi32, #tpu.memory_space<vmem>>
      %dma_wait3A_556 = tpu.memref_squeeze %dma_wait3A_555 : memref<1x40xi32, #tpu.memory_space<vmem>> -> memref<40xi32, #tpu.memory_space<vmem>>
      %dma_wait3A_557 = tpu.memref_slice %arg3[%add3A_551] : memref<640000xi32, #tpu.memory_space<hbm>> -> memref<40xi32, #tpu.memory_space<hbm>>
      %dma_wait3A_558 = tpu.memref_slice %arg19[%dma_wait3A_553] : memref<5x!tpu.dma_semaphore, #tpu.memory_space<semaphore_mem>> -> memref<1x!tpu.dma_semaphore, #tpu.memory_space<semaphore_mem>>
      %dma_wait3A_559 = tpu.memref_squeeze %dma_wait3A_558 : memref<1x!tpu.dma_semaphore, #tpu.memory_space<semaphore_mem>> -> memref<!tpu.dma_semaphore, #tpu.memory_space<semaphore_mem>>
      %dma_wait3A_560 = arith.constant 0 : i32
      %dma_wait3A_561 = tpu.memref_slice %arg8[%dma_wait3A_552, %dma_wait3A_560] : memref<1x40xi32, #tpu.memory_space<vmem>> -> memref<1x40xi32, #tpu.memory_space<vmem>>
      %dma_wait3A_562 = tpu.memref_squeeze %dma_wait3A_561 : memref<1x40xi32, #tpu.memory_space<vmem>> -> memref<40xi32, #tpu.memory_space<vmem>>
      %dma_wait3A_563 = tpu.memref_slice %arg3[%add3A_551] : memref<640000xi32, #tpu.memory_space<hbm>> -> memref<40xi32, #tpu.memory_space<hbm>>
      tpu.wait_dma2 semaphore(%dma_wait3A_559 : memref<!tpu.dma_semaphore, #tpu.memory_space<semaphore_mem>>) src(%dma_wait3A_563 : memref<40xi32, #tpu.memory_space<hbm>>) dst(%dma_wait3A_562 : memref<40xi32, #tpu.memory_space<vmem>>)
      %mul3A_564 = arith.constant 40 : i32
      %mul3A_565 = arith.muli %add3A_546, %mul3A_564 : i32
      %dma_wait3A_566 = arith.constant 1 : i32
      %dma_wait3A_567 = tpu.memref_slice %arg6[%mul3A_565] : memref<10000xi32, #tpu.memory_space<vmem>> -> memref<40xi32, #tpu.memory_space<vmem>>
      %dma_wait3A_568 = arith.constant 0 : i32
      %dma_wait3A_569 = arith.constant 0 : i32
      %dma_wait3A_570 = tpu.memref_slice %arg2[%dma_wait3A_568, %dma_wait3A_569] : memref<10000x128xf32, #tpu.memory_space<hbm>> -> memref<10000x128xf32, #tpu.memory_space<hbm>>
      %dma_wait3A_571 = tpu.memref_slice %arg17[%dma_wait3A_566] : memref<5x!tpu.dma_semaphore, #tpu.memory_space<semaphore_mem>> -> memref<1x!tpu.dma_semaphore, #tpu.memory_space<semaphore_mem>>
      %dma_wait3A_572 = tpu.memref_squeeze %dma_wait3A_571 : memref<1x!tpu.dma_semaphore, #tpu.memory_space<semaphore_mem>> -> memref<!tpu.dma_semaphore, #tpu.memory_space<semaphore_mem>>
      tpu.wait_indirect_dma semaphore(%dma_wait3A_572 : memref<!tpu.dma_semaphore, #tpu.memory_space<semaphore_mem>>) src(%dma_wait3A_570 : memref<10000x128xf32, #tpu.memory_space<hbm>>) dst(%arg13 : memref<40x128xf32, #tpu.memory_space<vmem>>)
      %dma_start3A_573 = arith.constant 0 : i32
      %dma_start3A_574 = arith.constant 1 : i32
      %dma_start3A_575 = arith.constant 0 : i32
      %dma_start3A_576 = tpu.memref_slice %arg8[%dma_start3A_573, %dma_start3A_575] : memref<1x40xi32, #tpu.memory_space<vmem>> -> memref<1x40xi32, #tpu.memory_space<vmem>>
      %dma_start3A_577 = tpu.memref_squeeze %dma_start3A_576 : memref<1x40xi32, #tpu.memory_space<vmem>> -> memref<40xi32, #tpu.memory_space<vmem>>
      %dma_start3A_578 = arith.constant 0 : i32
      %dma_start3A_579 = arith.constant 0 : i32
      %dma_start3A_580 = tpu.memref_slice %arg5[%dma_start3A_578, %dma_start3A_579] : memref<10240x128xf32, #tpu.memory_space<vmem_shared>> -> memref<10240x128xf32, #tpu.memory_space<vmem_shared>>
      %dma_start3A_581 = tpu.memref_slice %arg18[%dma_start3A_574] : memref<5x!tpu.dma_semaphore, #tpu.memory_space<semaphore_mem>> -> memref<1x!tpu.dma_semaphore, #tpu.memory_space<semaphore_mem>>
      %dma_start3A_582 = tpu.memref_squeeze %dma_start3A_581 : memref<1x!tpu.dma_semaphore, #tpu.memory_space<semaphore_mem>> -> memref<!tpu.dma_semaphore, #tpu.memory_space<semaphore_mem>>
      tpu.enqueue_indirect_dma source(%arg13 : memref<40x128xf32, #tpu.memory_space<vmem>>) target(%dma_start3A_580 : memref<10240x128xf32, #tpu.memory_space<vmem_shared>>) offsets(%dma_start3A_577 : memref<40xi32, #tpu.memory_space<vmem>>) semaphore(%dma_start3A_582 : memref<!tpu.dma_semaphore, #tpu.memory_space<semaphore_mem>>) {add = true}
      %mul3A_583 = arith.constant 5 : i32
      %mul3A_584 = arith.muli %scan3A_502, %mul3A_583 : i32
      %add3A_585 = arith.constant 2 : i32
      %add3A_586 = arith.addi %mul3A_584, %add3A_585 : i32
      %add3A_587 = arith.constant 320000 : i32
      %add3A_588 = arith.addi %add3A_587, %mul3A_2 : i32
      %mul3A_589 = arith.constant 40 : i32
      %mul3A_590 = arith.muli %add3A_586, %mul3A_589 : i32
      %add3A_591 = arith.addi %add3A_588, %mul3A_590 : i32
      %dma_wait3A_592 = arith.constant 0 : i32
      %dma_wait3A_593 = arith.constant 2 : i32
      %dma_wait3A_594 = arith.constant 0 : i32
      %dma_wait3A_595 = tpu.memref_slice %arg9[%dma_wait3A_592, %dma_wait3A_594] : memref<1x40xi32, #tpu.memory_space<vmem>> -> memref<1x40xi32, #tpu.memory_space<vmem>>
      %dma_wait3A_596 = tpu.memref_squeeze %dma_wait3A_595 : memref<1x40xi32, #tpu.memory_space<vmem>> -> memref<40xi32, #tpu.memory_space<vmem>>
      %dma_wait3A_597 = tpu.memref_slice %arg3[%add3A_591] : memref<640000xi32, #tpu.memory_space<hbm>> -> memref<40xi32, #tpu.memory_space<hbm>>
      %dma_wait3A_598 = tpu.memref_slice %arg19[%dma_wait3A_593] : memref<5x!tpu.dma_semaphore, #tpu.memory_space<semaphore_mem>> -> memref<1x!tpu.dma_semaphore, #tpu.memory_space<semaphore_mem>>
      %dma_wait3A_599 = tpu.memref_squeeze %dma_wait3A_598 : memref<1x!tpu.dma_semaphore, #tpu.memory_space<semaphore_mem>> -> memref<!tpu.dma_semaphore, #tpu.memory_space<semaphore_mem>>
      %dma_wait3A_600 = arith.constant 0 : i32
      %dma_wait3A_601 = tpu.memref_slice %arg9[%dma_wait3A_592, %dma_wait3A_600] : memref<1x40xi32, #tpu.memory_space<vmem>> -> memref<1x40xi32, #tpu.memory_space<vmem>>
      %dma_wait3A_602 = tpu.memref_squeeze %dma_wait3A_601 : memref<1x40xi32, #tpu.memory_space<vmem>> -> memref<40xi32, #tpu.memory_space<vmem>>
      %dma_wait3A_603 = tpu.memref_slice %arg3[%add3A_591] : memref<640000xi32, #tpu.memory_space<hbm>> -> memref<40xi32, #tpu.memory_space<hbm>>
      tpu.wait_dma2 semaphore(%dma_wait3A_599 : memref<!tpu.dma_semaphore, #tpu.memory_space<semaphore_mem>>) src(%dma_wait3A_603 : memref<40xi32, #tpu.memory_space<hbm>>) dst(%dma_wait3A_602 : memref<40xi32, #tpu.memory_space<vmem>>)
      %mul3A_604 = arith.constant 40 : i32
      %mul3A_605 = arith.muli %add3A_586, %mul3A_604 : i32
      %dma_wait3A_606 = arith.constant 2 : i32
      %dma_wait3A_607 = tpu.memref_slice %arg6[%mul3A_605] : memref<10000xi32, #tpu.memory_space<vmem>> -> memref<40xi32, #tpu.memory_space<vmem>>
      %dma_wait3A_608 = arith.constant 0 : i32
      %dma_wait3A_609 = arith.constant 0 : i32
      %dma_wait3A_610 = tpu.memref_slice %arg2[%dma_wait3A_608, %dma_wait3A_609] : memref<10000x128xf32, #tpu.memory_space<hbm>> -> memref<10000x128xf32, #tpu.memory_space<hbm>>
      %dma_wait3A_611 = tpu.memref_slice %arg17[%dma_wait3A_606] : memref<5x!tpu.dma_semaphore, #tpu.memory_space<semaphore_mem>> -> memref<1x!tpu.dma_semaphore, #tpu.memory_space<semaphore_mem>>
      %dma_wait3A_612 = tpu.memref_squeeze %dma_wait3A_611 : memref<1x!tpu.dma_semaphore, #tpu.memory_space<semaphore_mem>> -> memref<!tpu.dma_semaphore, #tpu.memory_space<semaphore_mem>>
      tpu.wait_indirect_dma semaphore(%dma_wait3A_612 : memref<!tpu.dma_semaphore, #tpu.memory_space<semaphore_mem>>) src(%dma_wait3A_610 : memref<10000x128xf32, #tpu.memory_space<hbm>>) dst(%arg14 : memref<40x128xf32, #tpu.memory_space<vmem>>)
      %dma_start3A_613 = arith.constant 0 : i32
      %dma_start3A_614 = arith.constant 2 : i32
      %dma_start3A_615 = arith.constant 0 : i32
      %dma_start3A_616 = tpu.memref_slice %arg9[%dma_start3A_613, %dma_start3A_615] : memref<1x40xi32, #tpu.memory_space<vmem>> -> memref<1x40xi32, #tpu.memory_space<vmem>>
      %dma_start3A_617 = tpu.memref_squeeze %dma_start3A_616 : memref<1x40xi32, #tpu.memory_space<vmem>> -> memref<40xi32, #tpu.memory_space<vmem>>
      %dma_start3A_618 = arith.constant 0 : i32
      %dma_start3A_619 = arith.constant 0 : i32
      %dma_start3A_620 = tpu.memref_slice %arg5[%dma_start3A_618, %dma_start3A_619] : memref<10240x128xf32, #tpu.memory_space<vmem_shared>> -> memref<10240x128xf32, #tpu.memory_space<vmem_shared>>
      %dma_start3A_621 = tpu.memref_slice %arg18[%dma_start3A_614] : memref<5x!tpu.dma_semaphore, #tpu.memory_space<semaphore_mem>> -> memref<1x!tpu.dma_semaphore, #tpu.memory_space<semaphore_mem>>
      %dma_start3A_622 = tpu.memref_squeeze %dma_start3A_621 : memref<1x!tpu.dma_semaphore, #tpu.memory_space<semaphore_mem>> -> memref<!tpu.dma_semaphore, #tpu.memory_space<semaphore_mem>>
      tpu.enqueue_indirect_dma source(%arg14 : memref<40x128xf32, #tpu.memory_space<vmem>>) target(%dma_start3A_620 : memref<10240x128xf32, #tpu.memory_space<vmem_shared>>) offsets(%dma_start3A_617 : memref<40xi32, #tpu.memory_space<vmem>>) semaphore(%dma_start3A_622 : memref<!tpu.dma_semaphore, #tpu.memory_space<semaphore_mem>>) {add = true}
      %mul3A_623 = arith.constant 5 : i32
      %mul3A_624 = arith.muli %scan3A_502, %mul3A_623 : i32
      %add3A_625 = arith.constant 3 : i32
      %add3A_626 = arith.addi %mul3A_624, %add3A_625 : i32
      %add3A_627 = arith.constant 320000 : i32
      %add3A_628 = arith.addi %add3A_627, %mul3A_2 : i32
      %mul3A_629 = arith.constant 40 : i32
      %mul3A_630 = arith.muli %add3A_626, %mul3A_629 : i32
      %add3A_631 = arith.addi %add3A_628, %mul3A_630 : i32
      %dma_wait3A_632 = arith.constant 0 : i32
      %dma_wait3A_633 = arith.constant 3 : i32
      %dma_wait3A_634 = arith.constant 0 : i32
      %dma_wait3A_635 = tpu.memref_slice %arg10[%dma_wait3A_632, %dma_wait3A_634] : memref<1x40xi32, #tpu.memory_space<vmem>> -> memref<1x40xi32, #tpu.memory_space<vmem>>
      %dma_wait3A_636 = tpu.memref_squeeze %dma_wait3A_635 : memref<1x40xi32, #tpu.memory_space<vmem>> -> memref<40xi32, #tpu.memory_space<vmem>>
      %dma_wait3A_637 = tpu.memref_slice %arg3[%add3A_631] : memref<640000xi32, #tpu.memory_space<hbm>> -> memref<40xi32, #tpu.memory_space<hbm>>
      %dma_wait3A_638 = tpu.memref_slice %arg19[%dma_wait3A_633] : memref<5x!tpu.dma_semaphore, #tpu.memory_space<semaphore_mem>> -> memref<1x!tpu.dma_semaphore, #tpu.memory_space<semaphore_mem>>
      %dma_wait3A_639 = tpu.memref_squeeze %dma_wait3A_638 : memref<1x!tpu.dma_semaphore, #tpu.memory_space<semaphore_mem>> -> memref<!tpu.dma_semaphore, #tpu.memory_space<semaphore_mem>>
      %dma_wait3A_640 = arith.constant 0 : i32
      %dma_wait3A_641 = tpu.memref_slice %arg10[%dma_wait3A_632, %dma_wait3A_640] : memref<1x40xi32, #tpu.memory_space<vmem>> -> memref<1x40xi32, #tpu.memory_space<vmem>>
      %dma_wait3A_642 = tpu.memref_squeeze %dma_wait3A_641 : memref<1x40xi32, #tpu.memory_space<vmem>> -> memref<40xi32, #tpu.memory_space<vmem>>
      %dma_wait3A_643 = tpu.memref_slice %arg3[%add3A_631] : memref<640000xi32, #tpu.memory_space<hbm>> -> memref<40xi32, #tpu.memory_space<hbm>>
      tpu.wait_dma2 semaphore(%dma_wait3A_639 : memref<!tpu.dma_semaphore, #tpu.memory_space<semaphore_mem>>) src(%dma_wait3A_643 : memref<40xi32, #tpu.memory_space<hbm>>) dst(%dma_wait3A_642 : memref<40xi32, #tpu.memory_space<vmem>>)
      %mul3A_644 = arith.constant 40 : i32
      %mul3A_645 = arith.muli %add3A_626, %mul3A_644 : i32
      %dma_wait3A_646 = arith.constant 3 : i32
      %dma_wait3A_647 = tpu.memref_slice %arg6[%mul3A_645] : memref<10000xi32, #tpu.memory_space<vmem>> -> memref<40xi32, #tpu.memory_space<vmem>>
      %dma_wait3A_648 = arith.constant 0 : i32
      %dma_wait3A_649 = arith.constant 0 : i32
      %dma_wait3A_650 = tpu.memref_slice %arg2[%dma_wait3A_648, %dma_wait3A_649] : memref<10000x128xf32, #tpu.memory_space<hbm>> -> memref<10000x128xf32, #tpu.memory_space<hbm>>
      %dma_wait3A_651 = tpu.memref_slice %arg17[%dma_wait3A_646] : memref<5x!tpu.dma_semaphore, #tpu.memory_space<semaphore_mem>> -> memref<1x!tpu.dma_semaphore, #tpu.memory_space<semaphore_mem>>
      %dma_wait3A_652 = tpu.memref_squeeze %dma_wait3A_651 : memref<1x!tpu.dma_semaphore, #tpu.memory_space<semaphore_mem>> -> memref<!tpu.dma_semaphore, #tpu.memory_space<semaphore_mem>>
      tpu.wait_indirect_dma semaphore(%dma_wait3A_652 : memref<!tpu.dma_semaphore, #tpu.memory_space<semaphore_mem>>) src(%dma_wait3A_650 : memref<10000x128xf32, #tpu.memory_space<hbm>>) dst(%arg15 : memref<40x128xf32, #tpu.memory_space<vmem>>)
      %dma_start3A_653 = arith.constant 0 : i32
      %dma_start3A_654 = arith.constant 3 : i32
      %dma_start3A_655 = arith.constant 0 : i32
      %dma_start3A_656 = tpu.memref_slice %arg10[%dma_start3A_653, %dma_start3A_655] : memref<1x40xi32, #tpu.memory_space<vmem>> -> memref<1x40xi32, #tpu.memory_space<vmem>>
      %dma_start3A_657 = tpu.memref_squeeze %dma_start3A_656 : memref<1x40xi32, #tpu.memory_space<vmem>> -> memref<40xi32, #tpu.memory_space<vmem>>
      %dma_start3A_658 = arith.constant 0 : i32
      %dma_start3A_659 = arith.constant 0 : i32
      %dma_start3A_660 = tpu.memref_slice %arg5[%dma_start3A_658, %dma_start3A_659] : memref<10240x128xf32, #tpu.memory_space<vmem_shared>> -> memref<10240x128xf32, #tpu.memory_space<vmem_shared>>
      %dma_start3A_661 = tpu.memref_slice %arg18[%dma_start3A_654] : memref<5x!tpu.dma_semaphore, #tpu.memory_space<semaphore_mem>> -> memref<1x!tpu.dma_semaphore, #tpu.memory_space<semaphore_mem>>
      %dma_start3A_662 = tpu.memref_squeeze %dma_start3A_661 : memref<1x!tpu.dma_semaphore, #tpu.memory_space<semaphore_mem>> -> memref<!tpu.dma_semaphore, #tpu.memory_space<semaphore_mem>>
      tpu.enqueue_indirect_dma source(%arg15 : memref<40x128xf32, #tpu.memory_space<vmem>>) target(%dma_start3A_660 : memref<10240x128xf32, #tpu.memory_space<vmem_shared>>) offsets(%dma_start3A_657 : memref<40xi32, #tpu.memory_space<vmem>>) semaphore(%dma_start3A_662 : memref<!tpu.dma_semaphore, #tpu.memory_space<semaphore_mem>>) {add = true}
      %mul3A_663 = arith.constant 5 : i32
      %mul3A_664 = arith.muli %scan3A_502, %mul3A_663 : i32
      %add3A_665 = arith.constant 4 : i32
      %add3A_666 = arith.addi %mul3A_664, %add3A_665 : i32
      %add3A_667 = arith.constant 320000 : i32
      %add3A_668 = arith.addi %add3A_667, %mul3A_2 : i32
      %mul3A_669 = arith.constant 40 : i32
      %mul3A_670 = arith.muli %add3A_666, %mul3A_669 : i32
      %add3A_671 = arith.addi %add3A_668, %mul3A_670 : i32
      %dma_wait3A_672 = arith.constant 0 : i32
      %dma_wait3A_673 = arith.constant 4 : i32
      %dma_wait3A_674 = arith.constant 0 : i32
      %dma_wait3A_675 = tpu.memref_slice %arg11[%dma_wait3A_672, %dma_wait3A_674] : memref<1x40xi32, #tpu.memory_space<vmem>> -> memref<1x40xi32, #tpu.memory_space<vmem>>
      %dma_wait3A_676 = tpu.memref_squeeze %dma_wait3A_675 : memref<1x40xi32, #tpu.memory_space<vmem>> -> memref<40xi32, #tpu.memory_space<vmem>>
      %dma_wait3A_677 = tpu.memref_slice %arg3[%add3A_671] : memref<640000xi32, #tpu.memory_space<hbm>> -> memref<40xi32, #tpu.memory_space<hbm>>
      %dma_wait3A_678 = tpu.memref_slice %arg19[%dma_wait3A_673] : memref<5x!tpu.dma_semaphore, #tpu.memory_space<semaphore_mem>> -> memref<1x!tpu.dma_semaphore, #tpu.memory_space<semaphore_mem>>
      %dma_wait3A_679 = tpu.memref_squeeze %dma_wait3A_678 : memref<1x!tpu.dma_semaphore, #tpu.memory_space<semaphore_mem>> -> memref<!tpu.dma_semaphore, #tpu.memory_space<semaphore_mem>>
      %dma_wait3A_680 = arith.constant 0 : i32
      %dma_wait3A_681 = tpu.memref_slice %arg11[%dma_wait3A_672, %dma_wait3A_680] : memref<1x40xi32, #tpu.memory_space<vmem>> -> memref<1x40xi32, #tpu.memory_space<vmem>>
      %dma_wait3A_682 = tpu.memref_squeeze %dma_wait3A_681 : memref<1x40xi32, #tpu.memory_space<vmem>> -> memref<40xi32, #tpu.memory_space<vmem>>
      %dma_wait3A_683 = tpu.memref_slice %arg3[%add3A_671] : memref<640000xi32, #tpu.memory_space<hbm>> -> memref<40xi32, #tpu.memory_space<hbm>>
      tpu.wait_dma2 semaphore(%dma_wait3A_679 : memref<!tpu.dma_semaphore, #tpu.memory_space<semaphore_mem>>) src(%dma_wait3A_683 : memref<40xi32, #tpu.memory_space<hbm>>) dst(%dma_wait3A_682 : memref<40xi32, #tpu.memory_space<vmem>>)
      %mul3A_684 = arith.constant 40 : i32
      %mul3A_685 = arith.muli %add3A_666, %mul3A_684 : i32
      %dma_wait3A_686 = arith.constant 4 : i32
      %dma_wait3A_687 = tpu.memref_slice %arg6[%mul3A_685] : memref<10000xi32, #tpu.memory_space<vmem>> -> memref<40xi32, #tpu.memory_space<vmem>>
      %dma_wait3A_688 = arith.constant 0 : i32
      %dma_wait3A_689 = arith.constant 0 : i32
      %dma_wait3A_690 = tpu.memref_slice %arg2[%dma_wait3A_688, %dma_wait3A_689] : memref<10000x128xf32, #tpu.memory_space<hbm>> -> memref<10000x128xf32, #tpu.memory_space<hbm>>
      %dma_wait3A_691 = tpu.memref_slice %arg17[%dma_wait3A_686] : memref<5x!tpu.dma_semaphore, #tpu.memory_space<semaphore_mem>> -> memref<1x!tpu.dma_semaphore, #tpu.memory_space<semaphore_mem>>
      %dma_wait3A_692 = tpu.memref_squeeze %dma_wait3A_691 : memref<1x!tpu.dma_semaphore, #tpu.memory_space<semaphore_mem>> -> memref<!tpu.dma_semaphore, #tpu.memory_space<semaphore_mem>>
      tpu.wait_indirect_dma semaphore(%dma_wait3A_692 : memref<!tpu.dma_semaphore, #tpu.memory_space<semaphore_mem>>) src(%dma_wait3A_690 : memref<10000x128xf32, #tpu.memory_space<hbm>>) dst(%arg16 : memref<40x128xf32, #tpu.memory_space<vmem>>)
      %dma_start3A_693 = arith.constant 0 : i32
      %dma_start3A_694 = arith.constant 4 : i32
      %dma_start3A_695 = arith.constant 0 : i32
      %dma_start3A_696 = tpu.memref_slice %arg11[%dma_start3A_693, %dma_start3A_695] : memref<1x40xi32, #tpu.memory_space<vmem>> -> memref<1x40xi32, #tpu.memory_space<vmem>>
      %dma_start3A_697 = tpu.memref_squeeze %dma_start3A_696 : memref<1x40xi32, #tpu.memory_space<vmem>> -> memref<40xi32, #tpu.memory_space<vmem>>
      %dma_start3A_698 = arith.constant 0 : i32
      %dma_start3A_699 = arith.constant 0 : i32
      %dma_start3A_700 = tpu.memref_slice %arg5[%dma_start3A_698, %dma_start3A_699] : memref<10240x128xf32, #tpu.memory_space<vmem_shared>> -> memref<10240x128xf32, #tpu.memory_space<vmem_shared>>
      %dma_start3A_701 = tpu.memref_slice %arg18[%dma_start3A_694] : memref<5x!tpu.dma_semaphore, #tpu.memory_space<semaphore_mem>> -> memref<1x!tpu.dma_semaphore, #tpu.memory_space<semaphore_mem>>
      %dma_start3A_702 = tpu.memref_squeeze %dma_start3A_701 : memref<1x!tpu.dma_semaphore, #tpu.memory_space<semaphore_mem>> -> memref<!tpu.dma_semaphore, #tpu.memory_space<semaphore_mem>>
      tpu.enqueue_indirect_dma source(%arg16 : memref<40x128xf32, #tpu.memory_space<vmem>>) target(%dma_start3A_700 : memref<10240x128xf32, #tpu.memory_space<vmem_shared>>) offsets(%dma_start3A_697 : memref<40xi32, #tpu.memory_space<vmem>>) semaphore(%dma_start3A_702 : memref<!tpu.dma_semaphore, #tpu.memory_space<semaphore_mem>>) {add = true}
      %mul3A_703 = arith.constant 5 : i32
      %mul3A_704 = arith.muli %scan3A_502, %mul3A_703 : i32
      %add3A_705 = arith.constant 0 : i32
      %add3A_706 = arith.addi %mul3A_704, %add3A_705 : i32
      %dma_wait3A_707 = arith.constant 0 : i32
      %dma_wait3A_708 = arith.constant 0 : i32
      %dma_wait3A_709 = arith.constant 0 : i32
      %dma_wait3A_710 = tpu.memref_slice %arg7[%dma_wait3A_707, %dma_wait3A_709] : memref<1x40xi32, #tpu.memory_space<vmem>> -> memref<1x40xi32, #tpu.memory_space<vmem>>
      %dma_wait3A_711 = tpu.memref_squeeze %dma_wait3A_710 : memref<1x40xi32, #tpu.memory_space<vmem>> -> memref<40xi32, #tpu.memory_space<vmem>>
      %dma_wait3A_712 = arith.constant 0 : i32
      %dma_wait3A_713 = arith.constant 0 : i32
      %dma_wait3A_714 = tpu.memref_slice %arg5[%dma_wait3A_712, %dma_wait3A_713] : memref<10240x128xf32, #tpu.memory_space<vmem_shared>> -> memref<10240x128xf32, #tpu.memory_space<vmem_shared>>
      %dma_wait3A_715 = tpu.memref_slice %arg18[%dma_wait3A_708] : memref<5x!tpu.dma_semaphore, #tpu.memory_space<semaphore_mem>> -> memref<1x!tpu.dma_semaphore, #tpu.memory_space<semaphore_mem>>
      %dma_wait3A_716 = tpu.memref_squeeze %dma_wait3A_715 : memref<1x!tpu.dma_semaphore, #tpu.memory_space<semaphore_mem>> -> memref<!tpu.dma_semaphore, #tpu.memory_space<semaphore_mem>>
      tpu.wait_indirect_dma semaphore(%dma_wait3A_716 : memref<!tpu.dma_semaphore, #tpu.memory_space<semaphore_mem>>) src(%arg12 : memref<40x128xf32, #tpu.memory_space<vmem>>) dst(%dma_wait3A_714 : memref<10240x128xf32, #tpu.memory_space<vmem_shared>>)
      %lt3A = arith.constant 49 : i32
      %lt3A_717 = arith.cmpi slt, %scan3A_502, %lt3A : i32
      %convert_element_type3A = arith.extui %lt3A_717 : i1 to i32
      %cond3A = arith.constant 0 : i32
      %cond3A_718 = arith.cmpi ne, %convert_element_type3A, %cond3A : i32
      scf.if %cond3A_718 {
        %add3A_795 = arith.constant 1 : i32
        %add3A_796 = arith.addi %scan3A_502, %add3A_795 : i32
        %mul3A_797 = arith.constant 5 : i32
        %mul3A_798 = arith.muli %add3A_796, %mul3A_797 : i32
        %add3A_799 = arith.constant 0 : i32
        %add3A_800 = arith.addi %mul3A_798, %add3A_799 : i32
        %add3A_801 = arith.constant 320000 : i32
        %add3A_802 = arith.addi %add3A_801, %mul3A_2 : i32
        %mul3A_803 = arith.constant 40 : i32
        %mul3A_804 = arith.muli %add3A_800, %mul3A_803 : i32
        %add3A_805 = arith.addi %add3A_802, %mul3A_804 : i32
        %dma_start3A_806 = arith.constant 0 : i32
        %dma_start3A_807 = arith.constant 0 : i32
        %dma_start3A_808 = arith.constant 0 : i32
        %dma_start3A_809 = tpu.memref_slice %arg7[%dma_start3A_806, %dma_start3A_808] : memref<1x40xi32, #tpu.memory_space<vmem>> -> memref<1x40xi32, #tpu.memory_space<vmem>>
        %dma_start3A_810 = tpu.memref_squeeze %dma_start3A_809 : memref<1x40xi32, #tpu.memory_space<vmem>> -> memref<40xi32, #tpu.memory_space<vmem>>
        %dma_start3A_811 = tpu.memref_slice %arg3[%add3A_805] : memref<640000xi32, #tpu.memory_space<hbm>> -> memref<40xi32, #tpu.memory_space<hbm>>
        %dma_start3A_812 = tpu.memref_slice %arg19[%dma_start3A_807] : memref<5x!tpu.dma_semaphore, #tpu.memory_space<semaphore_mem>> -> memref<1x!tpu.dma_semaphore, #tpu.memory_space<semaphore_mem>>
        %dma_start3A_813 = tpu.memref_squeeze %dma_start3A_812 : memref<1x!tpu.dma_semaphore, #tpu.memory_space<semaphore_mem>> -> memref<!tpu.dma_semaphore, #tpu.memory_space<semaphore_mem>>
        %dma_start3A_814 = arith.constant 0 : i32
        %dma_start3A_815 = tpu.memref_slice %arg7[%dma_start3A_806, %dma_start3A_814] : memref<1x40xi32, #tpu.memory_space<vmem>> -> memref<1x40xi32, #tpu.memory_space<vmem>>
        %dma_start3A_816 = tpu.memref_squeeze %dma_start3A_815 : memref<1x40xi32, #tpu.memory_space<vmem>> -> memref<40xi32, #tpu.memory_space<vmem>>
        %dma_start3A_817 = tpu.memref_slice %arg3[%add3A_805] : memref<640000xi32, #tpu.memory_space<hbm>> -> memref<40xi32, #tpu.memory_space<hbm>>
        tpu.enqueue_dma source(%dma_start3A_817 : memref<40xi32, #tpu.memory_space<hbm>>) target(%dma_start3A_816 : memref<40xi32, #tpu.memory_space<vmem>>) target_semaphore(%dma_start3A_813 : memref<!tpu.dma_semaphore, #tpu.memory_space<semaphore_mem>>)
        %mul3A_818 = arith.constant 40 : i32
        %mul3A_819 = arith.muli %add3A_800, %mul3A_818 : i32
        %dma_start3A_820 = arith.constant 0 : i32
        %dma_start3A_821 = tpu.memref_slice %arg6[%mul3A_819] : memref<10000xi32, #tpu.memory_space<vmem>> -> memref<40xi32, #tpu.memory_space<vmem>>
        %dma_start3A_822 = arith.constant 0 : i32
        %dma_start3A_823 = arith.constant 0 : i32
        %dma_start3A_824 = tpu.memref_slice %arg2[%dma_start3A_822, %dma_start3A_823] : memref<10000x128xf32, #tpu.memory_space<hbm>> -> memref<10000x128xf32, #tpu.memory_space<hbm>>
        %dma_start3A_825 = tpu.memref_slice %arg17[%dma_start3A_820] : memref<5x!tpu.dma_semaphore, #tpu.memory_space<semaphore_mem>> -> memref<1x!tpu.dma_semaphore, #tpu.memory_space<semaphore_mem>>
        %dma_start3A_826 = tpu.memref_squeeze %dma_start3A_825 : memref<1x!tpu.dma_semaphore, #tpu.memory_space<semaphore_mem>> -> memref<!tpu.dma_semaphore, #tpu.memory_space<semaphore_mem>>
        tpu.enqueue_indirect_dma source(%dma_start3A_824 : memref<10000x128xf32, #tpu.memory_space<hbm>>) target(%arg12 : memref<40x128xf32, #tpu.memory_space<vmem>>) offsets(%dma_start3A_821 : memref<40xi32, #tpu.memory_space<vmem>>) semaphore(%dma_start3A_826 : memref<!tpu.dma_semaphore, #tpu.memory_space<semaphore_mem>>)
      } else {
      }
      %mul3A_719 = arith.constant 5 : i32
      %mul3A_720 = arith.muli %scan3A_502, %mul3A_719 : i32
      %add3A_721 = arith.constant 1 : i32
      %add3A_722 = arith.addi %mul3A_720, %add3A_721 : i32
      %dma_wait3A_723 = arith.constant 0 : i32
      %dma_wait3A_724 = arith.constant 1 : i32
      %dma_wait3A_725 = arith.constant 0 : i32
      %dma_wait3A_726 = tpu.memref_slice %arg8[%dma_wait3A_723, %dma_wait3A_725] : memref<1x40xi32, #tpu.memory_space<vmem>> -> memref<1x40xi32, #tpu.memory_space<vmem>>
      %dma_wait3A_727 = tpu.memref_squeeze %dma_wait3A_726 : memref<1x40xi32, #tpu.memory_space<vmem>> -> memref<40xi32, #tpu.memory_space<vmem>>
      %dma_wait3A_728 = arith.constant 0 : i32
      %dma_wait3A_729 = arith.constant 0 : i32
      %dma_wait3A_730 = tpu.memref_slice %arg5[%dma_wait3A_728, %dma_wait3A_729] : memref<10240x128xf32, #tpu.memory_space<vmem_shared>> -> memref<10240x128xf32, #tpu.memory_space<vmem_shared>>
      %dma_wait3A_731 = tpu.memref_slice %arg18[%dma_wait3A_724] : memref<5x!tpu.dma_semaphore, #tpu.memory_space<semaphore_mem>> -> memref<1x!tpu.dma_semaphore, #tpu.memory_space<semaphore_mem>>
      %dma_wait3A_732 = tpu.memref_squeeze %dma_wait3A_731 : memref<1x!tpu.dma_semaphore, #tpu.memory_space<semaphore_mem>> -> memref<!tpu.dma_semaphore, #tpu.memory_space<semaphore_mem>>
      tpu.wait_indirect_dma semaphore(%dma_wait3A_732 : memref<!tpu.dma_semaphore, #tpu.memory_space<semaphore_mem>>) src(%arg13 : memref<40x128xf32, #tpu.memory_space<vmem>>) dst(%dma_wait3A_730 : memref<10240x128xf32, #tpu.memory_space<vmem_shared>>)
      %lt3A_733 = arith.constant 49 : i32
      %lt3A_734 = arith.cmpi slt, %scan3A_502, %lt3A_733 : i32
      %convert_element_type3A_735 = arith.extui %lt3A_734 : i1 to i32
      %cond3A_736 = arith.constant 0 : i32
      %cond3A_737 = arith.cmpi ne, %convert_element_type3A_735, %cond3A_736 : i32
      scf.if %cond3A_737 {
        %add3A_795 = arith.constant 1 : i32
        %add3A_796 = arith.addi %scan3A_502, %add3A_795 : i32
        %mul3A_797 = arith.constant 5 : i32
        %mul3A_798 = arith.muli %add3A_796, %mul3A_797 : i32
        %add3A_799 = arith.constant 1 : i32
        %add3A_800 = arith.addi %mul3A_798, %add3A_799 : i32
        %add3A_801 = arith.constant 320000 : i32
        %add3A_802 = arith.addi %add3A_801, %mul3A_2 : i32
        %mul3A_803 = arith.constant 40 : i32
        %mul3A_804 = arith.muli %add3A_800, %mul3A_803 : i32
        %add3A_805 = arith.addi %add3A_802, %mul3A_804 : i32
        %dma_start3A_806 = arith.constant 0 : i32
        %dma_start3A_807 = arith.constant 1 : i32
        %dma_start3A_808 = arith.constant 0 : i32
        %dma_start3A_809 = tpu.memref_slice %arg8[%dma_start3A_806, %dma_start3A_808] : memref<1x40xi32, #tpu.memory_space<vmem>> -> memref<1x40xi32, #tpu.memory_space<vmem>>
        %dma_start3A_810 = tpu.memref_squeeze %dma_start3A_809 : memref<1x40xi32, #tpu.memory_space<vmem>> -> memref<40xi32, #tpu.memory_space<vmem>>
        %dma_start3A_811 = tpu.memref_slice %arg3[%add3A_805] : memref<640000xi32, #tpu.memory_space<hbm>> -> memref<40xi32, #tpu.memory_space<hbm>>
        %dma_start3A_812 = tpu.memref_slice %arg19[%dma_start3A_807] : memref<5x!tpu.dma_semaphore, #tpu.memory_space<semaphore_mem>> -> memref<1x!tpu.dma_semaphore, #tpu.memory_space<semaphore_mem>>
        %dma_start3A_813 = tpu.memref_squeeze %dma_start3A_812 : memref<1x!tpu.dma_semaphore, #tpu.memory_space<semaphore_mem>> -> memref<!tpu.dma_semaphore, #tpu.memory_space<semaphore_mem>>
        %dma_start3A_814 = arith.constant 0 : i32
        %dma_start3A_815 = tpu.memref_slice %arg8[%dma_start3A_806, %dma_start3A_814] : memref<1x40xi32, #tpu.memory_space<vmem>> -> memref<1x40xi32, #tpu.memory_space<vmem>>
        %dma_start3A_816 = tpu.memref_squeeze %dma_start3A_815 : memref<1x40xi32, #tpu.memory_space<vmem>> -> memref<40xi32, #tpu.memory_space<vmem>>
        %dma_start3A_817 = tpu.memref_slice %arg3[%add3A_805] : memref<640000xi32, #tpu.memory_space<hbm>> -> memref<40xi32, #tpu.memory_space<hbm>>
        tpu.enqueue_dma source(%dma_start3A_817 : memref<40xi32, #tpu.memory_space<hbm>>) target(%dma_start3A_816 : memref<40xi32, #tpu.memory_space<vmem>>) target_semaphore(%dma_start3A_813 : memref<!tpu.dma_semaphore, #tpu.memory_space<semaphore_mem>>)
        %mul3A_818 = arith.constant 40 : i32
        %mul3A_819 = arith.muli %add3A_800, %mul3A_818 : i32
        %dma_start3A_820 = arith.constant 1 : i32
        %dma_start3A_821 = tpu.memref_slice %arg6[%mul3A_819] : memref<10000xi32, #tpu.memory_space<vmem>> -> memref<40xi32, #tpu.memory_space<vmem>>
        %dma_start3A_822 = arith.constant 0 : i32
        %dma_start3A_823 = arith.constant 0 : i32
        %dma_start3A_824 = tpu.memref_slice %arg2[%dma_start3A_822, %dma_start3A_823] : memref<10000x128xf32, #tpu.memory_space<hbm>> -> memref<10000x128xf32, #tpu.memory_space<hbm>>
        %dma_start3A_825 = tpu.memref_slice %arg17[%dma_start3A_820] : memref<5x!tpu.dma_semaphore, #tpu.memory_space<semaphore_mem>> -> memref<1x!tpu.dma_semaphore, #tpu.memory_space<semaphore_mem>>
        %dma_start3A_826 = tpu.memref_squeeze %dma_start3A_825 : memref<1x!tpu.dma_semaphore, #tpu.memory_space<semaphore_mem>> -> memref<!tpu.dma_semaphore, #tpu.memory_space<semaphore_mem>>
        tpu.enqueue_indirect_dma source(%dma_start3A_824 : memref<10000x128xf32, #tpu.memory_space<hbm>>) target(%arg13 : memref<40x128xf32, #tpu.memory_space<vmem>>) offsets(%dma_start3A_821 : memref<40xi32, #tpu.memory_space<vmem>>) semaphore(%dma_start3A_826 : memref<!tpu.dma_semaphore, #tpu.memory_space<semaphore_mem>>)
      } else {
      }
      %mul3A_738 = arith.constant 5 : i32
      %mul3A_739 = arith.muli %scan3A_502, %mul3A_738 : i32
      %add3A_740 = arith.constant 2 : i32
      %add3A_741 = arith.addi %mul3A_739, %add3A_740 : i32
      %dma_wait3A_742 = arith.constant 0 : i32
      %dma_wait3A_743 = arith.constant 2 : i32
      %dma_wait3A_744 = arith.constant 0 : i32
      %dma_wait3A_745 = tpu.memref_slice %arg9[%dma_wait3A_742, %dma_wait3A_744] : memref<1x40xi32, #tpu.memory_space<vmem>> -> memref<1x40xi32, #tpu.memory_space<vmem>>
      %dma_wait3A_746 = tpu.memref_squeeze %dma_wait3A_745 : memref<1x40xi32, #tpu.memory_space<vmem>> -> memref<40xi32, #tpu.memory_space<vmem>>
      %dma_wait3A_747 = arith.constant 0 : i32
      %dma_wait3A_748 = arith.constant 0 : i32
      %dma_wait3A_749 = tpu.memref_slice %arg5[%dma_wait3A_747, %dma_wait3A_748] : memref<10240x128xf32, #tpu.memory_space<vmem_shared>> -> memref<10240x128xf32, #tpu.memory_space<vmem_shared>>
      %dma_wait3A_750 = tpu.memref_slice %arg18[%dma_wait3A_743] : memref<5x!tpu.dma_semaphore, #tpu.memory_space<semaphore_mem>> -> memref<1x!tpu.dma_semaphore, #tpu.memory_space<semaphore_mem>>
      %dma_wait3A_751 = tpu.memref_squeeze %dma_wait3A_750 : memref<1x!tpu.dma_semaphore, #tpu.memory_space<semaphore_mem>> -> memref<!tpu.dma_semaphore, #tpu.memory_space<semaphore_mem>>
      tpu.wait_indirect_dma semaphore(%dma_wait3A_751 : memref<!tpu.dma_semaphore, #tpu.memory_space<semaphore_mem>>) src(%arg14 : memref<40x128xf32, #tpu.memory_space<vmem>>) dst(%dma_wait3A_749 : memref<10240x128xf32, #tpu.memory_space<vmem_shared>>)
      %lt3A_752 = arith.constant 49 : i32
      %lt3A_753 = arith.cmpi slt, %scan3A_502, %lt3A_752 : i32
      %convert_element_type3A_754 = arith.extui %lt3A_753 : i1 to i32
      %cond3A_755 = arith.constant 0 : i32
      %cond3A_756 = arith.cmpi ne, %convert_element_type3A_754, %cond3A_755 : i32
      scf.if %cond3A_756 {
        %add3A_795 = arith.constant 1 : i32
        %add3A_796 = arith.addi %scan3A_502, %add3A_795 : i32
        %mul3A_797 = arith.constant 5 : i32
        %mul3A_798 = arith.muli %add3A_796, %mul3A_797 : i32
        %add3A_799 = arith.constant 2 : i32
        %add3A_800 = arith.addi %mul3A_798, %add3A_799 : i32
        %add3A_801 = arith.constant 320000 : i32
        %add3A_802 = arith.addi %add3A_801, %mul3A_2 : i32
        %mul3A_803 = arith.constant 40 : i32
        %mul3A_804 = arith.muli %add3A_800, %mul3A_803 : i32
        %add3A_805 = arith.addi %add3A_802, %mul3A_804 : i32
        %dma_start3A_806 = arith.constant 0 : i32
        %dma_start3A_807 = arith.constant 2 : i32
        %dma_start3A_808 = arith.constant 0 : i32
        %dma_start3A_809 = tpu.memref_slice %arg9[%dma_start3A_806, %dma_start3A_808] : memref<1x40xi32, #tpu.memory_space<vmem>> -> memref<1x40xi32, #tpu.memory_space<vmem>>
        %dma_start3A_810 = tpu.memref_squeeze %dma_start3A_809 : memref<1x40xi32, #tpu.memory_space<vmem>> -> memref<40xi32, #tpu.memory_space<vmem>>
        %dma_start3A_811 = tpu.memref_slice %arg3[%add3A_805] : memref<640000xi32, #tpu.memory_space<hbm>> -> memref<40xi32, #tpu.memory_space<hbm>>
        %dma_start3A_812 = tpu.memref_slice %arg19[%dma_start3A_807] : memref<5x!tpu.dma_semaphore, #tpu.memory_space<semaphore_mem>> -> memref<1x!tpu.dma_semaphore, #tpu.memory_space<semaphore_mem>>
        %dma_start3A_813 = tpu.memref_squeeze %dma_start3A_812 : memref<1x!tpu.dma_semaphore, #tpu.memory_space<semaphore_mem>> -> memref<!tpu.dma_semaphore, #tpu.memory_space<semaphore_mem>>
        %dma_start3A_814 = arith.constant 0 : i32
        %dma_start3A_815 = tpu.memref_slice %arg9[%dma_start3A_806, %dma_start3A_814] : memref<1x40xi32, #tpu.memory_space<vmem>> -> memref<1x40xi32, #tpu.memory_space<vmem>>
        %dma_start3A_816 = tpu.memref_squeeze %dma_start3A_815 : memref<1x40xi32, #tpu.memory_space<vmem>> -> memref<40xi32, #tpu.memory_space<vmem>>
        %dma_start3A_817 = tpu.memref_slice %arg3[%add3A_805] : memref<640000xi32, #tpu.memory_space<hbm>> -> memref<40xi32, #tpu.memory_space<hbm>>
        tpu.enqueue_dma source(%dma_start3A_817 : memref<40xi32, #tpu.memory_space<hbm>>) target(%dma_start3A_816 : memref<40xi32, #tpu.memory_space<vmem>>) target_semaphore(%dma_start3A_813 : memref<!tpu.dma_semaphore, #tpu.memory_space<semaphore_mem>>)
        %mul3A_818 = arith.constant 40 : i32
        %mul3A_819 = arith.muli %add3A_800, %mul3A_818 : i32
        %dma_start3A_820 = arith.constant 2 : i32
        %dma_start3A_821 = tpu.memref_slice %arg6[%mul3A_819] : memref<10000xi32, #tpu.memory_space<vmem>> -> memref<40xi32, #tpu.memory_space<vmem>>
        %dma_start3A_822 = arith.constant 0 : i32
        %dma_start3A_823 = arith.constant 0 : i32
        %dma_start3A_824 = tpu.memref_slice %arg2[%dma_start3A_822, %dma_start3A_823] : memref<10000x128xf32, #tpu.memory_space<hbm>> -> memref<10000x128xf32, #tpu.memory_space<hbm>>
        %dma_start3A_825 = tpu.memref_slice %arg17[%dma_start3A_820] : memref<5x!tpu.dma_semaphore, #tpu.memory_space<semaphore_mem>> -> memref<1x!tpu.dma_semaphore, #tpu.memory_space<semaphore_mem>>
        %dma_start3A_826 = tpu.memref_squeeze %dma_start3A_825 : memref<1x!tpu.dma_semaphore, #tpu.memory_space<semaphore_mem>> -> memref<!tpu.dma_semaphore, #tpu.memory_space<semaphore_mem>>
        tpu.enqueue_indirect_dma source(%dma_start3A_824 : memref<10000x128xf32, #tpu.memory_space<hbm>>) target(%arg14 : memref<40x128xf32, #tpu.memory_space<vmem>>) offsets(%dma_start3A_821 : memref<40xi32, #tpu.memory_space<vmem>>) semaphore(%dma_start3A_826 : memref<!tpu.dma_semaphore, #tpu.memory_space<semaphore_mem>>)
      } else {
      }
      %mul3A_757 = arith.constant 5 : i32
      %mul3A_758 = arith.muli %scan3A_502, %mul3A_757 : i32
      %add3A_759 = arith.constant 3 : i32
      %add3A_760 = arith.addi %mul3A_758, %add3A_759 : i32
      %dma_wait3A_761 = arith.constant 0 : i32
      %dma_wait3A_762 = arith.constant 3 : i32
      %dma_wait3A_763 = arith.constant 0 : i32
      %dma_wait3A_764 = tpu.memref_slice %arg10[%dma_wait3A_761, %dma_wait3A_763] : memref<1x40xi32, #tpu.memory_space<vmem>> -> memref<1x40xi32, #tpu.memory_space<vmem>>
      %dma_wait3A_765 = tpu.memref_squeeze %dma_wait3A_764 : memref<1x40xi32, #tpu.memory_space<vmem>> -> memref<40xi32, #tpu.memory_space<vmem>>
      %dma_wait3A_766 = arith.constant 0 : i32
      %dma_wait3A_767 = arith.constant 0 : i32
      %dma_wait3A_768 = tpu.memref_slice %arg5[%dma_wait3A_766, %dma_wait3A_767] : memref<10240x128xf32, #tpu.memory_space<vmem_shared>> -> memref<10240x128xf32, #tpu.memory_space<vmem_shared>>
      %dma_wait3A_769 = tpu.memref_slice %arg18[%dma_wait3A_762] : memref<5x!tpu.dma_semaphore, #tpu.memory_space<semaphore_mem>> -> memref<1x!tpu.dma_semaphore, #tpu.memory_space<semaphore_mem>>
      %dma_wait3A_770 = tpu.memref_squeeze %dma_wait3A_769 : memref<1x!tpu.dma_semaphore, #tpu.memory_space<semaphore_mem>> -> memref<!tpu.dma_semaphore, #tpu.memory_space<semaphore_mem>>
      tpu.wait_indirect_dma semaphore(%dma_wait3A_770 : memref<!tpu.dma_semaphore, #tpu.memory_space<semaphore_mem>>) src(%arg15 : memref<40x128xf32, #tpu.memory_space<vmem>>) dst(%dma_wait3A_768 : memref<10240x128xf32, #tpu.memory_space<vmem_shared>>)
      %lt3A_771 = arith.constant 49 : i32
      %lt3A_772 = arith.cmpi slt, %scan3A_502, %lt3A_771 : i32
      %convert_element_type3A_773 = arith.extui %lt3A_772 : i1 to i32
      %cond3A_774 = arith.constant 0 : i32
      %cond3A_775 = arith.cmpi ne, %convert_element_type3A_773, %cond3A_774 : i32
      scf.if %cond3A_775 {
        %add3A_795 = arith.constant 1 : i32
        %add3A_796 = arith.addi %scan3A_502, %add3A_795 : i32
        %mul3A_797 = arith.constant 5 : i32
        %mul3A_798 = arith.muli %add3A_796, %mul3A_797 : i32
        %add3A_799 = arith.constant 3 : i32
        %add3A_800 = arith.addi %mul3A_798, %add3A_799 : i32
        %add3A_801 = arith.constant 320000 : i32
        %add3A_802 = arith.addi %add3A_801, %mul3A_2 : i32
        %mul3A_803 = arith.constant 40 : i32
        %mul3A_804 = arith.muli %add3A_800, %mul3A_803 : i32
        %add3A_805 = arith.addi %add3A_802, %mul3A_804 : i32
        %dma_start3A_806 = arith.constant 0 : i32
        %dma_start3A_807 = arith.constant 3 : i32
        %dma_start3A_808 = arith.constant 0 : i32
        %dma_start3A_809 = tpu.memref_slice %arg10[%dma_start3A_806, %dma_start3A_808] : memref<1x40xi32, #tpu.memory_space<vmem>> -> memref<1x40xi32, #tpu.memory_space<vmem>>
        %dma_start3A_810 = tpu.memref_squeeze %dma_start3A_809 : memref<1x40xi32, #tpu.memory_space<vmem>> -> memref<40xi32, #tpu.memory_space<vmem>>
        %dma_start3A_811 = tpu.memref_slice %arg3[%add3A_805] : memref<640000xi32, #tpu.memory_space<hbm>> -> memref<40xi32, #tpu.memory_space<hbm>>
        %dma_start3A_812 = tpu.memref_slice %arg19[%dma_start3A_807] : memref<5x!tpu.dma_semaphore, #tpu.memory_space<semaphore_mem>> -> memref<1x!tpu.dma_semaphore, #tpu.memory_space<semaphore_mem>>
        %dma_start3A_813 = tpu.memref_squeeze %dma_start3A_812 : memref<1x!tpu.dma_semaphore, #tpu.memory_space<semaphore_mem>> -> memref<!tpu.dma_semaphore, #tpu.memory_space<semaphore_mem>>
        %dma_start3A_814 = arith.constant 0 : i32
        %dma_start3A_815 = tpu.memref_slice %arg10[%dma_start3A_806, %dma_start3A_814] : memref<1x40xi32, #tpu.memory_space<vmem>> -> memref<1x40xi32, #tpu.memory_space<vmem>>
        %dma_start3A_816 = tpu.memref_squeeze %dma_start3A_815 : memref<1x40xi32, #tpu.memory_space<vmem>> -> memref<40xi32, #tpu.memory_space<vmem>>
        %dma_start3A_817 = tpu.memref_slice %arg3[%add3A_805] : memref<640000xi32, #tpu.memory_space<hbm>> -> memref<40xi32, #tpu.memory_space<hbm>>
        tpu.enqueue_dma source(%dma_start3A_817 : memref<40xi32, #tpu.memory_space<hbm>>) target(%dma_start3A_816 : memref<40xi32, #tpu.memory_space<vmem>>) target_semaphore(%dma_start3A_813 : memref<!tpu.dma_semaphore, #tpu.memory_space<semaphore_mem>>)
        %mul3A_818 = arith.constant 40 : i32
        %mul3A_819 = arith.muli %add3A_800, %mul3A_818 : i32
        %dma_start3A_820 = arith.constant 3 : i32
        %dma_start3A_821 = tpu.memref_slice %arg6[%mul3A_819] : memref<10000xi32, #tpu.memory_space<vmem>> -> memref<40xi32, #tpu.memory_space<vmem>>
        %dma_start3A_822 = arith.constant 0 : i32
        %dma_start3A_823 = arith.constant 0 : i32
        %dma_start3A_824 = tpu.memref_slice %arg2[%dma_start3A_822, %dma_start3A_823] : memref<10000x128xf32, #tpu.memory_space<hbm>> -> memref<10000x128xf32, #tpu.memory_space<hbm>>
        %dma_start3A_825 = tpu.memref_slice %arg17[%dma_start3A_820] : memref<5x!tpu.dma_semaphore, #tpu.memory_space<semaphore_mem>> -> memref<1x!tpu.dma_semaphore, #tpu.memory_space<semaphore_mem>>
        %dma_start3A_826 = tpu.memref_squeeze %dma_start3A_825 : memref<1x!tpu.dma_semaphore, #tpu.memory_space<semaphore_mem>> -> memref<!tpu.dma_semaphore, #tpu.memory_space<semaphore_mem>>
        tpu.enqueue_indirect_dma source(%dma_start3A_824 : memref<10000x128xf32, #tpu.memory_space<hbm>>) target(%arg15 : memref<40x128xf32, #tpu.memory_space<vmem>>) offsets(%dma_start3A_821 : memref<40xi32, #tpu.memory_space<vmem>>) semaphore(%dma_start3A_826 : memref<!tpu.dma_semaphore, #tpu.memory_space<semaphore_mem>>)
      } else {
      }
      %mul3A_776 = arith.constant 5 : i32
      %mul3A_777 = arith.muli %scan3A_502, %mul3A_776 : i32
      %add3A_778 = arith.constant 4 : i32
      %add3A_779 = arith.addi %mul3A_777, %add3A_778 : i32
      %dma_wait3A_780 = arith.constant 0 : i32
      %dma_wait3A_781 = arith.constant 4 : i32
      %dma_wait3A_782 = arith.constant 0 : i32
      %dma_wait3A_783 = tpu.memref_slice %arg11[%dma_wait3A_780, %dma_wait3A_782] : memref<1x40xi32, #tpu.memory_space<vmem>> -> memref<1x40xi32, #tpu.memory_space<vmem>>
      %dma_wait3A_784 = tpu.memref_squeeze %dma_wait3A_783 : memref<1x40xi32, #tpu.memory_space<vmem>> -> memref<40xi32, #tpu.memory_space<vmem>>
      %dma_wait3A_785 = arith.constant 0 : i32
      %dma_wait3A_786 = arith.constant 0 : i32
      %dma_wait3A_787 = tpu.memref_slice %arg5[%dma_wait3A_785, %dma_wait3A_786] : memref<10240x128xf32, #tpu.memory_space<vmem_shared>> -> memref<10240x128xf32, #tpu.memory_space<vmem_shared>>
      %dma_wait3A_788 = tpu.memref_slice %arg18[%dma_wait3A_781] : memref<5x!tpu.dma_semaphore, #tpu.memory_space<semaphore_mem>> -> memref<1x!tpu.dma_semaphore, #tpu.memory_space<semaphore_mem>>
      %dma_wait3A_789 = tpu.memref_squeeze %dma_wait3A_788 : memref<1x!tpu.dma_semaphore, #tpu.memory_space<semaphore_mem>> -> memref<!tpu.dma_semaphore, #tpu.memory_space<semaphore_mem>>
      tpu.wait_indirect_dma semaphore(%dma_wait3A_789 : memref<!tpu.dma_semaphore, #tpu.memory_space<semaphore_mem>>) src(%arg16 : memref<40x128xf32, #tpu.memory_space<vmem>>) dst(%dma_wait3A_787 : memref<10240x128xf32, #tpu.memory_space<vmem_shared>>)
      %lt3A_790 = arith.constant 49 : i32
      %lt3A_791 = arith.cmpi slt, %scan3A_502, %lt3A_790 : i32
      %convert_element_type3A_792 = arith.extui %lt3A_791 : i1 to i32
      %cond3A_793 = arith.constant 0 : i32
      %cond3A_794 = arith.cmpi ne, %convert_element_type3A_792, %cond3A_793 : i32
      scf.if %cond3A_794 {
        %add3A_795 = arith.constant 1 : i32
        %add3A_796 = arith.addi %scan3A_502, %add3A_795 : i32
        %mul3A_797 = arith.constant 5 : i32
        %mul3A_798 = arith.muli %add3A_796, %mul3A_797 : i32
        %add3A_799 = arith.constant 4 : i32
        %add3A_800 = arith.addi %mul3A_798, %add3A_799 : i32
        %add3A_801 = arith.constant 320000 : i32
        %add3A_802 = arith.addi %add3A_801, %mul3A_2 : i32
        %mul3A_803 = arith.constant 40 : i32
        %mul3A_804 = arith.muli %add3A_800, %mul3A_803 : i32
        %add3A_805 = arith.addi %add3A_802, %mul3A_804 : i32
        %dma_start3A_806 = arith.constant 0 : i32
        %dma_start3A_807 = arith.constant 4 : i32
        %dma_start3A_808 = arith.constant 0 : i32
        %dma_start3A_809 = tpu.memref_slice %arg11[%dma_start3A_806, %dma_start3A_808] : memref<1x40xi32, #tpu.memory_space<vmem>> -> memref<1x40xi32, #tpu.memory_space<vmem>>
        %dma_start3A_810 = tpu.memref_squeeze %dma_start3A_809 : memref<1x40xi32, #tpu.memory_space<vmem>> -> memref<40xi32, #tpu.memory_space<vmem>>
        %dma_start3A_811 = tpu.memref_slice %arg3[%add3A_805] : memref<640000xi32, #tpu.memory_space<hbm>> -> memref<40xi32, #tpu.memory_space<hbm>>
        %dma_start3A_812 = tpu.memref_slice %arg19[%dma_start3A_807] : memref<5x!tpu.dma_semaphore, #tpu.memory_space<semaphore_mem>> -> memref<1x!tpu.dma_semaphore, #tpu.memory_space<semaphore_mem>>
        %dma_start3A_813 = tpu.memref_squeeze %dma_start3A_812 : memref<1x!tpu.dma_semaphore, #tpu.memory_space<semaphore_mem>> -> memref<!tpu.dma_semaphore, #tpu.memory_space<semaphore_mem>>
        %dma_start3A_814 = arith.constant 0 : i32
        %dma_start3A_815 = tpu.memref_slice %arg11[%dma_start3A_806, %dma_start3A_814] : memref<1x40xi32, #tpu.memory_space<vmem>> -> memref<1x40xi32, #tpu.memory_space<vmem>>
        %dma_start3A_816 = tpu.memref_squeeze %dma_start3A_815 : memref<1x40xi32, #tpu.memory_space<vmem>> -> memref<40xi32, #tpu.memory_space<vmem>>
        %dma_start3A_817 = tpu.memref_slice %arg3[%add3A_805] : memref<640000xi32, #tpu.memory_space<hbm>> -> memref<40xi32, #tpu.memory_space<hbm>>
        tpu.enqueue_dma source(%dma_start3A_817 : memref<40xi32, #tpu.memory_space<hbm>>) target(%dma_start3A_816 : memref<40xi32, #tpu.memory_space<vmem>>) target_semaphore(%dma_start3A_813 : memref<!tpu.dma_semaphore, #tpu.memory_space<semaphore_mem>>)
        %mul3A_818 = arith.constant 40 : i32
        %mul3A_819 = arith.muli %add3A_800, %mul3A_818 : i32
        %dma_start3A_820 = arith.constant 4 : i32
        %dma_start3A_821 = tpu.memref_slice %arg6[%mul3A_819] : memref<10000xi32, #tpu.memory_space<vmem>> -> memref<40xi32, #tpu.memory_space<vmem>>
        %dma_start3A_822 = arith.constant 0 : i32
        %dma_start3A_823 = arith.constant 0 : i32
        %dma_start3A_824 = tpu.memref_slice %arg2[%dma_start3A_822, %dma_start3A_823] : memref<10000x128xf32, #tpu.memory_space<hbm>> -> memref<10000x128xf32, #tpu.memory_space<hbm>>
        %dma_start3A_825 = tpu.memref_slice %arg17[%dma_start3A_820] : memref<5x!tpu.dma_semaphore, #tpu.memory_space<semaphore_mem>> -> memref<1x!tpu.dma_semaphore, #tpu.memory_space<semaphore_mem>>
        %dma_start3A_826 = tpu.memref_squeeze %dma_start3A_825 : memref<1x!tpu.dma_semaphore, #tpu.memory_space<semaphore_mem>> -> memref<!tpu.dma_semaphore, #tpu.memory_space<semaphore_mem>>
        tpu.enqueue_indirect_dma source(%dma_start3A_824 : memref<10000x128xf32, #tpu.memory_space<hbm>>) target(%arg16 : memref<40x128xf32, #tpu.memory_space<vmem>>) offsets(%dma_start3A_821 : memref<40xi32, #tpu.memory_space<vmem>>) semaphore(%dma_start3A_826 : memref<!tpu.dma_semaphore, #tpu.memory_space<semaphore_mem>>)
      } else {
      }
    }
    %scan3A_493 = arith.constant 50 : i32
    %barrier3A_494 = arith.constant 0 : index
    tpu.barrier barrier_id(%barrier3A_494)
    %mul3A_495 = arith.constant 640 : i32
    %mul3A_496 = arith.muli %arg1, %mul3A_495 : i32
    %mul3A_497 = arith.constant 10240 : i32
    %mul3A_498 = arith.muli %arg0, %mul3A_497 : i32
    %mul3A_499 = arith.constant 640 : i32
    %mul3A_500 = arith.muli %arg1, %mul3A_499 : i32
    %add3A_501 = arith.addi %mul3A_498, %mul3A_500 : i32
    "tpu.region"() ({
      %run_scoped3A = tpu.sem_alloc : memref<!tpu.dma_semaphore, #tpu.memory_space<semaphore_mem>>
      %dma_start3A_502 = arith.constant 0 : i32
      %dma_start3A_503 = tpu.memref_slice %arg4[%add3A_501, %dma_start3A_502] : memref<20480x128xf32, #tpu.memory_space<hbm>> -> memref<640x128xf32, #tpu.memory_space<hbm>>
      %dma_start3A_504 = arith.constant 0 : i32
      %dma_start3A_505 = tpu.memref_slice %arg5[%mul3A_496, %dma_start3A_504] : memref<10240x128xf32, #tpu.memory_space<vmem_shared>> -> memref<640x128xf32, #tpu.memory_space<vmem_shared>>
      tpu.enqueue_dma source(%dma_start3A_505 : memref<640x128xf32, #tpu.memory_space<vmem_shared>>) target(%dma_start3A_503 : memref<640x128xf32, #tpu.memory_space<hbm>>) target_semaphore(%run_scoped3A : memref<!tpu.dma_semaphore, #tpu.memory_space<semaphore_mem>>)
      %dma_wait3A_506 = arith.constant 0 : i32
      %dma_wait3A_507 = tpu.memref_slice %arg4[%add3A_501, %dma_wait3A_506] : memref<20480x128xf32, #tpu.memory_space<hbm>> -> memref<640x128xf32, #tpu.memory_space<hbm>>
      %dma_wait3A_508 = arith.constant 0 : i32
      %dma_wait3A_509 = tpu.memref_slice %arg5[%mul3A_496, %dma_wait3A_508] : memref<10240x128xf32, #tpu.memory_space<vmem_shared>> -> memref<640x128xf32, #tpu.memory_space<vmem_shared>>
      tpu.wait_dma2 semaphore(%run_scoped3A : memref<!tpu.dma_semaphore, #tpu.memory_space<semaphore_mem>>) src(%dma_wait3A_509 : memref<640x128xf32, #tpu.memory_space<vmem_shared>>) dst(%dma_wait3A_507 : memref<640x128xf32, #tpu.memory_space<hbm>>)
      tpu.yield
    }) : () -> ()
    return
  }
}

#map = affine_map<(d0, d1) -> (0, 0)>
#map1 = affine_map<(d0, d1) -> (0)>
module attributes {stable_mosaic.version = 14 : i64} {
  func.func @_agg_body(%arg0: i32, %arg1: i32, %arg2: memref<10000x128xf32, #tpu.memory_space<hbm>>, %arg3: memref<640000xi32, #tpu.memory_space<hbm>>, %arg4: memref<20480x128xf32, #tpu.memory_space<hbm>>, %arg5: memref<10240x128xf32, #tpu.memory_space<vmem_shared>>, %arg6: memref<10000xi32, #tpu.memory_space<vmem>>, %arg7: memref<1x40xi32, #tpu.memory_space<vmem>>, %arg8: memref<1x40xi32, #tpu.memory_space<vmem>>, %arg9: memref<1x40xi32, #tpu.memory_space<vmem>>, %arg10: memref<1x40xi32, #tpu.memory_space<vmem>>, %arg11: memref<1x40xi32, #tpu.memory_space<vmem>>, %arg12: memref<40x128xf32, #tpu.memory_space<vmem>>, %arg13: memref<40x128xf32, #tpu.memory_space<vmem>>, %arg14: memref<40x128xf32, #tpu.memory_space<vmem>>, %arg15: memref<40x128xf32, #tpu.memory_space<vmem>>, %arg16: memref<40x128xf32, #tpu.memory_space<vmem>>, %arg17: memref<5x!tpu.dma_semaphore, #tpu.memory_space<semaphore_mem>>, %arg18: memref<5x!tpu.dma_semaphore, #tpu.memory_space<semaphore_mem>>, %arg19: memref<5x!tpu.dma_semaphore, #tpu.memory_space<semaphore_mem>>) attributes {dimension_semantics = [#tpu.dimension_semantics<core_parallel>, #tpu.dimension_semantics<subcore_parallel>], iteration_bounds = array<i64: 2, 16>, scalar_prefetch = 0 : i64, scratch_operands = 15 : i64, tpu.core_type = #tpu.core_type<sc_vector_subcore>, window_params = [{transform_indices = #map}, {transform_indices = #map1}, {transform_indices = #map}]} {
    %mul3A = arith.constant 16 : i32
    %mul3A_0 = arith.muli %arg0, %mul3A : i32
    %add3A = arith.addi %mul3A_0, %arg1 : i32
    %mul3A_1 = arith.constant 10000 : i32
    %mul3A_2 = arith.muli %add3A, %mul3A_1 : i32
    %dma_start3A = arith.constant 0 : i32
    %dma_start3A_3 = tpu.memref_slice %arg3[%mul3A_2] : memref<640000xi32, #tpu.memory_space<hbm>> -> memref<10000xi32, #tpu.memory_space<hbm>>
    %dma_start3A_4 = tpu.memref_slice %arg17[%dma_start3A] : memref<5x!tpu.dma_semaphore, #tpu.memory_space<semaphore_mem>> -> memref<1x!tpu.dma_semaphore, #tpu.memory_space<semaphore_mem>>
    %dma_start3A_5 = tpu.memref_squeeze %dma_start3A_4 : memref<1x!tpu.dma_semaphore, #tpu.memory_space<semaphore_mem>> -> memref<!tpu.dma_semaphore, #tpu.memory_space<semaphore_mem>>
    %dma_start3A_6 = tpu.memref_slice %arg3[%mul3A_2] : memref<640000xi32, #tpu.memory_space<hbm>> -> memref<10000xi32, #tpu.memory_space<hbm>>
    tpu.enqueue_dma source(%dma_start3A_6 : memref<10000xi32, #tpu.memory_space<hbm>>) target(%arg6 : memref<10000xi32, #tpu.memory_space<vmem>>) target_semaphore(%dma_start3A_5 : memref<!tpu.dma_semaphore, #tpu.memory_space<semaphore_mem>>)
    %scan3A = arith.constant 0 : i32
    %scan3A_7 = arith.constant 0 : i32
    %scan3A_8 = arith.constant 40 : i32
    %scan3A_9 = arith.addi %scan3A_7, %scan3A_8 : i32
    %scan3A_10 = arith.constant 1 : i32
    scf.for %scan3A_502 = %scan3A_7 to %scan3A_9 step %scan3A_10  : i32 {
      %scan3A_503 = arith.constant 0 : i32
      %scan3A_504 = arith.constant 8 : i32
      %scan3A_505 = arith.addi %scan3A_503, %scan3A_504 : i32
      %scan3A_506 = arith.constant 1 : i32
      scf.for %scan3A_508 = %scan3A_503 to %scan3A_505 step %scan3A_506  : i32 {
        %broadcast_in_dim3A = arith.constant 0.000000e+00 : f32
        %broadcast_in_dim3A_509 = vector.broadcast %broadcast_in_dim3A : f32 to vector<16xf32>
        %mul3A_510 = arith.constant 16 : i32
        %mul3A_511 = arith.muli %scan3A_508, %mul3A_510 : i32
        %swap3A = arith.index_cast %scan3A_502 : i32 to index
        %swap3A_512 = arith.index_cast %mul3A_511 : i32 to index
        %swap3A_513 = tpu.vector_load %arg12[%swap3A, %swap3A_512] {strides = array<i32>} : memref<40x128xf32, #tpu.memory_space<vmem>>, vector<1x16xf32>,
        %swap3A_514 = vector.shape_cast %swap3A_513 : vector<1x16xf32> to vector<16xf32>
        %swap3A_515 = vector.shape_cast %broadcast_in_dim3A_509 : vector<16xf32> to vector<1x16xf32>
        tpu.vector_store %arg12[%swap3A, %swap3A_512], %swap3A_515 {strides = array<i32>} : memref<40x128xf32, #tpu.memory_space<vmem>>, vector<1x16xf32>,
      }
      %scan3A_507 = arith.constant 8 : i32
    }
    %scan3A_11 = arith.constant 40 : i32
    %mul3A_12 = arith.constant 640 : i32
    %mul3A_13 = arith.muli %arg1, %mul3A_12 : i32
    %add3A_14 = arith.constant 0 : i32
    %add3A_15 = arith.addi %mul3A_13, %add3A_14 : i32
    %dma_start3A_16 = arith.constant 0 : i32
    %dma_start3A_17 = arith.constant 0 : i32
    %dma_start3A_18 = tpu.memref_slice %arg5[%add3A_15, %dma_start3A_17] : memref<10240x128xf32, #tpu.memory_space<vmem_shared>> -> memref<40x128xf32, #tpu.memory_space<vmem_shared>>
    %dma_start3A_19 = tpu.memref_slice %arg18[%dma_start3A_16] : memref<5x!tpu.dma_semaphore, #tpu.memory_space<semaphore_mem>> -> memref<1x!tpu.dma_semaphore, #tpu.memory_space<semaphore_mem>>
    %dma_start3A_20 = tpu.memref_squeeze %dma_start3A_19 : memref<1x!tpu.dma_semaphore, #tpu.memory_space<semaphore_mem>> -> memref<!tpu.dma_semaphore, #tpu.memory_space<semaphore_mem>>
    %dma_start3A_21 = arith.constant 0 : i32
    %dma_start3A_22 = tpu.memref_slice %arg5[%add3A_15, %dma_start3A_21] : memref<10240x128xf32, #tpu.memory_space<vmem_shared>> -> memref<40x128xf32, #tpu.memory_space<vmem_shared>>
    tpu.enqueue_dma source(%arg12 : memref<40x128xf32, #tpu.memory_space<vmem>>) target(%dma_start3A_22 : memref<40x128xf32, #tpu.memory_space<vmem_shared>>) target_semaphore(%dma_start3A_20 : memref<!tpu.dma_semaphore, #tpu.memory_space<semaphore_mem>>)
    %mul3A_23 = arith.constant 640 : i32
    %mul3A_24 = arith.muli %arg1, %mul3A_23 : i32
    %add3A_25 = arith.constant 40 : i32
    %add3A_26 = arith.addi %mul3A_24, %add3A_25 : i32
    %dma_start3A_27 = arith.constant 0 : i32
    %dma_start3A_28 = arith.constant 0 : i32
    %dma_start3A_29 = tpu.memref_slice %arg5[%add3A_26, %dma_start3A_28] : memref<10240x128xf32, #tpu.memory_space<vmem_shared>> -> memref<40x128xf32, #tpu.memory_space<vmem_shared>>
    %dma_start3A_30 = tpu.memref_slice %arg18[%dma_start3A_27] : memref<5x!tpu.dma_semaphore, #tpu.memory_space<semaphore_mem>> -> memref<1x!tpu.dma_semaphore, #tpu.memory_space<semaphore_mem>>
    %dma_start3A_31 = tpu.memref_squeeze %dma_start3A_30 : memref<1x!tpu.dma_semaphore, #tpu.memory_space<semaphore_mem>> -> memref<!tpu.dma_semaphore, #tpu.memory_space<semaphore_mem>>
    %dma_start3A_32 = arith.constant 0 : i32
    %dma_start3A_33 = tpu.memref_slice %arg5[%add3A_26, %dma_start3A_32] : memref<10240x128xf32, #tpu.memory_space<vmem_shared>> -> memref<40x128xf32, #tpu.memory_space<vmem_shared>>
    tpu.enqueue_dma source(%arg12 : memref<40x128xf32, #tpu.memory_space<vmem>>) target(%dma_start3A_33 : memref<40x128xf32, #tpu.memory_space<vmem_shared>>) target_semaphore(%dma_start3A_31 : memref<!tpu.dma_semaphore, #tpu.memory_space<semaphore_mem>>)
    %mul3A_34 = arith.constant 640 : i32
    %mul3A_35 = arith.muli %arg1, %mul3A_34 : i32
    %add3A_36 = arith.constant 80 : i32
    %add3A_37 = arith.addi %mul3A_35, %add3A_36 : i32
    %dma_start3A_38 = arith.constant 0 : i32
    %dma_start3A_39 = arith.constant 0 : i32
    %dma_start3A_40 = tpu.memref_slice %arg5[%add3A_37, %dma_start3A_39] : memref<10240x128xf32, #tpu.memory_space<vmem_shared>> -> memref<40x128xf32, #tpu.memory_space<vmem_shared>>
    %dma_start3A_41 = tpu.memref_slice %arg18[%dma_start3A_38] : memref<5x!tpu.dma_semaphore, #tpu.memory_space<semaphore_mem>> -> memref<1x!tpu.dma_semaphore, #tpu.memory_space<semaphore_mem>>
    %dma_start3A_42 = tpu.memref_squeeze %dma_start3A_41 : memref<1x!tpu.dma_semaphore, #tpu.memory_space<semaphore_mem>> -> memref<!tpu.dma_semaphore, #tpu.memory_space<semaphore_mem>>
    %dma_start3A_43 = arith.constant 0 : i32
    %dma_start3A_44 = tpu.memref_slice %arg5[%add3A_37, %dma_start3A_43] : memref<10240x128xf32, #tpu.memory_space<vmem_shared>> -> memref<40x128xf32, #tpu.memory_space<vmem_shared>>
    tpu.enqueue_dma source(%arg12 : memref<40x128xf32, #tpu.memory_space<vmem>>) target(%dma_start3A_44 : memref<40x128xf32, #tpu.memory_space<vmem_shared>>) target_semaphore(%dma_start3A_42 : memref<!tpu.dma_semaphore, #tpu.memory_space<semaphore_mem>>)
    %mul3A_45 = arith.constant 640 : i32
    %mul3A_46 = arith.muli %arg1, %mul3A_45 : i32
    %add3A_47 = arith.constant 120 : i32
    %add3A_48 = arith.addi %mul3A_46, %add3A_47 : i32
    %dma_start3A_49 = arith.constant 0 : i32
    %dma_start3A_50 = arith.constant 0 : i32
    %dma_start3A_51 = tpu.memref_slice %arg5[%add3A_48, %dma_start3A_50] : memref<10240x128xf32, #tpu.memory_space<vmem_shared>> -> memref<40x128xf32, #tpu.memory_space<vmem_shared>>
    %dma_start3A_52 = tpu.memref_slice %arg18[%dma_start3A_49] : memref<5x!tpu.dma_semaphore, #tpu.memory_space<semaphore_mem>> -> memref<1x!tpu.dma_semaphore, #tpu.memory_space<semaphore_mem>>
    %dma_start3A_53 = tpu.memref_squeeze %dma_start3A_52 : memref<1x!tpu.dma_semaphore, #tpu.memory_space<semaphore_mem>> -> memref<!tpu.dma_semaphore, #tpu.memory_space<semaphore_mem>>
    %dma_start3A_54 = arith.constant 0 : i32
    %dma_start3A_55 = tpu.memref_slice %arg5[%add3A_48, %dma_start3A_54] : memref<10240x128xf32, #tpu.memory_space<vmem_shared>> -> memref<40x128xf32, #tpu.memory_space<vmem_shared>>
    tpu.enqueue_dma source(%arg12 : memref<40x128xf32, #tpu.memory_space<vmem>>) target(%dma_start3A_55 : memref<40x128xf32, #tpu.memory_space<vmem_shared>>) target_semaphore(%dma_start3A_53 : memref<!tpu.dma_semaphore, #tpu.memory_space<semaphore_mem>>)
    %mul3A_56 = arith.constant 640 : i32
    %mul3A_57 = arith.muli %arg1, %mul3A_56 : i32
    %add3A_58 = arith.constant 160 : i32
    %add3A_59 = arith.addi %mul3A_57, %add3A_58 : i32
    %dma_start3A_60 = arith.constant 0 : i32
    %dma_start3A_61 = arith.constant 0 : i32
    %dma_start3A_62 = tpu.memref_slice %arg5[%add3A_59, %dma_start3A_61] : memref<10240x128xf32, #tpu.memory_space<vmem_shared>> -> memref<40x128xf32, #tpu.memory_space<vmem_shared>>
    %dma_start3A_63 = tpu.memref_slice %arg18[%dma_start3A_60] : memref<5x!tpu.dma_semaphore, #tpu.memory_space<semaphore_mem>> -> memref<1x!tpu.dma_semaphore, #tpu.memory_space<semaphore_mem>>
    %dma_start3A_64 = tpu.memref_squeeze %dma_start3A_63 : memref<1x!tpu.dma_semaphore, #tpu.memory_space<semaphore_mem>> -> memref<!tpu.dma_semaphore, #tpu.memory_space<semaphore_mem>>
    %dma_start3A_65 = arith.constant 0 : i32
    %dma_start3A_66 = tpu.memref_slice %arg5[%add3A_59, %dma_start3A_65] : memref<10240x128xf32, #tpu.memory_space<vmem_shared>> -> memref<40x128xf32, #tpu.memory_space<vmem_shared>>
    tpu.enqueue_dma source(%arg12 : memref<40x128xf32, #tpu.memory_space<vmem>>) target(%dma_start3A_66 : memref<40x128xf32, #tpu.memory_space<vmem_shared>>) target_semaphore(%dma_start3A_64 : memref<!tpu.dma_semaphore, #tpu.memory_space<semaphore_mem>>)
    %mul3A_67 = arith.constant 640 : i32
    %mul3A_68 = arith.muli %arg1, %mul3A_67 : i32
    %add3A_69 = arith.constant 200 : i32
    %add3A_70 = arith.addi %mul3A_68, %add3A_69 : i32
    %dma_start3A_71 = arith.constant 0 : i32
    %dma_start3A_72 = arith.constant 0 : i32
    %dma_start3A_73 = tpu.memref_slice %arg5[%add3A_70, %dma_start3A_72] : memref<10240x128xf32, #tpu.memory_space<vmem_shared>> -> memref<40x128xf32, #tpu.memory_space<vmem_shared>>
    %dma_start3A_74 = tpu.memref_slice %arg18[%dma_start3A_71] : memref<5x!tpu.dma_semaphore, #tpu.memory_space<semaphore_mem>> -> memref<1x!tpu.dma_semaphore, #tpu.memory_space<semaphore_mem>>
    %dma_start3A_75 = tpu.memref_squeeze %dma_start3A_74 : memref<1x!tpu.dma_semaphore, #tpu.memory_space<semaphore_mem>> -> memref<!tpu.dma_semaphore, #tpu.memory_space<semaphore_mem>>
    %dma_start3A_76 = arith.constant 0 : i32
    %dma_start3A_77 = tpu.memref_slice %arg5[%add3A_70, %dma_start3A_76] : memref<10240x128xf32, #tpu.memory_space<vmem_shared>> -> memref<40x128xf32, #tpu.memory_space<vmem_shared>>
    tpu.enqueue_dma source(%arg12 : memref<40x128xf32, #tpu.memory_space<vmem>>) target(%dma_start3A_77 : memref<40x128xf32, #tpu.memory_space<vmem_shared>>) target_semaphore(%dma_start3A_75 : memref<!tpu.dma_semaphore, #tpu.memory_space<semaphore_mem>>)
    %mul3A_78 = arith.constant 640 : i32
    %mul3A_79 = arith.muli %arg1, %mul3A_78 : i32
    %add3A_80 = arith.constant 240 : i32
    %add3A_81 = arith.addi %mul3A_79, %add3A_80 : i32
    %dma_start3A_82 = arith.constant 0 : i32
    %dma_start3A_83 = arith.constant 0 : i32
    %dma_start3A_84 = tpu.memref_slice %arg5[%add3A_81, %dma_start3A_83] : memref<10240x128xf32, #tpu.memory_space<vmem_shared>> -> memref<40x128xf32, #tpu.memory_space<vmem_shared>>
    %dma_start3A_85 = tpu.memref_slice %arg18[%dma_start3A_82] : memref<5x!tpu.dma_semaphore, #tpu.memory_space<semaphore_mem>> -> memref<1x!tpu.dma_semaphore, #tpu.memory_space<semaphore_mem>>
    %dma_start3A_86 = tpu.memref_squeeze %dma_start3A_85 : memref<1x!tpu.dma_semaphore, #tpu.memory_space<semaphore_mem>> -> memref<!tpu.dma_semaphore, #tpu.memory_space<semaphore_mem>>
    %dma_start3A_87 = arith.constant 0 : i32
    %dma_start3A_88 = tpu.memref_slice %arg5[%add3A_81, %dma_start3A_87] : memref<10240x128xf32, #tpu.memory_space<vmem_shared>> -> memref<40x128xf32, #tpu.memory_space<vmem_shared>>
    tpu.enqueue_dma source(%arg12 : memref<40x128xf32, #tpu.memory_space<vmem>>) target(%dma_start3A_88 : memref<40x128xf32, #tpu.memory_space<vmem_shared>>) target_semaphore(%dma_start3A_86 : memref<!tpu.dma_semaphore, #tpu.memory_space<semaphore_mem>>)
    %mul3A_89 = arith.constant 640 : i32
    %mul3A_90 = arith.muli %arg1, %mul3A_89 : i32
    %add3A_91 = arith.constant 280 : i32
    %add3A_92 = arith.addi %mul3A_90, %add3A_91 : i32
    %dma_start3A_93 = arith.constant 0 : i32
    %dma_start3A_94 = arith.constant 0 : i32
    %dma_start3A_95 = tpu.memref_slice %arg5[%add3A_92, %dma_start3A_94] : memref<10240x128xf32, #tpu.memory_space<vmem_shared>> -> memref<40x128xf32, #tpu.memory_space<vmem_shared>>
    %dma_start3A_96 = tpu.memref_slice %arg18[%dma_start3A_93] : memref<5x!tpu.dma_semaphore, #tpu.memory_space<semaphore_mem>> -> memref<1x!tpu.dma_semaphore, #tpu.memory_space<semaphore_mem>>
    %dma_start3A_97 = tpu.memref_squeeze %dma_start3A_96 : memref<1x!tpu.dma_semaphore, #tpu.memory_space<semaphore_mem>> -> memref<!tpu.dma_semaphore, #tpu.memory_space<semaphore_mem>>
    %dma_start3A_98 = arith.constant 0 : i32
    %dma_start3A_99 = tpu.memref_slice %arg5[%add3A_92, %dma_start3A_98] : memref<10240x128xf32, #tpu.memory_space<vmem_shared>> -> memref<40x128xf32, #tpu.memory_space<vmem_shared>>
    tpu.enqueue_dma source(%arg12 : memref<40x128xf32, #tpu.memory_space<vmem>>) target(%dma_start3A_99 : memref<40x128xf32, #tpu.memory_space<vmem_shared>>) target_semaphore(%dma_start3A_97 : memref<!tpu.dma_semaphore, #tpu.memory_space<semaphore_mem>>)
    %mul3A_100 = arith.constant 640 : i32
    %mul3A_101 = arith.muli %arg1, %mul3A_100 : i32
    %add3A_102 = arith.constant 320 : i32
    %add3A_103 = arith.addi %mul3A_101, %add3A_102 : i32
    %dma_start3A_104 = arith.constant 0 : i32
    %dma_start3A_105 = arith.constant 0 : i32
    %dma_start3A_106 = tpu.memref_slice %arg5[%add3A_103, %dma_start3A_105] : memref<10240x128xf32, #tpu.memory_space<vmem_shared>> -> memref<40x128xf32, #tpu.memory_space<vmem_shared>>
    %dma_start3A_107 = tpu.memref_slice %arg18[%dma_start3A_104] : memref<5x!tpu.dma_semaphore, #tpu.memory_space<semaphore_mem>> -> memref<1x!tpu.dma_semaphore, #tpu.memory_space<semaphore_mem>>
    %dma_start3A_108 = tpu.memref_squeeze %dma_start3A_107 : memref<1x!tpu.dma_semaphore, #tpu.memory_space<semaphore_mem>> -> memref<!tpu.dma_semaphore, #tpu.memory_space<semaphore_mem>>
    %dma_start3A_109 = arith.constant 0 : i32
    %dma_start3A_110 = tpu.memref_slice %arg5[%add3A_103, %dma_start3A_109] : memref<10240x128xf32, #tpu.memory_space<vmem_shared>> -> memref<40x128xf32, #tpu.memory_space<vmem_shared>>
    tpu.enqueue_dma source(%arg12 : memref<40x128xf32, #tpu.memory_space<vmem>>) target(%dma_start3A_110 : memref<40x128xf32, #tpu.memory_space<vmem_shared>>) target_semaphore(%dma_start3A_108 : memref<!tpu.dma_semaphore, #tpu.memory_space<semaphore_mem>>)
    %mul3A_111 = arith.constant 640 : i32
    %mul3A_112 = arith.muli %arg1, %mul3A_111 : i32
    %add3A_113 = arith.constant 360 : i32
    %add3A_114 = arith.addi %mul3A_112, %add3A_113 : i32
    %dma_start3A_115 = arith.constant 0 : i32
    %dma_start3A_116 = arith.constant 0 : i32
    %dma_start3A_117 = tpu.memref_slice %arg5[%add3A_114, %dma_start3A_116] : memref<10240x128xf32, #tpu.memory_space<vmem_shared>> -> memref<40x128xf32, #tpu.memory_space<vmem_shared>>
    %dma_start3A_118 = tpu.memref_slice %arg18[%dma_start3A_115] : memref<5x!tpu.dma_semaphore, #tpu.memory_space<semaphore_mem>> -> memref<1x!tpu.dma_semaphore, #tpu.memory_space<semaphore_mem>>
    %dma_start3A_119 = tpu.memref_squeeze %dma_start3A_118 : memref<1x!tpu.dma_semaphore, #tpu.memory_space<semaphore_mem>> -> memref<!tpu.dma_semaphore, #tpu.memory_space<semaphore_mem>>
    %dma_start3A_120 = arith.constant 0 : i32
    %dma_start3A_121 = tpu.memref_slice %arg5[%add3A_114, %dma_start3A_120] : memref<10240x128xf32, #tpu.memory_space<vmem_shared>> -> memref<40x128xf32, #tpu.memory_space<vmem_shared>>
    tpu.enqueue_dma source(%arg12 : memref<40x128xf32, #tpu.memory_space<vmem>>) target(%dma_start3A_121 : memref<40x128xf32, #tpu.memory_space<vmem_shared>>) target_semaphore(%dma_start3A_119 : memref<!tpu.dma_semaphore, #tpu.memory_space<semaphore_mem>>)
    %mul3A_122 = arith.constant 640 : i32
    %mul3A_123 = arith.muli %arg1, %mul3A_122 : i32
    %add3A_124 = arith.constant 400 : i32
    %add3A_125 = arith.addi %mul3A_123, %add3A_124 : i32
    %dma_start3A_126 = arith.constant 0 : i32
    %dma_start3A_127 = arith.constant 0 : i32
    %dma_start3A_128 = tpu.memref_slice %arg5[%add3A_125, %dma_start3A_127] : memref<10240x128xf32, #tpu.memory_space<vmem_shared>> -> memref<40x128xf32, #tpu.memory_space<vmem_shared>>
    %dma_start3A_129 = tpu.memref_slice %arg18[%dma_start3A_126] : memref<5x!tpu.dma_semaphore, #tpu.memory_space<semaphore_mem>> -> memref<1x!tpu.dma_semaphore, #tpu.memory_space<semaphore_mem>>
    %dma_start3A_130 = tpu.memref_squeeze %dma_start3A_129 : memref<1x!tpu.dma_semaphore, #tpu.memory_space<semaphore_mem>> -> memref<!tpu.dma_semaphore, #tpu.memory_space<semaphore_mem>>
    %dma_start3A_131 = arith.constant 0 : i32
    %dma_start3A_132 = tpu.memref_slice %arg5[%add3A_125, %dma_start3A_131] : memref<10240x128xf32, #tpu.memory_space<vmem_shared>> -> memref<40x128xf32, #tpu.memory_space<vmem_shared>>
    tpu.enqueue_dma source(%arg12 : memref<40x128xf32, #tpu.memory_space<vmem>>) target(%dma_start3A_132 : memref<40x128xf32, #tpu.memory_space<vmem_shared>>) target_semaphore(%dma_start3A_130 : memref<!tpu.dma_semaphore, #tpu.memory_space<semaphore_mem>>)
    %mul3A_133 = arith.constant 640 : i32
    %mul3A_134 = arith.muli %arg1, %mul3A_133 : i32
    %add3A_135 = arith.constant 440 : i32
    %add3A_136 = arith.addi %mul3A_134, %add3A_135 : i32
    %dma_start3A_137 = arith.constant 0 : i32
    %dma_start3A_138 = arith.constant 0 : i32
    %dma_start3A_139 = tpu.memref_slice %arg5[%add3A_136, %dma_start3A_138] : memref<10240x128xf32, #tpu.memory_space<vmem_shared>> -> memref<40x128xf32, #tpu.memory_space<vmem_shared>>
    %dma_start3A_140 = tpu.memref_slice %arg18[%dma_start3A_137] : memref<5x!tpu.dma_semaphore, #tpu.memory_space<semaphore_mem>> -> memref<1x!tpu.dma_semaphore, #tpu.memory_space<semaphore_mem>>
    %dma_start3A_141 = tpu.memref_squeeze %dma_start3A_140 : memref<1x!tpu.dma_semaphore, #tpu.memory_space<semaphore_mem>> -> memref<!tpu.dma_semaphore, #tpu.memory_space<semaphore_mem>>
    %dma_start3A_142 = arith.constant 0 : i32
    %dma_start3A_143 = tpu.memref_slice %arg5[%add3A_136, %dma_start3A_142] : memref<10240x128xf32, #tpu.memory_space<vmem_shared>> -> memref<40x128xf32, #tpu.memory_space<vmem_shared>>
    tpu.enqueue_dma source(%arg12 : memref<40x128xf32, #tpu.memory_space<vmem>>) target(%dma_start3A_143 : memref<40x128xf32, #tpu.memory_space<vmem_shared>>) target_semaphore(%dma_start3A_141 : memref<!tpu.dma_semaphore, #tpu.memory_space<semaphore_mem>>)
    %mul3A_144 = arith.constant 640 : i32
    %mul3A_145 = arith.muli %arg1, %mul3A_144 : i32
    %add3A_146 = arith.constant 480 : i32
    %add3A_147 = arith.addi %mul3A_145, %add3A_146 : i32
    %dma_start3A_148 = arith.constant 0 : i32
    %dma_start3A_149 = arith.constant 0 : i32
    %dma_start3A_150 = tpu.memref_slice %arg5[%add3A_147, %dma_start3A_149] : memref<10240x128xf32, #tpu.memory_space<vmem_shared>> -> memref<40x128xf32, #tpu.memory_space<vmem_shared>>
    %dma_start3A_151 = tpu.memref_slice %arg18[%dma_start3A_148] : memref<5x!tpu.dma_semaphore, #tpu.memory_space<semaphore_mem>> -> memref<1x!tpu.dma_semaphore, #tpu.memory_space<semaphore_mem>>
    %dma_start3A_152 = tpu.memref_squeeze %dma_start3A_151 : memref<1x!tpu.dma_semaphore, #tpu.memory_space<semaphore_mem>> -> memref<!tpu.dma_semaphore, #tpu.memory_space<semaphore_mem>>
    %dma_start3A_153 = arith.constant 0 : i32
    %dma_start3A_154 = tpu.memref_slice %arg5[%add3A_147, %dma_start3A_153] : memref<10240x128xf32, #tpu.memory_space<vmem_shared>> -> memref<40x128xf32, #tpu.memory_space<vmem_shared>>
    tpu.enqueue_dma source(%arg12 : memref<40x128xf32, #tpu.memory_space<vmem>>) target(%dma_start3A_154 : memref<40x128xf32, #tpu.memory_space<vmem_shared>>) target_semaphore(%dma_start3A_152 : memref<!tpu.dma_semaphore, #tpu.memory_space<semaphore_mem>>)
    %mul3A_155 = arith.constant 640 : i32
    %mul3A_156 = arith.muli %arg1, %mul3A_155 : i32
    %add3A_157 = arith.constant 520 : i32
    %add3A_158 = arith.addi %mul3A_156, %add3A_157 : i32
    %dma_start3A_159 = arith.constant 0 : i32
    %dma_start3A_160 = arith.constant 0 : i32
    %dma_start3A_161 = tpu.memref_slice %arg5[%add3A_158, %dma_start3A_160] : memref<10240x128xf32, #tpu.memory_space<vmem_shared>> -> memref<40x128xf32, #tpu.memory_space<vmem_shared>>
    %dma_start3A_162 = tpu.memref_slice %arg18[%dma_start3A_159] : memref<5x!tpu.dma_semaphore, #tpu.memory_space<semaphore_mem>> -> memref<1x!tpu.dma_semaphore, #tpu.memory_space<semaphore_mem>>
    %dma_start3A_163 = tpu.memref_squeeze %dma_start3A_162 : memref<1x!tpu.dma_semaphore, #tpu.memory_space<semaphore_mem>> -> memref<!tpu.dma_semaphore, #tpu.memory_space<semaphore_mem>>
    %dma_start3A_164 = arith.constant 0 : i32
    %dma_start3A_165 = tpu.memref_slice %arg5[%add3A_158, %dma_start3A_164] : memref<10240x128xf32, #tpu.memory_space<vmem_shared>> -> memref<40x128xf32, #tpu.memory_space<vmem_shared>>
    tpu.enqueue_dma source(%arg12 : memref<40x128xf32, #tpu.memory_space<vmem>>) target(%dma_start3A_165 : memref<40x128xf32, #tpu.memory_space<vmem_shared>>) target_semaphore(%dma_start3A_163 : memref<!tpu.dma_semaphore, #tpu.memory_space<semaphore_mem>>)
    %mul3A_166 = arith.constant 640 : i32
    %mul3A_167 = arith.muli %arg1, %mul3A_166 : i32
    %add3A_168 = arith.constant 560 : i32
    %add3A_169 = arith.addi %mul3A_167, %add3A_168 : i32
    %dma_start3A_170 = arith.constant 0 : i32
    %dma_start3A_171 = arith.constant 0 : i32
    %dma_start3A_172 = tpu.memref_slice %arg5[%add3A_169, %dma_start3A_171] : memref<10240x128xf32, #tpu.memory_space<vmem_shared>> -> memref<40x128xf32, #tpu.memory_space<vmem_shared>>
    %dma_start3A_173 = tpu.memref_slice %arg18[%dma_start3A_170] : memref<5x!tpu.dma_semaphore, #tpu.memory_space<semaphore_mem>> -> memref<1x!tpu.dma_semaphore, #tpu.memory_space<semaphore_mem>>
    %dma_start3A_174 = tpu.memref_squeeze %dma_start3A_173 : memref<1x!tpu.dma_semaphore, #tpu.memory_space<semaphore_mem>> -> memref<!tpu.dma_semaphore, #tpu.memory_space<semaphore_mem>>
    %dma_start3A_175 = arith.constant 0 : i32
    %dma_start3A_176 = tpu.memref_slice %arg5[%add3A_169, %dma_start3A_175] : memref<10240x128xf32, #tpu.memory_space<vmem_shared>> -> memref<40x128xf32, #tpu.memory_space<vmem_shared>>
    tpu.enqueue_dma source(%arg12 : memref<40x128xf32, #tpu.memory_space<vmem>>) target(%dma_start3A_176 : memref<40x128xf32, #tpu.memory_space<vmem_shared>>) target_semaphore(%dma_start3A_174 : memref<!tpu.dma_semaphore, #tpu.memory_space<semaphore_mem>>)
    %mul3A_177 = arith.constant 640 : i32
    %mul3A_178 = arith.muli %arg1, %mul3A_177 : i32
    %add3A_179 = arith.constant 600 : i32
    %add3A_180 = arith.addi %mul3A_178, %add3A_179 : i32
    %dma_start3A_181 = arith.constant 0 : i32
    %dma_start3A_182 = arith.constant 0 : i32
    %dma_start3A_183 = tpu.memref_slice %arg5[%add3A_180, %dma_start3A_182] : memref<10240x128xf32, #tpu.memory_space<vmem_shared>> -> memref<40x128xf32, #tpu.memory_space<vmem_shared>>
    %dma_start3A_184 = tpu.memref_slice %arg18[%dma_start3A_181] : memref<5x!tpu.dma_semaphore, #tpu.memory_space<semaphore_mem>> -> memref<1x!tpu.dma_semaphore, #tpu.memory_space<semaphore_mem>>
    %dma_start3A_185 = tpu.memref_squeeze %dma_start3A_184 : memref<1x!tpu.dma_semaphore, #tpu.memory_space<semaphore_mem>> -> memref<!tpu.dma_semaphore, #tpu.memory_space<semaphore_mem>>
    %dma_start3A_186 = arith.constant 0 : i32
    %dma_start3A_187 = tpu.memref_slice %arg5[%add3A_180, %dma_start3A_186] : memref<10240x128xf32, #tpu.memory_space<vmem_shared>> -> memref<40x128xf32, #tpu.memory_space<vmem_shared>>
    tpu.enqueue_dma source(%arg12 : memref<40x128xf32, #tpu.memory_space<vmem>>) target(%dma_start3A_187 : memref<40x128xf32, #tpu.memory_space<vmem_shared>>) target_semaphore(%dma_start3A_185 : memref<!tpu.dma_semaphore, #tpu.memory_space<semaphore_mem>>)
    %mul3A_188 = arith.constant 640 : i32
    %mul3A_189 = arith.muli %arg1, %mul3A_188 : i32
    %add3A_190 = arith.constant 0 : i32
    %add3A_191 = arith.addi %mul3A_189, %add3A_190 : i32
    %dma_wait3A = arith.constant 0 : i32
    %dma_wait3A_192 = arith.constant 0 : i32
    %dma_wait3A_193 = tpu.memref_slice %arg5[%add3A_191, %dma_wait3A_192] : memref<10240x128xf32, #tpu.memory_space<vmem_shared>> -> memref<40x128xf32, #tpu.memory_space<vmem_shared>>
    %dma_wait3A_194 = tpu.memref_slice %arg18[%dma_wait3A] : memref<5x!tpu.dma_semaphore, #tpu.memory_space<semaphore_mem>> -> memref<1x!tpu.dma_semaphore, #tpu.memory_space<semaphore_mem>>
    %dma_wait3A_195 = tpu.memref_squeeze %dma_wait3A_194 : memref<1x!tpu.dma_semaphore, #tpu.memory_space<semaphore_mem>> -> memref<!tpu.dma_semaphore, #tpu.memory_space<semaphore_mem>>
    %dma_wait3A_196 = arith.constant 0 : i32
    %dma_wait3A_197 = tpu.memref_slice %arg5[%add3A_191, %dma_wait3A_196] : memref<10240x128xf32, #tpu.memory_space<vmem_shared>> -> memref<40x128xf32, #tpu.memory_space<vmem_shared>>
    tpu.wait_dma2 semaphore(%dma_wait3A_195 : memref<!tpu.dma_semaphore, #tpu.memory_space<semaphore_mem>>) src(%arg12 : memref<40x128xf32, #tpu.memory_space<vmem>>) dst(%dma_wait3A_197 : memref<40x128xf32, #tpu.memory_space<vmem_shared>>)
    %mul3A_198 = arith.constant 640 : i32
    %mul3A_199 = arith.muli %arg1, %mul3A_198 : i32
    %add3A_200 = arith.constant 40 : i32
    %add3A_201 = arith.addi %mul3A_199, %add3A_200 : i32
    %dma_wait3A_202 = arith.constant 0 : i32
    %dma_wait3A_203 = arith.constant 0 : i32
    %dma_wait3A_204 = tpu.memref_slice %arg5[%add3A_201, %dma_wait3A_203] : memref<10240x128xf32, #tpu.memory_space<vmem_shared>> -> memref<40x128xf32, #tpu.memory_space<vmem_shared>>
    %dma_wait3A_205 = tpu.memref_slice %arg18[%dma_wait3A_202] : memref<5x!tpu.dma_semaphore, #tpu.memory_space<semaphore_mem>> -> memref<1x!tpu.dma_semaphore, #tpu.memory_space<semaphore_mem>>
    %dma_wait3A_206 = tpu.memref_squeeze %dma_wait3A_205 : memref<1x!tpu.dma_semaphore, #tpu.memory_space<semaphore_mem>> -> memref<!tpu.dma_semaphore, #tpu.memory_space<semaphore_mem>>
    %dma_wait3A_207 = arith.constant 0 : i32
    %dma_wait3A_208 = tpu.memref_slice %arg5[%add3A_201, %dma_wait3A_207] : memref<10240x128xf32, #tpu.memory_space<vmem_shared>> -> memref<40x128xf32, #tpu.memory_space<vmem_shared>>
    tpu.wait_dma2 semaphore(%dma_wait3A_206 : memref<!tpu.dma_semaphore, #tpu.memory_space<semaphore_mem>>) src(%arg12 : memref<40x128xf32, #tpu.memory_space<vmem>>) dst(%dma_wait3A_208 : memref<40x128xf32, #tpu.memory_space<vmem_shared>>)
    %mul3A_209 = arith.constant 640 : i32
    %mul3A_210 = arith.muli %arg1, %mul3A_209 : i32
    %add3A_211 = arith.constant 80 : i32
    %add3A_212 = arith.addi %mul3A_210, %add3A_211 : i32
    %dma_wait3A_213 = arith.constant 0 : i32
    %dma_wait3A_214 = arith.constant 0 : i32
    %dma_wait3A_215 = tpu.memref_slice %arg5[%add3A_212, %dma_wait3A_214] : memref<10240x128xf32, #tpu.memory_space<vmem_shared>> -> memref<40x128xf32, #tpu.memory_space<vmem_shared>>
    %dma_wait3A_216 = tpu.memref_slice %arg18[%dma_wait3A_213] : memref<5x!tpu.dma_semaphore, #tpu.memory_space<semaphore_mem>> -> memref<1x!tpu.dma_semaphore, #tpu.memory_space<semaphore_mem>>
    %dma_wait3A_217 = tpu.memref_squeeze %dma_wait3A_216 : memref<1x!tpu.dma_semaphore, #tpu.memory_space<semaphore_mem>> -> memref<!tpu.dma_semaphore, #tpu.memory_space<semaphore_mem>>
    %dma_wait3A_218 = arith.constant 0 : i32
    %dma_wait3A_219 = tpu.memref_slice %arg5[%add3A_212, %dma_wait3A_218] : memref<10240x128xf32, #tpu.memory_space<vmem_shared>> -> memref<40x128xf32, #tpu.memory_space<vmem_shared>>
    tpu.wait_dma2 semaphore(%dma_wait3A_217 : memref<!tpu.dma_semaphore, #tpu.memory_space<semaphore_mem>>) src(%arg12 : memref<40x128xf32, #tpu.memory_space<vmem>>) dst(%dma_wait3A_219 : memref<40x128xf32, #tpu.memory_space<vmem_shared>>)
    %mul3A_220 = arith.constant 640 : i32
    %mul3A_221 = arith.muli %arg1, %mul3A_220 : i32
    %add3A_222 = arith.constant 120 : i32
    %add3A_223 = arith.addi %mul3A_221, %add3A_222 : i32
    %dma_wait3A_224 = arith.constant 0 : i32
    %dma_wait3A_225 = arith.constant 0 : i32
    %dma_wait3A_226 = tpu.memref_slice %arg5[%add3A_223, %dma_wait3A_225] : memref<10240x128xf32, #tpu.memory_space<vmem_shared>> -> memref<40x128xf32, #tpu.memory_space<vmem_shared>>
    %dma_wait3A_227 = tpu.memref_slice %arg18[%dma_wait3A_224] : memref<5x!tpu.dma_semaphore, #tpu.memory_space<semaphore_mem>> -> memref<1x!tpu.dma_semaphore, #tpu.memory_space<semaphore_mem>>
    %dma_wait3A_228 = tpu.memref_squeeze %dma_wait3A_227 : memref<1x!tpu.dma_semaphore, #tpu.memory_space<semaphore_mem>> -> memref<!tpu.dma_semaphore, #tpu.memory_space<semaphore_mem>>
    %dma_wait3A_229 = arith.constant 0 : i32
    %dma_wait3A_230 = tpu.memref_slice %arg5[%add3A_223, %dma_wait3A_229] : memref<10240x128xf32, #tpu.memory_space<vmem_shared>> -> memref<40x128xf32, #tpu.memory_space<vmem_shared>>
    tpu.wait_dma2 semaphore(%dma_wait3A_228 : memref<!tpu.dma_semaphore, #tpu.memory_space<semaphore_mem>>) src(%arg12 : memref<40x128xf32, #tpu.memory_space<vmem>>) dst(%dma_wait3A_230 : memref<40x128xf32, #tpu.memory_space<vmem_shared>>)
    %mul3A_231 = arith.constant 640 : i32
    %mul3A_232 = arith.muli %arg1, %mul3A_231 : i32
    %add3A_233 = arith.constant 160 : i32
    %add3A_234 = arith.addi %mul3A_232, %add3A_233 : i32
    %dma_wait3A_235 = arith.constant 0 : i32
    %dma_wait3A_236 = arith.constant 0 : i32
    %dma_wait3A_237 = tpu.memref_slice %arg5[%add3A_234, %dma_wait3A_236] : memref<10240x128xf32, #tpu.memory_space<vmem_shared>> -> memref<40x128xf32, #tpu.memory_space<vmem_shared>>
    %dma_wait3A_238 = tpu.memref_slice %arg18[%dma_wait3A_235] : memref<5x!tpu.dma_semaphore, #tpu.memory_space<semaphore_mem>> -> memref<1x!tpu.dma_semaphore, #tpu.memory_space<semaphore_mem>>
    %dma_wait3A_239 = tpu.memref_squeeze %dma_wait3A_238 : memref<1x!tpu.dma_semaphore, #tpu.memory_space<semaphore_mem>> -> memref<!tpu.dma_semaphore, #tpu.memory_space<semaphore_mem>>
    %dma_wait3A_240 = arith.constant 0 : i32
    %dma_wait3A_241 = tpu.memref_slice %arg5[%add3A_234, %dma_wait3A_240] : memref<10240x128xf32, #tpu.memory_space<vmem_shared>> -> memref<40x128xf32, #tpu.memory_space<vmem_shared>>
    tpu.wait_dma2 semaphore(%dma_wait3A_239 : memref<!tpu.dma_semaphore, #tpu.memory_space<semaphore_mem>>) src(%arg12 : memref<40x128xf32, #tpu.memory_space<vmem>>) dst(%dma_wait3A_241 : memref<40x128xf32, #tpu.memory_space<vmem_shared>>)
    %mul3A_242 = arith.constant 640 : i32
    %mul3A_243 = arith.muli %arg1, %mul3A_242 : i32
    %add3A_244 = arith.constant 200 : i32
    %add3A_245 = arith.addi %mul3A_243, %add3A_244 : i32
    %dma_wait3A_246 = arith.constant 0 : i32
    %dma_wait3A_247 = arith.constant 0 : i32
    %dma_wait3A_248 = tpu.memref_slice %arg5[%add3A_245, %dma_wait3A_247] : memref<10240x128xf32, #tpu.memory_space<vmem_shared>> -> memref<40x128xf32, #tpu.memory_space<vmem_shared>>
    %dma_wait3A_249 = tpu.memref_slice %arg18[%dma_wait3A_246] : memref<5x!tpu.dma_semaphore, #tpu.memory_space<semaphore_mem>> -> memref<1x!tpu.dma_semaphore, #tpu.memory_space<semaphore_mem>>
    %dma_wait3A_250 = tpu.memref_squeeze %dma_wait3A_249 : memref<1x!tpu.dma_semaphore, #tpu.memory_space<semaphore_mem>> -> memref<!tpu.dma_semaphore, #tpu.memory_space<semaphore_mem>>
    %dma_wait3A_251 = arith.constant 0 : i32
    %dma_wait3A_252 = tpu.memref_slice %arg5[%add3A_245, %dma_wait3A_251] : memref<10240x128xf32, #tpu.memory_space<vmem_shared>> -> memref<40x128xf32, #tpu.memory_space<vmem_shared>>
    tpu.wait_dma2 semaphore(%dma_wait3A_250 : memref<!tpu.dma_semaphore, #tpu.memory_space<semaphore_mem>>) src(%arg12 : memref<40x128xf32, #tpu.memory_space<vmem>>) dst(%dma_wait3A_252 : memref<40x128xf32, #tpu.memory_space<vmem_shared>>)
    %mul3A_253 = arith.constant 640 : i32
    %mul3A_254 = arith.muli %arg1, %mul3A_253 : i32
    %add3A_255 = arith.constant 240 : i32
    %add3A_256 = arith.addi %mul3A_254, %add3A_255 : i32
    %dma_wait3A_257 = arith.constant 0 : i32
    %dma_wait3A_258 = arith.constant 0 : i32
    %dma_wait3A_259 = tpu.memref_slice %arg5[%add3A_256, %dma_wait3A_258] : memref<10240x128xf32, #tpu.memory_space<vmem_shared>> -> memref<40x128xf32, #tpu.memory_space<vmem_shared>>
    %dma_wait3A_260 = tpu.memref_slice %arg18[%dma_wait3A_257] : memref<5x!tpu.dma_semaphore, #tpu.memory_space<semaphore_mem>> -> memref<1x!tpu.dma_semaphore, #tpu.memory_space<semaphore_mem>>
    %dma_wait3A_261 = tpu.memref_squeeze %dma_wait3A_260 : memref<1x!tpu.dma_semaphore, #tpu.memory_space<semaphore_mem>> -> memref<!tpu.dma_semaphore, #tpu.memory_space<semaphore_mem>>
    %dma_wait3A_262 = arith.constant 0 : i32
    %dma_wait3A_263 = tpu.memref_slice %arg5[%add3A_256, %dma_wait3A_262] : memref<10240x128xf32, #tpu.memory_space<vmem_shared>> -> memref<40x128xf32, #tpu.memory_space<vmem_shared>>
    tpu.wait_dma2 semaphore(%dma_wait3A_261 : memref<!tpu.dma_semaphore, #tpu.memory_space<semaphore_mem>>) src(%arg12 : memref<40x128xf32, #tpu.memory_space<vmem>>) dst(%dma_wait3A_263 : memref<40x128xf32, #tpu.memory_space<vmem_shared>>)
    %mul3A_264 = arith.constant 640 : i32
    %mul3A_265 = arith.muli %arg1, %mul3A_264 : i32
    %add3A_266 = arith.constant 280 : i32
    %add3A_267 = arith.addi %mul3A_265, %add3A_266 : i32
    %dma_wait3A_268 = arith.constant 0 : i32
    %dma_wait3A_269 = arith.constant 0 : i32
    %dma_wait3A_270 = tpu.memref_slice %arg5[%add3A_267, %dma_wait3A_269] : memref<10240x128xf32, #tpu.memory_space<vmem_shared>> -> memref<40x128xf32, #tpu.memory_space<vmem_shared>>
    %dma_wait3A_271 = tpu.memref_slice %arg18[%dma_wait3A_268] : memref<5x!tpu.dma_semaphore, #tpu.memory_space<semaphore_mem>> -> memref<1x!tpu.dma_semaphore, #tpu.memory_space<semaphore_mem>>
    %dma_wait3A_272 = tpu.memref_squeeze %dma_wait3A_271 : memref<1x!tpu.dma_semaphore, #tpu.memory_space<semaphore_mem>> -> memref<!tpu.dma_semaphore, #tpu.memory_space<semaphore_mem>>
    %dma_wait3A_273 = arith.constant 0 : i32
    %dma_wait3A_274 = tpu.memref_slice %arg5[%add3A_267, %dma_wait3A_273] : memref<10240x128xf32, #tpu.memory_space<vmem_shared>> -> memref<40x128xf32, #tpu.memory_space<vmem_shared>>
    tpu.wait_dma2 semaphore(%dma_wait3A_272 : memref<!tpu.dma_semaphore, #tpu.memory_space<semaphore_mem>>) src(%arg12 : memref<40x128xf32, #tpu.memory_space<vmem>>) dst(%dma_wait3A_274 : memref<40x128xf32, #tpu.memory_space<vmem_shared>>)
    %mul3A_275 = arith.constant 640 : i32
    %mul3A_276 = arith.muli %arg1, %mul3A_275 : i32
    %add3A_277 = arith.constant 320 : i32
    %add3A_278 = arith.addi %mul3A_276, %add3A_277 : i32
    %dma_wait3A_279 = arith.constant 0 : i32
    %dma_wait3A_280 = arith.constant 0 : i32
    %dma_wait3A_281 = tpu.memref_slice %arg5[%add3A_278, %dma_wait3A_280] : memref<10240x128xf32, #tpu.memory_space<vmem_shared>> -> memref<40x128xf32, #tpu.memory_space<vmem_shared>>
    %dma_wait3A_282 = tpu.memref_slice %arg18[%dma_wait3A_279] : memref<5x!tpu.dma_semaphore, #tpu.memory_space<semaphore_mem>> -> memref<1x!tpu.dma_semaphore, #tpu.memory_space<semaphore_mem>>
    %dma_wait3A_283 = tpu.memref_squeeze %dma_wait3A_282 : memref<1x!tpu.dma_semaphore, #tpu.memory_space<semaphore_mem>> -> memref<!tpu.dma_semaphore, #tpu.memory_space<semaphore_mem>>
    %dma_wait3A_284 = arith.constant 0 : i32
    %dma_wait3A_285 = tpu.memref_slice %arg5[%add3A_278, %dma_wait3A_284] : memref<10240x128xf32, #tpu.memory_space<vmem_shared>> -> memref<40x128xf32, #tpu.memory_space<vmem_shared>>
    tpu.wait_dma2 semaphore(%dma_wait3A_283 : memref<!tpu.dma_semaphore, #tpu.memory_space<semaphore_mem>>) src(%arg12 : memref<40x128xf32, #tpu.memory_space<vmem>>) dst(%dma_wait3A_285 : memref<40x128xf32, #tpu.memory_space<vmem_shared>>)
    %mul3A_286 = arith.constant 640 : i32
    %mul3A_287 = arith.muli %arg1, %mul3A_286 : i32
    %add3A_288 = arith.constant 360 : i32
    %add3A_289 = arith.addi %mul3A_287, %add3A_288 : i32
    %dma_wait3A_290 = arith.constant 0 : i32
    %dma_wait3A_291 = arith.constant 0 : i32
    %dma_wait3A_292 = tpu.memref_slice %arg5[%add3A_289, %dma_wait3A_291] : memref<10240x128xf32, #tpu.memory_space<vmem_shared>> -> memref<40x128xf32, #tpu.memory_space<vmem_shared>>
    %dma_wait3A_293 = tpu.memref_slice %arg18[%dma_wait3A_290] : memref<5x!tpu.dma_semaphore, #tpu.memory_space<semaphore_mem>> -> memref<1x!tpu.dma_semaphore, #tpu.memory_space<semaphore_mem>>
    %dma_wait3A_294 = tpu.memref_squeeze %dma_wait3A_293 : memref<1x!tpu.dma_semaphore, #tpu.memory_space<semaphore_mem>> -> memref<!tpu.dma_semaphore, #tpu.memory_space<semaphore_mem>>
    %dma_wait3A_295 = arith.constant 0 : i32
    %dma_wait3A_296 = tpu.memref_slice %arg5[%add3A_289, %dma_wait3A_295] : memref<10240x128xf32, #tpu.memory_space<vmem_shared>> -> memref<40x128xf32, #tpu.memory_space<vmem_shared>>
    tpu.wait_dma2 semaphore(%dma_wait3A_294 : memref<!tpu.dma_semaphore, #tpu.memory_space<semaphore_mem>>) src(%arg12 : memref<40x128xf32, #tpu.memory_space<vmem>>) dst(%dma_wait3A_296 : memref<40x128xf32, #tpu.memory_space<vmem_shared>>)
    %mul3A_297 = arith.constant 640 : i32
    %mul3A_298 = arith.muli %arg1, %mul3A_297 : i32
    %add3A_299 = arith.constant 400 : i32
    %add3A_300 = arith.addi %mul3A_298, %add3A_299 : i32
    %dma_wait3A_301 = arith.constant 0 : i32
    %dma_wait3A_302 = arith.constant 0 : i32
    %dma_wait3A_303 = tpu.memref_slice %arg5[%add3A_300, %dma_wait3A_302] : memref<10240x128xf32, #tpu.memory_space<vmem_shared>> -> memref<40x128xf32, #tpu.memory_space<vmem_shared>>
    %dma_wait3A_304 = tpu.memref_slice %arg18[%dma_wait3A_301] : memref<5x!tpu.dma_semaphore, #tpu.memory_space<semaphore_mem>> -> memref<1x!tpu.dma_semaphore, #tpu.memory_space<semaphore_mem>>
    %dma_wait3A_305 = tpu.memref_squeeze %dma_wait3A_304 : memref<1x!tpu.dma_semaphore, #tpu.memory_space<semaphore_mem>> -> memref<!tpu.dma_semaphore, #tpu.memory_space<semaphore_mem>>
    %dma_wait3A_306 = arith.constant 0 : i32
    %dma_wait3A_307 = tpu.memref_slice %arg5[%add3A_300, %dma_wait3A_306] : memref<10240x128xf32, #tpu.memory_space<vmem_shared>> -> memref<40x128xf32, #tpu.memory_space<vmem_shared>>
    tpu.wait_dma2 semaphore(%dma_wait3A_305 : memref<!tpu.dma_semaphore, #tpu.memory_space<semaphore_mem>>) src(%arg12 : memref<40x128xf32, #tpu.memory_space<vmem>>) dst(%dma_wait3A_307 : memref<40x128xf32, #tpu.memory_space<vmem_shared>>)
    %mul3A_308 = arith.constant 640 : i32
    %mul3A_309 = arith.muli %arg1, %mul3A_308 : i32
    %add3A_310 = arith.constant 440 : i32
    %add3A_311 = arith.addi %mul3A_309, %add3A_310 : i32
    %dma_wait3A_312 = arith.constant 0 : i32
    %dma_wait3A_313 = arith.constant 0 : i32
    %dma_wait3A_314 = tpu.memref_slice %arg5[%add3A_311, %dma_wait3A_313] : memref<10240x128xf32, #tpu.memory_space<vmem_shared>> -> memref<40x128xf32, #tpu.memory_space<vmem_shared>>
    %dma_wait3A_315 = tpu.memref_slice %arg18[%dma_wait3A_312] : memref<5x!tpu.dma_semaphore, #tpu.memory_space<semaphore_mem>> -> memref<1x!tpu.dma_semaphore, #tpu.memory_space<semaphore_mem>>
    %dma_wait3A_316 = tpu.memref_squeeze %dma_wait3A_315 : memref<1x!tpu.dma_semaphore, #tpu.memory_space<semaphore_mem>> -> memref<!tpu.dma_semaphore, #tpu.memory_space<semaphore_mem>>
    %dma_wait3A_317 = arith.constant 0 : i32
    %dma_wait3A_318 = tpu.memref_slice %arg5[%add3A_311, %dma_wait3A_317] : memref<10240x128xf32, #tpu.memory_space<vmem_shared>> -> memref<40x128xf32, #tpu.memory_space<vmem_shared>>
    tpu.wait_dma2 semaphore(%dma_wait3A_316 : memref<!tpu.dma_semaphore, #tpu.memory_space<semaphore_mem>>) src(%arg12 : memref<40x128xf32, #tpu.memory_space<vmem>>) dst(%dma_wait3A_318 : memref<40x128xf32, #tpu.memory_space<vmem_shared>>)
    %mul3A_319 = arith.constant 640 : i32
    %mul3A_320 = arith.muli %arg1, %mul3A_319 : i32
    %add3A_321 = arith.constant 480 : i32
    %add3A_322 = arith.addi %mul3A_320, %add3A_321 : i32
    %dma_wait3A_323 = arith.constant 0 : i32
    %dma_wait3A_324 = arith.constant 0 : i32
    %dma_wait3A_325 = tpu.memref_slice %arg5[%add3A_322, %dma_wait3A_324] : memref<10240x128xf32, #tpu.memory_space<vmem_shared>> -> memref<40x128xf32, #tpu.memory_space<vmem_shared>>
    %dma_wait3A_326 = tpu.memref_slice %arg18[%dma_wait3A_323] : memref<5x!tpu.dma_semaphore, #tpu.memory_space<semaphore_mem>> -> memref<1x!tpu.dma_semaphore, #tpu.memory_space<semaphore_mem>>
    %dma_wait3A_327 = tpu.memref_squeeze %dma_wait3A_326 : memref<1x!tpu.dma_semaphore, #tpu.memory_space<semaphore_mem>> -> memref<!tpu.dma_semaphore, #tpu.memory_space<semaphore_mem>>
    %dma_wait3A_328 = arith.constant 0 : i32
    %dma_wait3A_329 = tpu.memref_slice %arg5[%add3A_322, %dma_wait3A_328] : memref<10240x128xf32, #tpu.memory_space<vmem_shared>> -> memref<40x128xf32, #tpu.memory_space<vmem_shared>>
    tpu.wait_dma2 semaphore(%dma_wait3A_327 : memref<!tpu.dma_semaphore, #tpu.memory_space<semaphore_mem>>) src(%arg12 : memref<40x128xf32, #tpu.memory_space<vmem>>) dst(%dma_wait3A_329 : memref<40x128xf32, #tpu.memory_space<vmem_shared>>)
    %mul3A_330 = arith.constant 640 : i32
    %mul3A_331 = arith.muli %arg1, %mul3A_330 : i32
    %add3A_332 = arith.constant 520 : i32
    %add3A_333 = arith.addi %mul3A_331, %add3A_332 : i32
    %dma_wait3A_334 = arith.constant 0 : i32
    %dma_wait3A_335 = arith.constant 0 : i32
    %dma_wait3A_336 = tpu.memref_slice %arg5[%add3A_333, %dma_wait3A_335] : memref<10240x128xf32, #tpu.memory_space<vmem_shared>> -> memref<40x128xf32, #tpu.memory_space<vmem_shared>>
    %dma_wait3A_337 = tpu.memref_slice %arg18[%dma_wait3A_334] : memref<5x!tpu.dma_semaphore, #tpu.memory_space<semaphore_mem>> -> memref<1x!tpu.dma_semaphore, #tpu.memory_space<semaphore_mem>>
    %dma_wait3A_338 = tpu.memref_squeeze %dma_wait3A_337 : memref<1x!tpu.dma_semaphore, #tpu.memory_space<semaphore_mem>> -> memref<!tpu.dma_semaphore, #tpu.memory_space<semaphore_mem>>
    %dma_wait3A_339 = arith.constant 0 : i32
    %dma_wait3A_340 = tpu.memref_slice %arg5[%add3A_333, %dma_wait3A_339] : memref<10240x128xf32, #tpu.memory_space<vmem_shared>> -> memref<40x128xf32, #tpu.memory_space<vmem_shared>>
    tpu.wait_dma2 semaphore(%dma_wait3A_338 : memref<!tpu.dma_semaphore, #tpu.memory_space<semaphore_mem>>) src(%arg12 : memref<40x128xf32, #tpu.memory_space<vmem>>) dst(%dma_wait3A_340 : memref<40x128xf32, #tpu.memory_space<vmem_shared>>)
    %mul3A_341 = arith.constant 640 : i32
    %mul3A_342 = arith.muli %arg1, %mul3A_341 : i32
    %add3A_343 = arith.constant 560 : i32
    %add3A_344 = arith.addi %mul3A_342, %add3A_343 : i32
    %dma_wait3A_345 = arith.constant 0 : i32
    %dma_wait3A_346 = arith.constant 0 : i32
    %dma_wait3A_347 = tpu.memref_slice %arg5[%add3A_344, %dma_wait3A_346] : memref<10240x128xf32, #tpu.memory_space<vmem_shared>> -> memref<40x128xf32, #tpu.memory_space<vmem_shared>>
    %dma_wait3A_348 = tpu.memref_slice %arg18[%dma_wait3A_345] : memref<5x!tpu.dma_semaphore, #tpu.memory_space<semaphore_mem>> -> memref<1x!tpu.dma_semaphore, #tpu.memory_space<semaphore_mem>>
    %dma_wait3A_349 = tpu.memref_squeeze %dma_wait3A_348 : memref<1x!tpu.dma_semaphore, #tpu.memory_space<semaphore_mem>> -> memref<!tpu.dma_semaphore, #tpu.memory_space<semaphore_mem>>
    %dma_wait3A_350 = arith.constant 0 : i32
    %dma_wait3A_351 = tpu.memref_slice %arg5[%add3A_344, %dma_wait3A_350] : memref<10240x128xf32, #tpu.memory_space<vmem_shared>> -> memref<40x128xf32, #tpu.memory_space<vmem_shared>>
    tpu.wait_dma2 semaphore(%dma_wait3A_349 : memref<!tpu.dma_semaphore, #tpu.memory_space<semaphore_mem>>) src(%arg12 : memref<40x128xf32, #tpu.memory_space<vmem>>) dst(%dma_wait3A_351 : memref<40x128xf32, #tpu.memory_space<vmem_shared>>)
    %mul3A_352 = arith.constant 640 : i32
    %mul3A_353 = arith.muli %arg1, %mul3A_352 : i32
    %add3A_354 = arith.constant 600 : i32
    %add3A_355 = arith.addi %mul3A_353, %add3A_354 : i32
    %dma_wait3A_356 = arith.constant 0 : i32
    %dma_wait3A_357 = arith.constant 0 : i32
    %dma_wait3A_358 = tpu.memref_slice %arg5[%add3A_355, %dma_wait3A_357] : memref<10240x128xf32, #tpu.memory_space<vmem_shared>> -> memref<40x128xf32, #tpu.memory_space<vmem_shared>>
    %dma_wait3A_359 = tpu.memref_slice %arg18[%dma_wait3A_356] : memref<5x!tpu.dma_semaphore, #tpu.memory_space<semaphore_mem>> -> memref<1x!tpu.dma_semaphore, #tpu.memory_space<semaphore_mem>>
    %dma_wait3A_360 = tpu.memref_squeeze %dma_wait3A_359 : memref<1x!tpu.dma_semaphore, #tpu.memory_space<semaphore_mem>> -> memref<!tpu.dma_semaphore, #tpu.memory_space<semaphore_mem>>
    %dma_wait3A_361 = arith.constant 0 : i32
    %dma_wait3A_362 = tpu.memref_slice %arg5[%add3A_355, %dma_wait3A_361] : memref<10240x128xf32, #tpu.memory_space<vmem_shared>> -> memref<40x128xf32, #tpu.memory_space<vmem_shared>>
    tpu.wait_dma2 semaphore(%dma_wait3A_360 : memref<!tpu.dma_semaphore, #tpu.memory_space<semaphore_mem>>) src(%arg12 : memref<40x128xf32, #tpu.memory_space<vmem>>) dst(%dma_wait3A_362 : memref<40x128xf32, #tpu.memory_space<vmem_shared>>)
    %dma_wait3A_363 = arith.constant 0 : i32
    %dma_wait3A_364 = tpu.memref_slice %arg3[%mul3A_2] : memref<640000xi32, #tpu.memory_space<hbm>> -> memref<10000xi32, #tpu.memory_space<hbm>>
    %dma_wait3A_365 = tpu.memref_slice %arg17[%dma_wait3A_363] : memref<5x!tpu.dma_semaphore, #tpu.memory_space<semaphore_mem>> -> memref<1x!tpu.dma_semaphore, #tpu.memory_space<semaphore_mem>>
    %dma_wait3A_366 = tpu.memref_squeeze %dma_wait3A_365 : memref<1x!tpu.dma_semaphore, #tpu.memory_space<semaphore_mem>> -> memref<!tpu.dma_semaphore, #tpu.memory_space<semaphore_mem>>
    %dma_wait3A_367 = tpu.memref_slice %arg3[%mul3A_2] : memref<640000xi32, #tpu.memory_space<hbm>> -> memref<10000xi32, #tpu.memory_space<hbm>>
    tpu.wait_dma2 semaphore(%dma_wait3A_366 : memref<!tpu.dma_semaphore, #tpu.memory_space<semaphore_mem>>) src(%dma_wait3A_367 : memref<10000xi32, #tpu.memory_space<hbm>>) dst(%arg6 : memref<10000xi32, #tpu.memory_space<vmem>>)
    %barrier3A = arith.constant 0 : index
    tpu.barrier barrier_id(%barrier3A)
    %add3A_368 = arith.constant 320000 : i32
    %add3A_369 = arith.addi %add3A_368, %mul3A_2 : i32
    %add3A_370 = arith.constant 0 : i32
    %add3A_371 = arith.addi %add3A_369, %add3A_370 : i32
    %dma_start3A_372 = arith.constant 0 : i32
    %dma_start3A_373 = arith.constant 0 : i32
    %dma_start3A_374 = arith.constant 0 : i32
    %dma_start3A_375 = tpu.memref_slice %arg7[%dma_start3A_372, %dma_start3A_374] : memref<1x40xi32, #tpu.memory_space<vmem>> -> memref<1x40xi32, #tpu.memory_space<vmem>>
    %dma_start3A_376 = tpu.memref_squeeze %dma_start3A_375 : memref<1x40xi32, #tpu.memory_space<vmem>> -> memref<40xi32, #tpu.memory_space<vmem>>
    %dma_start3A_377 = tpu.memref_slice %arg3[%add3A_371] : memref<640000xi32, #tpu.memory_space<hbm>> -> memref<40xi32, #tpu.memory_space<hbm>>
    %dma_start3A_378 = tpu.memref_slice %arg19[%dma_start3A_373] : memref<5x!tpu.dma_semaphore, #tpu.memory_space<semaphore_mem>> -> memref<1x!tpu.dma_semaphore, #tpu.memory_space<semaphore_mem>>
    %dma_start3A_379 = tpu.memref_squeeze %dma_start3A_378 : memref<1x!tpu.dma_semaphore, #tpu.memory_space<semaphore_mem>> -> memref<!tpu.dma_semaphore, #tpu.memory_space<semaphore_mem>>
    %dma_start3A_380 = arith.constant 0 : i32
    %dma_start3A_381 = tpu.memref_slice %arg7[%dma_start3A_372, %dma_start3A_380] : memref<1x40xi32, #tpu.memory_space<vmem>> -> memref<1x40xi32, #tpu.memory_space<vmem>>
    %dma_start3A_382 = tpu.memref_squeeze %dma_start3A_381 : memref<1x40xi32, #tpu.memory_space<vmem>> -> memref<40xi32, #tpu.memory_space<vmem>>
    %dma_start3A_383 = tpu.memref_slice %arg3[%add3A_371] : memref<640000xi32, #tpu.memory_space<hbm>> -> memref<40xi32, #tpu.memory_space<hbm>>
    tpu.enqueue_dma source(%dma_start3A_383 : memref<40xi32, #tpu.memory_space<hbm>>) target(%dma_start3A_382 : memref<40xi32, #tpu.memory_space<vmem>>) target_semaphore(%dma_start3A_379 : memref<!tpu.dma_semaphore, #tpu.memory_space<semaphore_mem>>)
    %dma_start3A_384 = arith.constant 0 : i32
    %dma_start3A_385 = arith.constant 0 : i32
    %dma_start3A_386 = tpu.memref_slice %arg6[%dma_start3A_385] : memref<10000xi32, #tpu.memory_space<vmem>> -> memref<40xi32, #tpu.memory_space<vmem>>
    %dma_start3A_387 = arith.constant 0 : i32
    %dma_start3A_388 = arith.constant 0 : i32
    %dma_start3A_389 = tpu.memref_slice %arg2[%dma_start3A_387, %dma_start3A_388] : memref<10000x128xf32, #tpu.memory_space<hbm>> -> memref<10000x128xf32, #tpu.memory_space<hbm>>
    %dma_start3A_390 = tpu.memref_slice %arg17[%dma_start3A_384] : memref<5x!tpu.dma_semaphore, #tpu.memory_space<semaphore_mem>> -> memref<1x!tpu.dma_semaphore, #tpu.memory_space<semaphore_mem>>
    %dma_start3A_391 = tpu.memref_squeeze %dma_start3A_390 : memref<1x!tpu.dma_semaphore, #tpu.memory_space<semaphore_mem>> -> memref<!tpu.dma_semaphore, #tpu.memory_space<semaphore_mem>>
    tpu.enqueue_indirect_dma source(%dma_start3A_389 : memref<10000x128xf32, #tpu.memory_space<hbm>>) target(%arg12 : memref<40x128xf32, #tpu.memory_space<vmem>>) offsets(%dma_start3A_386 : memref<40xi32, #tpu.memory_space<vmem>>) semaphore(%dma_start3A_391 : memref<!tpu.dma_semaphore, #tpu.memory_space<semaphore_mem>>)
    %add3A_392 = arith.constant 320000 : i32
    %add3A_393 = arith.addi %add3A_392, %mul3A_2 : i32
    %add3A_394 = arith.constant 40 : i32
    %add3A_395 = arith.addi %add3A_393, %add3A_394 : i32
    %dma_start3A_396 = arith.constant 0 : i32
    %dma_start3A_397 = arith.constant 1 : i32
    %dma_start3A_398 = arith.constant 0 : i32
    %dma_start3A_399 = tpu.memref_slice %arg8[%dma_start3A_396, %dma_start3A_398] : memref<1x40xi32, #tpu.memory_space<vmem>> -> memref<1x40xi32, #tpu.memory_space<vmem>>
    %dma_start3A_400 = tpu.memref_squeeze %dma_start3A_399 : memref<1x40xi32, #tpu.memory_space<vmem>> -> memref<40xi32, #tpu.memory_space<vmem>>
    %dma_start3A_401 = tpu.memref_slice %arg3[%add3A_395] : memref<640000xi32, #tpu.memory_space<hbm>> -> memref<40xi32, #tpu.memory_space<hbm>>
    %dma_start3A_402 = tpu.memref_slice %arg19[%dma_start3A_397] : memref<5x!tpu.dma_semaphore, #tpu.memory_space<semaphore_mem>> -> memref<1x!tpu.dma_semaphore, #tpu.memory_space<semaphore_mem>>
    %dma_start3A_403 = tpu.memref_squeeze %dma_start3A_402 : memref<1x!tpu.dma_semaphore, #tpu.memory_space<semaphore_mem>> -> memref<!tpu.dma_semaphore, #tpu.memory_space<semaphore_mem>>
    %dma_start3A_404 = arith.constant 0 : i32
    %dma_start3A_405 = tpu.memref_slice %arg8[%dma_start3A_396, %dma_start3A_404] : memref<1x40xi32, #tpu.memory_space<vmem>> -> memref<1x40xi32, #tpu.memory_space<vmem>>
    %dma_start3A_406 = tpu.memref_squeeze %dma_start3A_405 : memref<1x40xi32, #tpu.memory_space<vmem>> -> memref<40xi32, #tpu.memory_space<vmem>>
    %dma_start3A_407 = tpu.memref_slice %arg3[%add3A_395] : memref<640000xi32, #tpu.memory_space<hbm>> -> memref<40xi32, #tpu.memory_space<hbm>>
    tpu.enqueue_dma source(%dma_start3A_407 : memref<40xi32, #tpu.memory_space<hbm>>) target(%dma_start3A_406 : memref<40xi32, #tpu.memory_space<vmem>>) target_semaphore(%dma_start3A_403 : memref<!tpu.dma_semaphore, #tpu.memory_space<semaphore_mem>>)
    %dma_start3A_408 = arith.constant 1 : i32
    %dma_start3A_409 = arith.constant 40 : i32
    %dma_start3A_410 = tpu.memref_slice %arg6[%dma_start3A_409] : memref<10000xi32, #tpu.memory_space<vmem>> -> memref<40xi32, #tpu.memory_space<vmem>>
    %dma_start3A_411 = arith.constant 0 : i32
    %dma_start3A_412 = arith.constant 0 : i32
    %dma_start3A_413 = tpu.memref_slice %arg2[%dma_start3A_411, %dma_start3A_412] : memref<10000x128xf32, #tpu.memory_space<hbm>> -> memref<10000x128xf32, #tpu.memory_space<hbm>>
    %dma_start3A_414 = tpu.memref_slice %arg17[%dma_start3A_408] : memref<5x!tpu.dma_semaphore, #tpu.memory_space<semaphore_mem>> -> memref<1x!tpu.dma_semaphore, #tpu.memory_space<semaphore_mem>>
    %dma_start3A_415 = tpu.memref_squeeze %dma_start3A_414 : memref<1x!tpu.dma_semaphore, #tpu.memory_space<semaphore_mem>> -> memref<!tpu.dma_semaphore, #tpu.memory_space<semaphore_mem>>
    tpu.enqueue_indirect_dma source(%dma_start3A_413 : memref<10000x128xf32, #tpu.memory_space<hbm>>) target(%arg13 : memref<40x128xf32, #tpu.memory_space<vmem>>) offsets(%dma_start3A_410 : memref<40xi32, #tpu.memory_space<vmem>>) semaphore(%dma_start3A_415 : memref<!tpu.dma_semaphore, #tpu.memory_space<semaphore_mem>>)
    %add3A_416 = arith.constant 320000 : i32
    %add3A_417 = arith.addi %add3A_416, %mul3A_2 : i32
    %add3A_418 = arith.constant 80 : i32
    %add3A_419 = arith.addi %add3A_417, %add3A_418 : i32
    %dma_start3A_420 = arith.constant 0 : i32
    %dma_start3A_421 = arith.constant 2 : i32
    %dma_start3A_422 = arith.constant 0 : i32
    %dma_start3A_423 = tpu.memref_slice %arg9[%dma_start3A_420, %dma_start3A_422] : memref<1x40xi32, #tpu.memory_space<vmem>> -> memref<1x40xi32, #tpu.memory_space<vmem>>
    %dma_start3A_424 = tpu.memref_squeeze %dma_start3A_423 : memref<1x40xi32, #tpu.memory_space<vmem>> -> memref<40xi32, #tpu.memory_space<vmem>>
    %dma_start3A_425 = tpu.memref_slice %arg3[%add3A_419] : memref<640000xi32, #tpu.memory_space<hbm>> -> memref<40xi32, #tpu.memory_space<hbm>>
    %dma_start3A_426 = tpu.memref_slice %arg19[%dma_start3A_421] : memref<5x!tpu.dma_semaphore, #tpu.memory_space<semaphore_mem>> -> memref<1x!tpu.dma_semaphore, #tpu.memory_space<semaphore_mem>>
    %dma_start3A_427 = tpu.memref_squeeze %dma_start3A_426 : memref<1x!tpu.dma_semaphore, #tpu.memory_space<semaphore_mem>> -> memref<!tpu.dma_semaphore, #tpu.memory_space<semaphore_mem>>
    %dma_start3A_428 = arith.constant 0 : i32
    %dma_start3A_429 = tpu.memref_slice %arg9[%dma_start3A_420, %dma_start3A_428] : memref<1x40xi32, #tpu.memory_space<vmem>> -> memref<1x40xi32, #tpu.memory_space<vmem>>
    %dma_start3A_430 = tpu.memref_squeeze %dma_start3A_429 : memref<1x40xi32, #tpu.memory_space<vmem>> -> memref<40xi32, #tpu.memory_space<vmem>>
    %dma_start3A_431 = tpu.memref_slice %arg3[%add3A_419] : memref<640000xi32, #tpu.memory_space<hbm>> -> memref<40xi32, #tpu.memory_space<hbm>>
    tpu.enqueue_dma source(%dma_start3A_431 : memref<40xi32, #tpu.memory_space<hbm>>) target(%dma_start3A_430 : memref<40xi32, #tpu.memory_space<vmem>>) target_semaphore(%dma_start3A_427 : memref<!tpu.dma_semaphore, #tpu.memory_space<semaphore_mem>>)
    %dma_start3A_432 = arith.constant 2 : i32
    %dma_start3A_433 = arith.constant 80 : i32
    %dma_start3A_434 = tpu.memref_slice %arg6[%dma_start3A_433] : memref<10000xi32, #tpu.memory_space<vmem>> -> memref<40xi32, #tpu.memory_space<vmem>>
    %dma_start3A_435 = arith.constant 0 : i32
    %dma_start3A_436 = arith.constant 0 : i32
    %dma_start3A_437 = tpu.memref_slice %arg2[%dma_start3A_435, %dma_start3A_436] : memref<10000x128xf32, #tpu.memory_space<hbm>> -> memref<10000x128xf32, #tpu.memory_space<hbm>>
    %dma_start3A_438 = tpu.memref_slice %arg17[%dma_start3A_432] : memref<5x!tpu.dma_semaphore, #tpu.memory_space<semaphore_mem>> -> memref<1x!tpu.dma_semaphore, #tpu.memory_space<semaphore_mem>>
    %dma_start3A_439 = tpu.memref_squeeze %dma_start3A_438 : memref<1x!tpu.dma_semaphore, #tpu.memory_space<semaphore_mem>> -> memref<!tpu.dma_semaphore, #tpu.memory_space<semaphore_mem>>
    tpu.enqueue_indirect_dma source(%dma_start3A_437 : memref<10000x128xf32, #tpu.memory_space<hbm>>) target(%arg14 : memref<40x128xf32, #tpu.memory_space<vmem>>) offsets(%dma_start3A_434 : memref<40xi32, #tpu.memory_space<vmem>>) semaphore(%dma_start3A_439 : memref<!tpu.dma_semaphore, #tpu.memory_space<semaphore_mem>>)
    %add3A_440 = arith.constant 320000 : i32
    %add3A_441 = arith.addi %add3A_440, %mul3A_2 : i32
    %add3A_442 = arith.constant 120 : i32
    %add3A_443 = arith.addi %add3A_441, %add3A_442 : i32
    %dma_start3A_444 = arith.constant 0 : i32
    %dma_start3A_445 = arith.constant 3 : i32
    %dma_start3A_446 = arith.constant 0 : i32
    %dma_start3A_447 = tpu.memref_slice %arg10[%dma_start3A_444, %dma_start3A_446] : memref<1x40xi32, #tpu.memory_space<vmem>> -> memref<1x40xi32, #tpu.memory_space<vmem>>
    %dma_start3A_448 = tpu.memref_squeeze %dma_start3A_447 : memref<1x40xi32, #tpu.memory_space<vmem>> -> memref<40xi32, #tpu.memory_space<vmem>>
    %dma_start3A_449 = tpu.memref_slice %arg3[%add3A_443] : memref<640000xi32, #tpu.memory_space<hbm>> -> memref<40xi32, #tpu.memory_space<hbm>>
    %dma_start3A_450 = tpu.memref_slice %arg19[%dma_start3A_445] : memref<5x!tpu.dma_semaphore, #tpu.memory_space<semaphore_mem>> -> memref<1x!tpu.dma_semaphore, #tpu.memory_space<semaphore_mem>>
    %dma_start3A_451 = tpu.memref_squeeze %dma_start3A_450 : memref<1x!tpu.dma_semaphore, #tpu.memory_space<semaphore_mem>> -> memref<!tpu.dma_semaphore, #tpu.memory_space<semaphore_mem>>
    %dma_start3A_452 = arith.constant 0 : i32
    %dma_start3A_453 = tpu.memref_slice %arg10[%dma_start3A_444, %dma_start3A_452] : memref<1x40xi32, #tpu.memory_space<vmem>> -> memref<1x40xi32, #tpu.memory_space<vmem>>
    %dma_start3A_454 = tpu.memref_squeeze %dma_start3A_453 : memref<1x40xi32, #tpu.memory_space<vmem>> -> memref<40xi32, #tpu.memory_space<vmem>>
    %dma_start3A_455 = tpu.memref_slice %arg3[%add3A_443] : memref<640000xi32, #tpu.memory_space<hbm>> -> memref<40xi32, #tpu.memory_space<hbm>>
    tpu.enqueue_dma source(%dma_start3A_455 : memref<40xi32, #tpu.memory_space<hbm>>) target(%dma_start3A_454 : memref<40xi32, #tpu.memory_space<vmem>>) target_semaphore(%dma_start3A_451 : memref<!tpu.dma_semaphore, #tpu.memory_space<semaphore_mem>>)
    %dma_start3A_456 = arith.constant 3 : i32
    %dma_start3A_457 = arith.constant 120 : i32
    %dma_start3A_458 = tpu.memref_slice %arg6[%dma_start3A_457] : memref<10000xi32, #tpu.memory_space<vmem>> -> memref<40xi32, #tpu.memory_space<vmem>>
    %dma_start3A_459 = arith.constant 0 : i32
    %dma_start3A_460 = arith.constant 0 : i32
    %dma_start3A_461 = tpu.memref_slice %arg2[%dma_start3A_459, %dma_start3A_460] : memref<10000x128xf32, #tpu.memory_space<hbm>> -> memref<10000x128xf32, #tpu.memory_space<hbm>>
    %dma_start3A_462 = tpu.memref_slice %arg17[%dma_start3A_456] : memref<5x!tpu.dma_semaphore, #tpu.memory_space<semaphore_mem>> -> memref<1x!tpu.dma_semaphore, #tpu.memory_space<semaphore_mem>>
    %dma_start3A_463 = tpu.memref_squeeze %dma_start3A_462 : memref<1x!tpu.dma_semaphore, #tpu.memory_space<semaphore_mem>> -> memref<!tpu.dma_semaphore, #tpu.memory_space<semaphore_mem>>
    tpu.enqueue_indirect_dma source(%dma_start3A_461 : memref<10000x128xf32, #tpu.memory_space<hbm>>) target(%arg15 : memref<40x128xf32, #tpu.memory_space<vmem>>) offsets(%dma_start3A_458 : memref<40xi32, #tpu.memory_space<vmem>>) semaphore(%dma_start3A_463 : memref<!tpu.dma_semaphore, #tpu.memory_space<semaphore_mem>>)
    %add3A_464 = arith.constant 320000 : i32
    %add3A_465 = arith.addi %add3A_464, %mul3A_2 : i32
    %add3A_466 = arith.constant 160 : i32
    %add3A_467 = arith.addi %add3A_465, %add3A_466 : i32
    %dma_start3A_468 = arith.constant 0 : i32
    %dma_start3A_469 = arith.constant 4 : i32
    %dma_start3A_470 = arith.constant 0 : i32
    %dma_start3A_471 = tpu.memref_slice %arg11[%dma_start3A_468, %dma_start3A_470] : memref<1x40xi32, #tpu.memory_space<vmem>> -> memref<1x40xi32, #tpu.memory_space<vmem>>
    %dma_start3A_472 = tpu.memref_squeeze %dma_start3A_471 : memref<1x40xi32, #tpu.memory_space<vmem>> -> memref<40xi32, #tpu.memory_space<vmem>>
    %dma_start3A_473 = tpu.memref_slice %arg3[%add3A_467] : memref<640000xi32, #tpu.memory_space<hbm>> -> memref<40xi32, #tpu.memory_space<hbm>>
    %dma_start3A_474 = tpu.memref_slice %arg19[%dma_start3A_469] : memref<5x!tpu.dma_semaphore, #tpu.memory_space<semaphore_mem>> -> memref<1x!tpu.dma_semaphore, #tpu.memory_space<semaphore_mem>>
    %dma_start3A_475 = tpu.memref_squeeze %dma_start3A_474 : memref<1x!tpu.dma_semaphore, #tpu.memory_space<semaphore_mem>> -> memref<!tpu.dma_semaphore, #tpu.memory_space<semaphore_mem>>
    %dma_start3A_476 = arith.constant 0 : i32
    %dma_start3A_477 = tpu.memref_slice %arg11[%dma_start3A_468, %dma_start3A_476] : memref<1x40xi32, #tpu.memory_space<vmem>> -> memref<1x40xi32, #tpu.memory_space<vmem>>
    %dma_start3A_478 = tpu.memref_squeeze %dma_start3A_477 : memref<1x40xi32, #tpu.memory_space<vmem>> -> memref<40xi32, #tpu.memory_space<vmem>>
    %dma_start3A_479 = tpu.memref_slice %arg3[%add3A_467] : memref<640000xi32, #tpu.memory_space<hbm>> -> memref<40xi32, #tpu.memory_space<hbm>>
    tpu.enqueue_dma source(%dma_start3A_479 : memref<40xi32, #tpu.memory_space<hbm>>) target(%dma_start3A_478 : memref<40xi32, #tpu.memory_space<vmem>>) target_semaphore(%dma_start3A_475 : memref<!tpu.dma_semaphore, #tpu.memory_space<semaphore_mem>>)
    %dma_start3A_480 = arith.constant 4 : i32
    %dma_start3A_481 = arith.constant 160 : i32
    %dma_start3A_482 = tpu.memref_slice %arg6[%dma_start3A_481] : memref<10000xi32, #tpu.memory_space<vmem>> -> memref<40xi32, #tpu.memory_space<vmem>>
    %dma_start3A_483 = arith.constant 0 : i32
    %dma_start3A_484 = arith.constant 0 : i32
    %dma_start3A_485 = tpu.memref_slice %arg2[%dma_start3A_483, %dma_start3A_484] : memref<10000x128xf32, #tpu.memory_space<hbm>> -> memref<10000x128xf32, #tpu.memory_space<hbm>>
    %dma_start3A_486 = tpu.memref_slice %arg17[%dma_start3A_480] : memref<5x!tpu.dma_semaphore, #tpu.memory_space<semaphore_mem>> -> memref<1x!tpu.dma_semaphore, #tpu.memory_space<semaphore_mem>>
    %dma_start3A_487 = tpu.memref_squeeze %dma_start3A_486 : memref<1x!tpu.dma_semaphore, #tpu.memory_space<semaphore_mem>> -> memref<!tpu.dma_semaphore, #tpu.memory_space<semaphore_mem>>
    tpu.enqueue_indirect_dma source(%dma_start3A_485 : memref<10000x128xf32, #tpu.memory_space<hbm>>) target(%arg16 : memref<40x128xf32, #tpu.memory_space<vmem>>) offsets(%dma_start3A_482 : memref<40xi32, #tpu.memory_space<vmem>>) semaphore(%dma_start3A_487 : memref<!tpu.dma_semaphore, #tpu.memory_space<semaphore_mem>>)
    %scan3A_488 = arith.constant 0 : i32
    %scan3A_489 = arith.constant 0 : i32
    %scan3A_490 = arith.constant 50 : i32
    %scan3A_491 = arith.addi %scan3A_489, %scan3A_490 : i32
    %scan3A_492 = arith.constant 1 : i32
    scf.for %scan3A_502 = %scan3A_489 to %scan3A_491 step %scan3A_492  : i32 {
      %mul3A_503 = arith.constant 5 : i32
      %mul3A_504 = arith.muli %scan3A_502, %mul3A_503 : i32
      %add3A_505 = arith.constant 0 : i32
      %add3A_506 = arith.addi %mul3A_504, %add3A_505 : i32
      %add3A_507 = arith.constant 320000 : i32
      %add3A_508 = arith.addi %add3A_507, %mul3A_2 : i32
      %mul3A_509 = arith.constant 40 : i32
      %mul3A_510 = arith.muli %add3A_506, %mul3A_509 : i32
      %add3A_511 = arith.addi %add3A_508, %mul3A_510 : i32
      %dma_wait3A_512 = arith.constant 0 : i32
      %dma_wait3A_513 = arith.constant 0 : i32
      %dma_wait3A_514 = arith.constant 0 : i32
      %dma_wait3A_515 = tpu.memref_slice %arg7[%dma_wait3A_512, %dma_wait3A_514] : memref<1x40xi32, #tpu.memory_space<vmem>> -> memref<1x40xi32, #tpu.memory_space<vmem>>
      %dma_wait3A_516 = tpu.memref_squeeze %dma_wait3A_515 : memref<1x40xi32, #tpu.memory_space<vmem>> -> memref<40xi32, #tpu.memory_space<vmem>>
      %dma_wait3A_517 = tpu.memref_slice %arg3[%add3A_511] : memref<640000xi32, #tpu.memory_space<hbm>> -> memref<40xi32, #tpu.memory_space<hbm>>
      %dma_wait3A_518 = tpu.memref_slice %arg19[%dma_wait3A_513] : memref<5x!tpu.dma_semaphore, #tpu.memory_space<semaphore_mem>> -> memref<1x!tpu.dma_semaphore, #tpu.memory_space<semaphore_mem>>
      %dma_wait3A_519 = tpu.memref_squeeze %dma_wait3A_518 : memref<1x!tpu.dma_semaphore, #tpu.memory_space<semaphore_mem>> -> memref<!tpu.dma_semaphore, #tpu.memory_space<semaphore_mem>>
      %dma_wait3A_520 = arith.constant 0 : i32
      %dma_wait3A_521 = tpu.memref_slice %arg7[%dma_wait3A_512, %dma_wait3A_520] : memref<1x40xi32, #tpu.memory_space<vmem>> -> memref<1x40xi32, #tpu.memory_space<vmem>>
      %dma_wait3A_522 = tpu.memref_squeeze %dma_wait3A_521 : memref<1x40xi32, #tpu.memory_space<vmem>> -> memref<40xi32, #tpu.memory_space<vmem>>
      %dma_wait3A_523 = tpu.memref_slice %arg3[%add3A_511] : memref<640000xi32, #tpu.memory_space<hbm>> -> memref<40xi32, #tpu.memory_space<hbm>>
      tpu.wait_dma2 semaphore(%dma_wait3A_519 : memref<!tpu.dma_semaphore, #tpu.memory_space<semaphore_mem>>) src(%dma_wait3A_523 : memref<40xi32, #tpu.memory_space<hbm>>) dst(%dma_wait3A_522 : memref<40xi32, #tpu.memory_space<vmem>>)
      %mul3A_524 = arith.constant 40 : i32
      %mul3A_525 = arith.muli %add3A_506, %mul3A_524 : i32
      %dma_wait3A_526 = arith.constant 0 : i32
      %dma_wait3A_527 = tpu.memref_slice %arg6[%mul3A_525] : memref<10000xi32, #tpu.memory_space<vmem>> -> memref<40xi32, #tpu.memory_space<vmem>>
      %dma_wait3A_528 = arith.constant 0 : i32
      %dma_wait3A_529 = arith.constant 0 : i32
      %dma_wait3A_530 = tpu.memref_slice %arg2[%dma_wait3A_528, %dma_wait3A_529] : memref<10000x128xf32, #tpu.memory_space<hbm>> -> memref<10000x128xf32, #tpu.memory_space<hbm>>
      %dma_wait3A_531 = tpu.memref_slice %arg17[%dma_wait3A_526] : memref<5x!tpu.dma_semaphore, #tpu.memory_space<semaphore_mem>> -> memref<1x!tpu.dma_semaphore, #tpu.memory_space<semaphore_mem>>
      %dma_wait3A_532 = tpu.memref_squeeze %dma_wait3A_531 : memref<1x!tpu.dma_semaphore, #tpu.memory_space<semaphore_mem>> -> memref<!tpu.dma_semaphore, #tpu.memory_space<semaphore_mem>>
      tpu.wait_indirect_dma semaphore(%dma_wait3A_532 : memref<!tpu.dma_semaphore, #tpu.memory_space<semaphore_mem>>) src(%dma_wait3A_530 : memref<10000x128xf32, #tpu.memory_space<hbm>>) dst(%arg12 : memref<40x128xf32, #tpu.memory_space<vmem>>)
      %dma_start3A_533 = arith.constant 0 : i32
      %dma_start3A_534 = arith.constant 0 : i32
      %dma_start3A_535 = arith.constant 0 : i32
      %dma_start3A_536 = tpu.memref_slice %arg7[%dma_start3A_533, %dma_start3A_535] : memref<1x40xi32, #tpu.memory_space<vmem>> -> memref<1x40xi32, #tpu.memory_space<vmem>>
      %dma_start3A_537 = tpu.memref_squeeze %dma_start3A_536 : memref<1x40xi32, #tpu.memory_space<vmem>> -> memref<40xi32, #tpu.memory_space<vmem>>
      %dma_start3A_538 = arith.constant 0 : i32
      %dma_start3A_539 = arith.constant 0 : i32
      %dma_start3A_540 = tpu.memref_slice %arg5[%dma_start3A_538, %dma_start3A_539] : memref<10240x128xf32, #tpu.memory_space<vmem_shared>> -> memref<10240x128xf32, #tpu.memory_space<vmem_shared>>
      %dma_start3A_541 = tpu.memref_slice %arg18[%dma_start3A_534] : memref<5x!tpu.dma_semaphore, #tpu.memory_space<semaphore_mem>> -> memref<1x!tpu.dma_semaphore, #tpu.memory_space<semaphore_mem>>
      %dma_start3A_542 = tpu.memref_squeeze %dma_start3A_541 : memref<1x!tpu.dma_semaphore, #tpu.memory_space<semaphore_mem>> -> memref<!tpu.dma_semaphore, #tpu.memory_space<semaphore_mem>>
      tpu.enqueue_indirect_dma source(%arg12 : memref<40x128xf32, #tpu.memory_space<vmem>>) target(%dma_start3A_540 : memref<10240x128xf32, #tpu.memory_space<vmem_shared>>) offsets(%dma_start3A_537 : memref<40xi32, #tpu.memory_space<vmem>>) semaphore(%dma_start3A_542 : memref<!tpu.dma_semaphore, #tpu.memory_space<semaphore_mem>>) {add = true}
      %mul3A_543 = arith.constant 5 : i32
      %mul3A_544 = arith.muli %scan3A_502, %mul3A_543 : i32
      %add3A_545 = arith.constant 1 : i32
      %add3A_546 = arith.addi %mul3A_544, %add3A_545 : i32
      %add3A_547 = arith.constant 320000 : i32
      %add3A_548 = arith.addi %add3A_547, %mul3A_2 : i32
      %mul3A_549 = arith.constant 40 : i32
      %mul3A_550 = arith.muli %add3A_546, %mul3A_549 : i32
      %add3A_551 = arith.addi %add3A_548, %mul3A_550 : i32
      %dma_wait3A_552 = arith.constant 0 : i32
      %dma_wait3A_553 = arith.constant 1 : i32
      %dma_wait3A_554 = arith.constant 0 : i32
      %dma_wait3A_555 = tpu.memref_slice %arg8[%dma_wait3A_552, %dma_wait3A_554] : memref<1x40xi32, #tpu.memory_space<vmem>> -> memref<1x40xi32, #tpu.memory_space<vmem>>
      %dma_wait3A_556 = tpu.memref_squeeze %dma_wait3A_555 : memref<1x40xi32, #tpu.memory_space<vmem>> -> memref<40xi32, #tpu.memory_space<vmem>>
      %dma_wait3A_557 = tpu.memref_slice %arg3[%add3A_551] : memref<640000xi32, #tpu.memory_space<hbm>> -> memref<40xi32, #tpu.memory_space<hbm>>
      %dma_wait3A_558 = tpu.memref_slice %arg19[%dma_wait3A_553] : memref<5x!tpu.dma_semaphore, #tpu.memory_space<semaphore_mem>> -> memref<1x!tpu.dma_semaphore, #tpu.memory_space<semaphore_mem>>
      %dma_wait3A_559 = tpu.memref_squeeze %dma_wait3A_558 : memref<1x!tpu.dma_semaphore, #tpu.memory_space<semaphore_mem>> -> memref<!tpu.dma_semaphore, #tpu.memory_space<semaphore_mem>>
      %dma_wait3A_560 = arith.constant 0 : i32
      %dma_wait3A_561 = tpu.memref_slice %arg8[%dma_wait3A_552, %dma_wait3A_560] : memref<1x40xi32, #tpu.memory_space<vmem>> -> memref<1x40xi32, #tpu.memory_space<vmem>>
      %dma_wait3A_562 = tpu.memref_squeeze %dma_wait3A_561 : memref<1x40xi32, #tpu.memory_space<vmem>> -> memref<40xi32, #tpu.memory_space<vmem>>
      %dma_wait3A_563 = tpu.memref_slice %arg3[%add3A_551] : memref<640000xi32, #tpu.memory_space<hbm>> -> memref<40xi32, #tpu.memory_space<hbm>>
      tpu.wait_dma2 semaphore(%dma_wait3A_559 : memref<!tpu.dma_semaphore, #tpu.memory_space<semaphore_mem>>) src(%dma_wait3A_563 : memref<40xi32, #tpu.memory_space<hbm>>) dst(%dma_wait3A_562 : memref<40xi32, #tpu.memory_space<vmem>>)
      %mul3A_564 = arith.constant 40 : i32
      %mul3A_565 = arith.muli %add3A_546, %mul3A_564 : i32
      %dma_wait3A_566 = arith.constant 1 : i32
      %dma_wait3A_567 = tpu.memref_slice %arg6[%mul3A_565] : memref<10000xi32, #tpu.memory_space<vmem>> -> memref<40xi32, #tpu.memory_space<vmem>>
      %dma_wait3A_568 = arith.constant 0 : i32
      %dma_wait3A_569 = arith.constant 0 : i32
      %dma_wait3A_570 = tpu.memref_slice %arg2[%dma_wait3A_568, %dma_wait3A_569] : memref<10000x128xf32, #tpu.memory_space<hbm>> -> memref<10000x128xf32, #tpu.memory_space<hbm>>
      %dma_wait3A_571 = tpu.memref_slice %arg17[%dma_wait3A_566] : memref<5x!tpu.dma_semaphore, #tpu.memory_space<semaphore_mem>> -> memref<1x!tpu.dma_semaphore, #tpu.memory_space<semaphore_mem>>
      %dma_wait3A_572 = tpu.memref_squeeze %dma_wait3A_571 : memref<1x!tpu.dma_semaphore, #tpu.memory_space<semaphore_mem>> -> memref<!tpu.dma_semaphore, #tpu.memory_space<semaphore_mem>>
      tpu.wait_indirect_dma semaphore(%dma_wait3A_572 : memref<!tpu.dma_semaphore, #tpu.memory_space<semaphore_mem>>) src(%dma_wait3A_570 : memref<10000x128xf32, #tpu.memory_space<hbm>>) dst(%arg13 : memref<40x128xf32, #tpu.memory_space<vmem>>)
      %dma_start3A_573 = arith.constant 0 : i32
      %dma_start3A_574 = arith.constant 1 : i32
      %dma_start3A_575 = arith.constant 0 : i32
      %dma_start3A_576 = tpu.memref_slice %arg8[%dma_start3A_573, %dma_start3A_575] : memref<1x40xi32, #tpu.memory_space<vmem>> -> memref<1x40xi32, #tpu.memory_space<vmem>>
      %dma_start3A_577 = tpu.memref_squeeze %dma_start3A_576 : memref<1x40xi32, #tpu.memory_space<vmem>> -> memref<40xi32, #tpu.memory_space<vmem>>
      %dma_start3A_578 = arith.constant 0 : i32
      %dma_start3A_579 = arith.constant 0 : i32
      %dma_start3A_580 = tpu.memref_slice %arg5[%dma_start3A_578, %dma_start3A_579] : memref<10240x128xf32, #tpu.memory_space<vmem_shared>> -> memref<10240x128xf32, #tpu.memory_space<vmem_shared>>
      %dma_start3A_581 = tpu.memref_slice %arg18[%dma_start3A_574] : memref<5x!tpu.dma_semaphore, #tpu.memory_space<semaphore_mem>> -> memref<1x!tpu.dma_semaphore, #tpu.memory_space<semaphore_mem>>
      %dma_start3A_582 = tpu.memref_squeeze %dma_start3A_581 : memref<1x!tpu.dma_semaphore, #tpu.memory_space<semaphore_mem>> -> memref<!tpu.dma_semaphore, #tpu.memory_space<semaphore_mem>>
      tpu.enqueue_indirect_dma source(%arg13 : memref<40x128xf32, #tpu.memory_space<vmem>>) target(%dma_start3A_580 : memref<10240x128xf32, #tpu.memory_space<vmem_shared>>) offsets(%dma_start3A_577 : memref<40xi32, #tpu.memory_space<vmem>>) semaphore(%dma_start3A_582 : memref<!tpu.dma_semaphore, #tpu.memory_space<semaphore_mem>>) {add = true}
      %mul3A_583 = arith.constant 5 : i32
      %mul3A_584 = arith.muli %scan3A_502, %mul3A_583 : i32
      %add3A_585 = arith.constant 2 : i32
      %add3A_586 = arith.addi %mul3A_584, %add3A_585 : i32
      %add3A_587 = arith.constant 320000 : i32
      %add3A_588 = arith.addi %add3A_587, %mul3A_2 : i32
      %mul3A_589 = arith.constant 40 : i32
      %mul3A_590 = arith.muli %add3A_586, %mul3A_589 : i32
      %add3A_591 = arith.addi %add3A_588, %mul3A_590 : i32
      %dma_wait3A_592 = arith.constant 0 : i32
      %dma_wait3A_593 = arith.constant 2 : i32
      %dma_wait3A_594 = arith.constant 0 : i32
      %dma_wait3A_595 = tpu.memref_slice %arg9[%dma_wait3A_592, %dma_wait3A_594] : memref<1x40xi32, #tpu.memory_space<vmem>> -> memref<1x40xi32, #tpu.memory_space<vmem>>
      %dma_wait3A_596 = tpu.memref_squeeze %dma_wait3A_595 : memref<1x40xi32, #tpu.memory_space<vmem>> -> memref<40xi32, #tpu.memory_space<vmem>>
      %dma_wait3A_597 = tpu.memref_slice %arg3[%add3A_591] : memref<640000xi32, #tpu.memory_space<hbm>> -> memref<40xi32, #tpu.memory_space<hbm>>
      %dma_wait3A_598 = tpu.memref_slice %arg19[%dma_wait3A_593] : memref<5x!tpu.dma_semaphore, #tpu.memory_space<semaphore_mem>> -> memref<1x!tpu.dma_semaphore, #tpu.memory_space<semaphore_mem>>
      %dma_wait3A_599 = tpu.memref_squeeze %dma_wait3A_598 : memref<1x!tpu.dma_semaphore, #tpu.memory_space<semaphore_mem>> -> memref<!tpu.dma_semaphore, #tpu.memory_space<semaphore_mem>>
      %dma_wait3A_600 = arith.constant 0 : i32
      %dma_wait3A_601 = tpu.memref_slice %arg9[%dma_wait3A_592, %dma_wait3A_600] : memref<1x40xi32, #tpu.memory_space<vmem>> -> memref<1x40xi32, #tpu.memory_space<vmem>>
      %dma_wait3A_602 = tpu.memref_squeeze %dma_wait3A_601 : memref<1x40xi32, #tpu.memory_space<vmem>> -> memref<40xi32, #tpu.memory_space<vmem>>
      %dma_wait3A_603 = tpu.memref_slice %arg3[%add3A_591] : memref<640000xi32, #tpu.memory_space<hbm>> -> memref<40xi32, #tpu.memory_space<hbm>>
      tpu.wait_dma2 semaphore(%dma_wait3A_599 : memref<!tpu.dma_semaphore, #tpu.memory_space<semaphore_mem>>) src(%dma_wait3A_603 : memref<40xi32, #tpu.memory_space<hbm>>) dst(%dma_wait3A_602 : memref<40xi32, #tpu.memory_space<vmem>>)
      %mul3A_604 = arith.constant 40 : i32
      %mul3A_605 = arith.muli %add3A_586, %mul3A_604 : i32
      %dma_wait3A_606 = arith.constant 2 : i32
      %dma_wait3A_607 = tpu.memref_slice %arg6[%mul3A_605] : memref<10000xi32, #tpu.memory_space<vmem>> -> memref<40xi32, #tpu.memory_space<vmem>>
      %dma_wait3A_608 = arith.constant 0 : i32
      %dma_wait3A_609 = arith.constant 0 : i32
      %dma_wait3A_610 = tpu.memref_slice %arg2[%dma_wait3A_608, %dma_wait3A_609] : memref<10000x128xf32, #tpu.memory_space<hbm>> -> memref<10000x128xf32, #tpu.memory_space<hbm>>
      %dma_wait3A_611 = tpu.memref_slice %arg17[%dma_wait3A_606] : memref<5x!tpu.dma_semaphore, #tpu.memory_space<semaphore_mem>> -> memref<1x!tpu.dma_semaphore, #tpu.memory_space<semaphore_mem>>
      %dma_wait3A_612 = tpu.memref_squeeze %dma_wait3A_611 : memref<1x!tpu.dma_semaphore, #tpu.memory_space<semaphore_mem>> -> memref<!tpu.dma_semaphore, #tpu.memory_space<semaphore_mem>>
      tpu.wait_indirect_dma semaphore(%dma_wait3A_612 : memref<!tpu.dma_semaphore, #tpu.memory_space<semaphore_mem>>) src(%dma_wait3A_610 : memref<10000x128xf32, #tpu.memory_space<hbm>>) dst(%arg14 : memref<40x128xf32, #tpu.memory_space<vmem>>)
      %dma_start3A_613 = arith.constant 0 : i32
      %dma_start3A_614 = arith.constant 2 : i32
      %dma_start3A_615 = arith.constant 0 : i32
      %dma_start3A_616 = tpu.memref_slice %arg9[%dma_start3A_613, %dma_start3A_615] : memref<1x40xi32, #tpu.memory_space<vmem>> -> memref<1x40xi32, #tpu.memory_space<vmem>>
      %dma_start3A_617 = tpu.memref_squeeze %dma_start3A_616 : memref<1x40xi32, #tpu.memory_space<vmem>> -> memref<40xi32, #tpu.memory_space<vmem>>
      %dma_start3A_618 = arith.constant 0 : i32
      %dma_start3A_619 = arith.constant 0 : i32
      %dma_start3A_620 = tpu.memref_slice %arg5[%dma_start3A_618, %dma_start3A_619] : memref<10240x128xf32, #tpu.memory_space<vmem_shared>> -> memref<10240x128xf32, #tpu.memory_space<vmem_shared>>
      %dma_start3A_621 = tpu.memref_slice %arg18[%dma_start3A_614] : memref<5x!tpu.dma_semaphore, #tpu.memory_space<semaphore_mem>> -> memref<1x!tpu.dma_semaphore, #tpu.memory_space<semaphore_mem>>
      %dma_start3A_622 = tpu.memref_squeeze %dma_start3A_621 : memref<1x!tpu.dma_semaphore, #tpu.memory_space<semaphore_mem>> -> memref<!tpu.dma_semaphore, #tpu.memory_space<semaphore_mem>>
      tpu.enqueue_indirect_dma source(%arg14 : memref<40x128xf32, #tpu.memory_space<vmem>>) target(%dma_start3A_620 : memref<10240x128xf32, #tpu.memory_space<vmem_shared>>) offsets(%dma_start3A_617 : memref<40xi32, #tpu.memory_space<vmem>>) semaphore(%dma_start3A_622 : memref<!tpu.dma_semaphore, #tpu.memory_space<semaphore_mem>>) {add = true}
      %mul3A_623 = arith.constant 5 : i32
      %mul3A_624 = arith.muli %scan3A_502, %mul3A_623 : i32
      %add3A_625 = arith.constant 3 : i32
      %add3A_626 = arith.addi %mul3A_624, %add3A_625 : i32
      %add3A_627 = arith.constant 320000 : i32
      %add3A_628 = arith.addi %add3A_627, %mul3A_2 : i32
      %mul3A_629 = arith.constant 40 : i32
      %mul3A_630 = arith.muli %add3A_626, %mul3A_629 : i32
      %add3A_631 = arith.addi %add3A_628, %mul3A_630 : i32
      %dma_wait3A_632 = arith.constant 0 : i32
      %dma_wait3A_633 = arith.constant 3 : i32
      %dma_wait3A_634 = arith.constant 0 : i32
      %dma_wait3A_635 = tpu.memref_slice %arg10[%dma_wait3A_632, %dma_wait3A_634] : memref<1x40xi32, #tpu.memory_space<vmem>> -> memref<1x40xi32, #tpu.memory_space<vmem>>
      %dma_wait3A_636 = tpu.memref_squeeze %dma_wait3A_635 : memref<1x40xi32, #tpu.memory_space<vmem>> -> memref<40xi32, #tpu.memory_space<vmem>>
      %dma_wait3A_637 = tpu.memref_slice %arg3[%add3A_631] : memref<640000xi32, #tpu.memory_space<hbm>> -> memref<40xi32, #tpu.memory_space<hbm>>
      %dma_wait3A_638 = tpu.memref_slice %arg19[%dma_wait3A_633] : memref<5x!tpu.dma_semaphore, #tpu.memory_space<semaphore_mem>> -> memref<1x!tpu.dma_semaphore, #tpu.memory_space<semaphore_mem>>
      %dma_wait3A_639 = tpu.memref_squeeze %dma_wait3A_638 : memref<1x!tpu.dma_semaphore, #tpu.memory_space<semaphore_mem>> -> memref<!tpu.dma_semaphore, #tpu.memory_space<semaphore_mem>>
      %dma_wait3A_640 = arith.constant 0 : i32
      %dma_wait3A_641 = tpu.memref_slice %arg10[%dma_wait3A_632, %dma_wait3A_640] : memref<1x40xi32, #tpu.memory_space<vmem>> -> memref<1x40xi32, #tpu.memory_space<vmem>>
      %dma_wait3A_642 = tpu.memref_squeeze %dma_wait3A_641 : memref<1x40xi32, #tpu.memory_space<vmem>> -> memref<40xi32, #tpu.memory_space<vmem>>
      %dma_wait3A_643 = tpu.memref_slice %arg3[%add3A_631] : memref<640000xi32, #tpu.memory_space<hbm>> -> memref<40xi32, #tpu.memory_space<hbm>>
      tpu.wait_dma2 semaphore(%dma_wait3A_639 : memref<!tpu.dma_semaphore, #tpu.memory_space<semaphore_mem>>) src(%dma_wait3A_643 : memref<40xi32, #tpu.memory_space<hbm>>) dst(%dma_wait3A_642 : memref<40xi32, #tpu.memory_space<vmem>>)
      %mul3A_644 = arith.constant 40 : i32
      %mul3A_645 = arith.muli %add3A_626, %mul3A_644 : i32
      %dma_wait3A_646 = arith.constant 3 : i32
      %dma_wait3A_647 = tpu.memref_slice %arg6[%mul3A_645] : memref<10000xi32, #tpu.memory_space<vmem>> -> memref<40xi32, #tpu.memory_space<vmem>>
      %dma_wait3A_648 = arith.constant 0 : i32
      %dma_wait3A_649 = arith.constant 0 : i32
      %dma_wait3A_650 = tpu.memref_slice %arg2[%dma_wait3A_648, %dma_wait3A_649] : memref<10000x128xf32, #tpu.memory_space<hbm>> -> memref<10000x128xf32, #tpu.memory_space<hbm>>
      %dma_wait3A_651 = tpu.memref_slice %arg17[%dma_wait3A_646] : memref<5x!tpu.dma_semaphore, #tpu.memory_space<semaphore_mem>> -> memref<1x!tpu.dma_semaphore, #tpu.memory_space<semaphore_mem>>
      %dma_wait3A_652 = tpu.memref_squeeze %dma_wait3A_651 : memref<1x!tpu.dma_semaphore, #tpu.memory_space<semaphore_mem>> -> memref<!tpu.dma_semaphore, #tpu.memory_space<semaphore_mem>>
      tpu.wait_indirect_dma semaphore(%dma_wait3A_652 : memref<!tpu.dma_semaphore, #tpu.memory_space<semaphore_mem>>) src(%dma_wait3A_650 : memref<10000x128xf32, #tpu.memory_space<hbm>>) dst(%arg15 : memref<40x128xf32, #tpu.memory_space<vmem>>)
      %dma_start3A_653 = arith.constant 0 : i32
      %dma_start3A_654 = arith.constant 3 : i32
      %dma_start3A_655 = arith.constant 0 : i32
      %dma_start3A_656 = tpu.memref_slice %arg10[%dma_start3A_653, %dma_start3A_655] : memref<1x40xi32, #tpu.memory_space<vmem>> -> memref<1x40xi32, #tpu.memory_space<vmem>>
      %dma_start3A_657 = tpu.memref_squeeze %dma_start3A_656 : memref<1x40xi32, #tpu.memory_space<vmem>> -> memref<40xi32, #tpu.memory_space<vmem>>
      %dma_start3A_658 = arith.constant 0 : i32
      %dma_start3A_659 = arith.constant 0 : i32
      %dma_start3A_660 = tpu.memref_slice %arg5[%dma_start3A_658, %dma_start3A_659] : memref<10240x128xf32, #tpu.memory_space<vmem_shared>> -> memref<10240x128xf32, #tpu.memory_space<vmem_shared>>
      %dma_start3A_661 = tpu.memref_slice %arg18[%dma_start3A_654] : memref<5x!tpu.dma_semaphore, #tpu.memory_space<semaphore_mem>> -> memref<1x!tpu.dma_semaphore, #tpu.memory_space<semaphore_mem>>
      %dma_start3A_662 = tpu.memref_squeeze %dma_start3A_661 : memref<1x!tpu.dma_semaphore, #tpu.memory_space<semaphore_mem>> -> memref<!tpu.dma_semaphore, #tpu.memory_space<semaphore_mem>>
      tpu.enqueue_indirect_dma source(%arg15 : memref<40x128xf32, #tpu.memory_space<vmem>>) target(%dma_start3A_660 : memref<10240x128xf32, #tpu.memory_space<vmem_shared>>) offsets(%dma_start3A_657 : memref<40xi32, #tpu.memory_space<vmem>>) semaphore(%dma_start3A_662 : memref<!tpu.dma_semaphore, #tpu.memory_space<semaphore_mem>>) {add = true}
      %mul3A_663 = arith.constant 5 : i32
      %mul3A_664 = arith.muli %scan3A_502, %mul3A_663 : i32
      %add3A_665 = arith.constant 4 : i32
      %add3A_666 = arith.addi %mul3A_664, %add3A_665 : i32
      %add3A_667 = arith.constant 320000 : i32
      %add3A_668 = arith.addi %add3A_667, %mul3A_2 : i32
      %mul3A_669 = arith.constant 40 : i32
      %mul3A_670 = arith.muli %add3A_666, %mul3A_669 : i32
      %add3A_671 = arith.addi %add3A_668, %mul3A_670 : i32
      %dma_wait3A_672 = arith.constant 0 : i32
      %dma_wait3A_673 = arith.constant 4 : i32
      %dma_wait3A_674 = arith.constant 0 : i32
      %dma_wait3A_675 = tpu.memref_slice %arg11[%dma_wait3A_672, %dma_wait3A_674] : memref<1x40xi32, #tpu.memory_space<vmem>> -> memref<1x40xi32, #tpu.memory_space<vmem>>
      %dma_wait3A_676 = tpu.memref_squeeze %dma_wait3A_675 : memref<1x40xi32, #tpu.memory_space<vmem>> -> memref<40xi32, #tpu.memory_space<vmem>>
      %dma_wait3A_677 = tpu.memref_slice %arg3[%add3A_671] : memref<640000xi32, #tpu.memory_space<hbm>> -> memref<40xi32, #tpu.memory_space<hbm>>
      %dma_wait3A_678 = tpu.memref_slice %arg19[%dma_wait3A_673] : memref<5x!tpu.dma_semaphore, #tpu.memory_space<semaphore_mem>> -> memref<1x!tpu.dma_semaphore, #tpu.memory_space<semaphore_mem>>
      %dma_wait3A_679 = tpu.memref_squeeze %dma_wait3A_678 : memref<1x!tpu.dma_semaphore, #tpu.memory_space<semaphore_mem>> -> memref<!tpu.dma_semaphore, #tpu.memory_space<semaphore_mem>>
      %dma_wait3A_680 = arith.constant 0 : i32
      %dma_wait3A_681 = tpu.memref_slice %arg11[%dma_wait3A_672, %dma_wait3A_680] : memref<1x40xi32, #tpu.memory_space<vmem>> -> memref<1x40xi32, #tpu.memory_space<vmem>>
      %dma_wait3A_682 = tpu.memref_squeeze %dma_wait3A_681 : memref<1x40xi32, #tpu.memory_space<vmem>> -> memref<40xi32, #tpu.memory_space<vmem>>
      %dma_wait3A_683 = tpu.memref_slice %arg3[%add3A_671] : memref<640000xi32, #tpu.memory_space<hbm>> -> memref<40xi32, #tpu.memory_space<hbm>>
      tpu.wait_dma2 semaphore(%dma_wait3A_679 : memref<!tpu.dma_semaphore, #tpu.memory_space<semaphore_mem>>) src(%dma_wait3A_683 : memref<40xi32, #tpu.memory_space<hbm>>) dst(%dma_wait3A_682 : memref<40xi32, #tpu.memory_space<vmem>>)
      %mul3A_684 = arith.constant 40 : i32
      %mul3A_685 = arith.muli %add3A_666, %mul3A_684 : i32
      %dma_wait3A_686 = arith.constant 4 : i32
      %dma_wait3A_687 = tpu.memref_slice %arg6[%mul3A_685] : memref<10000xi32, #tpu.memory_space<vmem>> -> memref<40xi32, #tpu.memory_space<vmem>>
      %dma_wait3A_688 = arith.constant 0 : i32
      %dma_wait3A_689 = arith.constant 0 : i32
      %dma_wait3A_690 = tpu.memref_slice %arg2[%dma_wait3A_688, %dma_wait3A_689] : memref<10000x128xf32, #tpu.memory_space<hbm>> -> memref<10000x128xf32, #tpu.memory_space<hbm>>
      %dma_wait3A_691 = tpu.memref_slice %arg17[%dma_wait3A_686] : memref<5x!tpu.dma_semaphore, #tpu.memory_space<semaphore_mem>> -> memref<1x!tpu.dma_semaphore, #tpu.memory_space<semaphore_mem>>
      %dma_wait3A_692 = tpu.memref_squeeze %dma_wait3A_691 : memref<1x!tpu.dma_semaphore, #tpu.memory_space<semaphore_mem>> -> memref<!tpu.dma_semaphore, #tpu.memory_space<semaphore_mem>>
      tpu.wait_indirect_dma semaphore(%dma_wait3A_692 : memref<!tpu.dma_semaphore, #tpu.memory_space<semaphore_mem>>) src(%dma_wait3A_690 : memref<10000x128xf32, #tpu.memory_space<hbm>>) dst(%arg16 : memref<40x128xf32, #tpu.memory_space<vmem>>)
      %dma_start3A_693 = arith.constant 0 : i32
      %dma_start3A_694 = arith.constant 4 : i32
      %dma_start3A_695 = arith.constant 0 : i32
      %dma_start3A_696 = tpu.memref_slice %arg11[%dma_start3A_693, %dma_start3A_695] : memref<1x40xi32, #tpu.memory_space<vmem>> -> memref<1x40xi32, #tpu.memory_space<vmem>>
      %dma_start3A_697 = tpu.memref_squeeze %dma_start3A_696 : memref<1x40xi32, #tpu.memory_space<vmem>> -> memref<40xi32, #tpu.memory_space<vmem>>
      %dma_start3A_698 = arith.constant 0 : i32
      %dma_start3A_699 = arith.constant 0 : i32
      %dma_start3A_700 = tpu.memref_slice %arg5[%dma_start3A_698, %dma_start3A_699] : memref<10240x128xf32, #tpu.memory_space<vmem_shared>> -> memref<10240x128xf32, #tpu.memory_space<vmem_shared>>
      %dma_start3A_701 = tpu.memref_slice %arg18[%dma_start3A_694] : memref<5x!tpu.dma_semaphore, #tpu.memory_space<semaphore_mem>> -> memref<1x!tpu.dma_semaphore, #tpu.memory_space<semaphore_mem>>
      %dma_start3A_702 = tpu.memref_squeeze %dma_start3A_701 : memref<1x!tpu.dma_semaphore, #tpu.memory_space<semaphore_mem>> -> memref<!tpu.dma_semaphore, #tpu.memory_space<semaphore_mem>>
      tpu.enqueue_indirect_dma source(%arg16 : memref<40x128xf32, #tpu.memory_space<vmem>>) target(%dma_start3A_700 : memref<10240x128xf32, #tpu.memory_space<vmem_shared>>) offsets(%dma_start3A_697 : memref<40xi32, #tpu.memory_space<vmem>>) semaphore(%dma_start3A_702 : memref<!tpu.dma_semaphore, #tpu.memory_space<semaphore_mem>>) {add = true}
      %mul3A_703 = arith.constant 5 : i32
      %mul3A_704 = arith.muli %scan3A_502, %mul3A_703 : i32
      %add3A_705 = arith.constant 0 : i32
      %add3A_706 = arith.addi %mul3A_704, %add3A_705 : i32
      %dma_wait3A_707 = arith.constant 0 : i32
      %dma_wait3A_708 = arith.constant 0 : i32
      %dma_wait3A_709 = arith.constant 0 : i32
      %dma_wait3A_710 = tpu.memref_slice %arg7[%dma_wait3A_707, %dma_wait3A_709] : memref<1x40xi32, #tpu.memory_space<vmem>> -> memref<1x40xi32, #tpu.memory_space<vmem>>
      %dma_wait3A_711 = tpu.memref_squeeze %dma_wait3A_710 : memref<1x40xi32, #tpu.memory_space<vmem>> -> memref<40xi32, #tpu.memory_space<vmem>>
      %dma_wait3A_712 = arith.constant 0 : i32
      %dma_wait3A_713 = arith.constant 0 : i32
      %dma_wait3A_714 = tpu.memref_slice %arg5[%dma_wait3A_712, %dma_wait3A_713] : memref<10240x128xf32, #tpu.memory_space<vmem_shared>> -> memref<10240x128xf32, #tpu.memory_space<vmem_shared>>
      %dma_wait3A_715 = tpu.memref_slice %arg18[%dma_wait3A_708] : memref<5x!tpu.dma_semaphore, #tpu.memory_space<semaphore_mem>> -> memref<1x!tpu.dma_semaphore, #tpu.memory_space<semaphore_mem>>
      %dma_wait3A_716 = tpu.memref_squeeze %dma_wait3A_715 : memref<1x!tpu.dma_semaphore, #tpu.memory_space<semaphore_mem>> -> memref<!tpu.dma_semaphore, #tpu.memory_space<semaphore_mem>>
      tpu.wait_indirect_dma semaphore(%dma_wait3A_716 : memref<!tpu.dma_semaphore, #tpu.memory_space<semaphore_mem>>) src(%arg12 : memref<40x128xf32, #tpu.memory_space<vmem>>) dst(%dma_wait3A_714 : memref<10240x128xf32, #tpu.memory_space<vmem_shared>>)
      %lt3A = arith.constant 49 : i32
      %lt3A_717 = arith.cmpi slt, %scan3A_502, %lt3A : i32
      %convert_element_type3A = arith.extui %lt3A_717 : i1 to i32
      %cond3A = arith.constant 0 : i32
      %cond3A_718 = arith.cmpi ne, %convert_element_type3A, %cond3A : i32
      scf.if %cond3A_718 {
        %add3A_795 = arith.constant 1 : i32
        %add3A_796 = arith.addi %scan3A_502, %add3A_795 : i32
        %mul3A_797 = arith.constant 5 : i32
        %mul3A_798 = arith.muli %add3A_796, %mul3A_797 : i32
        %add3A_799 = arith.constant 0 : i32
        %add3A_800 = arith.addi %mul3A_798, %add3A_799 : i32
        %add3A_801 = arith.constant 320000 : i32
        %add3A_802 = arith.addi %add3A_801, %mul3A_2 : i32
        %mul3A_803 = arith.constant 40 : i32
        %mul3A_804 = arith.muli %add3A_800, %mul3A_803 : i32
        %add3A_805 = arith.addi %add3A_802, %mul3A_804 : i32
        %dma_start3A_806 = arith.constant 0 : i32
        %dma_start3A_807 = arith.constant 0 : i32
        %dma_start3A_808 = arith.constant 0 : i32
        %dma_start3A_809 = tpu.memref_slice %arg7[%dma_start3A_806, %dma_start3A_808] : memref<1x40xi32, #tpu.memory_space<vmem>> -> memref<1x40xi32, #tpu.memory_space<vmem>>
        %dma_start3A_810 = tpu.memref_squeeze %dma_start3A_809 : memref<1x40xi32, #tpu.memory_space<vmem>> -> memref<40xi32, #tpu.memory_space<vmem>>
        %dma_start3A_811 = tpu.memref_slice %arg3[%add3A_805] : memref<640000xi32, #tpu.memory_space<hbm>> -> memref<40xi32, #tpu.memory_space<hbm>>
        %dma_start3A_812 = tpu.memref_slice %arg19[%dma_start3A_807] : memref<5x!tpu.dma_semaphore, #tpu.memory_space<semaphore_mem>> -> memref<1x!tpu.dma_semaphore, #tpu.memory_space<semaphore_mem>>
        %dma_start3A_813 = tpu.memref_squeeze %dma_start3A_812 : memref<1x!tpu.dma_semaphore, #tpu.memory_space<semaphore_mem>> -> memref<!tpu.dma_semaphore, #tpu.memory_space<semaphore_mem>>
        %dma_start3A_814 = arith.constant 0 : i32
        %dma_start3A_815 = tpu.memref_slice %arg7[%dma_start3A_806, %dma_start3A_814] : memref<1x40xi32, #tpu.memory_space<vmem>> -> memref<1x40xi32, #tpu.memory_space<vmem>>
        %dma_start3A_816 = tpu.memref_squeeze %dma_start3A_815 : memref<1x40xi32, #tpu.memory_space<vmem>> -> memref<40xi32, #tpu.memory_space<vmem>>
        %dma_start3A_817 = tpu.memref_slice %arg3[%add3A_805] : memref<640000xi32, #tpu.memory_space<hbm>> -> memref<40xi32, #tpu.memory_space<hbm>>
        tpu.enqueue_dma source(%dma_start3A_817 : memref<40xi32, #tpu.memory_space<hbm>>) target(%dma_start3A_816 : memref<40xi32, #tpu.memory_space<vmem>>) target_semaphore(%dma_start3A_813 : memref<!tpu.dma_semaphore, #tpu.memory_space<semaphore_mem>>)
        %mul3A_818 = arith.constant 40 : i32
        %mul3A_819 = arith.muli %add3A_800, %mul3A_818 : i32
        %dma_start3A_820 = arith.constant 0 : i32
        %dma_start3A_821 = tpu.memref_slice %arg6[%mul3A_819] : memref<10000xi32, #tpu.memory_space<vmem>> -> memref<40xi32, #tpu.memory_space<vmem>>
        %dma_start3A_822 = arith.constant 0 : i32
        %dma_start3A_823 = arith.constant 0 : i32
        %dma_start3A_824 = tpu.memref_slice %arg2[%dma_start3A_822, %dma_start3A_823] : memref<10000x128xf32, #tpu.memory_space<hbm>> -> memref<10000x128xf32, #tpu.memory_space<hbm>>
        %dma_start3A_825 = tpu.memref_slice %arg17[%dma_start3A_820] : memref<5x!tpu.dma_semaphore, #tpu.memory_space<semaphore_mem>> -> memref<1x!tpu.dma_semaphore, #tpu.memory_space<semaphore_mem>>
        %dma_start3A_826 = tpu.memref_squeeze %dma_start3A_825 : memref<1x!tpu.dma_semaphore, #tpu.memory_space<semaphore_mem>> -> memref<!tpu.dma_semaphore, #tpu.memory_space<semaphore_mem>>
        tpu.enqueue_indirect_dma source(%dma_start3A_824 : memref<10000x128xf32, #tpu.memory_space<hbm>>) target(%arg12 : memref<40x128xf32, #tpu.memory_space<vmem>>) offsets(%dma_start3A_821 : memref<40xi32, #tpu.memory_space<vmem>>) semaphore(%dma_start3A_826 : memref<!tpu.dma_semaphore, #tpu.memory_space<semaphore_mem>>)
      } else {
      }
      %mul3A_719 = arith.constant 5 : i32
      %mul3A_720 = arith.muli %scan3A_502, %mul3A_719 : i32
      %add3A_721 = arith.constant 1 : i32
      %add3A_722 = arith.addi %mul3A_720, %add3A_721 : i32
      %dma_wait3A_723 = arith.constant 0 : i32
      %dma_wait3A_724 = arith.constant 1 : i32
      %dma_wait3A_725 = arith.constant 0 : i32
      %dma_wait3A_726 = tpu.memref_slice %arg8[%dma_wait3A_723, %dma_wait3A_725] : memref<1x40xi32, #tpu.memory_space<vmem>> -> memref<1x40xi32, #tpu.memory_space<vmem>>
      %dma_wait3A_727 = tpu.memref_squeeze %dma_wait3A_726 : memref<1x40xi32, #tpu.memory_space<vmem>> -> memref<40xi32, #tpu.memory_space<vmem>>
      %dma_wait3A_728 = arith.constant 0 : i32
      %dma_wait3A_729 = arith.constant 0 : i32
      %dma_wait3A_730 = tpu.memref_slice %arg5[%dma_wait3A_728, %dma_wait3A_729] : memref<10240x128xf32, #tpu.memory_space<vmem_shared>> -> memref<10240x128xf32, #tpu.memory_space<vmem_shared>>
      %dma_wait3A_731 = tpu.memref_slice %arg18[%dma_wait3A_724] : memref<5x!tpu.dma_semaphore, #tpu.memory_space<semaphore_mem>> -> memref<1x!tpu.dma_semaphore, #tpu.memory_space<semaphore_mem>>
      %dma_wait3A_732 = tpu.memref_squeeze %dma_wait3A_731 : memref<1x!tpu.dma_semaphore, #tpu.memory_space<semaphore_mem>> -> memref<!tpu.dma_semaphore, #tpu.memory_space<semaphore_mem>>
      tpu.wait_indirect_dma semaphore(%dma_wait3A_732 : memref<!tpu.dma_semaphore, #tpu.memory_space<semaphore_mem>>) src(%arg13 : memref<40x128xf32, #tpu.memory_space<vmem>>) dst(%dma_wait3A_730 : memref<10240x128xf32, #tpu.memory_space<vmem_shared>>)
      %lt3A_733 = arith.constant 49 : i32
      %lt3A_734 = arith.cmpi slt, %scan3A_502, %lt3A_733 : i32
      %convert_element_type3A_735 = arith.extui %lt3A_734 : i1 to i32
      %cond3A_736 = arith.constant 0 : i32
      %cond3A_737 = arith.cmpi ne, %convert_element_type3A_735, %cond3A_736 : i32
      scf.if %cond3A_737 {
        %add3A_795 = arith.constant 1 : i32
        %add3A_796 = arith.addi %scan3A_502, %add3A_795 : i32
        %mul3A_797 = arith.constant 5 : i32
        %mul3A_798 = arith.muli %add3A_796, %mul3A_797 : i32
        %add3A_799 = arith.constant 1 : i32
        %add3A_800 = arith.addi %mul3A_798, %add3A_799 : i32
        %add3A_801 = arith.constant 320000 : i32
        %add3A_802 = arith.addi %add3A_801, %mul3A_2 : i32
        %mul3A_803 = arith.constant 40 : i32
        %mul3A_804 = arith.muli %add3A_800, %mul3A_803 : i32
        %add3A_805 = arith.addi %add3A_802, %mul3A_804 : i32
        %dma_start3A_806 = arith.constant 0 : i32
        %dma_start3A_807 = arith.constant 1 : i32
        %dma_start3A_808 = arith.constant 0 : i32
        %dma_start3A_809 = tpu.memref_slice %arg8[%dma_start3A_806, %dma_start3A_808] : memref<1x40xi32, #tpu.memory_space<vmem>> -> memref<1x40xi32, #tpu.memory_space<vmem>>
        %dma_start3A_810 = tpu.memref_squeeze %dma_start3A_809 : memref<1x40xi32, #tpu.memory_space<vmem>> -> memref<40xi32, #tpu.memory_space<vmem>>
        %dma_start3A_811 = tpu.memref_slice %arg3[%add3A_805] : memref<640000xi32, #tpu.memory_space<hbm>> -> memref<40xi32, #tpu.memory_space<hbm>>
        %dma_start3A_812 = tpu.memref_slice %arg19[%dma_start3A_807] : memref<5x!tpu.dma_semaphore, #tpu.memory_space<semaphore_mem>> -> memref<1x!tpu.dma_semaphore, #tpu.memory_space<semaphore_mem>>
        %dma_start3A_813 = tpu.memref_squeeze %dma_start3A_812 : memref<1x!tpu.dma_semaphore, #tpu.memory_space<semaphore_mem>> -> memref<!tpu.dma_semaphore, #tpu.memory_space<semaphore_mem>>
        %dma_start3A_814 = arith.constant 0 : i32
        %dma_start3A_815 = tpu.memref_slice %arg8[%dma_start3A_806, %dma_start3A_814] : memref<1x40xi32, #tpu.memory_space<vmem>> -> memref<1x40xi32, #tpu.memory_space<vmem>>
        %dma_start3A_816 = tpu.memref_squeeze %dma_start3A_815 : memref<1x40xi32, #tpu.memory_space<vmem>> -> memref<40xi32, #tpu.memory_space<vmem>>
        %dma_start3A_817 = tpu.memref_slice %arg3[%add3A_805] : memref<640000xi32, #tpu.memory_space<hbm>> -> memref<40xi32, #tpu.memory_space<hbm>>
        tpu.enqueue_dma source(%dma_start3A_817 : memref<40xi32, #tpu.memory_space<hbm>>) target(%dma_start3A_816 : memref<40xi32, #tpu.memory_space<vmem>>) target_semaphore(%dma_start3A_813 : memref<!tpu.dma_semaphore, #tpu.memory_space<semaphore_mem>>)
        %mul3A_818 = arith.constant 40 : i32
        %mul3A_819 = arith.muli %add3A_800, %mul3A_818 : i32
        %dma_start3A_820 = arith.constant 1 : i32
        %dma_start3A_821 = tpu.memref_slice %arg6[%mul3A_819] : memref<10000xi32, #tpu.memory_space<vmem>> -> memref<40xi32, #tpu.memory_space<vmem>>
        %dma_start3A_822 = arith.constant 0 : i32
        %dma_start3A_823 = arith.constant 0 : i32
        %dma_start3A_824 = tpu.memref_slice %arg2[%dma_start3A_822, %dma_start3A_823] : memref<10000x128xf32, #tpu.memory_space<hbm>> -> memref<10000x128xf32, #tpu.memory_space<hbm>>
        %dma_start3A_825 = tpu.memref_slice %arg17[%dma_start3A_820] : memref<5x!tpu.dma_semaphore, #tpu.memory_space<semaphore_mem>> -> memref<1x!tpu.dma_semaphore, #tpu.memory_space<semaphore_mem>>
        %dma_start3A_826 = tpu.memref_squeeze %dma_start3A_825 : memref<1x!tpu.dma_semaphore, #tpu.memory_space<semaphore_mem>> -> memref<!tpu.dma_semaphore, #tpu.memory_space<semaphore_mem>>
        tpu.enqueue_indirect_dma source(%dma_start3A_824 : memref<10000x128xf32, #tpu.memory_space<hbm>>) target(%arg13 : memref<40x128xf32, #tpu.memory_space<vmem>>) offsets(%dma_start3A_821 : memref<40xi32, #tpu.memory_space<vmem>>) semaphore(%dma_start3A_826 : memref<!tpu.dma_semaphore, #tpu.memory_space<semaphore_mem>>)
      } else {
      }
      %mul3A_738 = arith.constant 5 : i32
      %mul3A_739 = arith.muli %scan3A_502, %mul3A_738 : i32
      %add3A_740 = arith.constant 2 : i32
      %add3A_741 = arith.addi %mul3A_739, %add3A_740 : i32
      %dma_wait3A_742 = arith.constant 0 : i32
      %dma_wait3A_743 = arith.constant 2 : i32
      %dma_wait3A_744 = arith.constant 0 : i32
      %dma_wait3A_745 = tpu.memref_slice %arg9[%dma_wait3A_742, %dma_wait3A_744] : memref<1x40xi32, #tpu.memory_space<vmem>> -> memref<1x40xi32, #tpu.memory_space<vmem>>
      %dma_wait3A_746 = tpu.memref_squeeze %dma_wait3A_745 : memref<1x40xi32, #tpu.memory_space<vmem>> -> memref<40xi32, #tpu.memory_space<vmem>>
      %dma_wait3A_747 = arith.constant 0 : i32
      %dma_wait3A_748 = arith.constant 0 : i32
      %dma_wait3A_749 = tpu.memref_slice %arg5[%dma_wait3A_747, %dma_wait3A_748] : memref<10240x128xf32, #tpu.memory_space<vmem_shared>> -> memref<10240x128xf32, #tpu.memory_space<vmem_shared>>
      %dma_wait3A_750 = tpu.memref_slice %arg18[%dma_wait3A_743] : memref<5x!tpu.dma_semaphore, #tpu.memory_space<semaphore_mem>> -> memref<1x!tpu.dma_semaphore, #tpu.memory_space<semaphore_mem>>
      %dma_wait3A_751 = tpu.memref_squeeze %dma_wait3A_750 : memref<1x!tpu.dma_semaphore, #tpu.memory_space<semaphore_mem>> -> memref<!tpu.dma_semaphore, #tpu.memory_space<semaphore_mem>>
      tpu.wait_indirect_dma semaphore(%dma_wait3A_751 : memref<!tpu.dma_semaphore, #tpu.memory_space<semaphore_mem>>) src(%arg14 : memref<40x128xf32, #tpu.memory_space<vmem>>) dst(%dma_wait3A_749 : memref<10240x128xf32, #tpu.memory_space<vmem_shared>>)
      %lt3A_752 = arith.constant 49 : i32
      %lt3A_753 = arith.cmpi slt, %scan3A_502, %lt3A_752 : i32
      %convert_element_type3A_754 = arith.extui %lt3A_753 : i1 to i32
      %cond3A_755 = arith.constant 0 : i32
      %cond3A_756 = arith.cmpi ne, %convert_element_type3A_754, %cond3A_755 : i32
      scf.if %cond3A_756 {
        %add3A_795 = arith.constant 1 : i32
        %add3A_796 = arith.addi %scan3A_502, %add3A_795 : i32
        %mul3A_797 = arith.constant 5 : i32
        %mul3A_798 = arith.muli %add3A_796, %mul3A_797 : i32
        %add3A_799 = arith.constant 2 : i32
        %add3A_800 = arith.addi %mul3A_798, %add3A_799 : i32
        %add3A_801 = arith.constant 320000 : i32
        %add3A_802 = arith.addi %add3A_801, %mul3A_2 : i32
        %mul3A_803 = arith.constant 40 : i32
        %mul3A_804 = arith.muli %add3A_800, %mul3A_803 : i32
        %add3A_805 = arith.addi %add3A_802, %mul3A_804 : i32
        %dma_start3A_806 = arith.constant 0 : i32
        %dma_start3A_807 = arith.constant 2 : i32
        %dma_start3A_808 = arith.constant 0 : i32
        %dma_start3A_809 = tpu.memref_slice %arg9[%dma_start3A_806, %dma_start3A_808] : memref<1x40xi32, #tpu.memory_space<vmem>> -> memref<1x40xi32, #tpu.memory_space<vmem>>
        %dma_start3A_810 = tpu.memref_squeeze %dma_start3A_809 : memref<1x40xi32, #tpu.memory_space<vmem>> -> memref<40xi32, #tpu.memory_space<vmem>>
        %dma_start3A_811 = tpu.memref_slice %arg3[%add3A_805] : memref<640000xi32, #tpu.memory_space<hbm>> -> memref<40xi32, #tpu.memory_space<hbm>>
        %dma_start3A_812 = tpu.memref_slice %arg19[%dma_start3A_807] : memref<5x!tpu.dma_semaphore, #tpu.memory_space<semaphore_mem>> -> memref<1x!tpu.dma_semaphore, #tpu.memory_space<semaphore_mem>>
        %dma_start3A_813 = tpu.memref_squeeze %dma_start3A_812 : memref<1x!tpu.dma_semaphore, #tpu.memory_space<semaphore_mem>> -> memref<!tpu.dma_semaphore, #tpu.memory_space<semaphore_mem>>
        %dma_start3A_814 = arith.constant 0 : i32
        %dma_start3A_815 = tpu.memref_slice %arg9[%dma_start3A_806, %dma_start3A_814] : memref<1x40xi32, #tpu.memory_space<vmem>> -> memref<1x40xi32, #tpu.memory_space<vmem>>
        %dma_start3A_816 = tpu.memref_squeeze %dma_start3A_815 : memref<1x40xi32, #tpu.memory_space<vmem>> -> memref<40xi32, #tpu.memory_space<vmem>>
        %dma_start3A_817 = tpu.memref_slice %arg3[%add3A_805] : memref<640000xi32, #tpu.memory_space<hbm>> -> memref<40xi32, #tpu.memory_space<hbm>>
        tpu.enqueue_dma source(%dma_start3A_817 : memref<40xi32, #tpu.memory_space<hbm>>) target(%dma_start3A_816 : memref<40xi32, #tpu.memory_space<vmem>>) target_semaphore(%dma_start3A_813 : memref<!tpu.dma_semaphore, #tpu.memory_space<semaphore_mem>>)
        %mul3A_818 = arith.constant 40 : i32
        %mul3A_819 = arith.muli %add3A_800, %mul3A_818 : i32
        %dma_start3A_820 = arith.constant 2 : i32
        %dma_start3A_821 = tpu.memref_slice %arg6[%mul3A_819] : memref<10000xi32, #tpu.memory_space<vmem>> -> memref<40xi32, #tpu.memory_space<vmem>>
        %dma_start3A_822 = arith.constant 0 : i32
        %dma_start3A_823 = arith.constant 0 : i32
        %dma_start3A_824 = tpu.memref_slice %arg2[%dma_start3A_822, %dma_start3A_823] : memref<10000x128xf32, #tpu.memory_space<hbm>> -> memref<10000x128xf32, #tpu.memory_space<hbm>>
        %dma_start3A_825 = tpu.memref_slice %arg17[%dma_start3A_820] : memref<5x!tpu.dma_semaphore, #tpu.memory_space<semaphore_mem>> -> memref<1x!tpu.dma_semaphore, #tpu.memory_space<semaphore_mem>>
        %dma_start3A_826 = tpu.memref_squeeze %dma_start3A_825 : memref<1x!tpu.dma_semaphore, #tpu.memory_space<semaphore_mem>> -> memref<!tpu.dma_semaphore, #tpu.memory_space<semaphore_mem>>
        tpu.enqueue_indirect_dma source(%dma_start3A_824 : memref<10000x128xf32, #tpu.memory_space<hbm>>) target(%arg14 : memref<40x128xf32, #tpu.memory_space<vmem>>) offsets(%dma_start3A_821 : memref<40xi32, #tpu.memory_space<vmem>>) semaphore(%dma_start3A_826 : memref<!tpu.dma_semaphore, #tpu.memory_space<semaphore_mem>>)
      } else {
      }
      %mul3A_757 = arith.constant 5 : i32
      %mul3A_758 = arith.muli %scan3A_502, %mul3A_757 : i32
      %add3A_759 = arith.constant 3 : i32
      %add3A_760 = arith.addi %mul3A_758, %add3A_759 : i32
      %dma_wait3A_761 = arith.constant 0 : i32
      %dma_wait3A_762 = arith.constant 3 : i32
      %dma_wait3A_763 = arith.constant 0 : i32
      %dma_wait3A_764 = tpu.memref_slice %arg10[%dma_wait3A_761, %dma_wait3A_763] : memref<1x40xi32, #tpu.memory_space<vmem>> -> memref<1x40xi32, #tpu.memory_space<vmem>>
      %dma_wait3A_765 = tpu.memref_squeeze %dma_wait3A_764 : memref<1x40xi32, #tpu.memory_space<vmem>> -> memref<40xi32, #tpu.memory_space<vmem>>
      %dma_wait3A_766 = arith.constant 0 : i32
      %dma_wait3A_767 = arith.constant 0 : i32
      %dma_wait3A_768 = tpu.memref_slice %arg5[%dma_wait3A_766, %dma_wait3A_767] : memref<10240x128xf32, #tpu.memory_space<vmem_shared>> -> memref<10240x128xf32, #tpu.memory_space<vmem_shared>>
      %dma_wait3A_769 = tpu.memref_slice %arg18[%dma_wait3A_762] : memref<5x!tpu.dma_semaphore, #tpu.memory_space<semaphore_mem>> -> memref<1x!tpu.dma_semaphore, #tpu.memory_space<semaphore_mem>>
      %dma_wait3A_770 = tpu.memref_squeeze %dma_wait3A_769 : memref<1x!tpu.dma_semaphore, #tpu.memory_space<semaphore_mem>> -> memref<!tpu.dma_semaphore, #tpu.memory_space<semaphore_mem>>
      tpu.wait_indirect_dma semaphore(%dma_wait3A_770 : memref<!tpu.dma_semaphore, #tpu.memory_space<semaphore_mem>>) src(%arg15 : memref<40x128xf32, #tpu.memory_space<vmem>>) dst(%dma_wait3A_768 : memref<10240x128xf32, #tpu.memory_space<vmem_shared>>)
      %lt3A_771 = arith.constant 49 : i32
      %lt3A_772 = arith.cmpi slt, %scan3A_502, %lt3A_771 : i32
      %convert_element_type3A_773 = arith.extui %lt3A_772 : i1 to i32
      %cond3A_774 = arith.constant 0 : i32
      %cond3A_775 = arith.cmpi ne, %convert_element_type3A_773, %cond3A_774 : i32
      scf.if %cond3A_775 {
        %add3A_795 = arith.constant 1 : i32
        %add3A_796 = arith.addi %scan3A_502, %add3A_795 : i32
        %mul3A_797 = arith.constant 5 : i32
        %mul3A_798 = arith.muli %add3A_796, %mul3A_797 : i32
        %add3A_799 = arith.constant 3 : i32
        %add3A_800 = arith.addi %mul3A_798, %add3A_799 : i32
        %add3A_801 = arith.constant 320000 : i32
        %add3A_802 = arith.addi %add3A_801, %mul3A_2 : i32
        %mul3A_803 = arith.constant 40 : i32
        %mul3A_804 = arith.muli %add3A_800, %mul3A_803 : i32
        %add3A_805 = arith.addi %add3A_802, %mul3A_804 : i32
        %dma_start3A_806 = arith.constant 0 : i32
        %dma_start3A_807 = arith.constant 3 : i32
        %dma_start3A_808 = arith.constant 0 : i32
        %dma_start3A_809 = tpu.memref_slice %arg10[%dma_start3A_806, %dma_start3A_808] : memref<1x40xi32, #tpu.memory_space<vmem>> -> memref<1x40xi32, #tpu.memory_space<vmem>>
        %dma_start3A_810 = tpu.memref_squeeze %dma_start3A_809 : memref<1x40xi32, #tpu.memory_space<vmem>> -> memref<40xi32, #tpu.memory_space<vmem>>
        %dma_start3A_811 = tpu.memref_slice %arg3[%add3A_805] : memref<640000xi32, #tpu.memory_space<hbm>> -> memref<40xi32, #tpu.memory_space<hbm>>
        %dma_start3A_812 = tpu.memref_slice %arg19[%dma_start3A_807] : memref<5x!tpu.dma_semaphore, #tpu.memory_space<semaphore_mem>> -> memref<1x!tpu.dma_semaphore, #tpu.memory_space<semaphore_mem>>
        %dma_start3A_813 = tpu.memref_squeeze %dma_start3A_812 : memref<1x!tpu.dma_semaphore, #tpu.memory_space<semaphore_mem>> -> memref<!tpu.dma_semaphore, #tpu.memory_space<semaphore_mem>>
        %dma_start3A_814 = arith.constant 0 : i32
        %dma_start3A_815 = tpu.memref_slice %arg10[%dma_start3A_806, %dma_start3A_814] : memref<1x40xi32, #tpu.memory_space<vmem>> -> memref<1x40xi32, #tpu.memory_space<vmem>>
        %dma_start3A_816 = tpu.memref_squeeze %dma_start3A_815 : memref<1x40xi32, #tpu.memory_space<vmem>> -> memref<40xi32, #tpu.memory_space<vmem>>
        %dma_start3A_817 = tpu.memref_slice %arg3[%add3A_805] : memref<640000xi32, #tpu.memory_space<hbm>> -> memref<40xi32, #tpu.memory_space<hbm>>
        tpu.enqueue_dma source(%dma_start3A_817 : memref<40xi32, #tpu.memory_space<hbm>>) target(%dma_start3A_816 : memref<40xi32, #tpu.memory_space<vmem>>) target_semaphore(%dma_start3A_813 : memref<!tpu.dma_semaphore, #tpu.memory_space<semaphore_mem>>)
        %mul3A_818 = arith.constant 40 : i32
        %mul3A_819 = arith.muli %add3A_800, %mul3A_818 : i32
        %dma_start3A_820 = arith.constant 3 : i32
        %dma_start3A_821 = tpu.memref_slice %arg6[%mul3A_819] : memref<10000xi32, #tpu.memory_space<vmem>> -> memref<40xi32, #tpu.memory_space<vmem>>
        %dma_start3A_822 = arith.constant 0 : i32
        %dma_start3A_823 = arith.constant 0 : i32
        %dma_start3A_824 = tpu.memref_slice %arg2[%dma_start3A_822, %dma_start3A_823] : memref<10000x128xf32, #tpu.memory_space<hbm>> -> memref<10000x128xf32, #tpu.memory_space<hbm>>
        %dma_start3A_825 = tpu.memref_slice %arg17[%dma_start3A_820] : memref<5x!tpu.dma_semaphore, #tpu.memory_space<semaphore_mem>> -> memref<1x!tpu.dma_semaphore, #tpu.memory_space<semaphore_mem>>
        %dma_start3A_826 = tpu.memref_squeeze %dma_start3A_825 : memref<1x!tpu.dma_semaphore, #tpu.memory_space<semaphore_mem>> -> memref<!tpu.dma_semaphore, #tpu.memory_space<semaphore_mem>>
        tpu.enqueue_indirect_dma source(%dma_start3A_824 : memref<10000x128xf32, #tpu.memory_space<hbm>>) target(%arg15 : memref<40x128xf32, #tpu.memory_space<vmem>>) offsets(%dma_start3A_821 : memref<40xi32, #tpu.memory_space<vmem>>) semaphore(%dma_start3A_826 : memref<!tpu.dma_semaphore, #tpu.memory_space<semaphore_mem>>)
      } else {
      }
      %mul3A_776 = arith.constant 5 : i32
      %mul3A_777 = arith.muli %scan3A_502, %mul3A_776 : i32
      %add3A_778 = arith.constant 4 : i32
      %add3A_779 = arith.addi %mul3A_777, %add3A_778 : i32
      %dma_wait3A_780 = arith.constant 0 : i32
      %dma_wait3A_781 = arith.constant 4 : i32
      %dma_wait3A_782 = arith.constant 0 : i32
      %dma_wait3A_783 = tpu.memref_slice %arg11[%dma_wait3A_780, %dma_wait3A_782] : memref<1x40xi32, #tpu.memory_space<vmem>> -> memref<1x40xi32, #tpu.memory_space<vmem>>
      %dma_wait3A_784 = tpu.memref_squeeze %dma_wait3A_783 : memref<1x40xi32, #tpu.memory_space<vmem>> -> memref<40xi32, #tpu.memory_space<vmem>>
      %dma_wait3A_785 = arith.constant 0 : i32
      %dma_wait3A_786 = arith.constant 0 : i32
      %dma_wait3A_787 = tpu.memref_slice %arg5[%dma_wait3A_785, %dma_wait3A_786] : memref<10240x128xf32, #tpu.memory_space<vmem_shared>> -> memref<10240x128xf32, #tpu.memory_space<vmem_shared>>
      %dma_wait3A_788 = tpu.memref_slice %arg18[%dma_wait3A_781] : memref<5x!tpu.dma_semaphore, #tpu.memory_space<semaphore_mem>> -> memref<1x!tpu.dma_semaphore, #tpu.memory_space<semaphore_mem>>
      %dma_wait3A_789 = tpu.memref_squeeze %dma_wait3A_788 : memref<1x!tpu.dma_semaphore, #tpu.memory_space<semaphore_mem>> -> memref<!tpu.dma_semaphore, #tpu.memory_space<semaphore_mem>>
      tpu.wait_indirect_dma semaphore(%dma_wait3A_789 : memref<!tpu.dma_semaphore, #tpu.memory_space<semaphore_mem>>) src(%arg16 : memref<40x128xf32, #tpu.memory_space<vmem>>) dst(%dma_wait3A_787 : memref<10240x128xf32, #tpu.memory_space<vmem_shared>>)
      %lt3A_790 = arith.constant 49 : i32
      %lt3A_791 = arith.cmpi slt, %scan3A_502, %lt3A_790 : i32
      %convert_element_type3A_792 = arith.extui %lt3A_791 : i1 to i32
      %cond3A_793 = arith.constant 0 : i32
      %cond3A_794 = arith.cmpi ne, %convert_element_type3A_792, %cond3A_793 : i32
      scf.if %cond3A_794 {
        %add3A_795 = arith.constant 1 : i32
        %add3A_796 = arith.addi %scan3A_502, %add3A_795 : i32
        %mul3A_797 = arith.constant 5 : i32
        %mul3A_798 = arith.muli %add3A_796, %mul3A_797 : i32
        %add3A_799 = arith.constant 4 : i32
        %add3A_800 = arith.addi %mul3A_798, %add3A_799 : i32
        %add3A_801 = arith.constant 320000 : i32
        %add3A_802 = arith.addi %add3A_801, %mul3A_2 : i32
        %mul3A_803 = arith.constant 40 : i32
        %mul3A_804 = arith.muli %add3A_800, %mul3A_803 : i32
        %add3A_805 = arith.addi %add3A_802, %mul3A_804 : i32
        %dma_start3A_806 = arith.constant 0 : i32
        %dma_start3A_807 = arith.constant 4 : i32
        %dma_start3A_808 = arith.constant 0 : i32
        %dma_start3A_809 = tpu.memref_slice %arg11[%dma_start3A_806, %dma_start3A_808] : memref<1x40xi32, #tpu.memory_space<vmem>> -> memref<1x40xi32, #tpu.memory_space<vmem>>
        %dma_start3A_810 = tpu.memref_squeeze %dma_start3A_809 : memref<1x40xi32, #tpu.memory_space<vmem>> -> memref<40xi32, #tpu.memory_space<vmem>>
        %dma_start3A_811 = tpu.memref_slice %arg3[%add3A_805] : memref<640000xi32, #tpu.memory_space<hbm>> -> memref<40xi32, #tpu.memory_space<hbm>>
        %dma_start3A_812 = tpu.memref_slice %arg19[%dma_start3A_807] : memref<5x!tpu.dma_semaphore, #tpu.memory_space<semaphore_mem>> -> memref<1x!tpu.dma_semaphore, #tpu.memory_space<semaphore_mem>>
        %dma_start3A_813 = tpu.memref_squeeze %dma_start3A_812 : memref<1x!tpu.dma_semaphore, #tpu.memory_space<semaphore_mem>> -> memref<!tpu.dma_semaphore, #tpu.memory_space<semaphore_mem>>
        %dma_start3A_814 = arith.constant 0 : i32
        %dma_start3A_815 = tpu.memref_slice %arg11[%dma_start3A_806, %dma_start3A_814] : memref<1x40xi32, #tpu.memory_space<vmem>> -> memref<1x40xi32, #tpu.memory_space<vmem>>
        %dma_start3A_816 = tpu.memref_squeeze %dma_start3A_815 : memref<1x40xi32, #tpu.memory_space<vmem>> -> memref<40xi32, #tpu.memory_space<vmem>>
        %dma_start3A_817 = tpu.memref_slice %arg3[%add3A_805] : memref<640000xi32, #tpu.memory_space<hbm>> -> memref<40xi32, #tpu.memory_space<hbm>>
        tpu.enqueue_dma source(%dma_start3A_817 : memref<40xi32, #tpu.memory_space<hbm>>) target(%dma_start3A_816 : memref<40xi32, #tpu.memory_space<vmem>>) target_semaphore(%dma_start3A_813 : memref<!tpu.dma_semaphore, #tpu.memory_space<semaphore_mem>>)
        %mul3A_818 = arith.constant 40 : i32
        %mul3A_819 = arith.muli %add3A_800, %mul3A_818 : i32
        %dma_start3A_820 = arith.constant 4 : i32
        %dma_start3A_821 = tpu.memref_slice %arg6[%mul3A_819] : memref<10000xi32, #tpu.memory_space<vmem>> -> memref<40xi32, #tpu.memory_space<vmem>>
        %dma_start3A_822 = arith.constant 0 : i32
        %dma_start3A_823 = arith.constant 0 : i32
        %dma_start3A_824 = tpu.memref_slice %arg2[%dma_start3A_822, %dma_start3A_823] : memref<10000x128xf32, #tpu.memory_space<hbm>> -> memref<10000x128xf32, #tpu.memory_space<hbm>>
        %dma_start3A_825 = tpu.memref_slice %arg17[%dma_start3A_820] : memref<5x!tpu.dma_semaphore, #tpu.memory_space<semaphore_mem>> -> memref<1x!tpu.dma_semaphore, #tpu.memory_space<semaphore_mem>>
        %dma_start3A_826 = tpu.memref_squeeze %dma_start3A_825 : memref<1x!tpu.dma_semaphore, #tpu.memory_space<semaphore_mem>> -> memref<!tpu.dma_semaphore, #tpu.memory_space<semaphore_mem>>
        tpu.enqueue_indirect_dma source(%dma_start3A_824 : memref<10000x128xf32, #tpu.memory_space<hbm>>) target(%arg16 : memref<40x128xf32, #tpu.memory_space<vmem>>) offsets(%dma_start3A_821 : memref<40xi32, #tpu.memory_space<vmem>>) semaphore(%dma_start3A_826 : memref<!tpu.dma_semaphore, #tpu.memory_space<semaphore_mem>>)
      } else {
      }
    }
    %scan3A_493 = arith.constant 50 : i32
    %barrier3A_494 = arith.constant 0 : index
    tpu.barrier barrier_id(%barrier3A_494)
    %mul3A_495 = arith.constant 640 : i32
    %mul3A_496 = arith.muli %arg1, %mul3A_495 : i32
    %mul3A_497 = arith.constant 10240 : i32
    %mul3A_498 = arith.muli %arg0, %mul3A_497 : i32
    %mul3A_499 = arith.constant 640 : i32
    %mul3A_500 = arith.muli %arg1, %mul3A_499 : i32
    %add3A_501 = arith.addi %mul3A_498, %mul3A_500 : i32
    "tpu.region"() ({
      %run_scoped3A = tpu.sem_alloc : memref<!tpu.dma_semaphore, #tpu.memory_space<semaphore_mem>>
      %dma_start3A_502 = arith.constant 0 : i32
      %dma_start3A_503 = tpu.memref_slice %arg4[%add3A_501, %dma_start3A_502] : memref<20480x128xf32, #tpu.memory_space<hbm>> -> memref<640x128xf32, #tpu.memory_space<hbm>>
      %dma_start3A_504 = arith.constant 0 : i32
      %dma_start3A_505 = tpu.memref_slice %arg5[%mul3A_496, %dma_start3A_504] : memref<10240x128xf32, #tpu.memory_space<vmem_shared>> -> memref<640x128xf32, #tpu.memory_space<vmem_shared>>
      tpu.enqueue_dma source(%dma_start3A_505 : memref<640x128xf32, #tpu.memory_space<vmem_shared>>) target(%dma_start3A_503 : memref<640x128xf32, #tpu.memory_space<hbm>>) target_semaphore(%run_scoped3A : memref<!tpu.dma_semaphore, #tpu.memory_space<semaphore_mem>>)
      %dma_wait3A_506 = arith.constant 0 : i32
      %dma_wait3A_507 = tpu.memref_slice %arg4[%add3A_501, %dma_wait3A_506] : memref<20480x128xf32, #tpu.memory_space<hbm>> -> memref<640x128xf32, #tpu.memory_space<hbm>>
      %dma_wait3A_508 = arith.constant 0 : i32
      %dma_wait3A_509 = tpu.memref_slice %arg5[%mul3A_496, %dma_wait3A_508] : memref<10240x128xf32, #tpu.memory_space<vmem_shared>> -> memref<640x128xf32, #tpu.memory_space<vmem_shared>>
      tpu.wait_dma2 semaphore(%run_scoped3A : memref<!tpu.dma_semaphore, #tpu.memory_space<semaphore_mem>>) src(%dma_wait3A_509 : memref<640x128xf32, #tpu.memory_space<vmem_shared>>) dst(%dma_wait3A_507 : memref<640x128xf32, #tpu.memory_space<hbm>>)
      tpu.yield
    }) : () -> ()
    return
  }
}

module attributes {stable_mosaic.version = 14 : i64} {
  func.func @_fin_body(%arg0: i32, %arg1: memref<1x2048x128xf32, #tpu.memory_space<vmem>>, %arg2: memref<1x2048x128xf32, #tpu.memory_space<vmem>>, %arg3: memref<16x128xf32, #tpu.memory_space<vmem>>, %arg4: memref<16x128xf32, #tpu.memory_space<vmem>>, %arg5: memref<2048x128xf32, #tpu.memory_space<vmem>>) attributes {dimension_semantics = [#tpu.dimension_semantics<parallel>], iteration_bounds = array<i64: 5>, scalar_prefetch = 0 : i64, scratch_operands = 0 : i64, tpu.core_type = #tpu.core_type<tc>, window_params = [{transform_indices = @transform_0, window_bounds = array<i64: 1, 2048, 128>}, {transform_indices = @transform_1, window_bounds = array<i64: 1, 2048, 128>}, {transform_indices = @transform_2, window_bounds = array<i64: 16, 128>}, {transform_indices = @transform_3, window_bounds = array<i64: 16, 128>}, {transform_indices = @transform_4, window_bounds = array<i64: 2048, 128>}]} {
    %get3A = arith.constant 0 : index
    %get3A_0 = arith.constant 0 : index
    %get3A_1 = vector.load %arg3[%get3A, %get3A_0] : memref<16x128xf32, #tpu.memory_space<vmem>>, vector<16x128xf32>
    %get3A_2 = arith.constant 0 : index
    %get3A_3 = arith.constant 0 : index
    %get3A_4 = vector.load %arg4[%get3A_2, %get3A_3] : memref<16x128xf32, #tpu.memory_space<vmem>>, vector<16x128xf32>
    %add3A = arith.addf %get3A_1, %get3A_4 : vector<16x128xf32>
    %gt3A = arith.constant 0.000000e+00 : f32
    %gt3A_5 = vector.broadcast %gt3A : f32 to vector<16x128xf32>
    %gt3A_6 = arith.cmpf ogt, %add3A, %gt3A_5 : vector<16x128xf32>
    %max3A = arith.constant 9.99999935E-39 : f32
    %max3A_7 = vector.broadcast %max3A : f32 to vector<16x128xf32>
    %max3A_8 = arith.maximumf %add3A, %max3A_7 : vector<16x128xf32>
    %rsqrt3A = math.rsqrt %max3A_8 : vector<16x128xf32>
    %jit3A = arith.constant 0.000000e+00 : f32
    %broadcast_in_dim3A = vector.broadcast %jit3A : f32 to vector<16x128xf32>
    %select_n3A = arith.select %gt3A_6, %rsqrt3A, %broadcast_in_dim3A : vector<16x128xi1>, vector<16x128xf32>
    %slice3A = vector.extract_strided_slice %select_n3A {offsets = [0, 0], sizes = [1, 128], strides = [1, 1]} : vector<16x128xf32> to vector<1x128xf32>
    %squeeze3A = vector.shape_cast %slice3A : vector<1x128xf32> to vector<128xf32>
    %broadcast_in_dim3A_9 = vector.shape_cast %squeeze3A : vector<128xf32> to vector<1x128xf32>
    %broadcast_in_dim3A_10 = vector.broadcast %broadcast_in_dim3A_9 : vector<1x128xf32> to vector<128x128xf32>
    %transpose3A = tpu.transpose %broadcast_in_dim3A_10, [1, 0] : vector<128x128xf32> -> vector<128x128xf32>
    %slice3A_11 = vector.extract_strided_slice %transpose3A {offsets = [0, 0], sizes = [128, 1], strides = [1, 1]} : vector<128x128xf32> to vector<128x1xf32>
    %slice3A_12 = vector.extract_strided_slice %select_n3A {offsets = [1, 0], sizes = [1, 128], strides = [1, 1]} : vector<16x128xf32> to vector<1x128xf32>
    %squeeze3A_13 = vector.shape_cast %slice3A_12 : vector<1x128xf32> to vector<128xf32>
    %broadcast_in_dim3A_14 = vector.shape_cast %squeeze3A_13 : vector<128xf32> to vector<1x128xf32>
    %broadcast_in_dim3A_15 = vector.broadcast %broadcast_in_dim3A_14 : vector<1x128xf32> to vector<128x128xf32>
    %transpose3A_16 = tpu.transpose %broadcast_in_dim3A_15, [1, 0] : vector<128x128xf32> -> vector<128x128xf32>
    %slice3A_17 = vector.extract_strided_slice %transpose3A_16 {offsets = [0, 0], sizes = [128, 1], strides = [1, 1]} : vector<128x128xf32> to vector<128x1xf32>
    %slice3A_18 = vector.extract_strided_slice %select_n3A {offsets = [2, 0], sizes = [1, 128], strides = [1, 1]} : vector<16x128xf32> to vector<1x128xf32>
    %squeeze3A_19 = vector.shape_cast %slice3A_18 : vector<1x128xf32> to vector<128xf32>
    %broadcast_in_dim3A_20 = vector.shape_cast %squeeze3A_19 : vector<128xf32> to vector<1x128xf32>
    %broadcast_in_dim3A_21 = vector.broadcast %broadcast_in_dim3A_20 : vector<1x128xf32> to vector<128x128xf32>
    %transpose3A_22 = tpu.transpose %broadcast_in_dim3A_21, [1, 0] : vector<128x128xf32> -> vector<128x128xf32>
    %slice3A_23 = vector.extract_strided_slice %transpose3A_22 {offsets = [0, 0], sizes = [128, 1], strides = [1, 1]} : vector<128x128xf32> to vector<128x1xf32>
    %slice3A_24 = vector.extract_strided_slice %select_n3A {offsets = [3, 0], sizes = [1, 128], strides = [1, 1]} : vector<16x128xf32> to vector<1x128xf32>
    %squeeze3A_25 = vector.shape_cast %slice3A_24 : vector<1x128xf32> to vector<128xf32>
    %broadcast_in_dim3A_26 = vector.shape_cast %squeeze3A_25 : vector<128xf32> to vector<1x128xf32>
    %broadcast_in_dim3A_27 = vector.broadcast %broadcast_in_dim3A_26 : vector<1x128xf32> to vector<128x128xf32>
    %transpose3A_28 = tpu.transpose %broadcast_in_dim3A_27, [1, 0] : vector<128x128xf32> -> vector<128x128xf32>
    %slice3A_29 = vector.extract_strided_slice %transpose3A_28 {offsets = [0, 0], sizes = [128, 1], strides = [1, 1]} : vector<128x128xf32> to vector<128x1xf32>
    %slice3A_30 = vector.extract_strided_slice %select_n3A {offsets = [4, 0], sizes = [1, 128], strides = [1, 1]} : vector<16x128xf32> to vector<1x128xf32>
    %squeeze3A_31 = vector.shape_cast %slice3A_30 : vector<1x128xf32> to vector<128xf32>
    %broadcast_in_dim3A_32 = vector.shape_cast %squeeze3A_31 : vector<128xf32> to vector<1x128xf32>
    %broadcast_in_dim3A_33 = vector.broadcast %broadcast_in_dim3A_32 : vector<1x128xf32> to vector<128x128xf32>
    %transpose3A_34 = tpu.transpose %broadcast_in_dim3A_33, [1, 0] : vector<128x128xf32> -> vector<128x128xf32>
    %slice3A_35 = vector.extract_strided_slice %transpose3A_34 {offsets = [0, 0], sizes = [128, 1], strides = [1, 1]} : vector<128x128xf32> to vector<128x1xf32>
    %slice3A_36 = vector.extract_strided_slice %select_n3A {offsets = [5, 0], sizes = [1, 128], strides = [1, 1]} : vector<16x128xf32> to vector<1x128xf32>
    %squeeze3A_37 = vector.shape_cast %slice3A_36 : vector<1x128xf32> to vector<128xf32>
    %broadcast_in_dim3A_38 = vector.shape_cast %squeeze3A_37 : vector<128xf32> to vector<1x128xf32>
    %broadcast_in_dim3A_39 = vector.broadcast %broadcast_in_dim3A_38 : vector<1x128xf32> to vector<128x128xf32>
    %transpose3A_40 = tpu.transpose %broadcast_in_dim3A_39, [1, 0] : vector<128x128xf32> -> vector<128x128xf32>
    %slice3A_41 = vector.extract_strided_slice %transpose3A_40 {offsets = [0, 0], sizes = [128, 1], strides = [1, 1]} : vector<128x128xf32> to vector<128x1xf32>
    %slice3A_42 = vector.extract_strided_slice %select_n3A {offsets = [6, 0], sizes = [1, 128], strides = [1, 1]} : vector<16x128xf32> to vector<1x128xf32>
    %squeeze3A_43 = vector.shape_cast %slice3A_42 : vector<1x128xf32> to vector<128xf32>
    %broadcast_in_dim3A_44 = vector.shape_cast %squeeze3A_43 : vector<128xf32> to vector<1x128xf32>
    %broadcast_in_dim3A_45 = vector.broadcast %broadcast_in_dim3A_44 : vector<1x128xf32> to vector<128x128xf32>
    %transpose3A_46 = tpu.transpose %broadcast_in_dim3A_45, [1, 0] : vector<128x128xf32> -> vector<128x128xf32>
    %slice3A_47 = vector.extract_strided_slice %transpose3A_46 {offsets = [0, 0], sizes = [128, 1], strides = [1, 1]} : vector<128x128xf32> to vector<128x1xf32>
    %slice3A_48 = vector.extract_strided_slice %select_n3A {offsets = [7, 0], sizes = [1, 128], strides = [1, 1]} : vector<16x128xf32> to vector<1x128xf32>
    %squeeze3A_49 = vector.shape_cast %slice3A_48 : vector<1x128xf32> to vector<128xf32>
    %broadcast_in_dim3A_50 = vector.shape_cast %squeeze3A_49 : vector<128xf32> to vector<1x128xf32>
    %broadcast_in_dim3A_51 = vector.broadcast %broadcast_in_dim3A_50 : vector<1x128xf32> to vector<128x128xf32>
    %transpose3A_52 = tpu.transpose %broadcast_in_dim3A_51, [1, 0] : vector<128x128xf32> -> vector<128x128xf32>
    %slice3A_53 = vector.extract_strided_slice %transpose3A_52 {offsets = [0, 0], sizes = [128, 1], strides = [1, 1]} : vector<128x128xf32> to vector<128x1xf32>
    %slice3A_54 = vector.extract_strided_slice %select_n3A {offsets = [8, 0], sizes = [1, 128], strides = [1, 1]} : vector<16x128xf32> to vector<1x128xf32>
    %squeeze3A_55 = vector.shape_cast %slice3A_54 : vector<1x128xf32> to vector<128xf32>
    %broadcast_in_dim3A_56 = vector.shape_cast %squeeze3A_55 : vector<128xf32> to vector<1x128xf32>
    %broadcast_in_dim3A_57 = vector.broadcast %broadcast_in_dim3A_56 : vector<1x128xf32> to vector<128x128xf32>
    %transpose3A_58 = tpu.transpose %broadcast_in_dim3A_57, [1, 0] : vector<128x128xf32> -> vector<128x128xf32>
    %slice3A_59 = vector.extract_strided_slice %transpose3A_58 {offsets = [0, 0], sizes = [128, 1], strides = [1, 1]} : vector<128x128xf32> to vector<128x1xf32>
    %slice3A_60 = vector.extract_strided_slice %select_n3A {offsets = [9, 0], sizes = [1, 128], strides = [1, 1]} : vector<16x128xf32> to vector<1x128xf32>
    %squeeze3A_61 = vector.shape_cast %slice3A_60 : vector<1x128xf32> to vector<128xf32>
    %broadcast_in_dim3A_62 = vector.shape_cast %squeeze3A_61 : vector<128xf32> to vector<1x128xf32>
    %broadcast_in_dim3A_63 = vector.broadcast %broadcast_in_dim3A_62 : vector<1x128xf32> to vector<128x128xf32>
    %transpose3A_64 = tpu.transpose %broadcast_in_dim3A_63, [1, 0] : vector<128x128xf32> -> vector<128x128xf32>
    %slice3A_65 = vector.extract_strided_slice %transpose3A_64 {offsets = [0, 0], sizes = [128, 1], strides = [1, 1]} : vector<128x128xf32> to vector<128x1xf32>
    %slice3A_66 = vector.extract_strided_slice %select_n3A {offsets = [10, 0], sizes = [1, 128], strides = [1, 1]} : vector<16x128xf32> to vector<1x128xf32>
    %squeeze3A_67 = vector.shape_cast %slice3A_66 : vector<1x128xf32> to vector<128xf32>
    %broadcast_in_dim3A_68 = vector.shape_cast %squeeze3A_67 : vector<128xf32> to vector<1x128xf32>
    %broadcast_in_dim3A_69 = vector.broadcast %broadcast_in_dim3A_68 : vector<1x128xf32> to vector<128x128xf32>
    %transpose3A_70 = tpu.transpose %broadcast_in_dim3A_69, [1, 0] : vector<128x128xf32> -> vector<128x128xf32>
    %slice3A_71 = vector.extract_strided_slice %transpose3A_70 {offsets = [0, 0], sizes = [128, 1], strides = [1, 1]} : vector<128x128xf32> to vector<128x1xf32>
    %slice3A_72 = vector.extract_strided_slice %select_n3A {offsets = [11, 0], sizes = [1, 128], strides = [1, 1]} : vector<16x128xf32> to vector<1x128xf32>
    %squeeze3A_73 = vector.shape_cast %slice3A_72 : vector<1x128xf32> to vector<128xf32>
    %broadcast_in_dim3A_74 = vector.shape_cast %squeeze3A_73 : vector<128xf32> to vector<1x128xf32>
    %broadcast_in_dim3A_75 = vector.broadcast %broadcast_in_dim3A_74 : vector<1x128xf32> to vector<128x128xf32>
    %transpose3A_76 = tpu.transpose %broadcast_in_dim3A_75, [1, 0] : vector<128x128xf32> -> vector<128x128xf32>
    %slice3A_77 = vector.extract_strided_slice %transpose3A_76 {offsets = [0, 0], sizes = [128, 1], strides = [1, 1]} : vector<128x128xf32> to vector<128x1xf32>
    %slice3A_78 = vector.extract_strided_slice %select_n3A {offsets = [12, 0], sizes = [1, 128], strides = [1, 1]} : vector<16x128xf32> to vector<1x128xf32>
    %squeeze3A_79 = vector.shape_cast %slice3A_78 : vector<1x128xf32> to vector<128xf32>
    %broadcast_in_dim3A_80 = vector.shape_cast %squeeze3A_79 : vector<128xf32> to vector<1x128xf32>
    %broadcast_in_dim3A_81 = vector.broadcast %broadcast_in_dim3A_80 : vector<1x128xf32> to vector<128x128xf32>
    %transpose3A_82 = tpu.transpose %broadcast_in_dim3A_81, [1, 0] : vector<128x128xf32> -> vector<128x128xf32>
    %slice3A_83 = vector.extract_strided_slice %transpose3A_82 {offsets = [0, 0], sizes = [128, 1], strides = [1, 1]} : vector<128x128xf32> to vector<128x1xf32>
    %slice3A_84 = vector.extract_strided_slice %select_n3A {offsets = [13, 0], sizes = [1, 128], strides = [1, 1]} : vector<16x128xf32> to vector<1x128xf32>
    %squeeze3A_85 = vector.shape_cast %slice3A_84 : vector<1x128xf32> to vector<128xf32>
    %broadcast_in_dim3A_86 = vector.shape_cast %squeeze3A_85 : vector<128xf32> to vector<1x128xf32>
    %broadcast_in_dim3A_87 = vector.broadcast %broadcast_in_dim3A_86 : vector<1x128xf32> to vector<128x128xf32>
    %transpose3A_88 = tpu.transpose %broadcast_in_dim3A_87, [1, 0] : vector<128x128xf32> -> vector<128x128xf32>
    %slice3A_89 = vector.extract_strided_slice %transpose3A_88 {offsets = [0, 0], sizes = [128, 1], strides = [1, 1]} : vector<128x128xf32> to vector<128x1xf32>
    %slice3A_90 = vector.extract_strided_slice %select_n3A {offsets = [14, 0], sizes = [1, 128], strides = [1, 1]} : vector<16x128xf32> to vector<1x128xf32>
    %squeeze3A_91 = vector.shape_cast %slice3A_90 : vector<1x128xf32> to vector<128xf32>
    %broadcast_in_dim3A_92 = vector.shape_cast %squeeze3A_91 : vector<128xf32> to vector<1x128xf32>
    %broadcast_in_dim3A_93 = vector.broadcast %broadcast_in_dim3A_92 : vector<1x128xf32> to vector<128x128xf32>
    %transpose3A_94 = tpu.transpose %broadcast_in_dim3A_93, [1, 0] : vector<128x128xf32> -> vector<128x128xf32>
    %slice3A_95 = vector.extract_strided_slice %transpose3A_94 {offsets = [0, 0], sizes = [128, 1], strides = [1, 1]} : vector<128x128xf32> to vector<128x1xf32>
    %slice3A_96 = vector.extract_strided_slice %select_n3A {offsets = [15, 0], sizes = [1, 128], strides = [1, 1]} : vector<16x128xf32> to vector<1x128xf32>
    %squeeze3A_97 = vector.shape_cast %slice3A_96 : vector<1x128xf32> to vector<128xf32>
    %broadcast_in_dim3A_98 = vector.shape_cast %squeeze3A_97 : vector<128xf32> to vector<1x128xf32>
    %broadcast_in_dim3A_99 = vector.broadcast %broadcast_in_dim3A_98 : vector<1x128xf32> to vector<128x128xf32>
    %transpose3A_100 = tpu.transpose %broadcast_in_dim3A_99, [1, 0] : vector<128x128xf32> -> vector<128x128xf32>
    %slice3A_101 = vector.extract_strided_slice %transpose3A_100 {offsets = [0, 0], sizes = [128, 1], strides = [1, 1]} : vector<128x128xf32> to vector<128x1xf32>
    %concatenate3A = tpu.concatenate %slice3A_11, %slice3A_17, %slice3A_23, %slice3A_29, %slice3A_35, %slice3A_41, %slice3A_47, %slice3A_53, %slice3A_59, %slice3A_65, %slice3A_71, %slice3A_77, %slice3A_83, %slice3A_89, %slice3A_95, %slice3A_101 in 0 : vector<128x1xf32>, vector<128x1xf32>, vector<128x1xf32>, vector<128x1xf32>, vector<128x1xf32>, vector<128x1xf32>, vector<128x1xf32>, vector<128x1xf32>, vector<128x1xf32>, vector<128x1xf32>, vector<128x1xf32>, vector<128x1xf32>, vector<128x1xf32>, vector<128x1xf32>, vector<128x1xf32>, vector<128x1xf32> -> vector<2048x1xf32>
    %get3A_102 = arith.constant 0 : index
    %get3A_103 = arith.constant 0 : index
    %get3A_104 = arith.constant 0 : index
    %get3A_105 = vector.load %arg1[%get3A_102, %get3A_103, %get3A_104] : memref<1x2048x128xf32, #tpu.memory_space<vmem>>, vector<1x2048x128xf32>
    %get3A_106 = vector.shape_cast %get3A_105 : vector<1x2048x128xf32> to vector<2048x128xf32>
    %get3A_107 = arith.constant 0 : index
    %get3A_108 = arith.constant 0 : index
    %get3A_109 = arith.constant 0 : index
    %get3A_110 = vector.load %arg2[%get3A_107, %get3A_108, %get3A_109] : memref<1x2048x128xf32, #tpu.memory_space<vmem>>, vector<1x2048x128xf32>
    %get3A_111 = vector.shape_cast %get3A_110 : vector<1x2048x128xf32> to vector<2048x128xf32>
    %add3A_112 = arith.addf %get3A_106, %get3A_111 : vector<2048x128xf32>
    %mul3A = vector.broadcast %concatenate3A : vector<2048x1xf32> to vector<2048x128xf32>
    %mul3A_113 = arith.mulf %mul3A, %add3A_112 : vector<2048x128xf32>
    %swap3A = arith.constant 0 : index
    %swap3A_114 = arith.constant 0 : index
    %swap3A_115 = vector.load %arg5[%swap3A, %swap3A_114] : memref<2048x128xf32, #tpu.memory_space<vmem>>, vector<2048x128xf32>
    tpu.vector_store %arg5[%swap3A, %swap3A_114], %mul3A_113 {strides = array<i32>} : memref<2048x128xf32, #tpu.memory_space<vmem>>, vector<2048x128xf32>,
    return
  }
  func.func @transform_0(%arg0: i32) -> (i32, i32, i32) {
    %c0_i32 = arith.constant 0 : i32
    %c0_i32_0 = arith.constant 0 : i32
    %c0_i32_1 = arith.constant 0 : i32
    return %c0_i32, %arg0, %c0_i32_0 : i32, i32, i32
  }
  func.func @transform_1(%arg0: i32) -> (i32, i32, i32) {
    %c1_i32 = arith.constant 1 : i32
    %c0_i32 = arith.constant 0 : i32
    %c0_i32_0 = arith.constant 0 : i32
    return %c1_i32, %arg0, %c0_i32 : i32, i32, i32
  }
  func.func @transform_2(%arg0: i32) -> (i32, i32) {
    %c0_i32 = arith.constant 0 : i32
    %c0_i32_0 = arith.constant 0 : i32
    return %arg0, %c0_i32 : i32, i32
  }
  func.func @transform_3(%arg0: i32) -> (i32, i32) {
    %add3A = arith.constant 5 : i32
    %add3A_0 = arith.addi %add3A, %arg0 : i32
    %c0_i32 = arith.constant 0 : i32
    %c0_i32_1 = arith.constant 0 : i32
    return %add3A_0, %c0_i32 : i32, i32
  }
  func.func @transform_4(%arg0: i32) -> (i32, i32) {
    %c0_i32 = arith.constant 0 : i32
    %c0_i32_0 = arith.constant 0 : i32
    return %arg0, %c0_i32 : i32, i32
  }
}

module attributes {stable_mosaic.version = 14 : i64} {
  func.func @_mid_body(%arg0: i32, %arg1: memref<1x2048x128xf32, #tpu.memory_space<vmem>>, %arg2: memref<1x2048x128xf32, #tpu.memory_space<vmem>>, %arg3: memref<128x128xf32, #tpu.memory_space<vmem>>, %arg4: memref<1x128xf32, #tpu.memory_space<vmem>>, %arg5: memref<16x128xf32, #tpu.memory_space<vmem>>, %arg6: memref<16x128xf32, #tpu.memory_space<vmem>>, %arg7: memref<2048x128xf32, #tpu.memory_space<vmem>>) attributes {dimension_semantics = [#tpu.dimension_semantics<parallel>], iteration_bounds = array<i64: 5>, scalar_prefetch = 0 : i64, scratch_operands = 0 : i64, tpu.core_type = #tpu.core_type<tc>, window_params = [{transform_indices = @transform_0, window_bounds = array<i64: 1, 2048, 128>}, {transform_indices = @transform_1, window_bounds = array<i64: 1, 2048, 128>}, {pipeline_mode = #tpu.pipeline_mode<synchronous>, transform_indices = @transform_2, window_bounds = array<i64: 128, 128>}, {pipeline_mode = #tpu.pipeline_mode<synchronous>, transform_indices = @transform_3, window_bounds = array<i64: 1, 128>}, {transform_indices = @transform_4, window_bounds = array<i64: 16, 128>}, {transform_indices = @transform_5, window_bounds = array<i64: 16, 128>}, {transform_indices = @transform_6, window_bounds = array<i64: 2048, 128>}]} {
    %get3A = arith.constant 0 : index
    %get3A_0 = arith.constant 0 : index
    %get3A_1 = vector.load %arg5[%get3A, %get3A_0] : memref<16x128xf32, #tpu.memory_space<vmem>>, vector<16x128xf32>
    %get3A_2 = arith.constant 0 : index
    %get3A_3 = arith.constant 0 : index
    %get3A_4 = vector.load %arg6[%get3A_2, %get3A_3] : memref<16x128xf32, #tpu.memory_space<vmem>>, vector<16x128xf32>
    %add3A = arith.addf %get3A_1, %get3A_4 : vector<16x128xf32>
    %gt3A = arith.constant 0.000000e+00 : f32
    %gt3A_5 = vector.broadcast %gt3A : f32 to vector<16x128xf32>
    %gt3A_6 = arith.cmpf ogt, %add3A, %gt3A_5 : vector<16x128xf32>
    %max3A = arith.constant 9.99999935E-39 : f32
    %max3A_7 = vector.broadcast %max3A : f32 to vector<16x128xf32>
    %max3A_8 = arith.maximumf %add3A, %max3A_7 : vector<16x128xf32>
    %rsqrt3A = math.rsqrt %max3A_8 : vector<16x128xf32>
    %jit3A = arith.constant 0.000000e+00 : f32
    %broadcast_in_dim3A = vector.broadcast %jit3A : f32 to vector<16x128xf32>
    %select_n3A = arith.select %gt3A_6, %rsqrt3A, %broadcast_in_dim3A : vector<16x128xi1>, vector<16x128xf32>
    %slice3A = vector.extract_strided_slice %select_n3A {offsets = [0, 0], sizes = [1, 128], strides = [1, 1]} : vector<16x128xf32> to vector<1x128xf32>
    %squeeze3A = vector.shape_cast %slice3A : vector<1x128xf32> to vector<128xf32>
    %broadcast_in_dim3A_9 = vector.shape_cast %squeeze3A : vector<128xf32> to vector<1x128xf32>
    %broadcast_in_dim3A_10 = vector.broadcast %broadcast_in_dim3A_9 : vector<1x128xf32> to vector<128x128xf32>
    %transpose3A = tpu.transpose %broadcast_in_dim3A_10, [1, 0] : vector<128x128xf32> -> vector<128x128xf32>
    %slice3A_11 = vector.extract_strided_slice %transpose3A {offsets = [0, 0], sizes = [128, 1], strides = [1, 1]} : vector<128x128xf32> to vector<128x1xf32>
    %slice3A_12 = vector.extract_strided_slice %select_n3A {offsets = [1, 0], sizes = [1, 128], strides = [1, 1]} : vector<16x128xf32> to vector<1x128xf32>
    %squeeze3A_13 = vector.shape_cast %slice3A_12 : vector<1x128xf32> to vector<128xf32>
    %broadcast_in_dim3A_14 = vector.shape_cast %squeeze3A_13 : vector<128xf32> to vector<1x128xf32>
    %broadcast_in_dim3A_15 = vector.broadcast %broadcast_in_dim3A_14 : vector<1x128xf32> to vector<128x128xf32>
    %transpose3A_16 = tpu.transpose %broadcast_in_dim3A_15, [1, 0] : vector<128x128xf32> -> vector<128x128xf32>
    %slice3A_17 = vector.extract_strided_slice %transpose3A_16 {offsets = [0, 0], sizes = [128, 1], strides = [1, 1]} : vector<128x128xf32> to vector<128x1xf32>
    %slice3A_18 = vector.extract_strided_slice %select_n3A {offsets = [2, 0], sizes = [1, 128], strides = [1, 1]} : vector<16x128xf32> to vector<1x128xf32>
    %squeeze3A_19 = vector.shape_cast %slice3A_18 : vector<1x128xf32> to vector<128xf32>
    %broadcast_in_dim3A_20 = vector.shape_cast %squeeze3A_19 : vector<128xf32> to vector<1x128xf32>
    %broadcast_in_dim3A_21 = vector.broadcast %broadcast_in_dim3A_20 : vector<1x128xf32> to vector<128x128xf32>
    %transpose3A_22 = tpu.transpose %broadcast_in_dim3A_21, [1, 0] : vector<128x128xf32> -> vector<128x128xf32>
    %slice3A_23 = vector.extract_strided_slice %transpose3A_22 {offsets = [0, 0], sizes = [128, 1], strides = [1, 1]} : vector<128x128xf32> to vector<128x1xf32>
    %slice3A_24 = vector.extract_strided_slice %select_n3A {offsets = [3, 0], sizes = [1, 128], strides = [1, 1]} : vector<16x128xf32> to vector<1x128xf32>
    %squeeze3A_25 = vector.shape_cast %slice3A_24 : vector<1x128xf32> to vector<128xf32>
    %broadcast_in_dim3A_26 = vector.shape_cast %squeeze3A_25 : vector<128xf32> to vector<1x128xf32>
    %broadcast_in_dim3A_27 = vector.broadcast %broadcast_in_dim3A_26 : vector<1x128xf32> to vector<128x128xf32>
    %transpose3A_28 = tpu.transpose %broadcast_in_dim3A_27, [1, 0] : vector<128x128xf32> -> vector<128x128xf32>
    %slice3A_29 = vector.extract_strided_slice %transpose3A_28 {offsets = [0, 0], sizes = [128, 1], strides = [1, 1]} : vector<128x128xf32> to vector<128x1xf32>
    %slice3A_30 = vector.extract_strided_slice %select_n3A {offsets = [4, 0], sizes = [1, 128], strides = [1, 1]} : vector<16x128xf32> to vector<1x128xf32>
    %squeeze3A_31 = vector.shape_cast %slice3A_30 : vector<1x128xf32> to vector<128xf32>
    %broadcast_in_dim3A_32 = vector.shape_cast %squeeze3A_31 : vector<128xf32> to vector<1x128xf32>
    %broadcast_in_dim3A_33 = vector.broadcast %broadcast_in_dim3A_32 : vector<1x128xf32> to vector<128x128xf32>
    %transpose3A_34 = tpu.transpose %broadcast_in_dim3A_33, [1, 0] : vector<128x128xf32> -> vector<128x128xf32>
    %slice3A_35 = vector.extract_strided_slice %transpose3A_34 {offsets = [0, 0], sizes = [128, 1], strides = [1, 1]} : vector<128x128xf32> to vector<128x1xf32>
    %slice3A_36 = vector.extract_strided_slice %select_n3A {offsets = [5, 0], sizes = [1, 128], strides = [1, 1]} : vector<16x128xf32> to vector<1x128xf32>
    %squeeze3A_37 = vector.shape_cast %slice3A_36 : vector<1x128xf32> to vector<128xf32>
    %broadcast_in_dim3A_38 = vector.shape_cast %squeeze3A_37 : vector<128xf32> to vector<1x128xf32>
    %broadcast_in_dim3A_39 = vector.broadcast %broadcast_in_dim3A_38 : vector<1x128xf32> to vector<128x128xf32>
    %transpose3A_40 = tpu.transpose %broadcast_in_dim3A_39, [1, 0] : vector<128x128xf32> -> vector<128x128xf32>
    %slice3A_41 = vector.extract_strided_slice %transpose3A_40 {offsets = [0, 0], sizes = [128, 1], strides = [1, 1]} : vector<128x128xf32> to vector<128x1xf32>
    %slice3A_42 = vector.extract_strided_slice %select_n3A {offsets = [6, 0], sizes = [1, 128], strides = [1, 1]} : vector<16x128xf32> to vector<1x128xf32>
    %squeeze3A_43 = vector.shape_cast %slice3A_42 : vector<1x128xf32> to vector<128xf32>
    %broadcast_in_dim3A_44 = vector.shape_cast %squeeze3A_43 : vector<128xf32> to vector<1x128xf32>
    %broadcast_in_dim3A_45 = vector.broadcast %broadcast_in_dim3A_44 : vector<1x128xf32> to vector<128x128xf32>
    %transpose3A_46 = tpu.transpose %broadcast_in_dim3A_45, [1, 0] : vector<128x128xf32> -> vector<128x128xf32>
    %slice3A_47 = vector.extract_strided_slice %transpose3A_46 {offsets = [0, 0], sizes = [128, 1], strides = [1, 1]} : vector<128x128xf32> to vector<128x1xf32>
    %slice3A_48 = vector.extract_strided_slice %select_n3A {offsets = [7, 0], sizes = [1, 128], strides = [1, 1]} : vector<16x128xf32> to vector<1x128xf32>
    %squeeze3A_49 = vector.shape_cast %slice3A_48 : vector<1x128xf32> to vector<128xf32>
    %broadcast_in_dim3A_50 = vector.shape_cast %squeeze3A_49 : vector<128xf32> to vector<1x128xf32>
    %broadcast_in_dim3A_51 = vector.broadcast %broadcast_in_dim3A_50 : vector<1x128xf32> to vector<128x128xf32>
    %transpose3A_52 = tpu.transpose %broadcast_in_dim3A_51, [1, 0] : vector<128x128xf32> -> vector<128x128xf32>
    %slice3A_53 = vector.extract_strided_slice %transpose3A_52 {offsets = [0, 0], sizes = [128, 1], strides = [1, 1]} : vector<128x128xf32> to vector<128x1xf32>
    %slice3A_54 = vector.extract_strided_slice %select_n3A {offsets = [8, 0], sizes = [1, 128], strides = [1, 1]} : vector<16x128xf32> to vector<1x128xf32>
    %squeeze3A_55 = vector.shape_cast %slice3A_54 : vector<1x128xf32> to vector<128xf32>
    %broadcast_in_dim3A_56 = vector.shape_cast %squeeze3A_55 : vector<128xf32> to vector<1x128xf32>
    %broadcast_in_dim3A_57 = vector.broadcast %broadcast_in_dim3A_56 : vector<1x128xf32> to vector<128x128xf32>
    %transpose3A_58 = tpu.transpose %broadcast_in_dim3A_57, [1, 0] : vector<128x128xf32> -> vector<128x128xf32>
    %slice3A_59 = vector.extract_strided_slice %transpose3A_58 {offsets = [0, 0], sizes = [128, 1], strides = [1, 1]} : vector<128x128xf32> to vector<128x1xf32>
    %slice3A_60 = vector.extract_strided_slice %select_n3A {offsets = [9, 0], sizes = [1, 128], strides = [1, 1]} : vector<16x128xf32> to vector<1x128xf32>
    %squeeze3A_61 = vector.shape_cast %slice3A_60 : vector<1x128xf32> to vector<128xf32>
    %broadcast_in_dim3A_62 = vector.shape_cast %squeeze3A_61 : vector<128xf32> to vector<1x128xf32>
    %broadcast_in_dim3A_63 = vector.broadcast %broadcast_in_dim3A_62 : vector<1x128xf32> to vector<128x128xf32>
    %transpose3A_64 = tpu.transpose %broadcast_in_dim3A_63, [1, 0] : vector<128x128xf32> -> vector<128x128xf32>
    %slice3A_65 = vector.extract_strided_slice %transpose3A_64 {offsets = [0, 0], sizes = [128, 1], strides = [1, 1]} : vector<128x128xf32> to vector<128x1xf32>
    %slice3A_66 = vector.extract_strided_slice %select_n3A {offsets = [10, 0], sizes = [1, 128], strides = [1, 1]} : vector<16x128xf32> to vector<1x128xf32>
    %squeeze3A_67 = vector.shape_cast %slice3A_66 : vector<1x128xf32> to vector<128xf32>
    %broadcast_in_dim3A_68 = vector.shape_cast %squeeze3A_67 : vector<128xf32> to vector<1x128xf32>
    %broadcast_in_dim3A_69 = vector.broadcast %broadcast_in_dim3A_68 : vector<1x128xf32> to vector<128x128xf32>
    %transpose3A_70 = tpu.transpose %broadcast_in_dim3A_69, [1, 0] : vector<128x128xf32> -> vector<128x128xf32>
    %slice3A_71 = vector.extract_strided_slice %transpose3A_70 {offsets = [0, 0], sizes = [128, 1], strides = [1, 1]} : vector<128x128xf32> to vector<128x1xf32>
    %slice3A_72 = vector.extract_strided_slice %select_n3A {offsets = [11, 0], sizes = [1, 128], strides = [1, 1]} : vector<16x128xf32> to vector<1x128xf32>
    %squeeze3A_73 = vector.shape_cast %slice3A_72 : vector<1x128xf32> to vector<128xf32>
    %broadcast_in_dim3A_74 = vector.shape_cast %squeeze3A_73 : vector<128xf32> to vector<1x128xf32>
    %broadcast_in_dim3A_75 = vector.broadcast %broadcast_in_dim3A_74 : vector<1x128xf32> to vector<128x128xf32>
    %transpose3A_76 = tpu.transpose %broadcast_in_dim3A_75, [1, 0] : vector<128x128xf32> -> vector<128x128xf32>
    %slice3A_77 = vector.extract_strided_slice %transpose3A_76 {offsets = [0, 0], sizes = [128, 1], strides = [1, 1]} : vector<128x128xf32> to vector<128x1xf32>
    %slice3A_78 = vector.extract_strided_slice %select_n3A {offsets = [12, 0], sizes = [1, 128], strides = [1, 1]} : vector<16x128xf32> to vector<1x128xf32>
    %squeeze3A_79 = vector.shape_cast %slice3A_78 : vector<1x128xf32> to vector<128xf32>
    %broadcast_in_dim3A_80 = vector.shape_cast %squeeze3A_79 : vector<128xf32> to vector<1x128xf32>
    %broadcast_in_dim3A_81 = vector.broadcast %broadcast_in_dim3A_80 : vector<1x128xf32> to vector<128x128xf32>
    %transpose3A_82 = tpu.transpose %broadcast_in_dim3A_81, [1, 0] : vector<128x128xf32> -> vector<128x128xf32>
    %slice3A_83 = vector.extract_strided_slice %transpose3A_82 {offsets = [0, 0], sizes = [128, 1], strides = [1, 1]} : vector<128x128xf32> to vector<128x1xf32>
    %slice3A_84 = vector.extract_strided_slice %select_n3A {offsets = [13, 0], sizes = [1, 128], strides = [1, 1]} : vector<16x128xf32> to vector<1x128xf32>
    %squeeze3A_85 = vector.shape_cast %slice3A_84 : vector<1x128xf32> to vector<128xf32>
    %broadcast_in_dim3A_86 = vector.shape_cast %squeeze3A_85 : vector<128xf32> to vector<1x128xf32>
    %broadcast_in_dim3A_87 = vector.broadcast %broadcast_in_dim3A_86 : vector<1x128xf32> to vector<128x128xf32>
    %transpose3A_88 = tpu.transpose %broadcast_in_dim3A_87, [1, 0] : vector<128x128xf32> -> vector<128x128xf32>
    %slice3A_89 = vector.extract_strided_slice %transpose3A_88 {offsets = [0, 0], sizes = [128, 1], strides = [1, 1]} : vector<128x128xf32> to vector<128x1xf32>
    %slice3A_90 = vector.extract_strided_slice %select_n3A {offsets = [14, 0], sizes = [1, 128], strides = [1, 1]} : vector<16x128xf32> to vector<1x128xf32>
    %squeeze3A_91 = vector.shape_cast %slice3A_90 : vector<1x128xf32> to vector<128xf32>
    %broadcast_in_dim3A_92 = vector.shape_cast %squeeze3A_91 : vector<128xf32> to vector<1x128xf32>
    %broadcast_in_dim3A_93 = vector.broadcast %broadcast_in_dim3A_92 : vector<1x128xf32> to vector<128x128xf32>
    %transpose3A_94 = tpu.transpose %broadcast_in_dim3A_93, [1, 0] : vector<128x128xf32> -> vector<128x128xf32>
    %slice3A_95 = vector.extract_strided_slice %transpose3A_94 {offsets = [0, 0], sizes = [128, 1], strides = [1, 1]} : vector<128x128xf32> to vector<128x1xf32>
    %slice3A_96 = vector.extract_strided_slice %select_n3A {offsets = [15, 0], sizes = [1, 128], strides = [1, 1]} : vector<16x128xf32> to vector<1x128xf32>
    %squeeze3A_97 = vector.shape_cast %slice3A_96 : vector<1x128xf32> to vector<128xf32>
    %broadcast_in_dim3A_98 = vector.shape_cast %squeeze3A_97 : vector<128xf32> to vector<1x128xf32>
    %broadcast_in_dim3A_99 = vector.broadcast %broadcast_in_dim3A_98 : vector<1x128xf32> to vector<128x128xf32>
    %transpose3A_100 = tpu.transpose %broadcast_in_dim3A_99, [1, 0] : vector<128x128xf32> -> vector<128x128xf32>
    %slice3A_101 = vector.extract_strided_slice %transpose3A_100 {offsets = [0, 0], sizes = [128, 1], strides = [1, 1]} : vector<128x128xf32> to vector<128x1xf32>
    %concatenate3A = tpu.concatenate %slice3A_11, %slice3A_17, %slice3A_23, %slice3A_29, %slice3A_35, %slice3A_41, %slice3A_47, %slice3A_53, %slice3A_59, %slice3A_65, %slice3A_71, %slice3A_77, %slice3A_83, %slice3A_89, %slice3A_95, %slice3A_101 in 0 : vector<128x1xf32>, vector<128x1xf32>, vector<128x1xf32>, vector<128x1xf32>, vector<128x1xf32>, vector<128x1xf32>, vector<128x1xf32>, vector<128x1xf32>, vector<128x1xf32>, vector<128x1xf32>, vector<128x1xf32>, vector<128x1xf32>, vector<128x1xf32>, vector<128x1xf32>, vector<128x1xf32>, vector<128x1xf32> -> vector<2048x1xf32>
    %get3A_102 = arith.constant 0 : index
    %get3A_103 = arith.constant 0 : index
    %get3A_104 = arith.constant 0 : index
    %get3A_105 = vector.load %arg1[%get3A_102, %get3A_103, %get3A_104] : memref<1x2048x128xf32, #tpu.memory_space<vmem>>, vector<1x2048x128xf32>
    %get3A_106 = vector.shape_cast %get3A_105 : vector<1x2048x128xf32> to vector<2048x128xf32>
    %get3A_107 = arith.constant 0 : index
    %get3A_108 = arith.constant 0 : index
    %get3A_109 = arith.constant 0 : index
    %get3A_110 = vector.load %arg2[%get3A_107, %get3A_108, %get3A_109] : memref<1x2048x128xf32, #tpu.memory_space<vmem>>, vector<1x2048x128xf32>
    %get3A_111 = vector.shape_cast %get3A_110 : vector<1x2048x128xf32> to vector<2048x128xf32>
    %add3A_112 = arith.addf %get3A_106, %get3A_111 : vector<2048x128xf32>
    %mul3A = vector.broadcast %concatenate3A : vector<2048x1xf32> to vector<2048x128xf32>
    %mul3A_113 = arith.mulf %mul3A, %add3A_112 : vector<2048x128xf32>
    %max3A_114 = arith.constant 0.000000e+00 : f32
    %max3A_115 = vector.broadcast %max3A_114 : f32 to vector<2048x128xf32>
    %max3A_116 = arith.maximumf %mul3A_113, %max3A_115 : vector<2048x128xf32>
    %get3A_117 = arith.constant 0 : index
    %get3A_118 = arith.constant 0 : index
    %get3A_119 = vector.load %arg3[%get3A_117, %get3A_118] : memref<128x128xf32, #tpu.memory_space<vmem>>, vector<128x128xf32>
    %dot_general3A = arith.constant dense<0.000000e+00> : vector<2048x128xf32>
    %dot_general3A_120 = tpu.matmul %max3A_116, %get3A_119, %dot_general3A {dimension_numbers = #tpu.dot_dimension_numbers<[1], [1], [0], [0], [0, 0, 1, 0], [], []>, transpose_lhs_hint = false} : vector<2048x128xf32>, vector<128x128xf32>, vector<2048x128xf32> -> vector<2048x128xf32>
    %get3A_121 = arith.constant 0 : index
    %get3A_122 = arith.constant 0 : index
    %get3A_123 = vector.load %arg4[%get3A_121, %get3A_122] : memref<1x128xf32, #tpu.memory_space<vmem>>, vector<1x128xf32>
    %add3A_124 = vector.broadcast %get3A_123 : vector<1x128xf32> to vector<2048x128xf32>
    %add3A_125 = arith.addf %dot_general3A_120, %add3A_124 : vector<2048x128xf32>
    %mul3A_126 = vector.broadcast %concatenate3A : vector<2048x1xf32> to vector<2048x128xf32>
    %mul3A_127 = arith.mulf %mul3A_126, %add3A_125 : vector<2048x128xf32>
    %swap3A = arith.constant 0 : index
    %swap3A_128 = arith.constant 0 : index
    %swap3A_129 = vector.load %arg7[%swap3A, %swap3A_128] : memref<2048x128xf32, #tpu.memory_space<vmem>>, vector<2048x128xf32>
    tpu.vector_store %arg7[%swap3A, %swap3A_128], %mul3A_127 {strides = array<i32>} : memref<2048x128xf32, #tpu.memory_space<vmem>>, vector<2048x128xf32>,
    return
  }
  func.func @transform_0(%arg0: i32) -> (i32, i32, i32) {
    %c0_i32 = arith.constant 0 : i32
    %c0_i32_0 = arith.constant 0 : i32
    %c0_i32_1 = arith.constant 0 : i32
    return %c0_i32, %arg0, %c0_i32_0 : i32, i32, i32
  }
  func.func @transform_1(%arg0: i32) -> (i32, i32, i32) {
    %c1_i32 = arith.constant 1 : i32
    %c0_i32 = arith.constant 0 : i32
    %c0_i32_0 = arith.constant 0 : i32
    return %c1_i32, %arg0, %c0_i32 : i32, i32, i32
  }
  func.func @transform_2(%arg0: i32) -> (i32, i32) {
    %c0_i32 = arith.constant 0 : i32
    %c0_i32_0 = arith.constant 0 : i32
    %c0_i32_1 = arith.constant 0 : i32
    return %c0_i32, %c0_i32_0 : i32, i32
  }
  func.func @transform_3(%arg0: i32) -> (i32, i32) {
    %c0_i32 = arith.constant 0 : i32
    %c0_i32_0 = arith.constant 0 : i32
    %c0_i32_1 = arith.constant 0 : i32
    return %c0_i32, %c0_i32_0 : i32, i32
  }
  func.func @transform_4(%arg0: i32) -> (i32, i32) {
    %c0_i32 = arith.constant 0 : i32
    %c0_i32_0 = arith.constant 0 : i32
    return %arg0, %c0_i32 : i32, i32
  }
  func.func @transform_5(%arg0: i32) -> (i32, i32) {
    %add3A = arith.constant 5 : i32
    %add3A_0 = arith.addi %add3A, %arg0 : i32
    %c0_i32 = arith.constant 0 : i32
    %c0_i32_1 = arith.constant 0 : i32
    return %add3A_0, %c0_i32 : i32, i32
  }
  func.func @transform_6(%arg0: i32) -> (i32, i32) {
    %c0_i32 = arith.constant 0 : i32
    %c0_i32_0 = arith.constant 0 : i32
    return %arg0, %c0_i32 : i32, i32
  }
}

module attributes {stable_mosaic.version = 14 : i64} {
  func.func @_lin_body(%arg0: i32, %arg1: memref<2048x128xf32, #tpu.memory_space<vmem>>, %arg2: memref<128x128xf32, #tpu.memory_space<vmem>>, %arg3: memref<1x128xf32, #tpu.memory_space<vmem>>, %arg4: memref<16x128xf32, #tpu.memory_space<vmem>>, %arg5: memref<16x128xf32, #tpu.memory_space<vmem>>, %arg6: memref<2048x128xf32, #tpu.memory_space<vmem>>) attributes {dimension_semantics = [#tpu.dimension_semantics<parallel>], iteration_bounds = array<i64: 5>, scalar_prefetch = 0 : i64, scratch_operands = 0 : i64, tpu.core_type = #tpu.core_type<tc>, window_params = [{transform_indices = @transform_0, window_bounds = array<i64: 2048, 128>}, {pipeline_mode = #tpu.pipeline_mode<synchronous>, transform_indices = @transform_1, window_bounds = array<i64: 128, 128>}, {pipeline_mode = #tpu.pipeline_mode<synchronous>, transform_indices = @transform_2, window_bounds = array<i64: 1, 128>}, {transform_indices = @transform_3, window_bounds = array<i64: 16, 128>}, {transform_indices = @transform_4, window_bounds = array<i64: 16, 128>}, {transform_indices = @transform_5, window_bounds = array<i64: 2048, 128>}]} {
    %get3A = arith.constant 0 : index
    %get3A_0 = arith.constant 0 : index
    %get3A_1 = vector.load %arg1[%get3A, %get3A_0] : memref<2048x128xf32, #tpu.memory_space<vmem>>, vector<2048x128xf32>
    %get3A_2 = arith.constant 0 : index
    %get3A_3 = arith.constant 0 : index
    %get3A_4 = vector.load %arg2[%get3A_2, %get3A_3] : memref<128x128xf32, #tpu.memory_space<vmem>>, vector<128x128xf32>
    %dot_general3A = arith.constant dense<0.000000e+00> : vector<2048x128xf32>
    %dot_general3A_5 = tpu.matmul %get3A_1, %get3A_4, %dot_general3A {dimension_numbers = #tpu.dot_dimension_numbers<[1], [1], [0], [0], [0, 0, 1, 0], [], []>, transpose_lhs_hint = false} : vector<2048x128xf32>, vector<128x128xf32>, vector<2048x128xf32> -> vector<2048x128xf32>
    %get3A_6 = arith.constant 0 : index
    %get3A_7 = arith.constant 0 : index
    %get3A_8 = vector.load %arg4[%get3A_6, %get3A_7] : memref<16x128xf32, #tpu.memory_space<vmem>>, vector<16x128xf32>
    %get3A_9 = arith.constant 0 : index
    %get3A_10 = arith.constant 0 : index
    %get3A_11 = vector.load %arg5[%get3A_9, %get3A_10] : memref<16x128xf32, #tpu.memory_space<vmem>>, vector<16x128xf32>
    %add3A = arith.addf %get3A_8, %get3A_11 : vector<16x128xf32>
    %gt3A = arith.constant 0.000000e+00 : f32
    %gt3A_12 = vector.broadcast %gt3A : f32 to vector<16x128xf32>
    %gt3A_13 = arith.cmpf ogt, %add3A, %gt3A_12 : vector<16x128xf32>
    %max3A = arith.constant 9.99999935E-39 : f32
    %max3A_14 = vector.broadcast %max3A : f32 to vector<16x128xf32>
    %max3A_15 = arith.maximumf %add3A, %max3A_14 : vector<16x128xf32>
    %rsqrt3A = math.rsqrt %max3A_15 : vector<16x128xf32>
    %jit3A = arith.constant 0.000000e+00 : f32
    %broadcast_in_dim3A = vector.broadcast %jit3A : f32 to vector<16x128xf32>
    %select_n3A = arith.select %gt3A_13, %rsqrt3A, %broadcast_in_dim3A : vector<16x128xi1>, vector<16x128xf32>
    %slice3A = vector.extract_strided_slice %select_n3A {offsets = [0, 0], sizes = [1, 128], strides = [1, 1]} : vector<16x128xf32> to vector<1x128xf32>
    %squeeze3A = vector.shape_cast %slice3A : vector<1x128xf32> to vector<128xf32>
    %broadcast_in_dim3A_16 = vector.shape_cast %squeeze3A : vector<128xf32> to vector<1x128xf32>
    %broadcast_in_dim3A_17 = vector.broadcast %broadcast_in_dim3A_16 : vector<1x128xf32> to vector<128x128xf32>
    %transpose3A = tpu.transpose %broadcast_in_dim3A_17, [1, 0] : vector<128x128xf32> -> vector<128x128xf32>
    %slice3A_18 = vector.extract_strided_slice %transpose3A {offsets = [0, 0], sizes = [128, 1], strides = [1, 1]} : vector<128x128xf32> to vector<128x1xf32>
    %slice3A_19 = vector.extract_strided_slice %select_n3A {offsets = [1, 0], sizes = [1, 128], strides = [1, 1]} : vector<16x128xf32> to vector<1x128xf32>
    %squeeze3A_20 = vector.shape_cast %slice3A_19 : vector<1x128xf32> to vector<128xf32>
    %broadcast_in_dim3A_21 = vector.shape_cast %squeeze3A_20 : vector<128xf32> to vector<1x128xf32>
    %broadcast_in_dim3A_22 = vector.broadcast %broadcast_in_dim3A_21 : vector<1x128xf32> to vector<128x128xf32>
    %transpose3A_23 = tpu.transpose %broadcast_in_dim3A_22, [1, 0] : vector<128x128xf32> -> vector<128x128xf32>
    %slice3A_24 = vector.extract_strided_slice %transpose3A_23 {offsets = [0, 0], sizes = [128, 1], strides = [1, 1]} : vector<128x128xf32> to vector<128x1xf32>
    %slice3A_25 = vector.extract_strided_slice %select_n3A {offsets = [2, 0], sizes = [1, 128], strides = [1, 1]} : vector<16x128xf32> to vector<1x128xf32>
    %squeeze3A_26 = vector.shape_cast %slice3A_25 : vector<1x128xf32> to vector<128xf32>
    %broadcast_in_dim3A_27 = vector.shape_cast %squeeze3A_26 : vector<128xf32> to vector<1x128xf32>
    %broadcast_in_dim3A_28 = vector.broadcast %broadcast_in_dim3A_27 : vector<1x128xf32> to vector<128x128xf32>
    %transpose3A_29 = tpu.transpose %broadcast_in_dim3A_28, [1, 0] : vector<128x128xf32> -> vector<128x128xf32>
    %slice3A_30 = vector.extract_strided_slice %transpose3A_29 {offsets = [0, 0], sizes = [128, 1], strides = [1, 1]} : vector<128x128xf32> to vector<128x1xf32>
    %slice3A_31 = vector.extract_strided_slice %select_n3A {offsets = [3, 0], sizes = [1, 128], strides = [1, 1]} : vector<16x128xf32> to vector<1x128xf32>
    %squeeze3A_32 = vector.shape_cast %slice3A_31 : vector<1x128xf32> to vector<128xf32>
    %broadcast_in_dim3A_33 = vector.shape_cast %squeeze3A_32 : vector<128xf32> to vector<1x128xf32>
    %broadcast_in_dim3A_34 = vector.broadcast %broadcast_in_dim3A_33 : vector<1x128xf32> to vector<128x128xf32>
    %transpose3A_35 = tpu.transpose %broadcast_in_dim3A_34, [1, 0] : vector<128x128xf32> -> vector<128x128xf32>
    %slice3A_36 = vector.extract_strided_slice %transpose3A_35 {offsets = [0, 0], sizes = [128, 1], strides = [1, 1]} : vector<128x128xf32> to vector<128x1xf32>
    %slice3A_37 = vector.extract_strided_slice %select_n3A {offsets = [4, 0], sizes = [1, 128], strides = [1, 1]} : vector<16x128xf32> to vector<1x128xf32>
    %squeeze3A_38 = vector.shape_cast %slice3A_37 : vector<1x128xf32> to vector<128xf32>
    %broadcast_in_dim3A_39 = vector.shape_cast %squeeze3A_38 : vector<128xf32> to vector<1x128xf32>
    %broadcast_in_dim3A_40 = vector.broadcast %broadcast_in_dim3A_39 : vector<1x128xf32> to vector<128x128xf32>
    %transpose3A_41 = tpu.transpose %broadcast_in_dim3A_40, [1, 0] : vector<128x128xf32> -> vector<128x128xf32>
    %slice3A_42 = vector.extract_strided_slice %transpose3A_41 {offsets = [0, 0], sizes = [128, 1], strides = [1, 1]} : vector<128x128xf32> to vector<128x1xf32>
    %slice3A_43 = vector.extract_strided_slice %select_n3A {offsets = [5, 0], sizes = [1, 128], strides = [1, 1]} : vector<16x128xf32> to vector<1x128xf32>
    %squeeze3A_44 = vector.shape_cast %slice3A_43 : vector<1x128xf32> to vector<128xf32>
    %broadcast_in_dim3A_45 = vector.shape_cast %squeeze3A_44 : vector<128xf32> to vector<1x128xf32>
    %broadcast_in_dim3A_46 = vector.broadcast %broadcast_in_dim3A_45 : vector<1x128xf32> to vector<128x128xf32>
    %transpose3A_47 = tpu.transpose %broadcast_in_dim3A_46, [1, 0] : vector<128x128xf32> -> vector<128x128xf32>
    %slice3A_48 = vector.extract_strided_slice %transpose3A_47 {offsets = [0, 0], sizes = [128, 1], strides = [1, 1]} : vector<128x128xf32> to vector<128x1xf32>
    %slice3A_49 = vector.extract_strided_slice %select_n3A {offsets = [6, 0], sizes = [1, 128], strides = [1, 1]} : vector<16x128xf32> to vector<1x128xf32>
    %squeeze3A_50 = vector.shape_cast %slice3A_49 : vector<1x128xf32> to vector<128xf32>
    %broadcast_in_dim3A_51 = vector.shape_cast %squeeze3A_50 : vector<128xf32> to vector<1x128xf32>
    %broadcast_in_dim3A_52 = vector.broadcast %broadcast_in_dim3A_51 : vector<1x128xf32> to vector<128x128xf32>
    %transpose3A_53 = tpu.transpose %broadcast_in_dim3A_52, [1, 0] : vector<128x128xf32> -> vector<128x128xf32>
    %slice3A_54 = vector.extract_strided_slice %transpose3A_53 {offsets = [0, 0], sizes = [128, 1], strides = [1, 1]} : vector<128x128xf32> to vector<128x1xf32>
    %slice3A_55 = vector.extract_strided_slice %select_n3A {offsets = [7, 0], sizes = [1, 128], strides = [1, 1]} : vector<16x128xf32> to vector<1x128xf32>
    %squeeze3A_56 = vector.shape_cast %slice3A_55 : vector<1x128xf32> to vector<128xf32>
    %broadcast_in_dim3A_57 = vector.shape_cast %squeeze3A_56 : vector<128xf32> to vector<1x128xf32>
    %broadcast_in_dim3A_58 = vector.broadcast %broadcast_in_dim3A_57 : vector<1x128xf32> to vector<128x128xf32>
    %transpose3A_59 = tpu.transpose %broadcast_in_dim3A_58, [1, 0] : vector<128x128xf32> -> vector<128x128xf32>
    %slice3A_60 = vector.extract_strided_slice %transpose3A_59 {offsets = [0, 0], sizes = [128, 1], strides = [1, 1]} : vector<128x128xf32> to vector<128x1xf32>
    %slice3A_61 = vector.extract_strided_slice %select_n3A {offsets = [8, 0], sizes = [1, 128], strides = [1, 1]} : vector<16x128xf32> to vector<1x128xf32>
    %squeeze3A_62 = vector.shape_cast %slice3A_61 : vector<1x128xf32> to vector<128xf32>
    %broadcast_in_dim3A_63 = vector.shape_cast %squeeze3A_62 : vector<128xf32> to vector<1x128xf32>
    %broadcast_in_dim3A_64 = vector.broadcast %broadcast_in_dim3A_63 : vector<1x128xf32> to vector<128x128xf32>
    %transpose3A_65 = tpu.transpose %broadcast_in_dim3A_64, [1, 0] : vector<128x128xf32> -> vector<128x128xf32>
    %slice3A_66 = vector.extract_strided_slice %transpose3A_65 {offsets = [0, 0], sizes = [128, 1], strides = [1, 1]} : vector<128x128xf32> to vector<128x1xf32>
    %slice3A_67 = vector.extract_strided_slice %select_n3A {offsets = [9, 0], sizes = [1, 128], strides = [1, 1]} : vector<16x128xf32> to vector<1x128xf32>
    %squeeze3A_68 = vector.shape_cast %slice3A_67 : vector<1x128xf32> to vector<128xf32>
    %broadcast_in_dim3A_69 = vector.shape_cast %squeeze3A_68 : vector<128xf32> to vector<1x128xf32>
    %broadcast_in_dim3A_70 = vector.broadcast %broadcast_in_dim3A_69 : vector<1x128xf32> to vector<128x128xf32>
    %transpose3A_71 = tpu.transpose %broadcast_in_dim3A_70, [1, 0] : vector<128x128xf32> -> vector<128x128xf32>
    %slice3A_72 = vector.extract_strided_slice %transpose3A_71 {offsets = [0, 0], sizes = [128, 1], strides = [1, 1]} : vector<128x128xf32> to vector<128x1xf32>
    %slice3A_73 = vector.extract_strided_slice %select_n3A {offsets = [10, 0], sizes = [1, 128], strides = [1, 1]} : vector<16x128xf32> to vector<1x128xf32>
    %squeeze3A_74 = vector.shape_cast %slice3A_73 : vector<1x128xf32> to vector<128xf32>
    %broadcast_in_dim3A_75 = vector.shape_cast %squeeze3A_74 : vector<128xf32> to vector<1x128xf32>
    %broadcast_in_dim3A_76 = vector.broadcast %broadcast_in_dim3A_75 : vector<1x128xf32> to vector<128x128xf32>
    %transpose3A_77 = tpu.transpose %broadcast_in_dim3A_76, [1, 0] : vector<128x128xf32> -> vector<128x128xf32>
    %slice3A_78 = vector.extract_strided_slice %transpose3A_77 {offsets = [0, 0], sizes = [128, 1], strides = [1, 1]} : vector<128x128xf32> to vector<128x1xf32>
    %slice3A_79 = vector.extract_strided_slice %select_n3A {offsets = [11, 0], sizes = [1, 128], strides = [1, 1]} : vector<16x128xf32> to vector<1x128xf32>
    %squeeze3A_80 = vector.shape_cast %slice3A_79 : vector<1x128xf32> to vector<128xf32>
    %broadcast_in_dim3A_81 = vector.shape_cast %squeeze3A_80 : vector<128xf32> to vector<1x128xf32>
    %broadcast_in_dim3A_82 = vector.broadcast %broadcast_in_dim3A_81 : vector<1x128xf32> to vector<128x128xf32>
    %transpose3A_83 = tpu.transpose %broadcast_in_dim3A_82, [1, 0] : vector<128x128xf32> -> vector<128x128xf32>
    %slice3A_84 = vector.extract_strided_slice %transpose3A_83 {offsets = [0, 0], sizes = [128, 1], strides = [1, 1]} : vector<128x128xf32> to vector<128x1xf32>
    %slice3A_85 = vector.extract_strided_slice %select_n3A {offsets = [12, 0], sizes = [1, 128], strides = [1, 1]} : vector<16x128xf32> to vector<1x128xf32>
    %squeeze3A_86 = vector.shape_cast %slice3A_85 : vector<1x128xf32> to vector<128xf32>
    %broadcast_in_dim3A_87 = vector.shape_cast %squeeze3A_86 : vector<128xf32> to vector<1x128xf32>
    %broadcast_in_dim3A_88 = vector.broadcast %broadcast_in_dim3A_87 : vector<1x128xf32> to vector<128x128xf32>
    %transpose3A_89 = tpu.transpose %broadcast_in_dim3A_88, [1, 0] : vector<128x128xf32> -> vector<128x128xf32>
    %slice3A_90 = vector.extract_strided_slice %transpose3A_89 {offsets = [0, 0], sizes = [128, 1], strides = [1, 1]} : vector<128x128xf32> to vector<128x1xf32>
    %slice3A_91 = vector.extract_strided_slice %select_n3A {offsets = [13, 0], sizes = [1, 128], strides = [1, 1]} : vector<16x128xf32> to vector<1x128xf32>
    %squeeze3A_92 = vector.shape_cast %slice3A_91 : vector<1x128xf32> to vector<128xf32>
    %broadcast_in_dim3A_93 = vector.shape_cast %squeeze3A_92 : vector<128xf32> to vector<1x128xf32>
    %broadcast_in_dim3A_94 = vector.broadcast %broadcast_in_dim3A_93 : vector<1x128xf32> to vector<128x128xf32>
    %transpose3A_95 = tpu.transpose %broadcast_in_dim3A_94, [1, 0] : vector<128x128xf32> -> vector<128x128xf32>
    %slice3A_96 = vector.extract_strided_slice %transpose3A_95 {offsets = [0, 0], sizes = [128, 1], strides = [1, 1]} : vector<128x128xf32> to vector<128x1xf32>
    %slice3A_97 = vector.extract_strided_slice %select_n3A {offsets = [14, 0], sizes = [1, 128], strides = [1, 1]} : vector<16x128xf32> to vector<1x128xf32>
    %squeeze3A_98 = vector.shape_cast %slice3A_97 : vector<1x128xf32> to vector<128xf32>
    %broadcast_in_dim3A_99 = vector.shape_cast %squeeze3A_98 : vector<128xf32> to vector<1x128xf32>
    %broadcast_in_dim3A_100 = vector.broadcast %broadcast_in_dim3A_99 : vector<1x128xf32> to vector<128x128xf32>
    %transpose3A_101 = tpu.transpose %broadcast_in_dim3A_100, [1, 0] : vector<128x128xf32> -> vector<128x128xf32>
    %slice3A_102 = vector.extract_strided_slice %transpose3A_101 {offsets = [0, 0], sizes = [128, 1], strides = [1, 1]} : vector<128x128xf32> to vector<128x1xf32>
    %slice3A_103 = vector.extract_strided_slice %select_n3A {offsets = [15, 0], sizes = [1, 128], strides = [1, 1]} : vector<16x128xf32> to vector<1x128xf32>
    %squeeze3A_104 = vector.shape_cast %slice3A_103 : vector<1x128xf32> to vector<128xf32>
    %broadcast_in_dim3A_105 = vector.shape_cast %squeeze3A_104 : vector<128xf32> to vector<1x128xf32>
    %broadcast_in_dim3A_106 = vector.broadcast %broadcast_in_dim3A_105 : vector<1x128xf32> to vector<128x128xf32>
    %transpose3A_107 = tpu.transpose %broadcast_in_dim3A_106, [1, 0] : vector<128x128xf32> -> vector<128x128xf32>
    %slice3A_108 = vector.extract_strided_slice %transpose3A_107 {offsets = [0, 0], sizes = [128, 1], strides = [1, 1]} : vector<128x128xf32> to vector<128x1xf32>
    %concatenate3A = tpu.concatenate %slice3A_18, %slice3A_24, %slice3A_30, %slice3A_36, %slice3A_42, %slice3A_48, %slice3A_54, %slice3A_60, %slice3A_66, %slice3A_72, %slice3A_78, %slice3A_84, %slice3A_90, %slice3A_96, %slice3A_102, %slice3A_108 in 0 : vector<128x1xf32>, vector<128x1xf32>, vector<128x1xf32>, vector<128x1xf32>, vector<128x1xf32>, vector<128x1xf32>, vector<128x1xf32>, vector<128x1xf32>, vector<128x1xf32>, vector<128x1xf32>, vector<128x1xf32>, vector<128x1xf32>, vector<128x1xf32>, vector<128x1xf32>, vector<128x1xf32>, vector<128x1xf32> -> vector<2048x1xf32>
    %get3A_109 = arith.constant 0 : index
    %get3A_110 = arith.constant 0 : index
    %get3A_111 = vector.load %arg3[%get3A_109, %get3A_110] : memref<1x128xf32, #tpu.memory_space<vmem>>, vector<1x128xf32>
    %add3A_112 = vector.broadcast %get3A_111 : vector<1x128xf32> to vector<2048x128xf32>
    %add3A_113 = arith.addf %dot_general3A_5, %add3A_112 : vector<2048x128xf32>
    %mul3A = vector.broadcast %concatenate3A : vector<2048x1xf32> to vector<2048x128xf32>
    %mul3A_114 = arith.mulf %mul3A, %add3A_113 : vector<2048x128xf32>
    %swap3A = arith.constant 0 : index
    %swap3A_115 = arith.constant 0 : index
    %swap3A_116 = vector.load %arg6[%swap3A, %swap3A_115] : memref<2048x128xf32, #tpu.memory_space<vmem>>, vector<2048x128xf32>
    tpu.vector_store %arg6[%swap3A, %swap3A_115], %mul3A_114 {strides = array<i32>} : memref<2048x128xf32, #tpu.memory_space<vmem>>, vector<2048x128xf32>,
    return
  }
  func.func @transform_0(%arg0: i32) -> (i32, i32) {
    %c0_i32 = arith.constant 0 : i32
    %c0_i32_0 = arith.constant 0 : i32
    return %arg0, %c0_i32 : i32, i32
  }
  func.func @transform_1(%arg0: i32) -> (i32, i32) {
    %c0_i32 = arith.constant 0 : i32
    %c0_i32_0 = arith.constant 0 : i32
    %c0_i32_1 = arith.constant 0 : i32
    return %c0_i32, %c0_i32_0 : i32, i32
  }
  func.func @transform_2(%arg0: i32) -> (i32, i32) {
    %c0_i32 = arith.constant 0 : i32
    %c0_i32_0 = arith.constant 0 : i32
    %c0_i32_1 = arith.constant 0 : i32
    return %c0_i32, %c0_i32_0 : i32, i32
  }
  func.func @transform_3(%arg0: i32) -> (i32, i32) {
    %c0_i32 = arith.constant 0 : i32
    %c0_i32_0 = arith.constant 0 : i32
    return %arg0, %c0_i32 : i32, i32
  }
  func.func @transform_4(%arg0: i32) -> (i32, i32) {
    %add3A = arith.constant 5 : i32
    %add3A_0 = arith.addi %add3A, %arg0 : i32
    %c0_i32 = arith.constant 0 : i32
    %c0_i32_1 = arith.constant 0 : i32
    return %add3A_0, %c0_i32 : i32, i32
  }
  func.func @transform_5(%arg0: i32) -> (i32, i32) {
    %c0_i32 = arith.constant 0 : i32
    %c0_i32_0 = arith.constant 0 : i32
    return %arg0, %c0_i32 : i32, i32
  }
}

</mosaic_0001>

<sc_bundles>
// kernel: kernel.11.cloned.1.call-start
scs
__scs_entry_jumppad:
0x0: {  	(pc) =	sbr.rel $0x88, $3  }
0x1: {  	(tag) =	ssettag $0x0;
	lr =	simm.s32 $0x1  }
0x2: {  	[smem:$0x3F9B] =	sst lr;
	_ =	strace $0xD0000000  }
0x3: {  	_ = 	snop  }
0x4: {  	_ = 	snop  }
0x5: {  	_ = 	snop  }
0x6: {  	_ = 	snop  }
0x7: {  	_ = 	snop  }
__scs_overlays_trampoline_lowered:
0x8: {  	[smem:$0x3FAA] =	sst s0  }
0x9: {  	[smem:$0x3FAB] =	sst s1  }
0xa: {  	[smem:$0x3FAC] =	sst s2  }
0xb: {  	[smem:$0x3FAD] =	sst s3  }
0xc: {  	[smem:$0x3FAE] =	sst s4  }
0xd: {  	[smem:$0x3FAF] =	sst s5  }
0xe: {  	[smem:$0x3FB0] =	sst s6  }
0xf: {  	[smem:$0x3FB1] =	sst s7  }
0x10: {  	[smem:$0x3FB2] =	sst s8  }
0x11: {  	[smem:$0x3FB3] =	sst s9;
	s0 =	simm.s32 @!p0 $0x0  }
0x12: {  	s1 =	sld [smem:$0x3F99];
	s0 =	simm.s32 @p0 $0x1  }
0x13: {  	[smem:$0x3FB4] =	sst s0;
	s0 =	simm.s32 @!p1 $0x0  }
0x14: {  	s2 =	sld [smem:$0x3F98];
	s0 =	simm.s32 @p1 $0x1  }
0x15: {  	[smem:$0x3FB5] =	sst s0;
	s0 =	simm.s32 @!p2 $0x0  }
0x16: {  	s3 =	sld [smem:$0x3FDB];
	s0 =	simm.s32 @p2 $0x1  }
0x17: {  	s4 =	simm.s32 $0x1BF5;
	[smem:$0x3FB7] =	sst s0  }
0x18: {  	s0 =	sld [smem:$0x3F9A];
	_ =	swait.ge [sflag:s4], $0x0  }
0x19: {  	s7 =	sld [smem:$0x3F9B]  }
0x1a: {  	s8 =	sadd.s32 $0xFFFFE003, lr  }
0x1b: {  	s9 =	sadd.s32 $0xFFFFFEF7, lr;
	s5 =	simm.s32 $0xFFFFFFFF;
	p2 =	slt.u32 s8, $0xFFFFF086  }
0x1c: {  	p1 =	slt.u32 s9, $0xF7A;
	s5 =	simm.s32 @!p2 $0x0  }
0x1d: {  	s5 =	simm.s32 @p1 $0x1;
	p0 =	seq.s32 s7, s2  }
0x1e: {  	s7 =	smul.u32 @!p0 $0xF7A, s2;
	p2 =	seq.s32 @!p0 s5, $0x0  }
0x1f: {  	s9 =	smul.u32 $0xF7A, s1;
	s8 =	simm.s32 @!p0 $0x1BF5;
	p2 =	por !p2, p0  }
0x20: {  	[sflag:s8] =	ssyncset.s32 @!p0 $0xFFFFF086;
	s6 =	sadd.s32 @!p0 s3, s7;
	s7 =	simm.s32 @!p0 $0x108  }
0x21: {  	s3 =	sadd.s32 s3, s9;
	s6 =	sadd.s32 @!p0 $0x88, s6;
	s7 =	simm.s32 @p2 $0x1082  }
0x22: {  	[simem:s7], [sflag:s8] =	dma.local @!p0 [hbm:s6], $0xF7A  }
0x23: {  	s9 =	sor.u32 $0xD0000000, s2;
	s6 =	simm.s32 $0x108;
	_ =	swait.ge @!p0 [sflag:s8], $0x0  }
0x24: {  	s3 =	sadd.s32 $0x88, s3;
	s6 =	simm.s32 @!p1 $0x1082;
	[sflag:s4] =	ssyncset.s32 $0xFFFFF086  }
0x25: {  	[simem:s6], [sflag:s4] =	dma.local [hbm:s3], $0xF7A  }
0x26: {  	[smem:$0x3F9B] =	sst s1;
	(tag) =	ssettag s2;
	_ =	strace s9  }
0x27: {  	s1 =	sld [smem:$0x3FAB]  }
0x28: {  	s2 =	sld [smem:$0x3FAC]  }
0x29: {  	s4 =	sld [smem:$0x3FAE]  }
0x2a: {  	p0 =	seq.s32 s5, $0x0;
	s5 =	sld [smem:$0x3FAF]  }
0x2b: {  	s6 =	sld [smem:$0x3FB0]  }
0x2c: {  	s7 =	sld [smem:$0x3FB1]  }
0x2d: {  	s3 =	simm.s32 $0x108;
	s8 =	sld [smem:$0x3FB2]  }
0x2e: {  	s3 =	simm.s32 @!p0 $0x1082;
	s9 =	sld [smem:$0x3FB3]  }
0x2f: {  	lr =	sadd.s32 s0, s3;
	s0 =	sld [smem:$0x3FAA]  }
0x30: {  	s3 =	sld [smem:$0x3FAD]  }
0x31: {  	[smem:$0x3FB6] =	sst s10  }
0x32: {  	s10 =	sld [smem:$0x3FB4];
	_ =	sdelay $0x3  }
0x33: {  	p0 =	seq.s32 s10, $0x1;
	s10 =	sld [smem:$0x3FB6];
	_ =	sdelay $0x3  }
0x34: {  	[smem:$0x3FB6] =	sst s10  }
0x35: {  	s10 =	sld [smem:$0x3FB5];
	_ =	sdelay $0x3  }
0x36: {  	p1 =	seq.s32 s10, $0x1;
	s10 =	sld [smem:$0x3FB6];
	_ =	sdelay $0x3  }
0x37: {  	[smem:$0x3FB6] =	sst s10  }
0x38: {  	s10 =	sld [smem:$0x3FB7]  }
0x39: {  	_ = 	snop;
	(pc) =	sbr.ind lr, $3  }
0x3a: {  	_ = 	snop  }
0x3b: {  	_ = 	snop  }
0x3c: {  	p2 =	seq.s32 s10, $0x1;
	s10 =	sld [smem:$0x3FB6]  }
0x3d: {  	_ =	shalt  }
0x3e: {  	_ =	shalt  }
0x3f: {  	_ =	shalt  }
0x40: {  	_ =	shalt  }
0x41: {  	_ =	shalt  }
0x42: {  	_ =	shalt  }
0x43: {  	_ =	shalt  }
0x44: {  	_ =	shalt  }
0x45: {  	_ =	shalt  }
0x46: {  	_ =	shalt  }
0x47: {  	_ =	shalt  }
0x48: {  	_ =	shalt  }
0x49: {  	_ =	shalt  }
0x4a: {  	_ =	shalt  }
0x4b: {  	_ =	shalt  }
0x4c: {  	_ =	shalt  }
0x4d: {  	_ =	shalt  }
0x4e: {  	_ =	shalt  }
0x4f: {  	_ =	shalt  }
0x50: {  	_ =	shalt  }
0x51: {  	_ =	shalt  }
0x52: {  	_ =	shalt  }
0x53: {  	_ =	shalt  }
0x54: {  	_ =	shalt  }
0x55: {  	_ =	shalt  }
0x56: {  	_ =	shalt  }
0x57: {  	_ =	shalt  }
0x58: {  	_ =	shalt  }
0x59: {  	_ =	shalt  }
0x5a: {  	_ =	shalt  }
0x5b: {  	_ =	shalt  }
0x5c: {  	_ =	shalt  }
0x5d: {  	_ =	shalt  }
0x5e: {  	_ =	shalt  }
0x5f: {  	_ =	shalt  }
0x60: {  	_ =	shalt  }
0x61: {  	_ =	shalt  }
0x62: {  	_ =	shalt  }
0x63: {  	_ =	shalt  }
0x64: {  	_ =	shalt  }
0x65: {  	_ =	shalt  }
0x66: {  	_ =	shalt  }
0x67: {  	_ =	shalt  }
0x68: {  	_ =	shalt  }
0x69: {  	_ =	shalt  }
0x6a: {  	_ =	shalt  }
0x6b: {  	_ =	shalt  }
0x6c: {  	_ =	shalt  }
0x6d: {  	_ =	shalt  }
0x6e: {  	_ =	shalt  }
0x6f: {  	_ =	shalt  }
0x70: {  	_ =	shalt  }
0x71: {  	_ =	shalt  }
0x72: {  	_ =	shalt  }
0x73: {  	_ =	shalt  }
0x74: {  	_ =	shalt  }
0x75: {  	_ =	shalt  }
0x76: {  	_ =	shalt  }
0x77: {  	_ =	shalt  }
0x78: {  	_ =	shalt  }
0x79: {  	_ =	shalt  }
0x7a: {  	_ =	shalt  }
0x7b: {  	_ =	shalt  }
0x7c: {  	_ =	shalt  }
0x7d: {  	_ =	shalt  }
0x7e: {  	_ =	shalt  }
0x7f: {  	_ =	shalt  }
0x80: {  	_ =	shalt  }
0x81: {  	_ =	shalt  }
0x82: {  	_ =	shalt  }
0x83: {  	_ =	shalt  }
0x84: {  	_ =	shalt  }
0x85: {  	_ =	shalt  }
0x86: {  	_ =	shalt  }
0x87: {  	_ =	shalt  }
.Lfunc_end0:
.L_simem_size_0:
called_computation.1_lowered:
.L_overlay_start_0:
0x88: {  	s2 =	sld [smem:$0x3FD9]  }
0x89: {  	s3 =	sld [smem:$0x3FFE];
	_ =	sdelay $0x1  }
0x8a: {  	s1 =	srdreg.scid  }
0x8b: {  	s0 =	sand.u32 $0x1, s1  }
0x8c: {  	s17 =	sshll.u32 s0, $0xA;
	s2 =	sadd.s32 s3, s2  }
0x8d: {  	s2 =	sadd.s32 s2, s17  }
0x8e: {  	[smem:$0x3FC2] =	sst s2  }
0x8f: {  	_ = 	snop  }
0x90: {  	s2 =	sld [smem:$0x3FD0];
	(tm) =	ssettm $0x1  }
0x91: {  	s18 =	sld [smem:$0x3FFB];
	_ =	sdelay $0x3  }
0x92: {  	_ =	strace s18  }
0x93: {  	s3 =	sld [smem:$0x3FFC];
	_ =	sdelay $0x3  }
0x94: {  	_ =	strace s3  }
0x95: {  	s3 =	sld [smem:$0x3FFD];
	_ =	sdelay $0x3  }
0x96: {  	_ =	strace s3  }
0x97: {  	_ =	strace $0x8FFFFFFF  }
0x98: {  	s19 =	sld [smem:$0x3FDB];
	_ =	sdelay $0x1  }
0x99: {  	s4 =	simm.s32 $_scs_section_size  }
0x9a: {  	s5 =	simm.s32 $_size__tile_overlayer_lowered;
	s6 =	simm.s32 $_tile_overlayer_lowered  }
0x9b: {  	s22 =	simm.s32 $0x1BFF;
	s21 =	sshll.u32 s6, $0x1;
	s3 =	sadd.s32 s4, s19  }
0x9c: {  	s7 =	simm.s32 $0x0;
	s20 =	sshll.u32 s5, $0x1;
	s5 =	sadd.s32 s21, s3  }
0x9d: {  	[timem:s7], [sflag:s22] =	dma.local [hbm:s5], s20  }
0x9e: {  	_ =	swait.ge [sflag:s22], s20  }
0x9f: {  	s4 =	ssub.s32 $0x0, s20;
	[sflag:s22] =	ssyncset.done $0x0  }
0xa0: {  	[sflag:s22] =	ssyncadd.s32 s4;
	_ =	sdelay $0x1  }
0xa1: {  	s23 =	simm.s32 $0x1B8B  }
0xa2: {  	_ =	swait.ge [sflag:s23], $0x1  }
0xa3: {  	[sflag:s23] =	ssyncset.done $0x0  }
0xa4: {  	s25 =	simm.s32 $0x1B8E;
	s24 =	sld [smem:$0x3FFE];
	[sflag:s23] =	ssyncadd.s32 $0xFFFFFFFF  }
0xa5: {  	s26 =	simm.s32 $execute0_lowered;
	[smem:$0x3FD2] =	sst s25  }
0xa6: {  	s5 =	sshll.u32 s26, $0x1;
	_ =	strace $0x80000049;
	[dreg:$0x1] =	wrdreg $0xFFFFFFFF  }
0xa7: {  	s28 =	simm.s32 $_size_execute0_lowered;
	s3 =	sadd.s32 s3, s5;
	[dreg:$0x0] =	wrdreg $0x0  }
0xa8: {  	s5 =	sshll.u32 s28, $0x1;
	[dreg:$0x2] =	wrdreg s3  }
0xa9: {  	[dreg:$0x3] =	wrdreg s5  }
0xaa: {  	[dreg:$0x4] =	wrdreg $0xC0  }
0xab: {  	_ =	task [dreg:s7], $0x5FFFF  }
0xac: {  	[dreg:$0x1] =	wrdreg $0xFFFFFFFF  }
0xad: {  	[dreg:$0x0] =	wrdreg $0x60  }
0xae: {  	[dreg:$0x2] =	wrdreg s2  }
0xaf: {  	[dreg:$0x3] =	wrdreg s24  }
0xb0: {  	[dreg:$0x4] =	wrdreg $0x0  }
0xb1: {  	[dreg:$0x5] =	wrdreg $0x9  }
0xb2: {  	_ =	task.clear_ibuf [dreg:s7], $0x6FFFF;
	_ =	strace $0x90000049  }
0xb3: {  	s29 =	simm.s32 $0x9;
	_ =	strace $0x8000004B  }
0xb4: {  	_ =	swait.ge [sflag:s29], $0x1  }
0xb5: {  	[sflag:s29] =	ssyncadd.s32 $0xFFFFFFFF  }
0xb6: {  	_ =	strace $0x9000004B  }
0xb7: {  	_ =	sfence  }
0xb8: {  	s30 =	sld [smem:$0x0];
	_ =	sdelay $0x2  }
0xb9: {  	s31 =	sshll.u32 s1, $0xD;
	s1 =	sshrl.u32 s1, $0x2  }
0xba: {  	s3 =	sand.u32 $0x4000, s31;
	s1 =	sadd.s32 s1, s30  }
0xbb: {  	s0 =	sor.u32 s3, s0;
	s1 =	sshll.u32 s1, $0x11  }
0xbc: {  	s0 =	sor.u32 s1, s0  }
0xbd: {  	s0 =	sadd.s32 $0x8F2B, s0  }
0xbe: {  	[sflag:s0] =	ssyncadd.remote.s32 $0x1  }
0xbf: {  	_ =	sfence.sel $0xFFFF  }
0xc0: {  	[dreg:$0x0] =	wrdreg $0xFFFFFFFF;
	(pc) =	sbr.abs _section_cstart, $3  }
0xc1: {  	[dreg:$0x1] =	wrdreg $0xFFFFFFFF  }
0xc2: {  	_ =	task.clear_ibuf [dreg:s7], $0x2FFFF;
	_ =	strace $0x9FFFFFFF  }
0xc3: {  	(tm) =	ssettm $0x7FFFFFFF  }
tec
execute0_lowered:
.L_overlay_start_1:
0x0: {  	(tag) =	ssettag $0x1  }
0x1: {  	s1 =	rddreg [dreg:$0x0]  }
0x2: {  	s0 =	rddreg [dreg:$0x1]  }
0x3: {  	s3 =	rddreg [dreg:$0x2]  }
0x4: {  	s4 =	simm.s32 $0x0;
	s2 =	srdreg.scid;
	s10 =	stileid.u32  }
0x5: {  	s28 =	simm.s32 $0xC;
	s29 =	simm.s32 $0x2;
	s5 =	smul.u32 $0x2800, s10  }
0x6: {  	s30 =	simm.s32 $0xD;
	s31 =	simm.s32 $0xE;
	s9 =	smul.u32 $0x50000, s10  }
0x7: {  	[smem:$0x7FF] =	sst s4;
	s2 =	sand.u32 $0x1, s2;
	s19 =	smul.u32 $0x2710, s10  }
0x8: {  	s8 =	sadd.s32 $0x2600, s0;
	_ =	strace $0x8000004A;
	s6 =	smul.u32 $0x28000, s2  }
0x9: {  	s7 =	sshll.u32 s2, $0x4;
	s26 =	ssub.s32 $0x2, s2;
	s2 =	smul.u32 $0x27100, s2  }
0xa: {  	s7 =	sor.u32 s10, s7;
	s11 =	sshrl.u32 s26, $0x1;
	s9 =	sshrl.u32 s9, $0x2  }
0xb: {  	s5 =	sadd.s32 s5, s6;
	s7 =	smul.u32 $0x2710, s7;
	s2 =	sadd.s32 s19, s2  }
0xc: {  	s0 =	sadd.s32 s5, s0;
	s5 =	ssub.s32 s26, s11;
	s11 =	sadd.s32 s9, s3  }
0xd: {  	s25 =	sadd.s32 $0x4E368, s2;
	s13 =	sadd.s32 $0x1400, s11;
	[dreg:$0x4] =	wrdreg s11  }
0xe: {  	s26 =	sadd.s32 $0x4E318, s2;
	s14 =	sadd.s32 $0x2800, s11;
	[dreg:$0x6] =	wrdreg s13  }
0xf: {  	s12 =	sshrl.u32 s7, $0x3;
	s15 =	sadd.s32 $0x3C00, s11;
	[dreg:$0x7] =	wrdreg s14  }
0x10: {  	s16 =	sadd.s32 $0x5000, s11;
	s17 =	sadd.s32 $0x6400, s11;
	[dreg:$0x8] =	wrdreg s15  }
0x11: {  	s18 =	sadd.s32 $0x7800, s11;
	s9 =	sadd.s32 $0x8C00, s11;
	[dreg:$0x9] =	wrdreg s16  }
0x12: {  	s20 =	sadd.s32 $0xA000, s11;
	s21 =	sadd.s32 $0x4E228, s7;
	[dreg:$0xa] =	wrdreg s17  }
0x13: {  	s22 =	sadd.s32 $0xB400, s11;
	s24 =	sadd.s32 $0x4E278, s7;
	[dreg:$0xb] =	wrdreg s18  }
0x14: {  	s7 =	sshrl.u32 s25, $0x3;
	s0 =	sadd.s32 $0x16000, s0;
	[dreg:$0xc] =	wrdreg s9  }
0x15: {  	s19 =	sadd.s32 $0xDC00, s11;
	s12 =	sadd.s32 s8, s12;
	[dreg:$0xd] =	wrdreg s20  }
0x16: {  	[dreg:$0xe] =	wrdreg s22;
	s9 =	sshrl.u32 s21, $0x3;
	s6 =	sshrl.u32 s24, $0x3  }
0x17: {  	s10 =	sadd.s32 s7, s8;
	s13 =	sshrl.u32 s26, $0x3;
	s14 =	sadd.s32 $0x4E340, s2  }
0x18: {  	s15 =	sadd.s32 $0x4E2F0, s2;
	s2 =	sadd.s32 $0x4E2C8, s2;
	[dreg:$0x17] =	wrdreg s0  }
0x19: {  	s17 =	sadd.s32 $0xC800, s11;
	s18 =	smax.u32 s5, $0x1;
	[dreg:$0x19] =	wrdreg s19  }
0x1a: {  	s20 =	sadd.s32 $0xF000, s11;
	s21 =	sadd.s32 $0x10400, s11;
	[dreg:$0x11] =	wrdreg s10  }
0x1b: {  	s22 =	sadd.s32 $0x11800, s11;
	s0 =	simm.s32 $0x4;
	[dreg:$0x16] =	wrdreg s17  }
0x1c: {  	s5 =	simm.s32 $0x7;
	s19 =	simm.s32 $0x9;
	[dreg:$0x18] =	wrdreg s18  }
0x1d: {  	s23 =	sadd.s32 s8, s9;
	s6 =	sadd.s32 s8, s6;
	[dreg:$0x1a] =	wrdreg s20  }
0x1e: {  	s7 =	sshrl.u32 s15, $0x3;
	s2 =	sshrl.u32 s2, $0x3;
	[dreg:$0x1b] =	wrdreg s21  }
0x1f: {  	[dreg:$0x1c] =	wrdreg s22;
	s24 =	sadd.s32 $0x9C40, s12;
	s25 =	sadd.s32 $0x9C4A, s12  }
0x20: {  	[dreg:$0x5] =	wrdreg s12;
	s26 =	sadd.s32 $0x9C54, s12;
	s9 =	simm.s32 $0x16A00  }
0x21: {  	s10 =	simm.s32 $0x6;
	s18 =	simm.s32 $0x8;
	[dreg:$0xf] =	wrdreg s23  }
0x22: {  	s20 =	simm.s32 $0xA;
	s15 =	simm.s32 $0x16800;
	[dreg:$0x10] =	wrdreg s6  }
0x23: {  	s17 =	simm.s32 $0x16880;
	s6 =	sadd.s32 s13, s8;
	[dreg:$0x1e] =	wrdreg s24  }
0x24: {  	s16 =	sadd.s32 s7, s8;
	s2 =	sadd.s32 s2, s8;
	[dreg:$0x1f] =	wrdreg s25  }
0x25: {  	s23 =	sadd.s32 $0x12C00, s11;
	[smem:$0x7FD] =	sst s26;
	s13 =	simm.s32 $0x28  }
0x26: {  	s25 =	simm.s32 $0x1BA00;
	s26 =	simm.s32 $0xB;
	[dreg:$0x12] =	wrdreg s6  }
.Ltmp0:
0x27: {  	s7 =	simm.s32 $0x5;
	[dreg:$0x14] =	wrdreg s16;
	(pc) =	sbr.rel .LBB2_1-.Ltmp0, $4  }
0x28: {  	s11 =	simm.s32 $0x0;
	s24 =	simm.s32 $0x1A600;
	[dreg:$0x15] =	wrdreg s2  }
0x29: {  	s6 =	sshrl.u32 s14, $0x3;
	[dreg:$0x1d] =	wrdreg s23;
	s2 =	simm.s32 $0xF  }
0x2a: {  	s14 =	simm.s32 $0x16780;
	s16 =	simm.s32 $0x17E00;
	s6 =	sadd.s32 s6, s8  }
0x2b: {  	v0 =	vimm.f32 $0.0e+00;
	s23 =	simm.s32 $0x16900;
	s8 =	simm.s32 $0x3;
	[dreg:$0x13] =	wrdreg s6  }
.LBB2_6:
0x2c: {  	_ =	swait.ge [sflag:s5], $0x1400  }
0x2d: {  	[sflag:s5] =	ssyncset.done $0x0  }
0x2e: {  	[sflag:s5] =	ssyncadd.s32 $0xFFFFEC00  }
0x2f: {  	_ =	swait.ge [sflag:s18], $0x1400  }
0x30: {  	[sflag:s18] =	ssyncset.done $0x0  }
0x31: {  	[sflag:s18] =	ssyncadd.s32 $0xFFFFEC00  }
0x32: {  	_ =	swait.ge [sflag:s19], $0x1400  }
0x33: {  	[sflag:s19] =	ssyncset.done $0x0  }
0x34: {  	[sflag:s19] =	ssyncadd.s32 $0xFFFFEC00  }
0x35: {  	_ =	swait.ge [sflag:s20], $0x1400  }
0x36: {  	[sflag:s20] =	ssyncset.done $0x0  }
0x37: {  	[sflag:s20] =	ssyncadd.s32 $0xFFFFEC00  }
0x38: {  	s12 =	stileid.u32;
	[bflag:$0x0] =	sbarrier.arrive $0xFFFF  }
0x39: {  	s6 =	simm.s32 $0x10;
	s12 =	sshll.u32 s12, $0x6;
	s21 =	rddreg [dreg:$0x4]  }
0x3a: {  	s12 =	sor.u32 $0x1C10, s12;
	s22 =	rddreg [dreg:$0x17];
	s21 =	sshrl.u32 s21, $0x3  }
0x3b: {  	[hbm:s22], [sflag:s12] =	dma.local [spmem:s21], $0x2800  }
0x3c: {  	_ =	swait.ge [sflag:s6], $0x2800  }
0x3d: {  	s11 =	sld [smem:$0x7FC];
	_ =	sdelay $0x2  }
0x3e: {  	s25 =	rddreg [dreg:$0x18];
	s11 =	sadd.s32 $0x1, s11  }
0x3f: {  	p0 =	sne.s32 s11, s25  }
.Ltmp1:
0x40: {  	_ = 	snop;
	(pc) =	sbr.rel @!p0 .LBB2_7-.Ltmp1, $3  }
0x41: {  	_ =	sdelay $0x1  }
0x42: {  	[sflag:s6] =	ssyncset.done $0x0  }
0x43: {  	s9 =	simm.s32 $0x16A00;
	[sflag:s6] =	ssyncadd.s32 $0xFFFFD800;
	s25 =	simm.s32 $0x1BA00  }
.LBB2_1:
0x44: {  	s12 =	rddreg [dreg:$0x5];
	s21 =	simm.s32 $0x14000  }
0x45: {  	[tilespmem:s21], [sflag:$0x1] =	stream.linear.gather [hbm4b:s12+s4], $0x2710, $0x38;
	[tilespmem:$0x1CE00] =	vst v63  }
0x46: {  	[smem:$0x7FC] =	sst s11;
	s22 =	simm.s32 $0x3C0;
	s21 =	simm.s32 $0x70  }
.LBB2_2:
0x47: {  	p0 =	sne.s32 s22, $0x4FC0;
	[tilespmem:s21+$0x16A00] =	vst v0  }
0x48: {  	[tilespmem:s21+$0x16990] =	vst v0  }
0x49: {  	[tilespmem:s21+$0x169A0] =	vst v0  }
.Ltmp2:
0x4a: {  	[tilespmem:s21+$0x169B0] =	vst v0;
	(pc) =	sbr.rel @p0 .LBB2_2-.Ltmp2, $4  }
0x4b: {  	[tilespmem:s21+$0x169C0] =	vst v0  }
0x4c: {  	[tilespmem:s21+$0x169D0] =	vst v0  }
0x4d: {  	[tilespmem:s21+$0x169E0] =	vst v0  }
0x4e: {  	[tilespmem:s21+$0x169F0] =	vst v0;
	s21 =	sshra.s32 s22, $0x2;
	s22 =	sadd.s32 $0x200, s22  }
0x4f: {  	[tilespmem:s21+$0x16A00] =	vst v0  }
0x50: {  	[tilespmem:s21+$0x16990] =	vst v0  }
0x51: {  	[tilespmem:s21+$0x169A0] =	vst v0  }
0x52: {  	[tilespmem:s21+$0x169B0] =	vst v0  }
0x53: {  	[tilespmem:s21+$0x169C0] =	vst v0  }
0x54: {  	[tilespmem:s21+$0x169D0] =	vst v0  }
0x55: {  	[tilespmem:s21+$0x169E0] =	vst v0  }
0x56: {  	[tilespmem:s21+$0x169F0] =	vst v0;
	s12 =	rddreg [dreg:$0x4]  }
0x57: {  	[spmem:s12] =	stream.linear.scatter [tilespmem:s9], [sflag:$0x6], $0x1400, $0x38;
	[tilespmem:$0x1CE00] =	vst v63  }
0x58: {  	s11 =	rddreg [dreg:$0x6]  }
0x59: {  	[spmem:s11] =	stream.linear.scatter [tilespmem:s9], [sflag:$0x6], $0x1400, $0x38;
	[tilespmem:$0x1CE00] =	vst v63  }
0x5a: {  	s21 =	rddreg [dreg:$0x7]  }
0x5b: {  	[spmem:s21] =	stream.linear.scatter [tilespmem:s9], [sflag:$0x6], $0x1400, $0x38;
	[tilespmem:$0x1CE00] =	vst v63  }
0x5c: {  	s22 =	rddreg [dreg:$0x8]  }
0x5d: {  	[spmem:s22] =	stream.linear.scatter [tilespmem:s9], [sflag:$0x6], $0x1400, $0x38;
	[tilespmem:$0x1CE00] =	vst v63  }
0x5e: {  	s6 =	rddreg [dreg:$0x9]  }
0x5f: {  	[spmem:s6] =	stream.linear.scatter [tilespmem:s9], [sflag:$0x6], $0x1400, $0x38;
	[tilespmem:$0x1CE00] =	vst v63  }
0x60: {  	s11 =	rddreg [dreg:$0xa]  }
0x61: {  	[spmem:s11] =	stream.linear.scatter [tilespmem:s9], [sflag:$0x6], $0x1400, $0x38;
	[tilespmem:$0x1CE00] =	vst v63  }
0x62: {  	s21 =	rddreg [dreg:$0xb]  }
0x63: {  	[spmem:s21] =	stream.linear.scatter [tilespmem:s9], [sflag:$0x6], $0x1400, $0x38;
	[tilespmem:$0x1CE00] =	vst v63  }
0x64: {  	s22 =	rddreg [dreg:$0xc]  }
0x65: {  	[spmem:s22] =	stream.linear.scatter [tilespmem:s9], [sflag:$0x6], $0x1400, $0x38;
	[tilespmem:$0x1CE00] =	vst v63  }
0x66: {  	s6 =	rddreg [dreg:$0xd]  }
0x67: {  	[spmem:s6] =	stream.linear.scatter [tilespmem:s9], [sflag:$0x6], $0x1400, $0x38;
	[tilespmem:$0x1CE00] =	vst v63  }
0x68: {  	s11 =	rddreg [dreg:$0xe]  }
0x69: {  	[spmem:s11] =	stream.linear.scatter [tilespmem:s9], [sflag:$0x6], $0x1400, $0x38;
	[tilespmem:$0x1CE00] =	vst v63  }
0x6a: {  	s21 =	rddreg [dreg:$0x16]  }
0x6b: {  	[spmem:s21] =	stream.linear.scatter [tilespmem:s9], [sflag:$0x6], $0x1400, $0x38;
	[tilespmem:$0x1CE00] =	vst v63  }
0x6c: {  	s22 =	rddreg [dreg:$0x19]  }
0x6d: {  	[spmem:s22] =	stream.linear.scatter [tilespmem:s9], [sflag:$0x6], $0x1400, $0x38;
	[tilespmem:$0x1CE00] =	vst v63  }
0x6e: {  	s6 =	rddreg [dreg:$0x1a]  }
0x6f: {  	[spmem:s6] =	stream.linear.scatter [tilespmem:s9], [sflag:$0x6], $0x1400, $0x38;
	[tilespmem:$0x1CE00] =	vst v63  }
0x70: {  	s11 =	rddreg [dreg:$0x1b]  }
0x71: {  	[spmem:s11] =	stream.linear.scatter [tilespmem:s9], [sflag:$0x6], $0x1400, $0x38;
	[tilespmem:$0x1CE00] =	vst v63  }
0x72: {  	s21 =	rddreg [dreg:$0x1c]  }
0x73: {  	[spmem:s21] =	stream.linear.scatter [tilespmem:s9], [sflag:$0x6], $0x1400, $0x38;
	[tilespmem:$0x1CE00] =	vst v63  }
0x74: {  	s22 =	rddreg [dreg:$0x1d]  }
0x75: {  	[spmem:s22] =	stream.linear.scatter [tilespmem:s9], [sflag:$0x6], $0x1400, $0x38;
	[tilespmem:$0x1CE00] =	vst v63  }
0x76: {  	_ =	swait.ge [sflag:s10], $0x1400  }
0x77: {  	[sflag:s10] =	ssyncset.done $0x0  }
0x78: {  	[sflag:s10] =	ssyncadd.s32 $0xFFFFEC00  }
0x79: {  	_ =	swait.ge [sflag:s10], $0x1400  }
0x7a: {  	[sflag:s10] =	ssyncset.done $0x0  }
0x7b: {  	[sflag:s10] =	ssyncadd.s32 $0xFFFFEC00  }
0x7c: {  	_ =	swait.ge [sflag:s10], $0x1400  }
0x7d: {  	[sflag:s10] =	ssyncset.done $0x0  }
0x7e: {  	[sflag:s10] =	ssyncadd.s32 $0xFFFFEC00  }
0x7f: {  	_ =	swait.ge [sflag:s10], $0x1400  }
0x80: {  	[sflag:s10] =	ssyncset.done $0x0  }
0x81: {  	[sflag:s10] =	ssyncadd.s32 $0xFFFFEC00  }
0x82: {  	_ =	swait.ge [sflag:s10], $0x1400  }
0x83: {  	[sflag:s10] =	ssyncset.done $0x0  }
0x84: {  	[sflag:s10] =	ssyncadd.s32 $0xFFFFEC00  }
0x85: {  	_ =	swait.ge [sflag:s10], $0x1400  }
0x86: {  	[sflag:s10] =	ssyncset.done $0x0  }
0x87: {  	[sflag:s10] =	ssyncadd.s32 $0xFFFFEC00  }
0x88: {  	_ =	swait.ge [sflag:s10], $0x1400  }
0x89: {  	[sflag:s10] =	ssyncset.done $0x0  }
0x8a: {  	[sflag:s10] =	ssyncadd.s32 $0xFFFFEC00  }
0x8b: {  	_ =	swait.ge [sflag:s10], $0x1400  }
0x8c: {  	[sflag:s10] =	ssyncset.done $0x0  }
0x8d: {  	[sflag:s10] =	ssyncadd.s32 $0xFFFFEC00  }
0x8e: {  	_ =	swait.ge [sflag:s10], $0x1400  }
0x8f: {  	[sflag:s10] =	ssyncset.done $0x0  }
0x90: {  	[sflag:s10] =	ssyncadd.s32 $0xFFFFEC00  }
0x91: {  	_ =	swait.ge [sflag:s10], $0x1400  }
0x92: {  	[sflag:s10] =	ssyncset.done $0x0  }
0x93: {  	[sflag:s10] =	ssyncadd.s32 $0xFFFFEC00  }
0x94: {  	_ =	swait.ge [sflag:s10], $0x1400  }
0x95: {  	[sflag:s10] =	ssyncset.done $0x0  }
0x96: {  	[sflag:s10] =	ssyncadd.s32 $0xFFFFEC00  }
0x97: {  	_ =	swait.ge [sflag:s10], $0x1400  }
0x98: {  	[sflag:s10] =	ssyncset.done $0x0  }
0x99: {  	[sflag:s10] =	ssyncadd.s32 $0xFFFFEC00  }
0x9a: {  	_ =	swait.ge [sflag:s10], $0x1400  }
0x9b: {  	[sflag:s10] =	ssyncset.done $0x0  }
0x9c: {  	[sflag:s10] =	ssyncadd.s32 $0xFFFFEC00  }
0x9d: {  	_ =	swait.ge [sflag:s10], $0x1400  }
0x9e: {  	[sflag:s10] =	ssyncset.done $0x0  }
0x9f: {  	[sflag:s10] =	ssyncadd.s32 $0xFFFFEC00  }
0xa0: {  	_ =	swait.ge [sflag:s10], $0x1400  }
0xa1: {  	[sflag:s10] =	ssyncset.done $0x0  }
0xa2: {  	[sflag:s10] =	ssyncadd.s32 $0xFFFFEC00  }
0xa3: {  	_ =	swait.ge [sflag:s10], $0x1400  }
0xa4: {  	[sflag:s10] =	ssyncset.done $0x0  }
0xa5: {  	s6 =	simm.s32 $0x1;
	[sflag:s10] =	ssyncadd.s32 $0xFFFFEC00  }
0xa6: {  	_ =	swait.ge [sflag:s6], $0x2710  }
0xa7: {  	[sflag:s6] =	ssyncset.done $0x0  }
0xa8: {  	[sflag:s6] =	ssyncadd.s32 $0xFFFFD8F0  }
0xa9: {  	[bflag:$0x0] =	sbarrier.arrive $0xFFFF  }
0xaa: {  	s21 =	simm.s32 $0x0;
	s6 =	rddreg [dreg:$0x1e]  }
0xab: {  	[tilespmem:s14], [sflag:$0xB] =	stream.linear.gather [hbm4b:s6+s21], $0x28, $0x38;
	[tilespmem:$0x1CE00] =	vst v63  }
0xac: {  	s11 =	simm.s32 $0x14000  }
0xad: {  	[tilespmem:s9], [sflag:$0x1] =	stream.indirect.gather [hbm4b:s1+s13], $0x80, s11, s13, $0xb8;
	[tilespmem:$0x1CE00] =	vst v63  }
0xae: {  	s22 =	rddreg [dreg:$0xf]  }
0xaf: {  	[tilespmem:s15], [sflag:$0xC] =	stream.linear.gather [hbm4b:s22+s21], $0x28, $0x38;
	[tilespmem:$0x1CE00] =	vst v63  }
0xb0: {  	s6 =	simm.s32 $0x14028  }
0xb1: {  	[tilespmem:s16], [sflag:$0x2] =	stream.indirect.gather [hbm4b:s1+s13], $0x80, s6, s13, $0xb8;
	[tilespmem:$0x1CE00] =	vst v63  }
0xb2: {  	s11 =	rddreg [dreg:$0x1f]  }
0xb3: {  	[tilespmem:s17], [sflag:$0xD] =	stream.linear.gather [hbm4b:s11+s21], $0x28, $0x38;
	[tilespmem:$0x1CE00] =	vst v63  }
0xb4: {  	s22 =	simm.s32 $0x14050;
	s6 =	simm.s32 $0x19200  }
0xb5: {  	[tilespmem:s6], [sflag:$0x3] =	stream.indirect.gather [hbm4b:s1+s13], $0x80, s22, s13, $0xb8;
	[tilespmem:$0x1CE00] =	vst v63  }
0xb6: {  	s11 =	rddreg [dreg:$0x10]  }
0xb7: {  	[tilespmem:s23], [sflag:$0xE] =	stream.linear.gather [hbm4b:s11+s21], $0x28, $0x38;
	[tilespmem:$0x1CE00] =	vst v63  }
0xb8: {  	s22 =	simm.s32 $0x14078;
	s11 =	sld [smem:$0x7FD]  }
0xb9: {  	[tilespmem:s24], [sflag:$0x4] =	stream.indirect.gather [hbm4b:s1+s13], $0x80, s22, s13, $0xb8;
	[tilespmem:$0x1CE00] =	vst v63  }
0xba: {  	s22 =	simm.s32 $0x16980  }
0xbb: {  	[tilespmem:s22], [sflag:$0xF] =	stream.linear.gather [hbm4b:s11+s21], $0x28, $0x38;
	[tilespmem:$0x1CE00] =	vst v63  }
0xbc: {  	s12 =	simm.s32 $0x16980;
	s11 =	simm.s32 $0x140A0;
	s22 =	simm.s32 $0x14168  }
0xbd: {  	[tilespmem:s25], [sflag:$0x5] =	stream.indirect.gather [hbm4b:s1+s13], $0x80, s11, s13, $0xb8;
	[tilespmem:$0x1CE00] =	vst v63  }
.LBB2_4:
0xbe: {  	_ =	swait.ge [sflag:s26], $0x28  }
0xbf: {  	[sflag:s26] =	ssyncset.done $0x0  }
0xc0: {  	s11 =	simm.s32 $0x1;
	[sflag:s26] =	ssyncadd.s32 $0xFFFFFFD8  }
0xc1: {  	_ =	swait.ge [sflag:s11], $0x1400  }
0xc2: {  	[sflag:s11] =	ssyncset.done $0x0  }
0xc3: {  	[sflag:s11] =	ssyncadd.s32 $0xFFFFEC00  }
0xc4: {  	[spmem:s3] =	stream.indirect.scatter.add.f32 [tilespmem:s9], [sflag:$0x6], $0x80, s14, s13, $0xb8;
	[tilespmem:$0x1CE00] =	vst v63  }
0xc5: {  	_ =	swait.ge [sflag:s28], $0x28  }
0xc6: {  	[sflag:s28] =	ssyncset.done $0x0  }
0xc7: {  	[sflag:s28] =	ssyncadd.s32 $0xFFFFFFD8  }
0xc8: {  	_ =	swait.ge [sflag:s29], $0x1400  }
0xc9: {  	[sflag:s29] =	ssyncset.done $0x0  }
0xca: {  	[sflag:s29] =	ssyncadd.s32 $0xFFFFEC00  }
0xcb: {  	[spmem:s3] =	stream.indirect.scatter.add.f32 [tilespmem:s16], [sflag:$0x7], $0x80, s15, s13, $0xb8;
	[tilespmem:$0x1CE00] =	vst v63  }
0xcc: {  	_ =	swait.ge [sflag:s30], $0x28  }
0xcd: {  	[sflag:s30] =	ssyncset.done $0x0  }
0xce: {  	[sflag:s30] =	ssyncadd.s32 $0xFFFFFFD8  }
0xcf: {  	_ =	swait.ge [sflag:s8], $0x1400  }
0xd0: {  	[sflag:s8] =	ssyncset.done $0x0  }
0xd1: {  	[sflag:s8] =	ssyncadd.s32 $0xFFFFEC00  }
0xd2: {  	[spmem:s3] =	stream.indirect.scatter.add.f32 [tilespmem:s6], [sflag:$0x8], $0x80, s17, s13, $0xb8;
	[tilespmem:$0x1CE00] =	vst v63  }
0xd3: {  	_ =	swait.ge [sflag:s31], $0x28  }
0xd4: {  	[sflag:s31] =	ssyncset.done $0x0  }
0xd5: {  	[sflag:s31] =	ssyncadd.s32 $0xFFFFFFD8  }
0xd6: {  	_ =	swait.ge [sflag:s0], $0x1400  }
0xd7: {  	[sflag:s0] =	ssyncset.done $0x0  }
0xd8: {  	[sflag:s0] =	ssyncadd.s32 $0xFFFFEC00  }
0xd9: {  	[spmem:s3] =	stream.indirect.scatter.add.f32 [tilespmem:s24], [sflag:$0x9], $0x80, s23, s13, $0xb8;
	[tilespmem:$0x1CE00] =	vst v63  }
0xda: {  	_ =	swait.ge [sflag:s2], $0x28  }
0xdb: {  	[sflag:s2] =	ssyncset.done $0x0  }
0xdc: {  	[sflag:s2] =	ssyncadd.s32 $0xFFFFFFD8  }
0xdd: {  	_ =	swait.ge [sflag:s7], $0x1400  }
0xde: {  	p0 =	seq.s32 s21, $0x4C9;
	[sflag:s7] =	ssyncset.done $0x0  }
.Ltmp3:
0xdf: {  	[sflag:s7] =	ssyncadd.s32 $0xFFFFEC00;
	(pc) =	sbr.rel @p0 .LBB2_6-.Ltmp3, $4  }
0xe0: {  	[spmem:s3] =	stream.indirect.scatter.add.f32 [tilespmem:s25], [sflag:$0xA], $0x80, s12, s13, $0xb8;
	[tilespmem:$0x1CE00] =	vst v63  }
0xe1: {  	_ =	swait.ge [sflag:s10], $0x1400  }
0xe2: {  	s11 =	simm.s32 $0x16A00;
	[sflag:s10] =	ssyncset.done $0x0  }
0xe3: {  	s9 =	simm.s32 $0x1BA00;
	s25 =	simm.s32 $0x16980;
	[sflag:s10] =	ssyncadd.s32 $0xFFFFEC00  }
0xe4: {  	s12 =	rddreg [dreg:$0x15]  }
0xe5: {  	s12 =	sadd.s32 s21, s12  }
0xe6: {  	[tilespmem:s14], [sflag:$0xB] =	stream.linear.gather [hbm4b:s12+s4], $0x28, $0x38;
	[tilespmem:$0x1CE00] =	vst v63  }
0xe7: {  	s12 =	sadd.s32 $0xFFFFFF60, s22  }
0xe8: {  	[tilespmem:s11], [sflag:$0x1] =	stream.indirect.gather [hbm4b:s1+s13], $0x80, s12, s13, $0xb8;
	[tilespmem:$0x1CE00] =	vst v63  }
0xe9: {  	_ =	swait.ge [sflag:s5], $0x1400  }
0xea: {  	[sflag:s5] =	ssyncset.done $0x0;
	s11 =	rddreg [dreg:$0x14]  }
0xeb: {  	[sflag:s5] =	ssyncadd.s32 $0xFFFFEC00;
	s12 =	sadd.s32 s21, s11  }
0xec: {  	[tilespmem:s15], [sflag:$0xC] =	stream.linear.gather [hbm4b:s12+s4], $0x28, $0x38;
	[tilespmem:$0x1CE00] =	vst v63  }
0xed: {  	s11 =	sadd.s32 $0xFFFFFF88, s22  }
0xee: {  	[tilespmem:s16], [sflag:$0x2] =	stream.indirect.gather [hbm4b:s1+s13], $0x80, s11, s13, $0xb8;
	[tilespmem:$0x1CE00] =	vst v63  }
0xef: {  	_ =	swait.ge [sflag:s18], $0x1400  }
0xf0: {  	[sflag:s18] =	ssyncset.done $0x0;
	s11 =	rddreg [dreg:$0x12]  }
0xf1: {  	[sflag:s18] =	ssyncadd.s32 $0xFFFFEC00;
	s12 =	sadd.s32 s21, s11  }
0xf2: {  	[tilespmem:s17], [sflag:$0xD] =	stream.linear.gather [hbm4b:s12+s4], $0x28, $0x38;
	[tilespmem:$0x1CE00] =	vst v63  }
0xf3: {  	s11 =	sadd.s32 $0xFFFFFFB0, s22  }
0xf4: {  	[tilespmem:s6], [sflag:$0x3] =	stream.indirect.gather [hbm4b:s1+s13], $0x80, s11, s13, $0xb8;
	[tilespmem:$0x1CE00] =	vst v63  }
0xf5: {  	_ =	swait.ge [sflag:s19], $0x1400  }
0xf6: {  	[sflag:s19] =	ssyncset.done $0x0;
	s11 =	rddreg [dreg:$0x13]  }
0xf7: {  	[sflag:s19] =	ssyncadd.s32 $0xFFFFEC00;
	s12 =	sadd.s32 s21, s11  }
0xf8: {  	[tilespmem:s23], [sflag:$0xE] =	stream.linear.gather [hbm4b:s12+s4], $0x28, $0x38;
	[tilespmem:$0x1CE00] =	vst v63  }
0xf9: {  	s11 =	sadd.s32 $0xFFFFFFD8, s22  }
0xfa: {  	[tilespmem:s24], [sflag:$0x4] =	stream.indirect.gather [hbm4b:s1+s13], $0x80, s11, s13, $0xb8;
	[tilespmem:$0x1CE00] =	vst v63  }
0xfb: {  	_ =	swait.ge [sflag:s20], $0x1400  }
0xfc: {  	[sflag:s20] =	ssyncset.done $0x0;
	s11 =	rddreg [dreg:$0x11]  }
.Ltmp4:
0xfd: {  	[sflag:s20] =	ssyncadd.s32 $0xFFFFEC00;
	s12 =	sadd.s32 s21, s11;
	(pc) =	sbr.rel .LBB2_4-.Ltmp4, $4  }
0xfe: {  	[tilespmem:s25], [sflag:$0xF] =	stream.linear.gather [hbm4b:s12+s4], $0x28, $0x38;
	[tilespmem:$0x1CE00] =	vst v63  }
0xff: {  	s21 =	sadd.s32 $0x19, s21;
	s12 =	simm.s32 $0x16980  }
0x100: {  	[tilespmem:s9], [sflag:$0x5] =	stream.indirect.gather [hbm4b:s1+s13], $0x80, s22, s13, $0xb8;
	[tilespmem:$0x1CE00] =	vst v63  }
0x101: {  	s25 =	simm.s32 $0x1BA00;
	s22 =	sadd.s32 $0xC8, s22;
	s9 =	simm.s32 $0x16A00  }
.LBB2_7:
0x102: {  	_ =	sfence.sel $0x180000  }
0x103: {  	[bflag:$0x0] =	sbarrier.arrive $0xFFFF  }
0x104: {  	_ =	strace $0x9000004A  }
0x105: {  	s0 =	stileid.u32;
	[bflag:$0x2] =	sbarrier.arrive $0xFFFF  }
0x106: {  	p0 =	sne.s32 s0, $0x0;
	s0 =	rddreg [dreg:$0x3]  }
0x107: {  	s0 =	sadd.s32 @!p0 $0x100000, s0  }
0x108: {  	[sflag:s0] =	ssyncadd.tile.s32 @!p0 $0x1;
	_ =	shalt  }
.Lfunc_end2:
_tile_overlayer_lowered:
.L_overlay_start_2:
0x109: {  	(tag) =	ssettag $0x2  }
0x10a: {  	s0 =	rddreg [dreg:$0x0];
	s2 =	stileid.u32  }
0x10b: {  	s1 =	rddreg [dreg:$0x1];
	p0 =	sne.s32 s2, $0x0  }
0x10c: {  	s3 =	rddreg [dreg:$0x2];
	[bflag:$0x3] =	sbarrier.arrive $0xFFFF;
	s2 =	simm.s32 @!p0 $0x1C10  }
0x10d: {  	[timem:s3], [sflag:s2] =	dma.local @!p0 [hbm:s0], s1  }
0x10e: {  	s0 =	simm.s32 @!p0 $0x10  }
0x10f: {  	_ =	swait.ge @!p0 [sflag:s0], s1  }
0x110: {  	s1 =	ssub.s32 @!p0 $0x0, s1;
	[sflag:s0] =	ssyncset.done @!p0 $0x0  }
0x111: {  	[sflag:s0] =	ssyncadd.s32 @!p0 s1  }
0x112: {  	[bflag:$0x3] =	sbarrier.arrive $0xFFFF  }
0x113: {  	_ =	shalt  }

// kernel: kernel.14.cloned.1.call-start
scs
__scs_entry_jumppad:
0x0: {  	(pc) =	sbr.rel $0x88, $3  }
0x1: {  	(tag) =	ssettag $0x0;
	lr =	simm.s32 $0x1  }
0x2: {  	[smem:$0x3F9B] =	sst lr;
	_ =	strace $0xD0000000  }
0x3: {  	_ = 	snop  }
0x4: {  	_ = 	snop  }
0x5: {  	_ = 	snop  }
0x6: {  	_ = 	snop  }
0x7: {  	_ = 	snop  }
__scs_overlays_trampoline_lowered:
0x8: {  	[smem:$0x3FAA] =	sst s0  }
0x9: {  	[smem:$0x3FAB] =	sst s1  }
0xa: {  	[smem:$0x3FAC] =	sst s2  }
0xb: {  	[smem:$0x3FAD] =	sst s3  }
0xc: {  	[smem:$0x3FAE] =	sst s4  }
0xd: {  	[smem:$0x3FAF] =	sst s5  }
0xe: {  	[smem:$0x3FB0] =	sst s6  }
0xf: {  	[smem:$0x3FB1] =	sst s7  }
0x10: {  	[smem:$0x3FB2] =	sst s8  }
0x11: {  	[smem:$0x3FB3] =	sst s9;
	s0 =	simm.s32 @!p0 $0x0  }
0x12: {  	s1 =	sld [smem:$0x3F99];
	s0 =	simm.s32 @p0 $0x1  }
0x13: {  	[smem:$0x3FB4] =	sst s0;
	s0 =	simm.s32 @!p1 $0x0  }
0x14: {  	s2 =	sld [smem:$0x3F98];
	s0 =	simm.s32 @p1 $0x1  }
0x15: {  	[smem:$0x3FB5] =	sst s0;
	s0 =	simm.s32 @!p2 $0x0  }
0x16: {  	s3 =	sld [smem:$0x3FDB];
	s0 =	simm.s32 @p2 $0x1  }
0x17: {  	s4 =	simm.s32 $0x1BF5;
	[smem:$0x3FB7] =	sst s0  }
0x18: {  	s0 =	sld [smem:$0x3F9A];
	_ =	swait.ge [sflag:s4], $0x0  }
0x19: {  	s7 =	sld [smem:$0x3F9B]  }
0x1a: {  	s8 =	sadd.s32 $0xFFFFE003, lr  }
0x1b: {  	s9 =	sadd.s32 $0xFFFFFEF7, lr;
	s5 =	simm.s32 $0xFFFFFFFF;
	p2 =	slt.u32 s8, $0xFFFFF086  }
0x1c: {  	p1 =	slt.u32 s9, $0xF7A;
	s5 =	simm.s32 @!p2 $0x0  }
0x1d: {  	s5 =	simm.s32 @p1 $0x1;
	p0 =	seq.s32 s7, s2  }
0x1e: {  	s7 =	smul.u32 @!p0 $0xF7A, s2;
	p2 =	seq.s32 @!p0 s5, $0x0  }
0x1f: {  	s9 =	smul.u32 $0xF7A, s1;
	s8 =	simm.s32 @!p0 $0x1BF5;
	p2 =	por !p2, p0  }
0x20: {  	[sflag:s8] =	ssyncset.s32 @!p0 $0xFFFFF086;
	s6 =	sadd.s32 @!p0 s3, s7;
	s7 =	simm.s32 @!p0 $0x108  }
0x21: {  	s3 =	sadd.s32 s3, s9;
	s6 =	sadd.s32 @!p0 $0x88, s6;
	s7 =	simm.s32 @p2 $0x1082  }
0x22: {  	[simem:s7], [sflag:s8] =	dma.local @!p0 [hbm:s6], $0xF7A  }
0x23: {  	s9 =	sor.u32 $0xD0000000, s2;
	s6 =	simm.s32 $0x108;
	_ =	swait.ge @!p0 [sflag:s8], $0x0  }
0x24: {  	s3 =	sadd.s32 $0x88, s3;
	s6 =	simm.s32 @!p1 $0x1082;
	[sflag:s4] =	ssyncset.s32 $0xFFFFF086  }
0x25: {  	[simem:s6], [sflag:s4] =	dma.local [hbm:s3], $0xF7A  }
0x26: {  	[smem:$0x3F9B] =	sst s1;
	(tag) =	ssettag s2;
	_ =	strace s9  }
0x27: {  	s1 =	sld [smem:$0x3FAB]  }
0x28: {  	s2 =	sld [smem:$0x3FAC]  }
0x29: {  	s4 =	sld [smem:$0x3FAE]  }
0x2a: {  	p0 =	seq.s32 s5, $0x0;
	s5 =	sld [smem:$0x3FAF]  }
0x2b: {  	s6 =	sld [smem:$0x3FB0]  }
0x2c: {  	s7 =	sld [smem:$0x3FB1]  }
0x2d: {  	s3 =	simm.s32 $0x108;
	s8 =	sld [smem:$0x3FB2]  }
0x2e: {  	s3 =	simm.s32 @!p0 $0x1082;
	s9 =	sld [smem:$0x3FB3]  }
0x2f: {  	lr =	sadd.s32 s0, s3;
	s0 =	sld [smem:$0x3FAA]  }
0x30: {  	s3 =	sld [smem:$0x3FAD]  }
0x31: {  	[smem:$0x3FB6] =	sst s10  }
0x32: {  	s10 =	sld [smem:$0x3FB4];
	_ =	sdelay $0x3  }
0x33: {  	p0 =	seq.s32 s10, $0x1;
	s10 =	sld [smem:$0x3FB6];
	_ =	sdelay $0x3  }
0x34: {  	[smem:$0x3FB6] =	sst s10  }
0x35: {  	s10 =	sld [smem:$0x3FB5];
	_ =	sdelay $0x3  }
0x36: {  	p1 =	seq.s32 s10, $0x1;
	s10 =	sld [smem:$0x3FB6];
	_ =	sdelay $0x3  }
0x37: {  	[smem:$0x3FB6] =	sst s10  }
0x38: {  	s10 =	sld [smem:$0x3FB7]  }
0x39: {  	_ = 	snop;
	(pc) =	sbr.ind lr, $3  }
0x3a: {  	_ = 	snop  }
0x3b: {  	_ = 	snop  }
0x3c: {  	p2 =	seq.s32 s10, $0x1;
	s10 =	sld [smem:$0x3FB6]  }
0x3d: {  	_ =	shalt  }
0x3e: {  	_ =	shalt  }
0x3f: {  	_ =	shalt  }
0x40: {  	_ =	shalt  }
0x41: {  	_ =	shalt  }
0x42: {  	_ =	shalt  }
0x43: {  	_ =	shalt  }
0x44: {  	_ =	shalt  }
0x45: {  	_ =	shalt  }
0x46: {  	_ =	shalt  }
0x47: {  	_ =	shalt  }
0x48: {  	_ =	shalt  }
0x49: {  	_ =	shalt  }
0x4a: {  	_ =	shalt  }
0x4b: {  	_ =	shalt  }
0x4c: {  	_ =	shalt  }
0x4d: {  	_ =	shalt  }
0x4e: {  	_ =	shalt  }
0x4f: {  	_ =	shalt  }
0x50: {  	_ =	shalt  }
0x51: {  	_ =	shalt  }
0x52: {  	_ =	shalt  }
0x53: {  	_ =	shalt  }
0x54: {  	_ =	shalt  }
0x55: {  	_ =	shalt  }
0x56: {  	_ =	shalt  }
0x57: {  	_ =	shalt  }
0x58: {  	_ =	shalt  }
0x59: {  	_ =	shalt  }
0x5a: {  	_ =	shalt  }
0x5b: {  	_ =	shalt  }
0x5c: {  	_ =	shalt  }
0x5d: {  	_ =	shalt  }
0x5e: {  	_ =	shalt  }
0x5f: {  	_ =	shalt  }
0x60: {  	_ =	shalt  }
0x61: {  	_ =	shalt  }
0x62: {  	_ =	shalt  }
0x63: {  	_ =	shalt  }
0x64: {  	_ =	shalt  }
0x65: {  	_ =	shalt  }
0x66: {  	_ =	shalt  }
0x67: {  	_ =	shalt  }
0x68: {  	_ =	shalt  }
0x69: {  	_ =	shalt  }
0x6a: {  	_ =	shalt  }
0x6b: {  	_ =	shalt  }
0x6c: {  	_ =	shalt  }
0x6d: {  	_ =	shalt  }
0x6e: {  	_ =	shalt  }
0x6f: {  	_ =	shalt  }
0x70: {  	_ =	shalt  }
0x71: {  	_ =	shalt  }
0x72: {  	_ =	shalt  }
0x73: {  	_ =	shalt  }
0x74: {  	_ =	shalt  }
0x75: {  	_ =	shalt  }
0x76: {  	_ =	shalt  }
0x77: {  	_ =	shalt  }
0x78: {  	_ =	shalt  }
0x79: {  	_ =	shalt  }
0x7a: {  	_ =	shalt  }
0x7b: {  	_ =	shalt  }
0x7c: {  	_ =	shalt  }
0x7d: {  	_ =	shalt  }
0x7e: {  	_ =	shalt  }
0x7f: {  	_ =	shalt  }
0x80: {  	_ =	shalt  }
0x81: {  	_ =	shalt  }
0x82: {  	_ =	shalt  }
0x83: {  	_ =	shalt  }
0x84: {  	_ =	shalt  }
0x85: {  	_ =	shalt  }
0x86: {  	_ =	shalt  }
0x87: {  	_ =	shalt  }
.Lfunc_end0:
.L_simem_size_0:
called_computation.2_lowered:
.L_overlay_start_0:
0x88: {  	s2 =	sld [smem:$0x3FD9]  }
0x89: {  	s3 =	sld [smem:$0x3FFE];
	_ =	sdelay $0x1  }
0x8a: {  	s1 =	srdreg.scid  }
0x8b: {  	s0 =	sand.u32 $0x1, s1  }
0x8c: {  	s17 =	sshll.u32 s0, $0xA;
	s2 =	sadd.s32 s3, s2  }
0x8d: {  	s2 =	sadd.s32 s2, s17  }
0x8e: {  	[smem:$0x3FC2] =	sst s2  }
0x8f: {  	_ = 	snop  }
0x90: {  	s2 =	sld [smem:$0x3FD0];
	(tm) =	ssettm $0x1  }
0x91: {  	s18 =	sld [smem:$0x3FFB];
	_ =	sdelay $0x3  }
0x92: {  	_ =	strace s18  }
0x93: {  	s3 =	sld [smem:$0x3FFC];
	_ =	sdelay $0x3  }
0x94: {  	_ =	strace s3  }
0x95: {  	s3 =	sld [smem:$0x3FFD];
	_ =	sdelay $0x3  }
0x96: {  	_ =	strace s3  }
0x97: {  	_ =	strace $0x8FFFFFFF  }
0x98: {  	s19 =	sld [smem:$0x3FDB];
	_ =	sdelay $0x1  }
0x99: {  	s4 =	simm.s32 $_scs_section_size  }
0x9a: {  	s5 =	simm.s32 $_size__tile_overlayer_lowered;
	s6 =	simm.s32 $_tile_overlayer_lowered  }
0x9b: {  	s22 =	simm.s32 $0x1BFF;
	s21 =	sshll.u32 s6, $0x1;
	s3 =	sadd.s32 s4, s19  }
0x9c: {  	s7 =	simm.s32 $0x0;
	s20 =	sshll.u32 s5, $0x1;
	s5 =	sadd.s32 s21, s3  }
0x9d: {  	[timem:s7], [sflag:s22] =	dma.local [hbm:s5], s20  }
0x9e: {  	_ =	swait.ge [sflag:s22], s20  }
0x9f: {  	s4 =	ssub.s32 $0x0, s20;
	[sflag:s22] =	ssyncset.done $0x0  }
0xa0: {  	[sflag:s22] =	ssyncadd.s32 s4;
	_ =	sdelay $0x1  }
0xa1: {  	s23 =	simm.s32 $0x1B8B  }
0xa2: {  	_ =	swait.ge [sflag:s23], $0x1  }
0xa3: {  	[sflag:s23] =	ssyncset.done $0x0  }
0xa4: {  	s25 =	simm.s32 $0x1B8E;
	s24 =	sld [smem:$0x3FFE];
	[sflag:s23] =	ssyncadd.s32 $0xFFFFFFFF  }
0xa5: {  	s26 =	simm.s32 $execute0_lowered;
	[smem:$0x3FD2] =	sst s25  }
0xa6: {  	s5 =	sshll.u32 s26, $0x1;
	_ =	strace $0x8000004C;
	[dreg:$0x1] =	wrdreg $0xFFFFFFFF  }
0xa7: {  	s28 =	simm.s32 $_size_execute0_lowered;
	s3 =	sadd.s32 s3, s5;
	[dreg:$0x0] =	wrdreg $0x0  }
0xa8: {  	s5 =	sshll.u32 s28, $0x1;
	[dreg:$0x2] =	wrdreg s3  }
0xa9: {  	[dreg:$0x3] =	wrdreg s5  }
0xaa: {  	[dreg:$0x4] =	wrdreg $0xC0  }
0xab: {  	_ =	task [dreg:s7], $0x5FFFF  }
0xac: {  	[dreg:$0x1] =	wrdreg $0xFFFFFFFF  }
0xad: {  	[dreg:$0x0] =	wrdreg $0x60  }
0xae: {  	[dreg:$0x2] =	wrdreg s2  }
0xaf: {  	[dreg:$0x3] =	wrdreg s24  }
0xb0: {  	[dreg:$0x4] =	wrdreg $0x0  }
0xb1: {  	[dreg:$0x5] =	wrdreg $0x9  }
0xb2: {  	_ =	task.clear_ibuf [dreg:s7], $0x6FFFF;
	_ =	strace $0x9000004C  }
0xb3: {  	s29 =	simm.s32 $0x9;
	_ =	strace $0x8000004E  }
0xb4: {  	_ =	swait.ge [sflag:s29], $0x1  }
0xb5: {  	[sflag:s29] =	ssyncadd.s32 $0xFFFFFFFF  }
0xb6: {  	_ =	strace $0x9000004E  }
0xb7: {  	_ =	sfence  }
0xb8: {  	s30 =	sld [smem:$0x0];
	_ =	sdelay $0x2  }
0xb9: {  	s31 =	sshll.u32 s1, $0xD;
	s1 =	sshrl.u32 s1, $0x2  }
0xba: {  	s3 =	sand.u32 $0x4000, s31;
	s1 =	sadd.s32 s1, s30  }
0xbb: {  	s0 =	sor.u32 s3, s0;
	s1 =	sshll.u32 s1, $0x11  }
0xbc: {  	s0 =	sor.u32 s1, s0  }
0xbd: {  	s0 =	sadd.s32 $0x8F2B, s0  }
0xbe: {  	[sflag:s0] =	ssyncadd.remote.s32 $0x1  }
0xbf: {  	_ =	sfence.sel $0xFFFF  }
0xc0: {  	[dreg:$0x0] =	wrdreg $0xFFFFFFFF;
	(pc) =	sbr.abs _section_cstart, $3  }
0xc1: {  	[dreg:$0x1] =	wrdreg $0xFFFFFFFF  }
0xc2: {  	_ =	task.clear_ibuf [dreg:s7], $0x2FFFF;
	_ =	strace $0x9FFFFFFF  }
0xc3: {  	(tm) =	ssettm $0x7FFFFFFF  }
tec
execute0_lowered:
.L_overlay_start_1:
0x0: {  	(tag) =	ssettag $0x1  }
0x1: {  	s1 =	rddreg [dreg:$0x0]  }
0x2: {  	s0 =	rddreg [dreg:$0x1]  }
0x3: {  	s3 =	rddreg [dreg:$0x2]  }
0x4: {  	s4 =	simm.s32 $0x0;
	s2 =	srdreg.scid;
	s10 =	stileid.u32  }
0x5: {  	s28 =	simm.s32 $0xC;
	s29 =	simm.s32 $0x2;
	s5 =	smul.u32 $0x2800, s10  }
0x6: {  	s30 =	simm.s32 $0xD;
	s31 =	simm.s32 $0xE;
	s9 =	smul.u32 $0x50000, s10  }
0x7: {  	[smem:$0x7FF] =	sst s4;
	s2 =	sand.u32 $0x1, s2;
	s19 =	smul.u32 $0x2710, s10  }
0x8: {  	s8 =	sadd.s32 $0x2600, s0;
	_ =	strace $0x8000004D;
	s6 =	smul.u32 $0x28000, s2  }
0x9: {  	s7 =	sshll.u32 s2, $0x4;
	s26 =	ssub.s32 $0x2, s2;
	s2 =	smul.u32 $0x27100, s2  }
0xa: {  	s7 =	sor.u32 s10, s7;
	s11 =	sshrl.u32 s26, $0x1;
	s9 =	sshrl.u32 s9, $0x2  }
0xb: {  	s5 =	sadd.s32 s5, s6;
	s7 =	smul.u32 $0x2710, s7;
	s2 =	sadd.s32 s19, s2  }
0xc: {  	s0 =	sadd.s32 s5, s0;
	s5 =	ssub.s32 s26, s11;
	s11 =	sadd.s32 s9, s3  }
0xd: {  	s25 =	sadd.s32 $0x4E368, s2;
	s13 =	sadd.s32 $0x1400, s11;
	[dreg:$0x4] =	wrdreg s11  }
0xe: {  	s26 =	sadd.s32 $0x4E318, s2;
	s14 =	sadd.s32 $0x2800, s11;
	[dreg:$0x6] =	wrdreg s13  }
0xf: {  	s12 =	sshrl.u32 s7, $0x3;
	s15 =	sadd.s32 $0x3C00, s11;
	[dreg:$0x7] =	wrdreg s14  }
0x10: {  	s16 =	sadd.s32 $0x5000, s11;
	s17 =	sadd.s32 $0x6400, s11;
	[dreg:$0x8] =	wrdreg s15  }
0x11: {  	s18 =	sadd.s32 $0x7800, s11;
	s9 =	sadd.s32 $0x8C00, s11;
	[dreg:$0x9] =	wrdreg s16  }
0x12: {  	s20 =	sadd.s32 $0xA000, s11;
	s21 =	sadd.s32 $0x4E228, s7;
	[dreg:$0xa] =	wrdreg s17  }
0x13: {  	s22 =	sadd.s32 $0xB400, s11;
	s24 =	sadd.s32 $0x4E278, s7;
	[dreg:$0xb] =	wrdreg s18  }
0x14: {  	s7 =	sshrl.u32 s25, $0x3;
	s0 =	sadd.s32 $0x16000, s0;
	[dreg:$0xc] =	wrdreg s9  }
0x15: {  	s19 =	sadd.s32 $0xDC00, s11;
	s12 =	sadd.s32 s8, s12;
	[dreg:$0xd] =	wrdreg s20  }
0x16: {  	[dreg:$0xe] =	wrdreg s22;
	s9 =	sshrl.u32 s21, $0x3;
	s6 =	sshrl.u32 s24, $0x3  }
0x17: {  	s10 =	sadd.s32 s7, s8;
	s13 =	sshrl.u32 s26, $0x3;
	s14 =	sadd.s32 $0x4E340, s2  }
0x18: {  	s15 =	sadd.s32 $0x4E2F0, s2;
	s2 =	sadd.s32 $0x4E2C8, s2;
	[dreg:$0x17] =	wrdreg s0  }
0x19: {  	s17 =	sadd.s32 $0xC800, s11;
	s18 =	smax.u32 s5, $0x1;
	[dreg:$0x19] =	wrdreg s19  }
0x1a: {  	s20 =	sadd.s32 $0xF000, s11;
	s21 =	sadd.s32 $0x10400, s11;
	[dreg:$0x11] =	wrdreg s10  }
0x1b: {  	s22 =	sadd.s32 $0x11800, s11;
	s0 =	simm.s32 $0x4;
	[dreg:$0x16] =	wrdreg s17  }
0x1c: {  	s5 =	simm.s32 $0x7;
	s19 =	simm.s32 $0x9;
	[dreg:$0x18] =	wrdreg s18  }
0x1d: {  	s23 =	sadd.s32 s8, s9;
	s6 =	sadd.s32 s8, s6;
	[dreg:$0x1a] =	wrdreg s20  }
0x1e: {  	s7 =	sshrl.u32 s15, $0x3;
	s2 =	sshrl.u32 s2, $0x3;
	[dreg:$0x1b] =	wrdreg s21  }
0x1f: {  	[dreg:$0x1c] =	wrdreg s22;
	s24 =	sadd.s32 $0x9C40, s12;
	s25 =	sadd.s32 $0x9C4A, s12  }
0x20: {  	[dreg:$0x5] =	wrdreg s12;
	s26 =	sadd.s32 $0x9C54, s12;
	s9 =	simm.s32 $0x16A00  }
0x21: {  	s10 =	simm.s32 $0x6;
	s18 =	simm.s32 $0x8;
	[dreg:$0xf] =	wrdreg s23  }
0x22: {  	s20 =	simm.s32 $0xA;
	s15 =	simm.s32 $0x16800;
	[dreg:$0x10] =	wrdreg s6  }
0x23: {  	s17 =	simm.s32 $0x16880;
	s6 =	sadd.s32 s13, s8;
	[dreg:$0x1e] =	wrdreg s24  }
0x24: {  	s16 =	sadd.s32 s7, s8;
	s2 =	sadd.s32 s2, s8;
	[dreg:$0x1f] =	wrdreg s25  }
0x25: {  	s23 =	sadd.s32 $0x12C00, s11;
	[smem:$0x7FD] =	sst s26;
	s13 =	simm.s32 $0x28  }
0x26: {  	s25 =	simm.s32 $0x1BA00;
	s26 =	simm.s32 $0xB;
	[dreg:$0x12] =	wrdreg s6  }
.Ltmp0:
0x27: {  	s7 =	simm.s32 $0x5;
	[dreg:$0x14] =	wrdreg s16;
	(pc) =	sbr.rel .LBB2_1-.Ltmp0, $4  }
0x28: {  	s11 =	simm.s32 $0x0;
	s24 =	simm.s32 $0x1A600;
	[dreg:$0x15] =	wrdreg s2  }
0x29: {  	s6 =	sshrl.u32 s14, $0x3;
	[dreg:$0x1d] =	wrdreg s23;
	s2 =	simm.s32 $0xF  }
0x2a: {  	s14 =	simm.s32 $0x16780;
	s16 =	simm.s32 $0x17E00;
	s6 =	sadd.s32 s6, s8  }
0x2b: {  	v0 =	vimm.f32 $0.0e+00;
	s23 =	simm.s32 $0x16900;
	s8 =	simm.s32 $0x3;
	[dreg:$0x13] =	wrdreg s6  }
.LBB2_6:
0x2c: {  	_ =	swait.ge [sflag:s5], $0x1400  }
0x2d: {  	[sflag:s5] =	ssyncset.done $0x0  }
0x2e: {  	[sflag:s5] =	ssyncadd.s32 $0xFFFFEC00  }
0x2f: {  	_ =	swait.ge [sflag:s18], $0x1400  }
0x30: {  	[sflag:s18] =	ssyncset.done $0x0  }
0x31: {  	[sflag:s18] =	ssyncadd.s32 $0xFFFFEC00  }
0x32: {  	_ =	swait.ge [sflag:s19], $0x1400  }
0x33: {  	[sflag:s19] =	ssyncset.done $0x0  }
0x34: {  	[sflag:s19] =	ssyncadd.s32 $0xFFFFEC00  }
0x35: {  	_ =	swait.ge [sflag:s20], $0x1400  }
0x36: {  	[sflag:s20] =	ssyncset.done $0x0  }
0x37: {  	[sflag:s20] =	ssyncadd.s32 $0xFFFFEC00  }
0x38: {  	s12 =	stileid.u32;
	[bflag:$0x0] =	sbarrier.arrive $0xFFFF  }
0x39: {  	s6 =	simm.s32 $0x10;
	s12 =	sshll.u32 s12, $0x6;
	s21 =	rddreg [dreg:$0x4]  }
0x3a: {  	s12 =	sor.u32 $0x1C10, s12;
	s22 =	rddreg [dreg:$0x17];
	s21 =	sshrl.u32 s21, $0x3  }
0x3b: {  	[hbm:s22], [sflag:s12] =	dma.local [spmem:s21], $0x2800  }
0x3c: {  	_ =	swait.ge [sflag:s6], $0x2800  }
0x3d: {  	s11 =	sld [smem:$0x7FC];
	_ =	sdelay $0x2  }
0x3e: {  	s25 =	rddreg [dreg:$0x18];
	s11 =	sadd.s32 $0x1, s11  }
0x3f: {  	p0 =	sne.s32 s11, s25  }
.Ltmp1:
0x40: {  	_ = 	snop;
	(pc) =	sbr.rel @!p0 .LBB2_7-.Ltmp1, $3  }
0x41: {  	_ =	sdelay $0x1  }
0x42: {  	[sflag:s6] =	ssyncset.done $0x0  }
0x43: {  	s9 =	simm.s32 $0x16A00;
	[sflag:s6] =	ssyncadd.s32 $0xFFFFD800;
	s25 =	simm.s32 $0x1BA00  }
.LBB2_1:
0x44: {  	s12 =	rddreg [dreg:$0x5];
	s21 =	simm.s32 $0x14000  }
0x45: {  	[tilespmem:s21], [sflag:$0x1] =	stream.linear.gather [hbm4b:s12+s4], $0x2710, $0x38;
	[tilespmem:$0x1CE00] =	vst v63  }
0x46: {  	[smem:$0x7FC] =	sst s11;
	s22 =	simm.s32 $0x3C0;
	s21 =	simm.s32 $0x70  }
.LBB2_2:
0x47: {  	p0 =	sne.s32 s22, $0x4FC0;
	[tilespmem:s21+$0x16A00] =	vst v0  }
0x48: {  	[tilespmem:s21+$0x16990] =	vst v0  }
0x49: {  	[tilespmem:s21+$0x169A0] =	vst v0  }
.Ltmp2:
0x4a: {  	[tilespmem:s21+$0x169B0] =	vst v0;
	(pc) =	sbr.rel @p0 .LBB2_2-.Ltmp2, $4  }
0x4b: {  	[tilespmem:s21+$0x169C0] =	vst v0  }
0x4c: {  	[tilespmem:s21+$0x169D0] =	vst v0  }
0x4d: {  	[tilespmem:s21+$0x169E0] =	vst v0  }
0x4e: {  	[tilespmem:s21+$0x169F0] =	vst v0;
	s21 =	sshra.s32 s22, $0x2;
	s22 =	sadd.s32 $0x200, s22  }
0x4f: {  	[tilespmem:s21+$0x16A00] =	vst v0  }
0x50: {  	[tilespmem:s21+$0x16990] =	vst v0  }
0x51: {  	[tilespmem:s21+$0x169A0] =	vst v0  }
0x52: {  	[tilespmem:s21+$0x169B0] =	vst v0  }
0x53: {  	[tilespmem:s21+$0x169C0] =	vst v0  }
0x54: {  	[tilespmem:s21+$0x169D0] =	vst v0  }
0x55: {  	[tilespmem:s21+$0x169E0] =	vst v0  }
0x56: {  	[tilespmem:s21+$0x169F0] =	vst v0;
	s12 =	rddreg [dreg:$0x4]  }
0x57: {  	[spmem:s12] =	stream.linear.scatter [tilespmem:s9], [sflag:$0x6], $0x1400, $0x38;
	[tilespmem:$0x1CE00] =	vst v63  }
0x58: {  	s11 =	rddreg [dreg:$0x6]  }
0x59: {  	[spmem:s11] =	stream.linear.scatter [tilespmem:s9], [sflag:$0x6], $0x1400, $0x38;
	[tilespmem:$0x1CE00] =	vst v63  }
0x5a: {  	s21 =	rddreg [dreg:$0x7]  }
0x5b: {  	[spmem:s21] =	stream.linear.scatter [tilespmem:s9], [sflag:$0x6], $0x1400, $0x38;
	[tilespmem:$0x1CE00] =	vst v63  }
0x5c: {  	s22 =	rddreg [dreg:$0x8]  }
0x5d: {  	[spmem:s22] =	stream.linear.scatter [tilespmem:s9], [sflag:$0x6], $0x1400, $0x38;
	[tilespmem:$0x1CE00] =	vst v63  }
0x5e: {  	s6 =	rddreg [dreg:$0x9]  }
0x5f: {  	[spmem:s6] =	stream.linear.scatter [tilespmem:s9], [sflag:$0x6], $0x1400, $0x38;
	[tilespmem:$0x1CE00] =	vst v63  }
0x60: {  	s11 =	rddreg [dreg:$0xa]  }
0x61: {  	[spmem:s11] =	stream.linear.scatter [tilespmem:s9], [sflag:$0x6], $0x1400, $0x38;
	[tilespmem:$0x1CE00] =	vst v63  }
0x62: {  	s21 =	rddreg [dreg:$0xb]  }
0x63: {  	[spmem:s21] =	stream.linear.scatter [tilespmem:s9], [sflag:$0x6], $0x1400, $0x38;
	[tilespmem:$0x1CE00] =	vst v63  }
0x64: {  	s22 =	rddreg [dreg:$0xc]  }
0x65: {  	[spmem:s22] =	stream.linear.scatter [tilespmem:s9], [sflag:$0x6], $0x1400, $0x38;
	[tilespmem:$0x1CE00] =	vst v63  }
0x66: {  	s6 =	rddreg [dreg:$0xd]  }
0x67: {  	[spmem:s6] =	stream.linear.scatter [tilespmem:s9], [sflag:$0x6], $0x1400, $0x38;
	[tilespmem:$0x1CE00] =	vst v63  }
0x68: {  	s11 =	rddreg [dreg:$0xe]  }
0x69: {  	[spmem:s11] =	stream.linear.scatter [tilespmem:s9], [sflag:$0x6], $0x1400, $0x38;
	[tilespmem:$0x1CE00] =	vst v63  }
0x6a: {  	s21 =	rddreg [dreg:$0x16]  }
0x6b: {  	[spmem:s21] =	stream.linear.scatter [tilespmem:s9], [sflag:$0x6], $0x1400, $0x38;
	[tilespmem:$0x1CE00] =	vst v63  }
0x6c: {  	s22 =	rddreg [dreg:$0x19]  }
0x6d: {  	[spmem:s22] =	stream.linear.scatter [tilespmem:s9], [sflag:$0x6], $0x1400, $0x38;
	[tilespmem:$0x1CE00] =	vst v63  }
0x6e: {  	s6 =	rddreg [dreg:$0x1a]  }
0x6f: {  	[spmem:s6] =	stream.linear.scatter [tilespmem:s9], [sflag:$0x6], $0x1400, $0x38;
	[tilespmem:$0x1CE00] =	vst v63  }
0x70: {  	s11 =	rddreg [dreg:$0x1b]  }
0x71: {  	[spmem:s11] =	stream.linear.scatter [tilespmem:s9], [sflag:$0x6], $0x1400, $0x38;
	[tilespmem:$0x1CE00] =	vst v63  }
0x72: {  	s21 =	rddreg [dreg:$0x1c]  }
0x73: {  	[spmem:s21] =	stream.linear.scatter [tilespmem:s9], [sflag:$0x6], $0x1400, $0x38;
	[tilespmem:$0x1CE00] =	vst v63  }
0x74: {  	s22 =	rddreg [dreg:$0x1d]  }
0x75: {  	[spmem:s22] =	stream.linear.scatter [tilespmem:s9], [sflag:$0x6], $0x1400, $0x38;
	[tilespmem:$0x1CE00] =	vst v63  }
0x76: {  	_ =	swait.ge [sflag:s10], $0x1400  }
0x77: {  	[sflag:s10] =	ssyncset.done $0x0  }
0x78: {  	[sflag:s10] =	ssyncadd.s32 $0xFFFFEC00  }
0x79: {  	_ =	swait.ge [sflag:s10], $0x1400  }
0x7a: {  	[sflag:s10] =	ssyncset.done $0x0  }
0x7b: {  	[sflag:s10] =	ssyncadd.s32 $0xFFFFEC00  }
0x7c: {  	_ =	swait.ge [sflag:s10], $0x1400  }
0x7d: {  	[sflag:s10] =	ssyncset.done $0x0  }
0x7e: {  	[sflag:s10] =	ssyncadd.s32 $0xFFFFEC00  }
0x7f: {  	_ =	swait.ge [sflag:s10], $0x1400  }
0x80: {  	[sflag:s10] =	ssyncset.done $0x0  }
0x81: {  	[sflag:s10] =	ssyncadd.s32 $0xFFFFEC00  }
0x82: {  	_ =	swait.ge [sflag:s10], $0x1400  }
0x83: {  	[sflag:s10] =	ssyncset.done $0x0  }
0x84: {  	[sflag:s10] =	ssyncadd.s32 $0xFFFFEC00  }
0x85: {  	_ =	swait.ge [sflag:s10], $0x1400  }
0x86: {  	[sflag:s10] =	ssyncset.done $0x0  }
0x87: {  	[sflag:s10] =	ssyncadd.s32 $0xFFFFEC00  }
0x88: {  	_ =	swait.ge [sflag:s10], $0x1400  }
0x89: {  	[sflag:s10] =	ssyncset.done $0x0  }
0x8a: {  	[sflag:s10] =	ssyncadd.s32 $0xFFFFEC00  }
0x8b: {  	_ =	swait.ge [sflag:s10], $0x1400  }
0x8c: {  	[sflag:s10] =	ssyncset.done $0x0  }
0x8d: {  	[sflag:s10] =	ssyncadd.s32 $0xFFFFEC00  }
0x8e: {  	_ =	swait.ge [sflag:s10], $0x1400  }
0x8f: {  	[sflag:s10] =	ssyncset.done $0x0  }
0x90: {  	[sflag:s10] =	ssyncadd.s32 $0xFFFFEC00  }
0x91: {  	_ =	swait.ge [sflag:s10], $0x1400  }
0x92: {  	[sflag:s10] =	ssyncset.done $0x0  }
0x93: {  	[sflag:s10] =	ssyncadd.s32 $0xFFFFEC00  }
0x94: {  	_ =	swait.ge [sflag:s10], $0x1400  }
0x95: {  	[sflag:s10] =	ssyncset.done $0x0  }
0x96: {  	[sflag:s10] =	ssyncadd.s32 $0xFFFFEC00  }
0x97: {  	_ =	swait.ge [sflag:s10], $0x1400  }
0x98: {  	[sflag:s10] =	ssyncset.done $0x0  }
0x99: {  	[sflag:s10] =	ssyncadd.s32 $0xFFFFEC00  }
0x9a: {  	_ =	swait.ge [sflag:s10], $0x1400  }
0x9b: {  	[sflag:s10] =	ssyncset.done $0x0  }
0x9c: {  	[sflag:s10] =	ssyncadd.s32 $0xFFFFEC00  }
0x9d: {  	_ =	swait.ge [sflag:s10], $0x1400  }
0x9e: {  	[sflag:s10] =	ssyncset.done $0x0  }
0x9f: {  	[sflag:s10] =	ssyncadd.s32 $0xFFFFEC00  }
0xa0: {  	_ =	swait.ge [sflag:s10], $0x1400  }
0xa1: {  	[sflag:s10] =	ssyncset.done $0x0  }
0xa2: {  	[sflag:s10] =	ssyncadd.s32 $0xFFFFEC00  }
0xa3: {  	_ =	swait.ge [sflag:s10], $0x1400  }
0xa4: {  	[sflag:s10] =	ssyncset.done $0x0  }
0xa5: {  	s6 =	simm.s32 $0x1;
	[sflag:s10] =	ssyncadd.s32 $0xFFFFEC00  }
0xa6: {  	_ =	swait.ge [sflag:s6], $0x2710  }
0xa7: {  	[sflag:s6] =	ssyncset.done $0x0  }
0xa8: {  	[sflag:s6] =	ssyncadd.s32 $0xFFFFD8F0  }
0xa9: {  	[bflag:$0x0] =	sbarrier.arrive $0xFFFF  }
0xaa: {  	s21 =	simm.s32 $0x0;
	s6 =	rddreg [dreg:$0x1e]  }
0xab: {  	[tilespmem:s14], [sflag:$0xB] =	stream.linear.gather [hbm4b:s6+s21], $0x28, $0x38;
	[tilespmem:$0x1CE00] =	vst v63  }
0xac: {  	s11 =	simm.s32 $0x14000  }
0xad: {  	[tilespmem:s9], [sflag:$0x1] =	stream.indirect.gather [hbm4b:s1+s13], $0x80, s11, s13, $0xb8;
	[tilespmem:$0x1CE00] =	vst v63  }
0xae: {  	s22 =	rddreg [dreg:$0xf]  }
0xaf: {  	[tilespmem:s15], [sflag:$0xC] =	stream.linear.gather [hbm4b:s22+s21], $0x28, $0x38;
	[tilespmem:$0x1CE00] =	vst v63  }
0xb0: {  	s6 =	simm.s32 $0x14028  }
0xb1: {  	[tilespmem:s16], [sflag:$0x2] =	stream.indirect.gather [hbm4b:s1+s13], $0x80, s6, s13, $0xb8;
	[tilespmem:$0x1CE00] =	vst v63  }
0xb2: {  	s11 =	rddreg [dreg:$0x1f]  }
0xb3: {  	[tilespmem:s17], [sflag:$0xD] =	stream.linear.gather [hbm4b:s11+s21], $0x28, $0x38;
	[tilespmem:$0x1CE00] =	vst v63  }
0xb4: {  	s22 =	simm.s32 $0x14050;
	s6 =	simm.s32 $0x19200  }
0xb5: {  	[tilespmem:s6], [sflag:$0x3] =	stream.indirect.gather [hbm4b:s1+s13], $0x80, s22, s13, $0xb8;
	[tilespmem:$0x1CE00] =	vst v63  }
0xb6: {  	s11 =	rddreg [dreg:$0x10]  }
0xb7: {  	[tilespmem:s23], [sflag:$0xE] =	stream.linear.gather [hbm4b:s11+s21], $0x28, $0x38;
	[tilespmem:$0x1CE00] =	vst v63  }
0xb8: {  	s22 =	simm.s32 $0x14078;
	s11 =	sld [smem:$0x7FD]  }
0xb9: {  	[tilespmem:s24], [sflag:$0x4] =	stream.indirect.gather [hbm4b:s1+s13], $0x80, s22, s13, $0xb8;
	[tilespmem:$0x1CE00] =	vst v63  }
0xba: {  	s22 =	simm.s32 $0x16980  }
0xbb: {  	[tilespmem:s22], [sflag:$0xF] =	stream.linear.gather [hbm4b:s11+s21], $0x28, $0x38;
	[tilespmem:$0x1CE00] =	vst v63  }
0xbc: {  	s12 =	simm.s32 $0x16980;
	s11 =	simm.s32 $0x140A0;
	s22 =	simm.s32 $0x14168  }
0xbd: {  	[tilespmem:s25], [sflag:$0x5] =	stream.indirect.gather [hbm4b:s1+s13], $0x80, s11, s13, $0xb8;
	[tilespmem:$0x1CE00] =	vst v63  }
.LBB2_4:
0xbe: {  	_ =	swait.ge [sflag:s26], $0x28  }
0xbf: {  	[sflag:s26] =	ssyncset.done $0x0  }
0xc0: {  	s11 =	simm.s32 $0x1;
	[sflag:s26] =	ssyncadd.s32 $0xFFFFFFD8  }
0xc1: {  	_ =	swait.ge [sflag:s11], $0x1400  }
0xc2: {  	[sflag:s11] =	ssyncset.done $0x0  }
0xc3: {  	[sflag:s11] =	ssyncadd.s32 $0xFFFFEC00  }
0xc4: {  	[spmem:s3] =	stream.indirect.scatter.add.f32 [tilespmem:s9], [sflag:$0x6], $0x80, s14, s13, $0xb8;
	[tilespmem:$0x1CE00] =	vst v63  }
0xc5: {  	_ =	swait.ge [sflag:s28], $0x28  }
0xc6: {  	[sflag:s28] =	ssyncset.done $0x0  }
0xc7: {  	[sflag:s28] =	ssyncadd.s32 $0xFFFFFFD8  }
0xc8: {  	_ =	swait.ge [sflag:s29], $0x1400  }
0xc9: {  	[sflag:s29] =	ssyncset.done $0x0  }
0xca: {  	[sflag:s29] =	ssyncadd.s32 $0xFFFFEC00  }
0xcb: {  	[spmem:s3] =	stream.indirect.scatter.add.f32 [tilespmem:s16], [sflag:$0x7], $0x80, s15, s13, $0xb8;
	[tilespmem:$0x1CE00] =	vst v63  }
0xcc: {  	_ =	swait.ge [sflag:s30], $0x28  }
0xcd: {  	[sflag:s30] =	ssyncset.done $0x0  }
0xce: {  	[sflag:s30] =	ssyncadd.s32 $0xFFFFFFD8  }
0xcf: {  	_ =	swait.ge [sflag:s8], $0x1400  }
0xd0: {  	[sflag:s8] =	ssyncset.done $0x0  }
0xd1: {  	[sflag:s8] =	ssyncadd.s32 $0xFFFFEC00  }
0xd2: {  	[spmem:s3] =	stream.indirect.scatter.add.f32 [tilespmem:s6], [sflag:$0x8], $0x80, s17, s13, $0xb8;
	[tilespmem:$0x1CE00] =	vst v63  }
0xd3: {  	_ =	swait.ge [sflag:s31], $0x28  }
0xd4: {  	[sflag:s31] =	ssyncset.done $0x0  }
0xd5: {  	[sflag:s31] =	ssyncadd.s32 $0xFFFFFFD8  }
0xd6: {  	_ =	swait.ge [sflag:s0], $0x1400  }
0xd7: {  	[sflag:s0] =	ssyncset.done $0x0  }
0xd8: {  	[sflag:s0] =	ssyncadd.s32 $0xFFFFEC00  }
0xd9: {  	[spmem:s3] =	stream.indirect.scatter.add.f32 [tilespmem:s24], [sflag:$0x9], $0x80, s23, s13, $0xb8;
	[tilespmem:$0x1CE00] =	vst v63  }
0xda: {  	_ =	swait.ge [sflag:s2], $0x28  }
0xdb: {  	[sflag:s2] =	ssyncset.done $0x0  }
0xdc: {  	[sflag:s2] =	ssyncadd.s32 $0xFFFFFFD8  }
0xdd: {  	_ =	swait.ge [sflag:s7], $0x1400  }
0xde: {  	p0 =	seq.s32 s21, $0x4C9;
	[sflag:s7] =	ssyncset.done $0x0  }
.Ltmp3:
0xdf: {  	[sflag:s7] =	ssyncadd.s32 $0xFFFFEC00;
	(pc) =	sbr.rel @p0 .LBB2_6-.Ltmp3, $4  }
0xe0: {  	[spmem:s3] =	stream.indirect.scatter.add.f32 [tilespmem:s25], [sflag:$0xA], $0x80, s12, s13, $0xb8;
	[tilespmem:$0x1CE00] =	vst v63  }
0xe1: {  	_ =	swait.ge [sflag:s10], $0x1400  }
0xe2: {  	s11 =	simm.s32 $0x16A00;
	[sflag:s10] =	ssyncset.done $0x0  }
0xe3: {  	s9 =	simm.s32 $0x1BA00;
	s25 =	simm.s32 $0x16980;
	[sflag:s10] =	ssyncadd.s32 $0xFFFFEC00  }
0xe4: {  	s12 =	rddreg [dreg:$0x15]  }
0xe5: {  	s12 =	sadd.s32 s21, s12  }
0xe6: {  	[tilespmem:s14], [sflag:$0xB] =	stream.linear.gather [hbm4b:s12+s4], $0x28, $0x38;
	[tilespmem:$0x1CE00] =	vst v63  }
0xe7: {  	s12 =	sadd.s32 $0xFFFFFF60, s22  }
0xe8: {  	[tilespmem:s11], [sflag:$0x1] =	stream.indirect.gather [hbm4b:s1+s13], $0x80, s12, s13, $0xb8;
	[tilespmem:$0x1CE00] =	vst v63  }
0xe9: {  	_ =	swait.ge [sflag:s5], $0x1400  }
0xea: {  	[sflag:s5] =	ssyncset.done $0x0;
	s11 =	rddreg [dreg:$0x14]  }
0xeb: {  	[sflag:s5] =	ssyncadd.s32 $0xFFFFEC00;
	s12 =	sadd.s32 s21, s11  }
0xec: {  	[tilespmem:s15], [sflag:$0xC] =	stream.linear.gather [hbm4b:s12+s4], $0x28, $0x38;
	[tilespmem:$0x1CE00] =	vst v63  }
0xed: {  	s11 =	sadd.s32 $0xFFFFFF88, s22  }
0xee: {  	[tilespmem:s16], [sflag:$0x2] =	stream.indirect.gather [hbm4b:s1+s13], $0x80, s11, s13, $0xb8;
	[tilespmem:$0x1CE00] =	vst v63  }
0xef: {  	_ =	swait.ge [sflag:s18], $0x1400  }
0xf0: {  	[sflag:s18] =	ssyncset.done $0x0;
	s11 =	rddreg [dreg:$0x12]  }
0xf1: {  	[sflag:s18] =	ssyncadd.s32 $0xFFFFEC00;
	s12 =	sadd.s32 s21, s11  }
0xf2: {  	[tilespmem:s17], [sflag:$0xD] =	stream.linear.gather [hbm4b:s12+s4], $0x28, $0x38;
	[tilespmem:$0x1CE00] =	vst v63  }
0xf3: {  	s11 =	sadd.s32 $0xFFFFFFB0, s22  }
0xf4: {  	[tilespmem:s6], [sflag:$0x3] =	stream.indirect.gather [hbm4b:s1+s13], $0x80, s11, s13, $0xb8;
	[tilespmem:$0x1CE00] =	vst v63  }
0xf5: {  	_ =	swait.ge [sflag:s19], $0x1400  }
0xf6: {  	[sflag:s19] =	ssyncset.done $0x0;
	s11 =	rddreg [dreg:$0x13]  }
0xf7: {  	[sflag:s19] =	ssyncadd.s32 $0xFFFFEC00;
	s12 =	sadd.s32 s21, s11  }
0xf8: {  	[tilespmem:s23], [sflag:$0xE] =	stream.linear.gather [hbm4b:s12+s4], $0x28, $0x38;
	[tilespmem:$0x1CE00] =	vst v63  }
0xf9: {  	s11 =	sadd.s32 $0xFFFFFFD8, s22  }
0xfa: {  	[tilespmem:s24], [sflag:$0x4] =	stream.indirect.gather [hbm4b:s1+s13], $0x80, s11, s13, $0xb8;
	[tilespmem:$0x1CE00] =	vst v63  }
0xfb: {  	_ =	swait.ge [sflag:s20], $0x1400  }
0xfc: {  	[sflag:s20] =	ssyncset.done $0x0;
	s11 =	rddreg [dreg:$0x11]  }
.Ltmp4:
0xfd: {  	[sflag:s20] =	ssyncadd.s32 $0xFFFFEC00;
	s12 =	sadd.s32 s21, s11;
	(pc) =	sbr.rel .LBB2_4-.Ltmp4, $4  }
0xfe: {  	[tilespmem:s25], [sflag:$0xF] =	stream.linear.gather [hbm4b:s12+s4], $0x28, $0x38;
	[tilespmem:$0x1CE00] =	vst v63  }
0xff: {  	s21 =	sadd.s32 $0x19, s21;
	s12 =	simm.s32 $0x16980  }
0x100: {  	[tilespmem:s9], [sflag:$0x5] =	stream.indirect.gather [hbm4b:s1+s13], $0x80, s22, s13, $0xb8;
	[tilespmem:$0x1CE00] =	vst v63  }
0x101: {  	s25 =	simm.s32 $0x1BA00;
	s22 =	sadd.s32 $0xC8, s22;
	s9 =	simm.s32 $0x16A00  }
.LBB2_7:
0x102: {  	_ =	sfence.sel $0x180000  }
0x103: {  	[bflag:$0x0] =	sbarrier.arrive $0xFFFF  }
0x104: {  	_ =	strace $0x9000004D  }
0x105: {  	s0 =	stileid.u32;
	[bflag:$0x2] =	sbarrier.arrive $0xFFFF  }
0x106: {  	p0 =	sne.s32 s0, $0x0;
	s0 =	rddreg [dreg:$0x3]  }
0x107: {  	s0 =	sadd.s32 @!p0 $0x100000, s0  }
0x108: {  	[sflag:s0] =	ssyncadd.tile.s32 @!p0 $0x1;
	_ =	shalt  }
.Lfunc_end2:
_tile_overlayer_lowered:
.L_overlay_start_2:
0x109: {  	(tag) =	ssettag $0x2  }
0x10a: {  	s0 =	rddreg [dreg:$0x0];
	s2 =	stileid.u32  }
0x10b: {  	s1 =	rddreg [dreg:$0x1];
	p0 =	sne.s32 s2, $0x0  }
0x10c: {  	s3 =	rddreg [dreg:$0x2];
	[bflag:$0x3] =	sbarrier.arrive $0xFFFF;
	s2 =	simm.s32 @!p0 $0x1C10  }
0x10d: {  	[timem:s3], [sflag:s2] =	dma.local @!p0 [hbm:s0], s1  }
0x10e: {  	s0 =	simm.s32 @!p0 $0x10  }
0x10f: {  	_ =	swait.ge @!p0 [sflag:s0], s1  }
0x110: {  	s1 =	ssub.s32 @!p0 $0x0, s1;
	[sflag:s0] =	ssyncset.done @!p0 $0x0  }
0x111: {  	[sflag:s0] =	ssyncadd.s32 @!p0 s1  }
0x112: {  	[bflag:$0x3] =	sbarrier.arrive $0xFFFF  }
0x113: {  	_ =	shalt  }

// kernel: kernel.8.cloned.1.call-start
scs
__scs_entry_jumppad:
0x0: {  	(pc) =	sbr.rel $0x88, $3  }
0x1: {  	(tag) =	ssettag $0x0;
	lr =	simm.s32 $0x1  }
0x2: {  	[smem:$0x3F9B] =	sst lr;
	_ =	strace $0xD0000000  }
0x3: {  	_ = 	snop  }
0x4: {  	_ = 	snop  }
0x5: {  	_ = 	snop  }
0x6: {  	_ = 	snop  }
0x7: {  	_ = 	snop  }
__scs_overlays_trampoline_lowered:
0x8: {  	[smem:$0x3FAA] =	sst s0  }
0x9: {  	[smem:$0x3FAB] =	sst s1  }
0xa: {  	[smem:$0x3FAC] =	sst s2  }
0xb: {  	[smem:$0x3FAD] =	sst s3  }
0xc: {  	[smem:$0x3FAE] =	sst s4  }
0xd: {  	[smem:$0x3FAF] =	sst s5  }
0xe: {  	[smem:$0x3FB0] =	sst s6  }
0xf: {  	[smem:$0x3FB1] =	sst s7  }
0x10: {  	[smem:$0x3FB2] =	sst s8  }
0x11: {  	[smem:$0x3FB3] =	sst s9;
	s0 =	simm.s32 @!p0 $0x0  }
0x12: {  	s1 =	sld [smem:$0x3F99];
	s0 =	simm.s32 @p0 $0x1  }
0x13: {  	[smem:$0x3FB4] =	sst s0;
	s0 =	simm.s32 @!p1 $0x0  }
0x14: {  	s2 =	sld [smem:$0x3F98];
	s0 =	simm.s32 @p1 $0x1  }
0x15: {  	[smem:$0x3FB5] =	sst s0;
	s0 =	simm.s32 @!p2 $0x0  }
0x16: {  	s3 =	sld [smem:$0x3FDB];
	s0 =	simm.s32 @p2 $0x1  }
0x17: {  	s4 =	simm.s32 $0x1BF5;
	[smem:$0x3FB7] =	sst s0  }
0x18: {  	s0 =	sld [smem:$0x3F9A];
	_ =	swait.ge [sflag:s4], $0x0  }
0x19: {  	s7 =	sld [smem:$0x3F9B]  }
0x1a: {  	s8 =	sadd.s32 $0xFFFFE003, lr  }
0x1b: {  	s9 =	sadd.s32 $0xFFFFFEF7, lr;
	s5 =	simm.s32 $0xFFFFFFFF;
	p2 =	slt.u32 s8, $0xFFFFF086  }
0x1c: {  	p1 =	slt.u32 s9, $0xF7A;
	s5 =	simm.s32 @!p2 $0x0  }
0x1d: {  	s5 =	simm.s32 @p1 $0x1;
	p0 =	seq.s32 s7, s2  }
0x1e: {  	s7 =	smul.u32 @!p0 $0xF7A, s2;
	p2 =	seq.s32 @!p0 s5, $0x0  }
0x1f: {  	s9 =	smul.u32 $0xF7A, s1;
	s8 =	simm.s32 @!p0 $0x1BF5;
	p2 =	por !p2, p0  }
0x20: {  	[sflag:s8] =	ssyncset.s32 @!p0 $0xFFFFF086;
	s6 =	sadd.s32 @!p0 s3, s7;
	s7 =	simm.s32 @!p0 $0x108  }
0x21: {  	s3 =	sadd.s32 s3, s9;
	s6 =	sadd.s32 @!p0 $0x88, s6;
	s7 =	simm.s32 @p2 $0x1082  }
0x22: {  	[simem:s7], [sflag:s8] =	dma.local @!p0 [hbm:s6], $0xF7A  }
0x23: {  	s9 =	sor.u32 $0xD0000000, s2;
	s6 =	simm.s32 $0x108;
	_ =	swait.ge @!p0 [sflag:s8], $0x0  }
0x24: {  	s3 =	sadd.s32 $0x88, s3;
	s6 =	simm.s32 @!p1 $0x1082;
	[sflag:s4] =	ssyncset.s32 $0xFFFFF086  }
0x25: {  	[simem:s6], [sflag:s4] =	dma.local [hbm:s3], $0xF7A  }
0x26: {  	[smem:$0x3F9B] =	sst s1;
	(tag) =	ssettag s2;
	_ =	strace s9  }
0x27: {  	s1 =	sld [smem:$0x3FAB]  }
0x28: {  	s2 =	sld [smem:$0x3FAC]  }
0x29: {  	s4 =	sld [smem:$0x3FAE]  }
0x2a: {  	p0 =	seq.s32 s5, $0x0;
	s5 =	sld [smem:$0x3FAF]  }
0x2b: {  	s6 =	sld [smem:$0x3FB0]  }
0x2c: {  	s7 =	sld [smem:$0x3FB1]  }
0x2d: {  	s3 =	simm.s32 $0x108;
	s8 =	sld [smem:$0x3FB2]  }
0x2e: {  	s3 =	simm.s32 @!p0 $0x1082;
	s9 =	sld [smem:$0x3FB3]  }
0x2f: {  	lr =	sadd.s32 s0, s3;
	s0 =	sld [smem:$0x3FAA]  }
0x30: {  	s3 =	sld [smem:$0x3FAD]  }
0x31: {  	[smem:$0x3FB6] =	sst s10  }
0x32: {  	s10 =	sld [smem:$0x3FB4];
	_ =	sdelay $0x3  }
0x33: {  	p0 =	seq.s32 s10, $0x1;
	s10 =	sld [smem:$0x3FB6];
	_ =	sdelay $0x3  }
0x34: {  	[smem:$0x3FB6] =	sst s10  }
0x35: {  	s10 =	sld [smem:$0x3FB5];
	_ =	sdelay $0x3  }
0x36: {  	p1 =	seq.s32 s10, $0x1;
	s10 =	sld [smem:$0x3FB6];
	_ =	sdelay $0x3  }
0x37: {  	[smem:$0x3FB6] =	sst s10  }
0x38: {  	s10 =	sld [smem:$0x3FB7]  }
0x39: {  	_ = 	snop;
	(pc) =	sbr.ind lr, $3  }
0x3a: {  	_ = 	snop  }
0x3b: {  	_ = 	snop  }
0x3c: {  	p2 =	seq.s32 s10, $0x1;
	s10 =	sld [smem:$0x3FB6]  }
0x3d: {  	_ =	shalt  }
0x3e: {  	_ =	shalt  }
0x3f: {  	_ =	shalt  }
0x40: {  	_ =	shalt  }
0x41: {  	_ =	shalt  }
0x42: {  	_ =	shalt  }
0x43: {  	_ =	shalt  }
0x44: {  	_ =	shalt  }
0x45: {  	_ =	shalt  }
0x46: {  	_ =	shalt  }
0x47: {  	_ =	shalt  }
0x48: {  	_ =	shalt  }
0x49: {  	_ =	shalt  }
0x4a: {  	_ =	shalt  }
0x4b: {  	_ =	shalt  }
0x4c: {  	_ =	shalt  }
0x4d: {  	_ =	shalt  }
0x4e: {  	_ =	shalt  }
0x4f: {  	_ =	shalt  }
0x50: {  	_ =	shalt  }
0x51: {  	_ =	shalt  }
0x52: {  	_ =	shalt  }
0x53: {  	_ =	shalt  }
0x54: {  	_ =	shalt  }
0x55: {  	_ =	shalt  }
0x56: {  	_ =	shalt  }
0x57: {  	_ =	shalt  }
0x58: {  	_ =	shalt  }
0x59: {  	_ =	shalt  }
0x5a: {  	_ =	shalt  }
0x5b: {  	_ =	shalt  }
0x5c: {  	_ =	shalt  }
0x5d: {  	_ =	shalt  }
0x5e: {  	_ =	shalt  }
0x5f: {  	_ =	shalt  }
0x60: {  	_ =	shalt  }
0x61: {  	_ =	shalt  }
0x62: {  	_ =	shalt  }
0x63: {  	_ =	shalt  }
0x64: {  	_ =	shalt  }
0x65: {  	_ =	shalt  }
0x66: {  	_ =	shalt  }
0x67: {  	_ =	shalt  }
0x68: {  	_ =	shalt  }
0x69: {  	_ =	shalt  }
0x6a: {  	_ =	shalt  }
0x6b: {  	_ =	shalt  }
0x6c: {  	_ =	shalt  }
0x6d: {  	_ =	shalt  }
0x6e: {  	_ =	shalt  }
0x6f: {  	_ =	shalt  }
0x70: {  	_ =	shalt  }
0x71: {  	_ =	shalt  }
0x72: {  	_ =	shalt  }
0x73: {  	_ =	shalt  }
0x74: {  	_ =	shalt  }
0x75: {  	_ =	shalt  }
0x76: {  	_ =	shalt  }
0x77: {  	_ =	shalt  }
0x78: {  	_ =	shalt  }
0x79: {  	_ =	shalt  }
0x7a: {  	_ =	shalt  }
0x7b: {  	_ =	shalt  }
0x7c: {  	_ =	shalt  }
0x7d: {  	_ =	shalt  }
0x7e: {  	_ =	shalt  }
0x7f: {  	_ =	shalt  }
0x80: {  	_ =	shalt  }
0x81: {  	_ =	shalt  }
0x82: {  	_ =	shalt  }
0x83: {  	_ =	shalt  }
0x84: {  	_ =	shalt  }
0x85: {  	_ =	shalt  }
0x86: {  	_ =	shalt  }
0x87: {  	_ =	shalt  }
.Lfunc_end0:
.L_simem_size_0:
called_computation_lowered:
.L_overlay_start_0:
0x88: {  	s2 =	sld [smem:$0x3FD9]  }
0x89: {  	s3 =	sld [smem:$0x3FFE];
	_ =	sdelay $0x1  }
0x8a: {  	s1 =	srdreg.scid  }
0x8b: {  	s0 =	sand.u32 $0x1, s1  }
0x8c: {  	s17 =	sshll.u32 s0, $0xA;
	s2 =	sadd.s32 s3, s2  }
0x8d: {  	s2 =	sadd.s32 s2, s17  }
0x8e: {  	[smem:$0x3FC2] =	sst s2  }
0x8f: {  	_ = 	snop  }
0x90: {  	s2 =	sld [smem:$0x3FD0];
	(tm) =	ssettm $0x1  }
0x91: {  	s18 =	sld [smem:$0x3FFB];
	_ =	sdelay $0x3  }
0x92: {  	_ =	strace s18  }
0x93: {  	s3 =	sld [smem:$0x3FFC];
	_ =	sdelay $0x3  }
0x94: {  	_ =	strace s3  }
0x95: {  	s3 =	sld [smem:$0x3FFD];
	_ =	sdelay $0x3  }
0x96: {  	_ =	strace s3  }
0x97: {  	_ =	strace $0x8FFFFFFF  }
0x98: {  	s19 =	sld [smem:$0x3FDB];
	_ =	sdelay $0x1  }
0x99: {  	s4 =	simm.s32 $_scs_section_size  }
0x9a: {  	s5 =	simm.s32 $_size__tile_overlayer_lowered;
	s6 =	simm.s32 $_tile_overlayer_lowered  }
0x9b: {  	s22 =	simm.s32 $0x1BFF;
	s21 =	sshll.u32 s6, $0x1;
	s3 =	sadd.s32 s4, s19  }
0x9c: {  	s7 =	simm.s32 $0x0;
	s20 =	sshll.u32 s5, $0x1;
	s5 =	sadd.s32 s21, s3  }
0x9d: {  	[timem:s7], [sflag:s22] =	dma.local [hbm:s5], s20  }
0x9e: {  	_ =	swait.ge [sflag:s22], s20  }
0x9f: {  	s4 =	ssub.s32 $0x0, s20;
	[sflag:s22] =	ssyncset.done $0x0  }
0xa0: {  	[sflag:s22] =	ssyncadd.s32 s4;
	_ =	sdelay $0x1  }
0xa1: {  	s23 =	simm.s32 $0x1B8B  }
0xa2: {  	_ =	swait.ge [sflag:s23], $0x1  }
0xa3: {  	[sflag:s23] =	ssyncset.done $0x0  }
0xa4: {  	s25 =	simm.s32 $0x1B8E;
	s24 =	sld [smem:$0x3FFE];
	[sflag:s23] =	ssyncadd.s32 $0xFFFFFFFF  }
0xa5: {  	s26 =	simm.s32 $execute0_lowered;
	[smem:$0x3FD2] =	sst s25  }
0xa6: {  	s5 =	sshll.u32 s26, $0x1;
	_ =	strace $0x80000046;
	[dreg:$0x1] =	wrdreg $0xFFFFFFFF  }
0xa7: {  	s28 =	simm.s32 $_size_execute0_lowered;
	s3 =	sadd.s32 s3, s5;
	[dreg:$0x0] =	wrdreg $0x0  }
0xa8: {  	s5 =	sshll.u32 s28, $0x1;
	[dreg:$0x2] =	wrdreg s3  }
0xa9: {  	[dreg:$0x3] =	wrdreg s5  }
0xaa: {  	[dreg:$0x4] =	wrdreg $0xC0  }
0xab: {  	_ =	task [dreg:s7], $0x5FFFF  }
0xac: {  	[dreg:$0x1] =	wrdreg $0xFFFFFFFF  }
0xad: {  	[dreg:$0x0] =	wrdreg $0x60  }
0xae: {  	[dreg:$0x2] =	wrdreg s24  }
0xaf: {  	[dreg:$0x3] =	wrdreg s2  }
0xb0: {  	[dreg:$0x4] =	wrdreg $0x0  }
0xb1: {  	[dreg:$0x5] =	wrdreg $0x9  }
0xb2: {  	_ =	task.clear_ibuf [dreg:s7], $0x6FFFF;
	_ =	strace $0x90000046  }
0xb3: {  	s29 =	simm.s32 $0x9;
	_ =	strace $0x80000048  }
0xb4: {  	_ =	swait.ge [sflag:s29], $0x1  }
0xb5: {  	[sflag:s29] =	ssyncadd.s32 $0xFFFFFFFF  }
0xb6: {  	_ =	strace $0x90000048  }
0xb7: {  	_ =	sfence  }
0xb8: {  	s30 =	sld [smem:$0x0];
	_ =	sdelay $0x2  }
0xb9: {  	s31 =	sshll.u32 s1, $0xD;
	s1 =	sshrl.u32 s1, $0x2  }
0xba: {  	s3 =	sand.u32 $0x4000, s31;
	s1 =	sadd.s32 s1, s30  }
0xbb: {  	s0 =	sor.u32 s3, s0;
	s1 =	sshll.u32 s1, $0x11  }
0xbc: {  	s0 =	sor.u32 s1, s0  }
0xbd: {  	s0 =	sadd.s32 $0x8F2B, s0  }
0xbe: {  	[sflag:s0] =	ssyncadd.remote.s32 $0x1  }
0xbf: {  	_ =	sfence.sel $0xFFFF  }
0xc0: {  	[dreg:$0x0] =	wrdreg $0xFFFFFFFF;
	(pc) =	sbr.abs _section_cstart, $3  }
0xc1: {  	[dreg:$0x1] =	wrdreg $0xFFFFFFFF  }
0xc2: {  	_ =	task.clear_ibuf [dreg:s7], $0x2FFFF;
	_ =	strace $0x9FFFFFFF  }
0xc3: {  	(tm) =	ssettm $0x7FFFFFFF  }
tec
execute0_lowered:
.L_overlay_start_1:
0x0: {  	(tag) =	ssettag $0x1  }
0x1: {  	s4 =	rddreg [dreg:$0x0]  }
0x2: {  	s0 =	srdreg.scid;
	s6 =	rddreg [dreg:$0x1]  }
0x3: {  	s2 =	rddreg [dreg:$0x2];
	s3 =	simm.s32 $0x0;
	s11 =	simm.s32 $0x50  }
0x4: {  	s12 =	simm.s32 $0x2A00;
	s13 =	simm.s32 $0x2C80;
	s14 =	simm.s32 $0x2A80  }
0x5: {  	s15 =	simm.s32 $0x2B00;
	s16 =	simm.s32 $0x2B80;
	s17 =	simm.s32 $0x2C00  }
0x6: {  	s18 =	simm.s32 $0x1;
	s19 =	simm.s32 $0x2;
	s20 =	simm.s32 $0x3  }
0x7: {  	s21 =	simm.s32 $0x4;
	s22 =	simm.s32 $0x5;
	s25 =	simm.s32 $0x0  }
0x8: {  	s5 =	sand.u32 $0x1, s0;
	s0 =	stileid.u32;
	[smem:$0x7FF] =	sst s3  }
0x9: {  	s1 =	sshll.u32 s5, $0x4;
	s8 =	smul.u32 $0x280, s0;
	s9 =	ssub.s32 $0x2, s5  }
0xa: {  	s5 =	smul.u32 $0x2800, s5;
	s23 =	sshll.u32 s0, $0x6;
	s7 =	sor.u32 s0, s1  }
0xb: {  	s1 =	rddreg [dreg:$0x3];
	_ =	strace $0x80000047;
	s7 =	smul.u32 $0x2710, s7  }
0xc: {  	s10 =	sshrl.u32 s9, $0x1;
	s23 =	sor.u32 $0x1C06, s23;
	s30 =	sadd.s32 s8, s5  }
0xd: {  	s9 =	ssub.s32 s9, s10;
	s31 =	sshrl.u32 s30, $0x3;
	s7 =	sshrl.u32 s7, $0x3  }
0xe: {  	s10 =	simm.s32 $0x280;
	s6 =	sadd.s32 s6, s31;
	s7 =	sadd.s32 s4, s7  }
0xf: {  	s4 =	sadd.s32 s8, s2;
	s8 =	simm.s32 $0x2D00;
	s5 =	sadd.s32 $0xC240, s7  }
0x10: {  	v0 =	vimm.f32 $0.0e+00;
	v1 =	vimm.f32 $1.000000000e+00;
	s7 =	smax.u32 s9, $0x1;
	s9 =	simm.s32 $0x6;
	s24 =	sshrl.u32 s4, $0x3  }
.LBB2_1:
0x11: {  	[tilespmem:$0x2D00] =	vst v0  }
0x12: {  	[tilespmem:$0x2D10] =	vst v0  }
0x13: {  	[tilespmem:$0x2D20] =	vst v0  }
0x14: {  	[tilespmem:$0x2D30] =	vst v0  }
0x15: {  	[tilespmem:$0x2D40] =	vst v0  }
0x16: {  	[tilespmem:$0x2D50] =	vst v0  }
0x17: {  	[tilespmem:$0x2D60] =	vst v0  }
0x18: {  	[tilespmem:$0x2D70] =	vst v0  }
0x19: {  	[tilespmem:$0x2D80] =	vst v0  }
0x1a: {  	[tilespmem:$0x2D90] =	vst v0  }
0x1b: {  	[tilespmem:$0x2DA0] =	vst v0  }
0x1c: {  	[tilespmem:$0x2DB0] =	vst v0  }
0x1d: {  	[tilespmem:$0x2DC0] =	vst v0  }
0x1e: {  	[tilespmem:$0x2DD0] =	vst v0  }
0x1f: {  	[tilespmem:$0x2DE0] =	vst v0  }
0x20: {  	[tilespmem:$0x2DF0] =	vst v0  }
0x21: {  	[tilespmem:$0x2E00] =	vst v0  }
0x22: {  	[tilespmem:$0x2E10] =	vst v0  }
0x23: {  	[tilespmem:$0x2E20] =	vst v0  }
0x24: {  	[tilespmem:$0x2E30] =	vst v0  }
0x25: {  	[tilespmem:$0x2E40] =	vst v0  }
0x26: {  	[tilespmem:$0x2E50] =	vst v0  }
0x27: {  	[tilespmem:$0x2E60] =	vst v0  }
0x28: {  	[tilespmem:$0x2E70] =	vst v0  }
0x29: {  	[tilespmem:$0x2E80] =	vst v0  }
0x2a: {  	[tilespmem:$0x2E90] =	vst v0  }
0x2b: {  	[tilespmem:$0x2EA0] =	vst v0  }
0x2c: {  	[tilespmem:$0x2EB0] =	vst v0  }
0x2d: {  	[tilespmem:$0x2EC0] =	vst v0  }
0x2e: {  	[tilespmem:$0x2ED0] =	vst v0  }
0x2f: {  	[tilespmem:$0x2EE0] =	vst v0  }
0x30: {  	[tilespmem:$0x2EF0] =	vst v0  }
0x31: {  	[tilespmem:$0x2F00] =	vst v0  }
0x32: {  	[tilespmem:$0x2F10] =	vst v0  }
0x33: {  	[tilespmem:$0x2F20] =	vst v0  }
0x34: {  	[tilespmem:$0x2F30] =	vst v0  }
0x35: {  	[tilespmem:$0x2F40] =	vst v0  }
0x36: {  	[tilespmem:$0x2F50] =	vst v0  }
0x37: {  	[tilespmem:$0x2F60] =	vst v0  }
0x38: {  	[tilespmem:$0x2F70] =	vst v0  }
0x39: {  	[spmem:s4] =	stream.linear.scatter [tilespmem:s8], [sflag:$0x6], $0x280, $0x38;
	[tilespmem:$0x2F80] =	vst v63  }
0x3a: {  	_ =	swait.ge [sflag:s9], $0x280  }
0x3b: {  	[sflag:s9] =	ssyncset.done $0x0  }
0x3c: {  	[sflag:s9] =	ssyncadd.s32 $0xFFFFFD80  }
0x3d: {  	[tilespmem:s10], [sflag:$0x6] =	stream.linear.gather [hbm4b:s5+s3], $0x2710, $0x38;
	[tilespmem:$0x2F80] =	vst v63  }
0x3e: {  	_ =	swait.ge [sflag:s9], $0x2710  }
0x3f: {  	[sflag:s9] =	ssyncset.done $0x0  }
0x40: {  	[sflag:s9] =	ssyncadd.s32 $0xFFFFD8F0  }
0x41: {  	[tilespmem:$0x2C80] =	vst v1  }
0x42: {  	[tilespmem:$0x2C90] =	vst v1  }
0x43: {  	[tilespmem:$0x2CA0] =	vst v1  }
0x44: {  	[tilespmem:$0x2CB0] =	vst v1  }
0x45: {  	[tilespmem:$0x2CC0] =	vst v1  }
0x46: {  	[bflag:$0x0] =	sbarrier.arrive $0xFFFF  }
0x47: {  	v2 =	vld [tilespmem:$0x280]  }
0x48: {  	v3 =	vld [tilespmem:$0x290]  }
0x49: {  	v4 =	vld [tilespmem:$0x2A0]  }
0x4a: {  	v5 =	vld [tilespmem:$0x2B0]  }
0x4b: {  	v6 =	vld [tilespmem:$0x2C0]  }
0x4c: {  	[tilespmem:$0x2A00] =	vst v2  }
0x4d: {  	[tilespmem:$0x2A10] =	vst v3  }
0x4e: {  	[tilespmem:$0x2A20] =	vst v4  }
0x4f: {  	[tilespmem:$0x2A30] =	vst v5  }
0x50: {  	[tilespmem:$0x2A40] =	vst v6  }
0x51: {  	[spmem:s2] =	stream.indirect.scatter.add.f32 [tilespmem:s13], [sflag:$0x1], $0x1, s12, s11, $0xb8;
	[tilespmem:$0x2F80] =	vst v63  }
0x52: {  	v2 =	vld [tilespmem:$0x2D0]  }
0x53: {  	v3 =	vld [tilespmem:$0x2E0]  }
0x54: {  	v52 =	vld [tilespmem:$0x2F0]  }
0x55: {  	v53 =	vld [tilespmem:$0x300]  }
0x56: {  	v54 =	vld [tilespmem:$0x310]  }
0x57: {  	[tilespmem:$0x2A80] =	vst v2  }
0x58: {  	[tilespmem:$0x2A90] =	vst v3  }
0x59: {  	[tilespmem:$0x2AA0] =	vst v52  }
0x5a: {  	[tilespmem:$0x2AB0] =	vst v53  }
0x5b: {  	[tilespmem:$0x2AC0] =	vst v54  }
0x5c: {  	[spmem:s2] =	stream.indirect.scatter.add.f32 [tilespmem:s13], [sflag:$0x2], $0x1, s14, s11, $0xb8;
	[tilespmem:$0x2F80] =	vst v63  }
0x5d: {  	v2 =	vld [tilespmem:$0x320]  }
0x5e: {  	v3 =	vld [tilespmem:$0x330]  }
0x5f: {  	v55 =	vld [tilespmem:$0x340]  }
0x60: {  	v56 =	vld [tilespmem:$0x350]  }
0x61: {  	v57 =	vld [tilespmem:$0x360]  }
0x62: {  	[tilespmem:$0x2B00] =	vst v2  }
0x63: {  	[tilespmem:$0x2B10] =	vst v3  }
0x64: {  	[tilespmem:$0x2B20] =	vst v55  }
0x65: {  	[tilespmem:$0x2B30] =	vst v56  }
0x66: {  	[tilespmem:$0x2B40] =	vst v57  }
0x67: {  	[spmem:s2] =	stream.indirect.scatter.add.f32 [tilespmem:s13], [sflag:$0x3], $0x1, s15, s11, $0xb8;
	[tilespmem:$0x2F80] =	vst v63  }
0x68: {  	v2 =	vld [tilespmem:$0x370]  }
0x69: {  	v3 =	vld [tilespmem:$0x380]  }
0x6a: {  	v58 =	vld [tilespmem:$0x390]  }
0x6b: {  	v59 =	vld [tilespmem:$0x3A0]  }
0x6c: {  	v60 =	vld [tilespmem:$0x3B0]  }
0x6d: {  	[tilespmem:$0x2B80] =	vst v2  }
0x6e: {  	[tilespmem:$0x2B90] =	vst v3  }
0x6f: {  	[tilespmem:$0x2BA0] =	vst v58  }
0x70: {  	[tilespmem:$0x2BB0] =	vst v59  }
0x71: {  	[tilespmem:$0x2BC0] =	vst v60  }
0x72: {  	[spmem:s2] =	stream.indirect.scatter.add.f32 [tilespmem:s13], [sflag:$0x4], $0x1, s16, s11, $0xb8;
	[tilespmem:$0x2F80] =	vst v63  }
0x73: {  	v2 =	vld [tilespmem:$0x3C0]  }
0x74: {  	v3 =	vld [tilespmem:$0x3D0]  }
0x75: {  	v61 =	vld [tilespmem:$0x3E0]  }
0x76: {  	v62 =	vld [tilespmem:$0x3F0]  }
0x77: {  	v63 =	vld [tilespmem:$0x400]  }
0x78: {  	[tilespmem:$0x2C00] =	vst v2  }
0x79: {  	[tilespmem:$0x2C10] =	vst v3  }
0x7a: {  	[tilespmem:$0x2C20] =	vst v61  }
0x7b: {  	[tilespmem:$0x2C30] =	vst v62  }
0x7c: {  	[tilespmem:$0x2C40] =	vst v63  }
0x7d: {  	[spmem:s2] =	stream.indirect.scatter.add.f32 [tilespmem:s13], [sflag:$0x5], $0x1, s17, s11, $0xb8;
	[tilespmem:$0x2F80] =	vst v63  }
0x7e: {  	_ =	swait.ge [sflag:s18], $0x50  }
0x7f: {  	[sflag:s18] =	ssyncset.done $0x0  }
0x80: {  	s26 =	simm.s32 $0x0;
	[sflag:s18] =	ssyncadd.s32 $0xFFFFFFB0  }
0x81: {  	v2 =	vld [tilespmem:s26+$0x410];
	_ =	sdelay $0x4  }
0x82: {  	[tilespmem:$0x2A00] =	vst v2  }
0x83: {  	v2 =	vld [tilespmem:s26+$0x420];
	_ =	sdelay $0x4  }
0x84: {  	[tilespmem:$0x2A10] =	vst v2  }
0x85: {  	v2 =	vld [tilespmem:s26+$0x430];
	_ =	sdelay $0x4  }
0x86: {  	[tilespmem:$0x2A20] =	vst v2  }
0x87: {  	v2 =	vld [tilespmem:s26+$0x440];
	_ =	sdelay $0x4  }
0x88: {  	[tilespmem:$0x2A30] =	vst v2  }
0x89: {  	v2 =	vld [tilespmem:s26+$0x450];
	_ =	sdelay $0x4  }
0x8a: {  	[tilespmem:$0x2A40] =	vst v2  }
0x8b: {  	[spmem:s2] =	stream.indirect.scatter.add.f32 [tilespmem:s13], [sflag:$0x1], $0x1, s12, s11, $0xb8;
	[tilespmem:$0x2F80] =	vst v63  }
0x8c: {  	_ =	swait.ge [sflag:s19], $0x50  }
0x8d: {  	[sflag:s19] =	ssyncset.done $0x0  }
0x8e: {  	[sflag:s19] =	ssyncadd.s32 $0xFFFFFFB0  }
0x8f: {  	v2 =	vld [tilespmem:s26+$0x460];
	_ =	sdelay $0x4  }
0x90: {  	[tilespmem:$0x2A80] =	vst v2  }
0x91: {  	v2 =	vld [tilespmem:s26+$0x470];
	_ =	sdelay $0x4  }
0x92: {  	[tilespmem:$0x2A90] =	vst v2  }
0x93: {  	v2 =	vld [tilespmem:s26+$0x480];
	_ =	sdelay $0x4  }
0x94: {  	[tilespmem:$0x2AA0] =	vst v2  }
0x95: {  	v2 =	vld [tilespmem:s26+$0x490];
	_ =	sdelay $0x4  }
0x96: {  	[tilespmem:$0x2AB0] =	vst v2  }
0x97: {  	v2 =	vld [tilespmem:s26+$0x4A0];
	_ =	sdelay $0x4  }
0x98: {  	[tilespmem:$0x2AC0] =	vst v2  }
0x99: {  	[spmem:s2] =	stream.indirect.scatter.add.f32 [tilespmem:s13], [sflag:$0x2], $0x1, s14, s11, $0xb8;
	[tilespmem:$0x2F80] =	vst v63  }
0x9a: {  	_ =	swait.ge [sflag:s20], $0x50  }
0x9b: {  	[sflag:s20] =	ssyncset.done $0x0  }
0x9c: {  	[sflag:s20] =	ssyncadd.s32 $0xFFFFFFB0  }
0x9d: {  	v2 =	vld [tilespmem:s26+$0x4B0];
	_ =	sdelay $0x4  }
0x9e: {  	[tilespmem:$0x2B00] =	vst v2  }
0x9f: {  	v2 =	vld [tilespmem:s26+$0x4C0];
	_ =	sdelay $0x4  }
0xa0: {  	[tilespmem:$0x2B10] =	vst v2  }
0xa1: {  	v2 =	vld [tilespmem:s26+$0x4D0];
	_ =	sdelay $0x4  }
0xa2: {  	[tilespmem:$0x2B20] =	vst v2  }
0xa3: {  	v2 =	vld [tilespmem:s26+$0x4E0];
	_ =	sdelay $0x4  }
0xa4: {  	[tilespmem:$0x2B30] =	vst v2  }
0xa5: {  	v2 =	vld [tilespmem:s26+$0x4F0];
	_ =	sdelay $0x4  }
0xa6: {  	[tilespmem:$0x2B40] =	vst v2  }
0xa7: {  	[spmem:s2] =	stream.indirect.scatter.add.f32 [tilespmem:s13], [sflag:$0x3], $0x1, s15, s11, $0xb8;
	[tilespmem:$0x2F80] =	vst v63  }
0xa8: {  	_ =	swait.ge [sflag:s21], $0x50  }
0xa9: {  	[sflag:s21] =	ssyncset.done $0x0  }
0xaa: {  	[sflag:s21] =	ssyncadd.s32 $0xFFFFFFB0  }
0xab: {  	v2 =	vld [tilespmem:s26+$0x500];
	_ =	sdelay $0x4  }
0xac: {  	[tilespmem:$0x2B80] =	vst v2  }
0xad: {  	v2 =	vld [tilespmem:s26+$0x510];
	_ =	sdelay $0x4  }
0xae: {  	[tilespmem:$0x2B90] =	vst v2  }
0xaf: {  	v2 =	vld [tilespmem:s26+$0x520];
	_ =	sdelay $0x4  }
0xb0: {  	[tilespmem:$0x2BA0] =	vst v2  }
0xb1: {  	v2 =	vld [tilespmem:s26+$0x530];
	_ =	sdelay $0x4  }
0xb2: {  	[tilespmem:$0x2BB0] =	vst v2  }
0xb3: {  	v2 =	vld [tilespmem:s26+$0x540];
	_ =	sdelay $0x4  }
0xb4: {  	[tilespmem:$0x2BC0] =	vst v2  }
0xb5: {  	[spmem:s2] =	stream.indirect.scatter.add.f32 [tilespmem:s13], [sflag:$0x4], $0x1, s16, s11, $0xb8;
	[tilespmem:$0x2F80] =	vst v63  }
0xb6: {  	_ =	swait.ge [sflag:s22], $0x50  }
0xb7: {  	[sflag:s22] =	ssyncset.done $0x0  }
0xb8: {  	[sflag:s22] =	ssyncadd.s32 $0xFFFFFFB0  }
0xb9: {  	v2 =	vld [tilespmem:s26+$0x550];
	_ =	sdelay $0x4  }
0xba: {  	[tilespmem:$0x2C00] =	vst v2  }
0xbb: {  	v2 =	vld [tilespmem:s26+$0x560];
	_ =	sdelay $0x4  }
0xbc: {  	[tilespmem:$0x2C10] =	vst v2  }
0xbd: {  	v2 =	vld [tilespmem:s26+$0x570];
	_ =	sdelay $0x4  }
0xbe: {  	[tilespmem:$0x2C20] =	vst v2  }
0xbf: {  	v2 =	vld [tilespmem:s26+$0x580];
	_ =	sdelay $0x4  }
0xc0: {  	[tilespmem:$0x2C30] =	vst v2  }
0xc1: {  	v2 =	vld [tilespmem:s26+$0x590];
	_ =	sdelay $0x4  }
0xc2: {  	[tilespmem:$0x2C40] =	vst v2  }
0xc3: {  	[spmem:s2] =	stream.indirect.scatter.add.f32 [tilespmem:s13], [sflag:$0x5], $0x1, s17, s11, $0xb8;
	[tilespmem:$0x2F80] =	vst v63  }
0xc4: {  	_ =	swait.ge [sflag:s18], $0x50  }
0xc5: {  	s30 =	simm.s32 $0xC80;
	s26 =	simm.s32 $0x640;
	[sflag:s18] =	ssyncset.done $0x0  }
.LBB2_2:
0xc6: {  	s29 =	sshra.s32 s26, $0x2  }
0xc7: {  	[sflag:s18] =	ssyncadd.s32 $0xFFFFFFB0;
	s26 =	smov.u32 s30;
	s28 =	sadd.s32 $0x640, s30  }
0xc8: {  	p0 =	sne.s32 s30, $0x8FC0;
	v2 =	vld [tilespmem:s29+$0x410];
	_ =	sdelay $0x4  }
0xc9: {  	[tilespmem:$0x2A00] =	vst v2  }
0xca: {  	v2 =	vld [tilespmem:s29+$0x420];
	_ =	sdelay $0x4  }
0xcb: {  	[tilespmem:$0x2A10] =	vst v2  }
0xcc: {  	v2 =	vld [tilespmem:s29+$0x430];
	_ =	sdelay $0x4  }
0xcd: {  	[tilespmem:$0x2A20] =	vst v2  }
0xce: {  	v2 =	vld [tilespmem:s29+$0x440];
	_ =	sdelay $0x4  }
0xcf: {  	[tilespmem:$0x2A30] =	vst v2  }
0xd0: {  	v2 =	vld [tilespmem:s29+$0x450];
	_ =	sdelay $0x4  }
0xd1: {  	[tilespmem:$0x2A40] =	vst v2  }
0xd2: {  	[spmem:s2] =	stream.indirect.scatter.add.f32 [tilespmem:s13], [sflag:$0x1], $0x1, s12, s11, $0xb8;
	[tilespmem:$0x2F80] =	vst v63  }
0xd3: {  	_ =	swait.ge [sflag:s19], $0x50  }
0xd4: {  	[sflag:s19] =	ssyncset.done $0x0  }
0xd5: {  	[sflag:s19] =	ssyncadd.s32 $0xFFFFFFB0  }
0xd6: {  	v2 =	vld [tilespmem:s29+$0x460];
	_ =	sdelay $0x4  }
0xd7: {  	[tilespmem:$0x2A80] =	vst v2  }
0xd8: {  	v2 =	vld [tilespmem:s29+$0x470];
	_ =	sdelay $0x4  }
0xd9: {  	[tilespmem:$0x2A90] =	vst v2  }
0xda: {  	v2 =	vld [tilespmem:s29+$0x480];
	_ =	sdelay $0x4  }
0xdb: {  	[tilespmem:$0x2AA0] =	vst v2  }
0xdc: {  	v2 =	vld [tilespmem:s29+$0x490];
	_ =	sdelay $0x4  }
0xdd: {  	[tilespmem:$0x2AB0] =	vst v2  }
0xde: {  	v2 =	vld [tilespmem:s29+$0x4A0];
	_ =	sdelay $0x4  }
0xdf: {  	[tilespmem:$0x2AC0] =	vst v2  }
0xe0: {  	[spmem:s2] =	stream.indirect.scatter.add.f32 [tilespmem:s13], [sflag:$0x2], $0x1, s14, s11, $0xb8;
	[tilespmem:$0x2F80] =	vst v63  }
0xe1: {  	_ =	swait.ge [sflag:s20], $0x50  }
0xe2: {  	[sflag:s20] =	ssyncset.done $0x0  }
0xe3: {  	[sflag:s20] =	ssyncadd.s32 $0xFFFFFFB0  }
0xe4: {  	v2 =	vld [tilespmem:s29+$0x4B0];
	_ =	sdelay $0x4  }
0xe5: {  	[tilespmem:$0x2B00] =	vst v2  }
0xe6: {  	v2 =	vld [tilespmem:s29+$0x4C0];
	_ =	sdelay $0x4  }
0xe7: {  	[tilespmem:$0x2B10] =	vst v2  }
0xe8: {  	v2 =	vld [tilespmem:s29+$0x4D0];
	_ =	sdelay $0x4  }
0xe9: {  	[tilespmem:$0x2B20] =	vst v2  }
0xea: {  	v2 =	vld [tilespmem:s29+$0x4E0];
	_ =	sdelay $0x4  }
0xeb: {  	[tilespmem:$0x2B30] =	vst v2  }
0xec: {  	v2 =	vld [tilespmem:s29+$0x4F0];
	_ =	sdelay $0x4  }
0xed: {  	[tilespmem:$0x2B40] =	vst v2  }
0xee: {  	[spmem:s2] =	stream.indirect.scatter.add.f32 [tilespmem:s13], [sflag:$0x3], $0x1, s15, s11, $0xb8;
	[tilespmem:$0x2F80] =	vst v63  }
0xef: {  	_ =	swait.ge [sflag:s21], $0x50  }
0xf0: {  	[sflag:s21] =	ssyncset.done $0x0  }
0xf1: {  	[sflag:s21] =	ssyncadd.s32 $0xFFFFFFB0  }
0xf2: {  	v2 =	vld [tilespmem:s29+$0x500];
	_ =	sdelay $0x4  }
0xf3: {  	[tilespmem:$0x2B80] =	vst v2  }
0xf4: {  	v2 =	vld [tilespmem:s29+$0x510];
	_ =	sdelay $0x4  }
0xf5: {  	[tilespmem:$0x2B90] =	vst v2  }
0xf6: {  	v2 =	vld [tilespmem:s29+$0x520];
	_ =	sdelay $0x4  }
0xf7: {  	[tilespmem:$0x2BA0] =	vst v2  }
0xf8: {  	v2 =	vld [tilespmem:s29+$0x530];
	_ =	sdelay $0x4  }
0xf9: {  	[tilespmem:$0x2BB0] =	vst v2  }
0xfa: {  	v2 =	vld [tilespmem:s29+$0x540];
	_ =	sdelay $0x4  }
0xfb: {  	[tilespmem:$0x2BC0] =	vst v2  }
0xfc: {  	[spmem:s2] =	stream.indirect.scatter.add.f32 [tilespmem:s13], [sflag:$0x4], $0x1, s16, s11, $0xb8;
	[tilespmem:$0x2F80] =	vst v63  }
0xfd: {  	_ =	swait.ge [sflag:s22], $0x50  }
0xfe: {  	[sflag:s22] =	ssyncset.done $0x0  }
0xff: {  	[sflag:s22] =	ssyncadd.s32 $0xFFFFFFB0  }
0x100: {  	v2 =	vld [tilespmem:s29+$0x550];
	_ =	sdelay $0x4  }
0x101: {  	[tilespmem:$0x2C00] =	vst v2  }
0x102: {  	v2 =	vld [tilespmem:s29+$0x560];
	_ =	sdelay $0x4  }
0x103: {  	[tilespmem:$0x2C10] =	vst v2  }
0x104: {  	v2 =	vld [tilespmem:s29+$0x570];
	_ =	sdelay $0x4  }
0x105: {  	[tilespmem:$0x2C20] =	vst v2  }
0x106: {  	v2 =	vld [tilespmem:s29+$0x580];
	_ =	sdelay $0x4  }
0x107: {  	[tilespmem:$0x2C30] =	vst v2  }
0x108: {  	v2 =	vld [tilespmem:s29+$0x590];
	_ =	sdelay $0x3  }
.Ltmp0:
0x109: {  	(pc) =	sbr.rel @p0 .LBB2_2-.Ltmp0, $4  }
0x10a: {  	[tilespmem:$0x2C40] =	vst v2  }
0x10b: {  	[spmem:s2] =	stream.indirect.scatter.add.f32 [tilespmem:s13], [sflag:$0x5], $0x1, s17, s11, $0xb8;
	[tilespmem:$0x2F80] =	vst v63  }
0x10c: {  	_ =	swait.ge [sflag:s18], $0x50  }
0x10d: {  	s30 =	smov.u32 s28;
	[sflag:s18] =	ssyncset.done $0x0  }
0x10e: {  	s26 =	sshra.s32 s26, $0x2;
	[sflag:s18] =	ssyncadd.s32 $0xFFFFFFB0  }
0x10f: {  	v2 =	vld [tilespmem:s26+$0x410];
	_ =	sdelay $0x4  }
0x110: {  	[tilespmem:$0x2A00] =	vst v2  }
0x111: {  	v2 =	vld [tilespmem:s26+$0x420];
	_ =	sdelay $0x4  }
0x112: {  	[tilespmem:$0x2A10] =	vst v2  }
0x113: {  	v2 =	vld [tilespmem:s26+$0x430];
	_ =	sdelay $0x4  }
0x114: {  	[tilespmem:$0x2A20] =	vst v2  }
0x115: {  	v2 =	vld [tilespmem:s26+$0x440];
	_ =	sdelay $0x4  }
0x116: {  	[tilespmem:$0x2A30] =	vst v2  }
0x117: {  	v2 =	vld [tilespmem:s26+$0x450];
	_ =	sdelay $0x4  }
0x118: {  	[tilespmem:$0x2A40] =	vst v2  }
0x119: {  	[spmem:s2] =	stream.indirect.scatter.add.f32 [tilespmem:s13], [sflag:$0x1], $0x1, s12, s11, $0xb8;
	[tilespmem:$0x2F80] =	vst v63  }
0x11a: {  	_ =	swait.ge [sflag:s19], $0x50  }
0x11b: {  	[sflag:s19] =	ssyncset.done $0x0  }
0x11c: {  	[sflag:s19] =	ssyncadd.s32 $0xFFFFFFB0  }
0x11d: {  	v2 =	vld [tilespmem:s26+$0x460];
	_ =	sdelay $0x4  }
0x11e: {  	[tilespmem:$0x2A80] =	vst v2  }
0x11f: {  	v2 =	vld [tilespmem:s26+$0x470];
	_ =	sdelay $0x4  }
0x120: {  	[tilespmem:$0x2A90] =	vst v2  }
0x121: {  	v2 =	vld [tilespmem:s26+$0x480];
	_ =	sdelay $0x4  }
0x122: {  	[tilespmem:$0x2AA0] =	vst v2  }
0x123: {  	v2 =	vld [tilespmem:s26+$0x490];
	_ =	sdelay $0x4  }
0x124: {  	[tilespmem:$0x2AB0] =	vst v2  }
0x125: {  	v2 =	vld [tilespmem:s26+$0x4A0];
	_ =	sdelay $0x4  }
0x126: {  	[tilespmem:$0x2AC0] =	vst v2  }
0x127: {  	[spmem:s2] =	stream.indirect.scatter.add.f32 [tilespmem:s13], [sflag:$0x2], $0x1, s14, s11, $0xb8;
	[tilespmem:$0x2F80] =	vst v63  }
0x128: {  	_ =	swait.ge [sflag:s20], $0x50  }
0x129: {  	[sflag:s20] =	ssyncset.done $0x0  }
0x12a: {  	[sflag:s20] =	ssyncadd.s32 $0xFFFFFFB0  }
0x12b: {  	v2 =	vld [tilespmem:s26+$0x4B0];
	_ =	sdelay $0x4  }
0x12c: {  	[tilespmem:$0x2B00] =	vst v2  }
0x12d: {  	v2 =	vld [tilespmem:s26+$0x4C0];
	_ =	sdelay $0x4  }
0x12e: {  	[tilespmem:$0x2B10] =	vst v2  }
0x12f: {  	v2 =	vld [tilespmem:s26+$0x4D0];
	_ =	sdelay $0x4  }
0x130: {  	[tilespmem:$0x2B20] =	vst v2  }
0x131: {  	v2 =	vld [tilespmem:s26+$0x4E0];
	_ =	sdelay $0x4  }
0x132: {  	[tilespmem:$0x2B30] =	vst v2  }
0x133: {  	v2 =	vld [tilespmem:s26+$0x4F0];
	_ =	sdelay $0x4  }
0x134: {  	[tilespmem:$0x2B40] =	vst v2  }
0x135: {  	[spmem:s2] =	stream.indirect.scatter.add.f32 [tilespmem:s13], [sflag:$0x3], $0x1, s15, s11, $0xb8;
	[tilespmem:$0x2F80] =	vst v63  }
0x136: {  	_ =	swait.ge [sflag:s21], $0x50  }
0x137: {  	[sflag:s21] =	ssyncset.done $0x0  }
0x138: {  	[sflag:s21] =	ssyncadd.s32 $0xFFFFFFB0  }
0x139: {  	v2 =	vld [tilespmem:s26+$0x500];
	_ =	sdelay $0x4  }
0x13a: {  	[tilespmem:$0x2B80] =	vst v2  }
0x13b: {  	v2 =	vld [tilespmem:s26+$0x510];
	_ =	sdelay $0x4  }
0x13c: {  	[tilespmem:$0x2B90] =	vst v2  }
0x13d: {  	v2 =	vld [tilespmem:s26+$0x520];
	_ =	sdelay $0x4  }
0x13e: {  	[tilespmem:$0x2BA0] =	vst v2  }
0x13f: {  	v2 =	vld [tilespmem:s26+$0x530];
	_ =	sdelay $0x4  }
0x140: {  	[tilespmem:$0x2BB0] =	vst v2  }
0x141: {  	v2 =	vld [tilespmem:s26+$0x540];
	_ =	sdelay $0x4  }
0x142: {  	[tilespmem:$0x2BC0] =	vst v2  }
0x143: {  	[spmem:s2] =	stream.indirect.scatter.add.f32 [tilespmem:s13], [sflag:$0x4], $0x1, s16, s11, $0xb8;
	[tilespmem:$0x2F80] =	vst v63  }
0x144: {  	_ =	swait.ge [sflag:s22], $0x50  }
0x145: {  	[sflag:s22] =	ssyncset.done $0x0  }
0x146: {  	[sflag:s22] =	ssyncadd.s32 $0xFFFFFFB0  }
0x147: {  	v2 =	vld [tilespmem:s26+$0x550];
	_ =	sdelay $0x4  }
0x148: {  	[tilespmem:$0x2C00] =	vst v2  }
0x149: {  	v2 =	vld [tilespmem:s26+$0x560];
	_ =	sdelay $0x4  }
0x14a: {  	[tilespmem:$0x2C10] =	vst v2  }
0x14b: {  	v2 =	vld [tilespmem:s26+$0x570];
	_ =	sdelay $0x4  }
0x14c: {  	[tilespmem:$0x2C20] =	vst v2  }
0x14d: {  	v2 =	vld [tilespmem:s26+$0x580];
	_ =	sdelay $0x4  }
0x14e: {  	[tilespmem:$0x2C30] =	vst v2  }
0x14f: {  	v2 =	vld [tilespmem:s26+$0x590];
	_ =	sdelay $0x4  }
0x150: {  	[tilespmem:$0x2C40] =	vst v2  }
0x151: {  	[spmem:s2] =	stream.indirect.scatter.add.f32 [tilespmem:s13], [sflag:$0x5], $0x1, s17, s11, $0xb8;
	[tilespmem:$0x2F80] =	vst v63  }
0x152: {  	_ =	swait.ge [sflag:s18], $0x50  }
0x153: {  	[sflag:s18] =	ssyncset.done $0x0  }
0x154: {  	[sflag:s18] =	ssyncadd.s32 $0xFFFFFFB0  }
0x155: {  	_ =	swait.ge [sflag:s19], $0x50  }
0x156: {  	[sflag:s19] =	ssyncset.done $0x0  }
0x157: {  	[sflag:s19] =	ssyncadd.s32 $0xFFFFFFB0  }
0x158: {  	_ =	swait.ge [sflag:s20], $0x50  }
0x159: {  	[sflag:s20] =	ssyncset.done $0x0  }
0x15a: {  	[sflag:s20] =	ssyncadd.s32 $0xFFFFFFB0  }
0x15b: {  	_ =	swait.ge [sflag:s21], $0x50  }
0x15c: {  	[sflag:s21] =	ssyncset.done $0x0  }
0x15d: {  	[sflag:s21] =	ssyncadd.s32 $0xFFFFFFB0  }
0x15e: {  	_ =	swait.ge [sflag:s22], $0x50  }
0x15f: {  	s25 =	sadd.s32 $0x1, s25;
	[sflag:s22] =	ssyncset.done $0x0  }
0x160: {  	p0 =	sne.s32 s25, s7;
	[sflag:s22] =	ssyncadd.s32 $0xFFFFFFB0  }
.Ltmp1:
0x161: {  	[bflag:$0x0] =	sbarrier.arrive $0xFFFF;
	(pc) =	sbr.rel @p0 .LBB2_1-.Ltmp1, $4  }
0x162: {  	[hbm:s6], [sflag:s23] =	dma.local [spmem:s24], $0x50  }
0x163: {  	_ =	swait.ge [sflag:s9], $0x50  }
0x164: {  	[sflag:s9] =	ssyncset.done $0x0  }
0x165: {  	[sflag:s9] =	ssyncadd.s32 $0xFFFFFFB0  }
0x166: {  	_ =	sfence.sel $0x180000  }
0x167: {  	[bflag:$0x0] =	sbarrier.arrive $0xFFFF  }
0x168: {  	p0 =	sne.s32 s0, $0x0;
	_ =	strace $0x90000047  }
0x169: {  	s0 =	sadd.s32 @!p0 $0x100000, s1;
	[bflag:$0x2] =	sbarrier.arrive $0xFFFF  }
0x16a: {  	[sflag:s0] =	ssyncadd.tile.s32 @!p0 $0x1;
	_ =	shalt  }
.Lfunc_end2:
_tile_overlayer_lowered:
.L_overlay_start_2:
0x16b: {  	(tag) =	ssettag $0x2  }
0x16c: {  	s0 =	rddreg [dreg:$0x0];
	s2 =	stileid.u32  }
0x16d: {  	s1 =	rddreg [dreg:$0x1];
	p0 =	sne.s32 s2, $0x0  }
0x16e: {  	s3 =	rddreg [dreg:$0x2];
	[bflag:$0x3] =	sbarrier.arrive $0xFFFF;
	s2 =	simm.s32 @!p0 $0x1C06  }
0x16f: {  	[timem:s3], [sflag:s2] =	dma.local @!p0 [hbm:s0], s1  }
0x170: {  	s0 =	simm.s32 @!p0 $0x6  }
0x171: {  	_ =	swait.ge @!p0 [sflag:s0], s1  }
0x172: {  	s1 =	ssub.s32 @!p0 $0x0, s1;
	[sflag:s0] =	ssyncset.done @!p0 $0x0  }
0x173: {  	[sflag:s0] =	ssyncadd.s32 @!p0 s1  }
0x174: {  	[bflag:$0x3] =	sbarrier.arrive $0xFFFF  }
0x175: {  	_ =	shalt  }

</sc_bundles>
